<compile_context>
chip_gen: v7x
topology: tpu7x:2x2x1
jax: 0.10.2.dev20260603
libtpu: 0.0.44.dev20260713+nightly
codegen_flags: <defaults>
</compile_context>

<pallas_src>
import functools

import jax
import jax.numpy as jnp
from jax import lax
from jax.experimental import pallas as pl
from jax.experimental.pallas import tpu as pltpu
from jax.experimental.pallas import tpu_sc as plsc

N = 10000
E = 320000
C_IN = 128
C_HID = 256
C_OUT = 128

NC = 2
NS = 16
NW = NC * NS
CHUNK = 128
W128 = 128

N_PAD = 10240
ROWS_PER_TILE = N_PAD // NS
TRASH_ROW = N

_EQ = NW * CHUNK * 8
E_PAD = ((E + _EQ - 1) // _EQ) * _EQ
WTILE_E = E_PAD // NW
WCHUNKS = WTILE_E // CHUNK
TOT_CHUNKS = E_PAD // CHUNK
A_CHUNKS = 152
B_CHUNKS = TOT_CHUNKS // NS - A_CHUNKS
SEG_CHUNKS = 32

_F32 = jnp.float32


def _mesh():
    return plsc.VectorSubcoreMesh(core_axis_name="c", subcore_axis_name="s")


@functools.partial(
    pl.kernel,
    out_type=(
        jax.ShapeDtypeStruct((N_PAD, 16), _F32),
        jax.ShapeDtypeStruct((N_PAD, 16), _F32),
    ),
    mesh=_mesh(),
    scratch_types=[
        pltpu.VMEM((CHUNK, 16), _F32),
        pltpu.VMEM((WCHUNKS, 128), jnp.int32),
        pltpu.VMEM_SHARED((N_PAD, 16), _F32),
    ],
)
def _deg_kernel(dst2d, z16, deg_a, deg_b, ones_v, didx, dacc):
    c = lax.axis_index("c")
    s = lax.axis_index("s")
    wid = s * NC + c
    rows = pl.ds(s * ROWS_PER_TILE, ROWS_PER_TILE)

    pltpu.sync_copy(z16.at[rows], dacc.at[rows])

    def _fill(i, _):
        ones_v[i, :] = jnp.full((16,), 1.0, _F32)
        return 0

    lax.fori_loop(0, CHUNK, _fill, 0)
    pltpu.sync_copy(dst2d.at[pl.ds(wid * WCHUNKS, WCHUNKS)], didx)
    plsc.subcore_barrier()

    def _body(j, _):
        pltpu.sync_copy(ones_v, dacc.at[didx.at[j]], add=True)
        return 0

    lax.fori_loop(0, WCHUNKS, _body, 0)
    plsc.subcore_barrier()

    @pl.when(c == 0)
    def _():
        pltpu.sync_copy(dacc.at[rows], deg_a.at[rows])

    @pl.when(c == 1)
    def _():
        pltpu.sync_copy(dacc.at[rows], deg_b.at[rows])


@functools.partial(
    pl.kernel,
    out_type=(
        jax.ShapeDtypeStruct((N_PAD, W128), _F32),
        jax.ShapeDtypeStruct((N_PAD, W128), _F32),
    ),
    mesh=_mesh(),
    scratch_types=[
        pltpu.VMEM((SEG_CHUNKS * CHUNK,), jnp.int32),
        pltpu.VMEM((SEG_CHUNKS, 128), jnp.int32),
        pltpu.VMEM((CHUNK, W128), _F32),
        pltpu.VMEM((CHUNK, W128), _F32),
        pltpu.VMEM_SHARED((N_PAD, W128), _F32),
        pltpu.SemaphoreType.DMA,
        pltpu.SemaphoreType.DMA,
    ],
)
def _agg_kernel(table, src1d, dst2d, part_a, part_b, sidx, didx, gbuf0, gbuf1,
                acc, semg, sems):
    gbuf = (gbuf0, gbuf1)
    c = lax.axis_index("c")
    s = lax.axis_index("s")
    rows = pl.ds(s * ROWS_PER_TILE, ROWS_PER_TILE)

    pltpu.sync_copy(table.at[rows], acc.at[rows])
    plsc.subcore_barrier()

    def _g_start(j, b):
        pltpu.async_copy(table.at[sidx.at[pl.ds(j * CHUNK, CHUNK)]],
                         gbuf[b], semg)

    def _g_wait(j, b):
        pltpu.make_async_copy(table.at[sidx.at[pl.ds(j * CHUNK, CHUNK)]],
                              gbuf[b], semg).wait()

    def _s_sync(j, b):
        pltpu.sync_copy(gbuf[b], acc.at[didx.at[j]], add=True)

    def _edge_loop(base_chunk, nchunks):
        done = 0
        while done < nchunks:
            step = min(SEG_CHUNKS, nchunks - done)
            cb = base_chunk + done
            pltpu.sync_copy(
                src1d.at[pl.ds(cb * CHUNK, step * CHUNK)],
                sidx.at[pl.ds(0, step * CHUNK)])
            pltpu.sync_copy(dst2d.at[pl.ds(cb, step)],
                            didx.at[pl.ds(0, step)])

            def _body(p, _):
                j0 = 2 * p
                j1 = j0 + 1
                _g_start(j0, 0)
                _g_start(j1, 1)
                _g_wait(j0, 0)
                _s_sync(j0, 0)
                _g_wait(j1, 1)
                _s_sync(j1, 1)
                return 0

            lax.fori_loop(0, step // 2, _body, 0)
            done += step

    @pl.when(c == 0)
    def _():
        _edge_loop(s * A_CHUNKS, A_CHUNKS)

    @pl.when(c == 1)
    def _():
        _edge_loop(NS * A_CHUNKS + s * B_CHUNKS, B_CHUNKS)

    plsc.subcore_barrier()

    @pl.when(c == 0)
    def _():
        pltpu.sync_copy(acc.at[rows], part_a.at[rows])

    @pl.when(c == 1)
    def _():
        pltpu.sync_copy(acc.at[rows], part_b.at[rows])


_BLK = 256
_GRID = (N_PAD // _BLK,)


def _dinv_block(dega, degb):
    deg = dega[...] + degb[...] + 1.0
    return lax.rsqrt(deg)[:, 0:1]


def _m1_body(x_ref, w_ref, dega, degb, hlo_ref, hhi_ref):
    dinv = _dinv_block(dega, degb)
    h = jnp.dot(x_ref[...], w_ref[...], preferred_element_type=_F32) * dinv
    hlo_ref[...] = h[:, :W128]
    hhi_ref[...] = h[:, W128:]


def _m2_body(alo0, alo1, ahi0, ahi1, hlo, hhi, dega, degb, b1_ref, w2_ref,
             h2_ref):
    dinv = _dinv_block(dega, degb)
    agg_lo = alo0[...] + alo1[...] - hlo[...]
    agg_hi = ahi0[...] + ahi1[...] - hhi[...]
    agg = jnp.concatenate([agg_lo, agg_hi], axis=1)
    out1 = jnp.maximum(agg * dinv + b1_ref[...], 0.0)
    h2_ref[...] = jnp.dot(out1, w2_ref[...], preferred_element_type=_F32) * dinv


def _m3_body(a0, a1, h2, dega, degb, b2_ref, out_ref):
    dinv = _dinv_block(dega, degb)
    agg = a0[...] + a1[...] - h2[...]
    out_ref[...] = jnp.maximum(agg * dinv + b2_ref[...], 0.0)


def _row_spec(w):
    return pl.BlockSpec((_BLK, w), lambda i: (i, 0))


def _full_spec(shape):
    return pl.BlockSpec(shape, lambda i: tuple(0 for _ in shape))


def _m1(xp, W1, deg_a, deg_b):
    return pl.pallas_call(
        _m1_body,
        grid=_GRID,
        in_specs=[_row_spec(C_IN), _full_spec((C_IN, C_HID)),
                  _row_spec(16), _row_spec(16)],
        out_specs=[_row_spec(W128)] * 2,
        out_shape=[jax.ShapeDtypeStruct((N_PAD, W128), _F32)] * 2,
    )(xp, W1, deg_a, deg_b)


def _m2(alo0, alo1, ahi0, ahi1, hlo, hhi, deg_a, deg_b, b1, W2):
    return pl.pallas_call(
        _m2_body,
        grid=_GRID,
        in_specs=[_row_spec(W128)] * 6 +
                 [_row_spec(16), _row_spec(16),
                  _full_spec((1, C_HID)), _full_spec((C_HID, C_OUT))],
        out_specs=_row_spec(W128),
        out_shape=jax.ShapeDtypeStruct((N_PAD, W128), _F32),
    )(alo0, alo1, ahi0, ahi1, hlo, hhi, deg_a, deg_b,
      b1.reshape(1, C_HID), W2)


def _m3(a0, a1, h2, deg_a, deg_b, b2):
    return pl.pallas_call(
        _m3_body,
        grid=_GRID,
        in_specs=[_row_spec(W128)] * 3 +
                 [_row_spec(16), _row_spec(16), _full_spec((1, C_OUT))],
        out_specs=_row_spec(C_OUT),
        out_shape=jax.ShapeDtypeStruct((N_PAD, C_OUT), _F32),
    )(a0, a1, h2, deg_a, deg_b, b2.reshape(1, C_OUT))


def kernel(x, edge_index, W1, b1, W2, b2):
    src = edge_index[0]
    dst = edge_index[1]
    pad = E_PAD - E
    src1d = jnp.concatenate([src, jnp.zeros((pad,), jnp.int32)])
    dst_pad = jnp.concatenate([dst, jnp.full((pad,), TRASH_ROW, jnp.int32)])
    dst2d = dst_pad.reshape(E_PAD // 128, 128)
    xp = jnp.pad(x, ((0, N_PAD - N), (0, 0)))
    z16 = jnp.zeros((N_PAD, 16), _F32)

    deg_a, deg_b = _deg_kernel(dst2d, z16)
    hlo, hhi = _m1(xp, W1, deg_a, deg_b)
    alo0, alo1 = _agg_kernel(hlo, src1d, dst2d)
    ahi0, ahi1 = _agg_kernel(hhi, src1d, dst2d)
    h2 = _m2(alo0, alo1, ahi0, ahi1, hlo, hhi, deg_a, deg_b, b1, W2)
    a20, a21 = _agg_kernel(h2, src1d, dst2d)
    out = _m3(a20, a21, h2, deg_a, deg_b, b2)
    return out[:N]

# --- scband reference (transcript-rebuilt; emitter-appended) ---
"""Pipeline reference for scband-gcn-dcaug-68633577390653 (READ-ONLY COPY).

The authoritative reference and input builder live on the scoring server;
editing this copy changes nothing except your own understanding.
"""

import jax, jax.numpy as jnp
import numpy as np

N = 10000
E = 320000
C_IN = 128
C_OUT = 128
C_HID = 2 * C_IN


def setup_inputs(seed: int = 0) -> dict:
    key = jax.random.key(seed)
    k1, k2, k3, k4 = jax.random.split(key, 4)
    x = jax.random.normal(k1, (N, C_IN), dtype=jnp.float32)
    edge_index = jax.random.randint(k2, (2, E), 0, N, dtype=jnp.int32)
    # GCNConv weights (PyG: Linear without bias + separate bias param, glorot init)
    W1 = jax.random.normal(k3, (C_IN, C_HID), dtype=jnp.float32) * (1.0 / np.sqrt(C_IN))
    b1 = jnp.zeros((C_HID,), dtype=jnp.float32)
    W2 = jax.random.normal(k4, (C_HID, C_OUT), dtype=jnp.float32) * (1.0 / np.sqrt(C_HID))
    b2 = jnp.zeros((C_OUT,), dtype=jnp.float32)
    return {"x": x, "edge_index": edge_index, "W1": W1, "b1": b1, "W2": W2, "b2": b2}


def _gcn_layer(x, src, dst, W, b, n):
    # x' = D^{-1/2} (A + I) D^{-1/2} (x W) + b   (self-loops already appended to src/dst)
    h = x @ W
    deg = jnp.zeros((n,), dtype=h.dtype).at[dst].add(jnp.ones_like(dst, dtype=h.dtype))
    dinv = jnp.where(deg > 0, 1.0 / jnp.sqrt(deg), 0.0)
    norm = dinv[src] * dinv[dst]
    msg = h[src] * norm[:, None]
    out = jnp.zeros((n, h.shape[1]), dtype=h.dtype).at[dst].add(msg)
    return out + b


def reference(x, edge_index, W1, b1, W2, b2):
    n = x.shape[0]
    loop = jnp.arange(n, dtype=edge_index.dtype)
    src = jnp.concatenate([edge_index[0], loop])
    dst = jnp.concatenate([edge_index[1], loop])
    # dropout is identity in eval mode
    h = jax.nn.relu(_gcn_layer(x, src, dst, W1, b1, n))
    out = jax.nn.relu(_gcn_layer(h, src, dst, W2, b2, n))
    return out

if __name__ == "__main__":
    import jax
    _d = setup_inputs()
    print(jax.jit(kernel)(*tuple(_d.values())))

</pallas_src>

<mosaic_0001>
#map = affine_map<(d0, d1) -> (0, 0)>
#map1 = affine_map<(d0, d1) -> (0)>
module attributes {stable_mosaic.version = 14 : i64} {
  func.func @_agg_kernel(%arg0: i32, %arg1: i32, %arg2: memref<10240x128xf32, #tpu.memory_space<hbm>>, %arg3: memref<327680xi32, #tpu.memory_space<hbm>>, %arg4: memref<2560x128xi32, #tpu.memory_space<hbm>>, %arg5: memref<10240x128xf32, #tpu.memory_space<hbm>>, %arg6: memref<10240x128xf32, #tpu.memory_space<hbm>>, %arg7: memref<4096xi32, #tpu.memory_space<vmem>>, %arg8: memref<32x128xi32, #tpu.memory_space<vmem>>, %arg9: memref<128x128xf32, #tpu.memory_space<vmem>>, %arg10: memref<128x128xf32, #tpu.memory_space<vmem>>, %arg11: memref<10240x128xf32, #tpu.memory_space<vmem_shared>>, %arg12: memref<!tpu.dma_semaphore, #tpu.memory_space<semaphore_mem>>, %arg13: memref<!tpu.dma_semaphore, #tpu.memory_space<semaphore_mem>>) attributes {dimension_semantics = [#tpu.dimension_semantics<core_parallel>, #tpu.dimension_semantics<subcore_parallel>], iteration_bounds = array<i64: 2, 16>, scalar_prefetch = 0 : i64, scratch_operands = 7 : i64, tpu.core_type = #tpu.core_type<sc_vector_subcore>, window_params = [{transform_indices = #map}, {transform_indices = #map1}, {transform_indices = #map}, {transform_indices = #map}, {transform_indices = #map}]} {
    %mul3A = arith.constant 640 : i32
    %mul3A_0 = arith.muli %arg1, %mul3A : i32
    "tpu.region"() ({
      %run_scoped3A = tpu.sem_alloc : memref<!tpu.dma_semaphore, #tpu.memory_space<semaphore_mem>>
      %dma_start3A = arith.constant 0 : i32
      %dma_start3A_19 = tpu.memref_slice %arg11[%mul3A_0, %dma_start3A] : memref<10240x128xf32, #tpu.memory_space<vmem_shared>> -> memref<640x128xf32, #tpu.memory_space<vmem_shared>>
      %dma_start3A_20 = arith.constant 0 : i32
      %dma_start3A_21 = tpu.memref_slice %arg2[%mul3A_0, %dma_start3A_20] : memref<10240x128xf32, #tpu.memory_space<hbm>> -> memref<640x128xf32, #tpu.memory_space<hbm>>
      tpu.enqueue_dma source(%dma_start3A_21 : memref<640x128xf32, #tpu.memory_space<hbm>>) target(%dma_start3A_19 : memref<640x128xf32, #tpu.memory_space<vmem_shared>>) target_semaphore(%run_scoped3A : memref<!tpu.dma_semaphore, #tpu.memory_space<semaphore_mem>>)
      %dma_wait3A = arith.constant 0 : i32
      %dma_wait3A_22 = tpu.memref_slice %arg11[%mul3A_0, %dma_wait3A] : memref<10240x128xf32, #tpu.memory_space<vmem_shared>> -> memref<640x128xf32, #tpu.memory_space<vmem_shared>>
      %dma_wait3A_23 = arith.constant 0 : i32
      %dma_wait3A_24 = tpu.memref_slice %arg2[%mul3A_0, %dma_wait3A_23] : memref<10240x128xf32, #tpu.memory_space<hbm>> -> memref<640x128xf32, #tpu.memory_space<hbm>>
      tpu.wait_dma2 semaphore(%run_scoped3A : memref<!tpu.dma_semaphore, #tpu.memory_space<semaphore_mem>>) src(%dma_wait3A_24 : memref<640x128xf32, #tpu.memory_space<hbm>>) dst(%dma_wait3A_22 : memref<640x128xf32, #tpu.memory_space<vmem_shared>>)
      tpu.yield
    }) : () -> ()
    %barrier3A = arith.constant 0 : index
    tpu.barrier barrier_id(%barrier3A)
    %eq3A = arith.constant 0 : i32
    %eq3A_1 = arith.cmpi eq, %arg0, %eq3A : i32
    %convert_element_type3A = arith.extui %eq3A_1 : i1 to i32
    %cond3A = arith.constant 0 : i32
    %cond3A_2 = arith.cmpi ne, %convert_element_type3A, %cond3A : i32
    scf.if %cond3A_2 {
      %mul3A_19 = arith.constant 152 : i32
      %mul3A_20 = arith.muli %arg1, %mul3A_19 : i32
      %add3A = arith.constant 0 : i32
      %add3A_21 = arith.addi %mul3A_20, %add3A : i32
      %mul3A_22 = arith.constant 128 : i32
      %mul3A_23 = arith.muli %add3A_21, %mul3A_22 : i32
      "tpu.region"() ({
        %run_scoped3A = tpu.sem_alloc : memref<!tpu.dma_semaphore, #tpu.memory_space<semaphore_mem>>
        %dma_start3A = arith.constant 0 : i32
        %dma_start3A_74 = tpu.memref_slice %arg7[%dma_start3A] : memref<4096xi32, #tpu.memory_space<vmem>> -> memref<4096xi32, #tpu.memory_space<vmem>>
        %dma_start3A_75 = tpu.memref_slice %arg3[%mul3A_23] : memref<327680xi32, #tpu.memory_space<hbm>> -> memref<4096xi32, #tpu.memory_space<hbm>>
        %dma_start3A_76 = arith.constant 0 : i32
        %dma_start3A_77 = tpu.memref_slice %arg7[%dma_start3A_76] : memref<4096xi32, #tpu.memory_space<vmem>> -> memref<4096xi32, #tpu.memory_space<vmem>>
        %dma_start3A_78 = tpu.memref_slice %arg3[%mul3A_23] : memref<327680xi32, #tpu.memory_space<hbm>> -> memref<4096xi32, #tpu.memory_space<hbm>>
        tpu.enqueue_dma source(%dma_start3A_78 : memref<4096xi32, #tpu.memory_space<hbm>>) target(%dma_start3A_77 : memref<4096xi32, #tpu.memory_space<vmem>>) target_semaphore(%run_scoped3A : memref<!tpu.dma_semaphore, #tpu.memory_space<semaphore_mem>>)
        %dma_wait3A = arith.constant 0 : i32
        %dma_wait3A_79 = tpu.memref_slice %arg7[%dma_wait3A] : memref<4096xi32, #tpu.memory_space<vmem>> -> memref<4096xi32, #tpu.memory_space<vmem>>
        %dma_wait3A_80 = tpu.memref_slice %arg3[%mul3A_23] : memref<327680xi32, #tpu.memory_space<hbm>> -> memref<4096xi32, #tpu.memory_space<hbm>>
        %dma_wait3A_81 = arith.constant 0 : i32
        %dma_wait3A_82 = tpu.memref_slice %arg7[%dma_wait3A_81] : memref<4096xi32, #tpu.memory_space<vmem>> -> memref<4096xi32, #tpu.memory_space<vmem>>
        %dma_wait3A_83 = tpu.memref_slice %arg3[%mul3A_23] : memref<327680xi32, #tpu.memory_space<hbm>> -> memref<4096xi32, #tpu.memory_space<hbm>>
        tpu.wait_dma2 semaphore(%run_scoped3A : memref<!tpu.dma_semaphore, #tpu.memory_space<semaphore_mem>>) src(%dma_wait3A_83 : memref<4096xi32, #tpu.memory_space<hbm>>) dst(%dma_wait3A_82 : memref<4096xi32, #tpu.memory_space<vmem>>)
        tpu.yield
      }) : () -> ()
      "tpu.region"() ({
        %run_scoped3A = tpu.sem_alloc : memref<!tpu.dma_semaphore, #tpu.memory_space<semaphore_mem>>
        %dma_start3A = arith.constant 0 : i32
        %dma_start3A_74 = arith.constant 0 : i32
        %dma_start3A_75 = tpu.memref_slice %arg8[%dma_start3A, %dma_start3A_74] : memref<32x128xi32, #tpu.memory_space<vmem>> -> memref<32x128xi32, #tpu.memory_space<vmem>>
        %dma_start3A_76 = arith.constant 0 : i32
        %dma_start3A_77 = tpu.memref_slice %arg4[%add3A_21, %dma_start3A_76] : memref<2560x128xi32, #tpu.memory_space<hbm>> -> memref<32x128xi32, #tpu.memory_space<hbm>>
        %dma_start3A_78 = arith.constant 0 : i32
        %dma_start3A_79 = arith.constant 0 : i32
        %dma_start3A_80 = tpu.memref_slice %arg8[%dma_start3A_78, %dma_start3A_79] : memref<32x128xi32, #tpu.memory_space<vmem>> -> memref<32x128xi32, #tpu.memory_space<vmem>>
        %dma_start3A_81 = arith.constant 0 : i32
        %dma_start3A_82 = tpu.memref_slice %arg4[%add3A_21, %dma_start3A_81] : memref<2560x128xi32, #tpu.memory_space<hbm>> -> memref<32x128xi32, #tpu.memory_space<hbm>>
        tpu.enqueue_dma source(%dma_start3A_82 : memref<32x128xi32, #tpu.memory_space<hbm>>) target(%dma_start3A_80 : memref<32x128xi32, #tpu.memory_space<vmem>>) target_semaphore(%run_scoped3A : memref<!tpu.dma_semaphore, #tpu.memory_space<semaphore_mem>>)
        %dma_wait3A = arith.constant 0 : i32
        %dma_wait3A_83 = arith.constant 0 : i32
        %dma_wait3A_84 = tpu.memref_slice %arg8[%dma_wait3A, %dma_wait3A_83] : memref<32x128xi32, #tpu.memory_space<vmem>> -> memref<32x128xi32, #tpu.memory_space<vmem>>
        %dma_wait3A_85 = arith.constant 0 : i32
        %dma_wait3A_86 = tpu.memref_slice %arg4[%add3A_21, %dma_wait3A_85] : memref<2560x128xi32, #tpu.memory_space<hbm>> -> memref<32x128xi32, #tpu.memory_space<hbm>>
        %dma_wait3A_87 = arith.constant 0 : i32
        %dma_wait3A_88 = arith.constant 0 : i32
        %dma_wait3A_89 = tpu.memref_slice %arg8[%dma_wait3A_87, %dma_wait3A_88] : memref<32x128xi32, #tpu.memory_space<vmem>> -> memref<32x128xi32, #tpu.memory_space<vmem>>
        %dma_wait3A_90 = arith.constant 0 : i32
        %dma_wait3A_91 = tpu.memref_slice %arg4[%add3A_21, %dma_wait3A_90] : memref<2560x128xi32, #tpu.memory_space<hbm>> -> memref<32x128xi32, #tpu.memory_space<hbm>>
        tpu.wait_dma2 semaphore(%run_scoped3A : memref<!tpu.dma_semaphore, #tpu.memory_space<semaphore_mem>>) src(%dma_wait3A_91 : memref<32x128xi32, #tpu.memory_space<hbm>>) dst(%dma_wait3A_89 : memref<32x128xi32, #tpu.memory_space<vmem>>)
        tpu.yield
      }) : () -> ()
      %scan3A = arith.constant 0 : i32
      %scan3A_24 = arith.constant 0 : i32
      %scan3A_25 = arith.constant 16 : i32
      %scan3A_26 = arith.addi %scan3A_24, %scan3A_25 : i32
      %scan3A_27 = arith.constant 1 : i32
      %scan3A_28 = scf.for %scan3A_74 = %scan3A_24 to %scan3A_26 step %scan3A_27 iter_args(%scan3A_75 = %scan3A) -> (i32)  : i32 {
        %mul3A_76 = arith.constant 2 : i32
        %mul3A_77 = arith.muli %mul3A_76, %scan3A_74 : i32
        %add3A_78 = arith.constant 1 : i32
        %add3A_79 = arith.addi %mul3A_77, %add3A_78 : i32
        %mul3A_80 = arith.constant 128 : i32
        %mul3A_81 = arith.muli %mul3A_77, %mul3A_80 : i32
        %dma_start3A = tpu.memref_slice %arg7[%mul3A_81] : memref<4096xi32, #tpu.memory_space<vmem>> -> memref<128xi32, #tpu.memory_space<vmem>>
        %dma_start3A_82 = arith.constant 0 : i32
        %dma_start3A_83 = arith.constant 0 : i32
        %dma_start3A_84 = tpu.memref_slice %arg2[%dma_start3A_82, %dma_start3A_83] : memref<10240x128xf32, #tpu.memory_space<hbm>> -> memref<10240x128xf32, #tpu.memory_space<hbm>>
        tpu.enqueue_indirect_dma source(%dma_start3A_84 : memref<10240x128xf32, #tpu.memory_space<hbm>>) target(%arg9 : memref<128x128xf32, #tpu.memory_space<vmem>>) offsets(%dma_start3A : memref<128xi32, #tpu.memory_space<vmem>>) semaphore(%arg12 : memref<!tpu.dma_semaphore, #tpu.memory_space<semaphore_mem>>)
        %mul3A_85 = arith.constant 128 : i32
        %mul3A_86 = arith.muli %add3A_79, %mul3A_85 : i32
        %dma_start3A_87 = tpu.memref_slice %arg7[%mul3A_86] : memref<4096xi32, #tpu.memory_space<vmem>> -> memref<128xi32, #tpu.memory_space<vmem>>
        %dma_start3A_88 = arith.constant 0 : i32
        %dma_start3A_89 = arith.constant 0 : i32
        %dma_start3A_90 = tpu.memref_slice %arg2[%dma_start3A_88, %dma_start3A_89] : memref<10240x128xf32, #tpu.memory_space<hbm>> -> memref<10240x128xf32, #tpu.memory_space<hbm>>
        tpu.enqueue_indirect_dma source(%dma_start3A_90 : memref<10240x128xf32, #tpu.memory_space<hbm>>) target(%arg10 : memref<128x128xf32, #tpu.memory_space<vmem>>) offsets(%dma_start3A_87 : memref<128xi32, #tpu.memory_space<vmem>>) semaphore(%arg12 : memref<!tpu.dma_semaphore, #tpu.memory_space<semaphore_mem>>)
        %mul3A_91 = arith.constant 128 : i32
        %mul3A_92 = arith.muli %mul3A_77, %mul3A_91 : i32
        %dma_wait3A = tpu.memref_slice %arg7[%mul3A_92] : memref<4096xi32, #tpu.memory_space<vmem>> -> memref<128xi32, #tpu.memory_space<vmem>>
        %dma_wait3A_93 = arith.constant 0 : i32
        %dma_wait3A_94 = arith.constant 0 : i32
        %dma_wait3A_95 = tpu.memref_slice %arg2[%dma_wait3A_93, %dma_wait3A_94] : memref<10240x128xf32, #tpu.memory_space<hbm>> -> memref<10240x128xf32, #tpu.memory_space<hbm>>
        tpu.wait_indirect_dma semaphore(%arg12 : memref<!tpu.dma_semaphore, #tpu.memory_space<semaphore_mem>>) src(%dma_wait3A_95 : memref<10240x128xf32, #tpu.memory_space<hbm>>) dst(%arg9 : memref<128x128xf32, #tpu.memory_space<vmem>>)
        "tpu.region"() ({
          %run_scoped3A = tpu.sem_alloc : memref<!tpu.dma_semaphore, #tpu.memory_space<semaphore_mem>>
          %dma_start3A_103 = arith.constant 0 : i32
          %dma_start3A_104 = tpu.memref_slice %arg8[%mul3A_77, %dma_start3A_103] : memref<32x128xi32, #tpu.memory_space<vmem>> -> memref<1x128xi32, #tpu.memory_space<vmem>>
          %dma_start3A_105 = tpu.memref_squeeze %dma_start3A_104 : memref<1x128xi32, #tpu.memory_space<vmem>> -> memref<128xi32, #tpu.memory_space<vmem>>
          %dma_start3A_106 = arith.constant 0 : i32
          %dma_start3A_107 = arith.constant 0 : i32
          %dma_start3A_108 = tpu.memref_slice %arg11[%dma_start3A_106, %dma_start3A_107] : memref<10240x128xf32, #tpu.memory_space<vmem_shared>> -> memref<10240x128xf32, #tpu.memory_space<vmem_shared>>
          tpu.enqueue_indirect_dma source(%arg9 : memref<128x128xf32, #tpu.memory_space<vmem>>) target(%dma_start3A_108 : memref<10240x128xf32, #tpu.memory_space<vmem_shared>>) offsets(%dma_start3A_105 : memref<128xi32, #tpu.memory_space<vmem>>) semaphore(%run_scoped3A : memref<!tpu.dma_semaphore, #tpu.memory_space<semaphore_mem>>) {add = true}
          %dma_wait3A_109 = arith.constant 0 : i32
          %dma_wait3A_110 = tpu.memref_slice %arg8[%mul3A_77, %dma_wait3A_109] : memref<32x128xi32, #tpu.memory_space<vmem>> -> memref<1x128xi32, #tpu.memory_space<vmem>>
          %dma_wait3A_111 = tpu.memref_squeeze %dma_wait3A_110 : memref<1x128xi32, #tpu.memory_space<vmem>> -> memref<128xi32, #tpu.memory_space<vmem>>
          %dma_wait3A_112 = arith.constant 0 : i32
          %dma_wait3A_113 = arith.constant 0 : i32
          %dma_wait3A_114 = tpu.memref_slice %arg11[%dma_wait3A_112, %dma_wait3A_113] : memref<10240x128xf32, #tpu.memory_space<vmem_shared>> -> memref<10240x128xf32, #tpu.memory_space<vmem_shared>>
          tpu.wait_indirect_dma semaphore(%run_scoped3A : memref<!tpu.dma_semaphore, #tpu.memory_space<semaphore_mem>>) src(%arg9 : memref<128x128xf32, #tpu.memory_space<vmem>>) dst(%dma_wait3A_114 : memref<10240x128xf32, #tpu.memory_space<vmem_shared>>)
          tpu.yield
        }) : () -> ()
        %mul3A_96 = arith.constant 128 : i32
        %mul3A_97 = arith.muli %add3A_79, %mul3A_96 : i32
        %dma_wait3A_98 = tpu.memref_slice %arg7[%mul3A_97] : memref<4096xi32, #tpu.memory_space<vmem>> -> memref<128xi32, #tpu.memory_space<vmem>>
        %dma_wait3A_99 = arith.constant 0 : i32
        %dma_wait3A_100 = arith.constant 0 : i32
        %dma_wait3A_101 = tpu.memref_slice %arg2[%dma_wait3A_99, %dma_wait3A_100] : memref<10240x128xf32, #tpu.memory_space<hbm>> -> memref<10240x128xf32, #tpu.memory_space<hbm>>
        tpu.wait_indirect_dma semaphore(%arg12 : memref<!tpu.dma_semaphore, #tpu.memory_space<semaphore_mem>>) src(%dma_wait3A_101 : memref<10240x128xf32, #tpu.memory_space<hbm>>) dst(%arg10 : memref<128x128xf32, #tpu.memory_space<vmem>>)
        "tpu.region"() ({
          %run_scoped3A = tpu.sem_alloc : memref<!tpu.dma_semaphore, #tpu.memory_space<semaphore_mem>>
          %dma_start3A_103 = arith.constant 0 : i32
          %dma_start3A_104 = tpu.memref_slice %arg8[%add3A_79, %dma_start3A_103] : memref<32x128xi32, #tpu.memory_space<vmem>> -> memref<1x128xi32, #tpu.memory_space<vmem>>
          %dma_start3A_105 = tpu.memref_squeeze %dma_start3A_104 : memref<1x128xi32, #tpu.memory_space<vmem>> -> memref<128xi32, #tpu.memory_space<vmem>>
          %dma_start3A_106 = arith.constant 0 : i32
          %dma_start3A_107 = arith.constant 0 : i32
          %dma_start3A_108 = tpu.memref_slice %arg11[%dma_start3A_106, %dma_start3A_107] : memref<10240x128xf32, #tpu.memory_space<vmem_shared>> -> memref<10240x128xf32, #tpu.memory_space<vmem_shared>>
          tpu.enqueue_indirect_dma source(%arg10 : memref<128x128xf32, #tpu.memory_space<vmem>>) target(%dma_start3A_108 : memref<10240x128xf32, #tpu.memory_space<vmem_shared>>) offsets(%dma_start3A_105 : memref<128xi32, #tpu.memory_space<vmem>>) semaphore(%run_scoped3A : memref<!tpu.dma_semaphore, #tpu.memory_space<semaphore_mem>>) {add = true}
          %dma_wait3A_109 = arith.constant 0 : i32
          %dma_wait3A_110 = tpu.memref_slice %arg8[%add3A_79, %dma_wait3A_109] : memref<32x128xi32, #tpu.memory_space<vmem>> -> memref<1x128xi32, #tpu.memory_space<vmem>>
          %dma_wait3A_111 = tpu.memref_squeeze %dma_wait3A_110 : memref<1x128xi32, #tpu.memory_space<vmem>> -> memref<128xi32, #tpu.memory_space<vmem>>
          %dma_wait3A_112 = arith.constant 0 : i32
          %dma_wait3A_113 = arith.constant 0 : i32
          %dma_wait3A_114 = tpu.memref_slice %arg11[%dma_wait3A_112, %dma_wait3A_113] : memref<10240x128xf32, #tpu.memory_space<vmem_shared>> -> memref<10240x128xf32, #tpu.memory_space<vmem_shared>>
          tpu.wait_indirect_dma semaphore(%run_scoped3A : memref<!tpu.dma_semaphore, #tpu.memory_space<semaphore_mem>>) src(%arg10 : memref<128x128xf32, #tpu.memory_space<vmem>>) dst(%dma_wait3A_114 : memref<10240x128xf32, #tpu.memory_space<vmem_shared>>)
          tpu.yield
        }) : () -> ()
        %scan3A_102 = arith.constant 0 : i32
        scf.yield %scan3A_102 : i32
      }
      %scan3A_29 = arith.constant 16 : i32
      %add3A_30 = arith.constant 32 : i32
      %add3A_31 = arith.addi %mul3A_20, %add3A_30 : i32
      %mul3A_32 = arith.constant 128 : i32
      %mul3A_33 = arith.muli %add3A_31, %mul3A_32 : i32
      "tpu.region"() ({
        %run_scoped3A = tpu.sem_alloc : memref<!tpu.dma_semaphore, #tpu.memory_space<semaphore_mem>>
        %dma_start3A = arith.constant 0 : i32
        %dma_start3A_74 = tpu.memref_slice %arg7[%dma_start3A] : memref<4096xi32, #tpu.memory_space<vmem>> -> memref<4096xi32, #tpu.memory_space<vmem>>
        %dma_start3A_75 = tpu.memref_slice %arg3[%mul3A_33] : memref<327680xi32, #tpu.memory_space<hbm>> -> memref<4096xi32, #tpu.memory_space<hbm>>
        %dma_start3A_76 = arith.constant 0 : i32
        %dma_start3A_77 = tpu.memref_slice %arg7[%dma_start3A_76] : memref<4096xi32, #tpu.memory_space<vmem>> -> memref<4096xi32, #tpu.memory_space<vmem>>
        %dma_start3A_78 = tpu.memref_slice %arg3[%mul3A_33] : memref<327680xi32, #tpu.memory_space<hbm>> -> memref<4096xi32, #tpu.memory_space<hbm>>
        tpu.enqueue_dma source(%dma_start3A_78 : memref<4096xi32, #tpu.memory_space<hbm>>) target(%dma_start3A_77 : memref<4096xi32, #tpu.memory_space<vmem>>) target_semaphore(%run_scoped3A : memref<!tpu.dma_semaphore, #tpu.memory_space<semaphore_mem>>)
        %dma_wait3A = arith.constant 0 : i32
        %dma_wait3A_79 = tpu.memref_slice %arg7[%dma_wait3A] : memref<4096xi32, #tpu.memory_space<vmem>> -> memref<4096xi32, #tpu.memory_space<vmem>>
        %dma_wait3A_80 = tpu.memref_slice %arg3[%mul3A_33] : memref<327680xi32, #tpu.memory_space<hbm>> -> memref<4096xi32, #tpu.memory_space<hbm>>
        %dma_wait3A_81 = arith.constant 0 : i32
        %dma_wait3A_82 = tpu.memref_slice %arg7[%dma_wait3A_81] : memref<4096xi32, #tpu.memory_space<vmem>> -> memref<4096xi32, #tpu.memory_space<vmem>>
        %dma_wait3A_83 = tpu.memref_slice %arg3[%mul3A_33] : memref<327680xi32, #tpu.memory_space<hbm>> -> memref<4096xi32, #tpu.memory_space<hbm>>
        tpu.wait_dma2 semaphore(%run_scoped3A : memref<!tpu.dma_semaphore, #tpu.memory_space<semaphore_mem>>) src(%dma_wait3A_83 : memref<4096xi32, #tpu.memory_space<hbm>>) dst(%dma_wait3A_82 : memref<4096xi32, #tpu.memory_space<vmem>>)
        tpu.yield
      }) : () -> ()
      "tpu.region"() ({
        %run_scoped3A = tpu.sem_alloc : memref<!tpu.dma_semaphore, #tpu.memory_space<semaphore_mem>>
        %dma_start3A = arith.constant 0 : i32
        %dma_start3A_74 = arith.constant 0 : i32
        %dma_start3A_75 = tpu.memref_slice %arg8[%dma_start3A, %dma_start3A_74] : memref<32x128xi32, #tpu.memory_space<vmem>> -> memref<32x128xi32, #tpu.memory_space<vmem>>
        %dma_start3A_76 = arith.constant 0 : i32
        %dma_start3A_77 = tpu.memref_slice %arg4[%add3A_31, %dma_start3A_76] : memref<2560x128xi32, #tpu.memory_space<hbm>> -> memref<32x128xi32, #tpu.memory_space<hbm>>
        %dma_start3A_78 = arith.constant 0 : i32
        %dma_start3A_79 = arith.constant 0 : i32
        %dma_start3A_80 = tpu.memref_slice %arg8[%dma_start3A_78, %dma_start3A_79] : memref<32x128xi32, #tpu.memory_space<vmem>> -> memref<32x128xi32, #tpu.memory_space<vmem>>
        %dma_start3A_81 = arith.constant 0 : i32
        %dma_start3A_82 = tpu.memref_slice %arg4[%add3A_31, %dma_start3A_81] : memref<2560x128xi32, #tpu.memory_space<hbm>> -> memref<32x128xi32, #tpu.memory_space<hbm>>
        tpu.enqueue_dma source(%dma_start3A_82 : memref<32x128xi32, #tpu.memory_space<hbm>>) target(%dma_start3A_80 : memref<32x128xi32, #tpu.memory_space<vmem>>) target_semaphore(%run_scoped3A : memref<!tpu.dma_semaphore, #tpu.memory_space<semaphore_mem>>)
        %dma_wait3A = arith.constant 0 : i32
        %dma_wait3A_83 = arith.constant 0 : i32
        %dma_wait3A_84 = tpu.memref_slice %arg8[%dma_wait3A, %dma_wait3A_83] : memref<32x128xi32, #tpu.memory_space<vmem>> -> memref<32x128xi32, #tpu.memory_space<vmem>>
        %dma_wait3A_85 = arith.constant 0 : i32
        %dma_wait3A_86 = tpu.memref_slice %arg4[%add3A_31, %dma_wait3A_85] : memref<2560x128xi32, #tpu.memory_space<hbm>> -> memref<32x128xi32, #tpu.memory_space<hbm>>
        %dma_wait3A_87 = arith.constant 0 : i32
        %dma_wait3A_88 = arith.constant 0 : i32
        %dma_wait3A_89 = tpu.memref_slice %arg8[%dma_wait3A_87, %dma_wait3A_88] : memref<32x128xi32, #tpu.memory_space<vmem>> -> memref<32x128xi32, #tpu.memory_space<vmem>>
        %dma_wait3A_90 = arith.constant 0 : i32
        %dma_wait3A_91 = tpu.memref_slice %arg4[%add3A_31, %dma_wait3A_90] : memref<2560x128xi32, #tpu.memory_space<hbm>> -> memref<32x128xi32, #tpu.memory_space<hbm>>
        tpu.wait_dma2 semaphore(%run_scoped3A : memref<!tpu.dma_semaphore, #tpu.memory_space<semaphore_mem>>) src(%dma_wait3A_91 : memref<32x128xi32, #tpu.memory_space<hbm>>) dst(%dma_wait3A_89 : memref<32x128xi32, #tpu.memory_space<vmem>>)
        tpu.yield
      }) : () -> ()
      %scan3A_34 = arith.constant 0 : i32
      %scan3A_35 = arith.constant 0 : i32
      %scan3A_36 = arith.constant 16 : i32
      %scan3A_37 = arith.addi %scan3A_35, %scan3A_36 : i32
      %scan3A_38 = arith.constant 1 : i32
      %scan3A_39 = scf.for %scan3A_74 = %scan3A_35 to %scan3A_37 step %scan3A_38 iter_args(%scan3A_75 = %scan3A_34) -> (i32)  : i32 {
        %mul3A_76 = arith.constant 2 : i32
        %mul3A_77 = arith.muli %mul3A_76, %scan3A_74 : i32
        %add3A_78 = arith.constant 1 : i32
        %add3A_79 = arith.addi %mul3A_77, %add3A_78 : i32
        %mul3A_80 = arith.constant 128 : i32
        %mul3A_81 = arith.muli %mul3A_77, %mul3A_80 : i32
        %dma_start3A = tpu.memref_slice %arg7[%mul3A_81] : memref<4096xi32, #tpu.memory_space<vmem>> -> memref<128xi32, #tpu.memory_space<vmem>>
        %dma_start3A_82 = arith.constant 0 : i32
        %dma_start3A_83 = arith.constant 0 : i32
        %dma_start3A_84 = tpu.memref_slice %arg2[%dma_start3A_82, %dma_start3A_83] : memref<10240x128xf32, #tpu.memory_space<hbm>> -> memref<10240x128xf32, #tpu.memory_space<hbm>>
        tpu.enqueue_indirect_dma source(%dma_start3A_84 : memref<10240x128xf32, #tpu.memory_space<hbm>>) target(%arg9 : memref<128x128xf32, #tpu.memory_space<vmem>>) offsets(%dma_start3A : memref<128xi32, #tpu.memory_space<vmem>>) semaphore(%arg12 : memref<!tpu.dma_semaphore, #tpu.memory_space<semaphore_mem>>)
        %mul3A_85 = arith.constant 128 : i32
        %mul3A_86 = arith.muli %add3A_79, %mul3A_85 : i32
        %dma_start3A_87 = tpu.memref_slice %arg7[%mul3A_86] : memref<4096xi32, #tpu.memory_space<vmem>> -> memref<128xi32, #tpu.memory_space<vmem>>
        %dma_start3A_88 = arith.constant 0 : i32
        %dma_start3A_89 = arith.constant 0 : i32
        %dma_start3A_90 = tpu.memref_slice %arg2[%dma_start3A_88, %dma_start3A_89] : memref<10240x128xf32, #tpu.memory_space<hbm>> -> memref<10240x128xf32, #tpu.memory_space<hbm>>
        tpu.enqueue_indirect_dma source(%dma_start3A_90 : memref<10240x128xf32, #tpu.memory_space<hbm>>) target(%arg10 : memref<128x128xf32, #tpu.memory_space<vmem>>) offsets(%dma_start3A_87 : memref<128xi32, #tpu.memory_space<vmem>>) semaphore(%arg12 : memref<!tpu.dma_semaphore, #tpu.memory_space<semaphore_mem>>)
        %mul3A_91 = arith.constant 128 : i32
        %mul3A_92 = arith.muli %mul3A_77, %mul3A_91 : i32
        %dma_wait3A = tpu.memref_slice %arg7[%mul3A_92] : memref<4096xi32, #tpu.memory_space<vmem>> -> memref<128xi32, #tpu.memory_space<vmem>>
        %dma_wait3A_93 = arith.constant 0 : i32
        %dma_wait3A_94 = arith.constant 0 : i32
        %dma_wait3A_95 = tpu.memref_slice %arg2[%dma_wait3A_93, %dma_wait3A_94] : memref<10240x128xf32, #tpu.memory_space<hbm>> -> memref<10240x128xf32, #tpu.memory_space<hbm>>
        tpu.wait_indirect_dma semaphore(%arg12 : memref<!tpu.dma_semaphore, #tpu.memory_space<semaphore_mem>>) src(%dma_wait3A_95 : memref<10240x128xf32, #tpu.memory_space<hbm>>) dst(%arg9 : memref<128x128xf32, #tpu.memory_space<vmem>>)
        "tpu.region"() ({
          %run_scoped3A = tpu.sem_alloc : memref<!tpu.dma_semaphore, #tpu.memory_space<semaphore_mem>>
          %dma_start3A_103 = arith.constant 0 : i32
          %dma_start3A_104 = tpu.memref_slice %arg8[%mul3A_77, %dma_start3A_103] : memref<32x128xi32, #tpu.memory_space<vmem>> -> memref<1x128xi32, #tpu.memory_space<vmem>>
          %dma_start3A_105 = tpu.memref_squeeze %dma_start3A_104 : memref<1x128xi32, #tpu.memory_space<vmem>> -> memref<128xi32, #tpu.memory_space<vmem>>
          %dma_start3A_106 = arith.constant 0 : i32
          %dma_start3A_107 = arith.constant 0 : i32
          %dma_start3A_108 = tpu.memref_slice %arg11[%dma_start3A_106, %dma_start3A_107] : memref<10240x128xf32, #tpu.memory_space<vmem_shared>> -> memref<10240x128xf32, #tpu.memory_space<vmem_shared>>
          tpu.enqueue_indirect_dma source(%arg9 : memref<128x128xf32, #tpu.memory_space<vmem>>) target(%dma_start3A_108 : memref<10240x128xf32, #tpu.memory_space<vmem_shared>>) offsets(%dma_start3A_105 : memref<128xi32, #tpu.memory_space<vmem>>) semaphore(%run_scoped3A : memref<!tpu.dma_semaphore, #tpu.memory_space<semaphore_mem>>) {add = true}
          %dma_wait3A_109 = arith.constant 0 : i32
          %dma_wait3A_110 = tpu.memref_slice %arg8[%mul3A_77, %dma_wait3A_109] : memref<32x128xi32, #tpu.memory_space<vmem>> -> memref<1x128xi32, #tpu.memory_space<vmem>>
          %dma_wait3A_111 = tpu.memref_squeeze %dma_wait3A_110 : memref<1x128xi32, #tpu.memory_space<vmem>> -> memref<128xi32, #tpu.memory_space<vmem>>
          %dma_wait3A_112 = arith.constant 0 : i32
          %dma_wait3A_113 = arith.constant 0 : i32
          %dma_wait3A_114 = tpu.memref_slice %arg11[%dma_wait3A_112, %dma_wait3A_113] : memref<10240x128xf32, #tpu.memory_space<vmem_shared>> -> memref<10240x128xf32, #tpu.memory_space<vmem_shared>>
          tpu.wait_indirect_dma semaphore(%run_scoped3A : memref<!tpu.dma_semaphore, #tpu.memory_space<semaphore_mem>>) src(%arg9 : memref<128x128xf32, #tpu.memory_space<vmem>>) dst(%dma_wait3A_114 : memref<10240x128xf32, #tpu.memory_space<vmem_shared>>)
          tpu.yield
        }) : () -> ()
        %mul3A_96 = arith.constant 128 : i32
        %mul3A_97 = arith.muli %add3A_79, %mul3A_96 : i32
        %dma_wait3A_98 = tpu.memref_slice %arg7[%mul3A_97] : memref<4096xi32, #tpu.memory_space<vmem>> -> memref<128xi32, #tpu.memory_space<vmem>>
        %dma_wait3A_99 = arith.constant 0 : i32
        %dma_wait3A_100 = arith.constant 0 : i32
        %dma_wait3A_101 = tpu.memref_slice %arg2[%dma_wait3A_99, %dma_wait3A_100] : memref<10240x128xf32, #tpu.memory_space<hbm>> -> memref<10240x128xf32, #tpu.memory_space<hbm>>
        tpu.wait_indirect_dma semaphore(%arg12 : memref<!tpu.dma_semaphore, #tpu.memory_space<semaphore_mem>>) src(%dma_wait3A_101 : memref<10240x128xf32, #tpu.memory_space<hbm>>) dst(%arg10 : memref<128x128xf32, #tpu.memory_space<vmem>>)
        "tpu.region"() ({
          %run_scoped3A = tpu.sem_alloc : memref<!tpu.dma_semaphore, #tpu.memory_space<semaphore_mem>>
          %dma_start3A_103 = arith.constant 0 : i32
          %dma_start3A_104 = tpu.memref_slice %arg8[%add3A_79, %dma_start3A_103] : memref<32x128xi32, #tpu.memory_space<vmem>> -> memref<1x128xi32, #tpu.memory_space<vmem>>
          %dma_start3A_105 = tpu.memref_squeeze %dma_start3A_104 : memref<1x128xi32, #tpu.memory_space<vmem>> -> memref<128xi32, #tpu.memory_space<vmem>>
          %dma_start3A_106 = arith.constant 0 : i32
          %dma_start3A_107 = arith.constant 0 : i32
          %dma_start3A_108 = tpu.memref_slice %arg11[%dma_start3A_106, %dma_start3A_107] : memref<10240x128xf32, #tpu.memory_space<vmem_shared>> -> memref<10240x128xf32, #tpu.memory_space<vmem_shared>>
          tpu.enqueue_indirect_dma source(%arg10 : memref<128x128xf32, #tpu.memory_space<vmem>>) target(%dma_start3A_108 : memref<10240x128xf32, #tpu.memory_space<vmem_shared>>) offsets(%dma_start3A_105 : memref<128xi32, #tpu.memory_space<vmem>>) semaphore(%run_scoped3A : memref<!tpu.dma_semaphore, #tpu.memory_space<semaphore_mem>>) {add = true}
          %dma_wait3A_109 = arith.constant 0 : i32
          %dma_wait3A_110 = tpu.memref_slice %arg8[%add3A_79, %dma_wait3A_109] : memref<32x128xi32, #tpu.memory_space<vmem>> -> memref<1x128xi32, #tpu.memory_space<vmem>>
          %dma_wait3A_111 = tpu.memref_squeeze %dma_wait3A_110 : memref<1x128xi32, #tpu.memory_space<vmem>> -> memref<128xi32, #tpu.memory_space<vmem>>
          %dma_wait3A_112 = arith.constant 0 : i32
          %dma_wait3A_113 = arith.constant 0 : i32
          %dma_wait3A_114 = tpu.memref_slice %arg11[%dma_wait3A_112, %dma_wait3A_113] : memref<10240x128xf32, #tpu.memory_space<vmem_shared>> -> memref<10240x128xf32, #tpu.memory_space<vmem_shared>>
          tpu.wait_indirect_dma semaphore(%run_scoped3A : memref<!tpu.dma_semaphore, #tpu.memory_space<semaphore_mem>>) src(%arg10 : memref<128x128xf32, #tpu.memory_space<vmem>>) dst(%dma_wait3A_114 : memref<10240x128xf32, #tpu.memory_space<vmem_shared>>)
          tpu.yield
        }) : () -> ()
        %scan3A_102 = arith.constant 0 : i32
        scf.yield %scan3A_102 : i32
      }
      %scan3A_40 = arith.constant 16 : i32
      %add3A_41 = arith.constant 64 : i32
      %add3A_42 = arith.addi %mul3A_20, %add3A_41 : i32
      %mul3A_43 = arith.constant 128 : i32
      %mul3A_44 = arith.muli %add3A_42, %mul3A_43 : i32
      "tpu.region"() ({
        %run_scoped3A = tpu.sem_alloc : memref<!tpu.dma_semaphore, #tpu.memory_space<semaphore_mem>>
        %dma_start3A = arith.constant 0 : i32
        %dma_start3A_74 = tpu.memref_slice %arg7[%dma_start3A] : memref<4096xi32, #tpu.memory_space<vmem>> -> memref<4096xi32, #tpu.memory_space<vmem>>
        %dma_start3A_75 = tpu.memref_slice %arg3[%mul3A_44] : memref<327680xi32, #tpu.memory_space<hbm>> -> memref<4096xi32, #tpu.memory_space<hbm>>
        %dma_start3A_76 = arith.constant 0 : i32
        %dma_start3A_77 = tpu.memref_slice %arg7[%dma_start3A_76] : memref<4096xi32, #tpu.memory_space<vmem>> -> memref<4096xi32, #tpu.memory_space<vmem>>
        %dma_start3A_78 = tpu.memref_slice %arg3[%mul3A_44] : memref<327680xi32, #tpu.memory_space<hbm>> -> memref<4096xi32, #tpu.memory_space<hbm>>
        tpu.enqueue_dma source(%dma_start3A_78 : memref<4096xi32, #tpu.memory_space<hbm>>) target(%dma_start3A_77 : memref<4096xi32, #tpu.memory_space<vmem>>) target_semaphore(%run_scoped3A : memref<!tpu.dma_semaphore, #tpu.memory_space<semaphore_mem>>)
        %dma_wait3A = arith.constant 0 : i32
        %dma_wait3A_79 = tpu.memref_slice %arg7[%dma_wait3A] : memref<4096xi32, #tpu.memory_space<vmem>> -> memref<4096xi32, #tpu.memory_space<vmem>>
        %dma_wait3A_80 = tpu.memref_slice %arg3[%mul3A_44] : memref<327680xi32, #tpu.memory_space<hbm>> -> memref<4096xi32, #tpu.memory_space<hbm>>
        %dma_wait3A_81 = arith.constant 0 : i32
        %dma_wait3A_82 = tpu.memref_slice %arg7[%dma_wait3A_81] : memref<4096xi32, #tpu.memory_space<vmem>> -> memref<4096xi32, #tpu.memory_space<vmem>>
        %dma_wait3A_83 = tpu.memref_slice %arg3[%mul3A_44] : memref<327680xi32, #tpu.memory_space<hbm>> -> memref<4096xi32, #tpu.memory_space<hbm>>
        tpu.wait_dma2 semaphore(%run_scoped3A : memref<!tpu.dma_semaphore, #tpu.memory_space<semaphore_mem>>) src(%dma_wait3A_83 : memref<4096xi32, #tpu.memory_space<hbm>>) dst(%dma_wait3A_82 : memref<4096xi32, #tpu.memory_space<vmem>>)
        tpu.yield
      }) : () -> ()
      "tpu.region"() ({
        %run_scoped3A = tpu.sem_alloc : memref<!tpu.dma_semaphore, #tpu.memory_space<semaphore_mem>>
        %dma_start3A = arith.constant 0 : i32
        %dma_start3A_74 = arith.constant 0 : i32
        %dma_start3A_75 = tpu.memref_slice %arg8[%dma_start3A, %dma_start3A_74] : memref<32x128xi32, #tpu.memory_space<vmem>> -> memref<32x128xi32, #tpu.memory_space<vmem>>
        %dma_start3A_76 = arith.constant 0 : i32
        %dma_start3A_77 = tpu.memref_slice %arg4[%add3A_42, %dma_start3A_76] : memref<2560x128xi32, #tpu.memory_space<hbm>> -> memref<32x128xi32, #tpu.memory_space<hbm>>
        %dma_start3A_78 = arith.constant 0 : i32
        %dma_start3A_79 = arith.constant 0 : i32
        %dma_start3A_80 = tpu.memref_slice %arg8[%dma_start3A_78, %dma_start3A_79] : memref<32x128xi32, #tpu.memory_space<vmem>> -> memref<32x128xi32, #tpu.memory_space<vmem>>
        %dma_start3A_81 = arith.constant 0 : i32
        %dma_start3A_82 = tpu.memref_slice %arg4[%add3A_42, %dma_start3A_81] : memref<2560x128xi32, #tpu.memory_space<hbm>> -> memref<32x128xi32, #tpu.memory_space<hbm>>
        tpu.enqueue_dma source(%dma_start3A_82 : memref<32x128xi32, #tpu.memory_space<hbm>>) target(%dma_start3A_80 : memref<32x128xi32, #tpu.memory_space<vmem>>) target_semaphore(%run_scoped3A : memref<!tpu.dma_semaphore, #tpu.memory_space<semaphore_mem>>)
        %dma_wait3A = arith.constant 0 : i32
        %dma_wait3A_83 = arith.constant 0 : i32
        %dma_wait3A_84 = tpu.memref_slice %arg8[%dma_wait3A, %dma_wait3A_83] : memref<32x128xi32, #tpu.memory_space<vmem>> -> memref<32x128xi32, #tpu.memory_space<vmem>>
        %dma_wait3A_85 = arith.constant 0 : i32
        %dma_wait3A_86 = tpu.memref_slice %arg4[%add3A_42, %dma_wait3A_85] : memref<2560x128xi32, #tpu.memory_space<hbm>> -> memref<32x128xi32, #tpu.memory_space<hbm>>
        %dma_wait3A_87 = arith.constant 0 : i32
        %dma_wait3A_88 = arith.constant 0 : i32
        %dma_wait3A_89 = tpu.memref_slice %arg8[%dma_wait3A_87, %dma_wait3A_88] : memref<32x128xi32, #tpu.memory_space<vmem>> -> memref<32x128xi32, #tpu.memory_space<vmem>>
        %dma_wait3A_90 = arith.constant 0 : i32
        %dma_wait3A_91 = tpu.memref_slice %arg4[%add3A_42, %dma_wait3A_90] : memref<2560x128xi32, #tpu.memory_space<hbm>> -> memref<32x128xi32, #tpu.memory_space<hbm>>
        tpu.wait_dma2 semaphore(%run_scoped3A : memref<!tpu.dma_semaphore, #tpu.memory_space<semaphore_mem>>) src(%dma_wait3A_91 : memref<32x128xi32, #tpu.memory_space<hbm>>) dst(%dma_wait3A_89 : memref<32x128xi32, #tpu.memory_space<vmem>>)
        tpu.yield
      }) : () -> ()
      %scan3A_45 = arith.constant 0 : i32
      %scan3A_46 = arith.constant 0 : i32
      %scan3A_47 = arith.constant 16 : i32
      %scan3A_48 = arith.addi %scan3A_46, %scan3A_47 : i32
      %scan3A_49 = arith.constant 1 : i32
      %scan3A_50 = scf.for %scan3A_74 = %scan3A_46 to %scan3A_48 step %scan3A_49 iter_args(%scan3A_75 = %scan3A_45) -> (i32)  : i32 {
        %mul3A_76 = arith.constant 2 : i32
        %mul3A_77 = arith.muli %mul3A_76, %scan3A_74 : i32
        %add3A_78 = arith.constant 1 : i32
        %add3A_79 = arith.addi %mul3A_77, %add3A_78 : i32
        %mul3A_80 = arith.constant 128 : i32
        %mul3A_81 = arith.muli %mul3A_77, %mul3A_80 : i32
        %dma_start3A = tpu.memref_slice %arg7[%mul3A_81] : memref<4096xi32, #tpu.memory_space<vmem>> -> memref<128xi32, #tpu.memory_space<vmem>>
        %dma_start3A_82 = arith.constant 0 : i32
        %dma_start3A_83 = arith.constant 0 : i32
        %dma_start3A_84 = tpu.memref_slice %arg2[%dma_start3A_82, %dma_start3A_83] : memref<10240x128xf32, #tpu.memory_space<hbm>> -> memref<10240x128xf32, #tpu.memory_space<hbm>>
        tpu.enqueue_indirect_dma source(%dma_start3A_84 : memref<10240x128xf32, #tpu.memory_space<hbm>>) target(%arg9 : memref<128x128xf32, #tpu.memory_space<vmem>>) offsets(%dma_start3A : memref<128xi32, #tpu.memory_space<vmem>>) semaphore(%arg12 : memref<!tpu.dma_semaphore, #tpu.memory_space<semaphore_mem>>)
        %mul3A_85 = arith.constant 128 : i32
        %mul3A_86 = arith.muli %add3A_79, %mul3A_85 : i32
        %dma_start3A_87 = tpu.memref_slice %arg7[%mul3A_86] : memref<4096xi32, #tpu.memory_space<vmem>> -> memref<128xi32, #tpu.memory_space<vmem>>
        %dma_start3A_88 = arith.constant 0 : i32
        %dma_start3A_89 = arith.constant 0 : i32
        %dma_start3A_90 = tpu.memref_slice %arg2[%dma_start3A_88, %dma_start3A_89] : memref<10240x128xf32, #tpu.memory_space<hbm>> -> memref<10240x128xf32, #tpu.memory_space<hbm>>
        tpu.enqueue_indirect_dma source(%dma_start3A_90 : memref<10240x128xf32, #tpu.memory_space<hbm>>) target(%arg10 : memref<128x128xf32, #tpu.memory_space<vmem>>) offsets(%dma_start3A_87 : memref<128xi32, #tpu.memory_space<vmem>>) semaphore(%arg12 : memref<!tpu.dma_semaphore, #tpu.memory_space<semaphore_mem>>)
        %mul3A_91 = arith.constant 128 : i32
        %mul3A_92 = arith.muli %mul3A_77, %mul3A_91 : i32
        %dma_wait3A = tpu.memref_slice %arg7[%mul3A_92] : memref<4096xi32, #tpu.memory_space<vmem>> -> memref<128xi32, #tpu.memory_space<vmem>>
        %dma_wait3A_93 = arith.constant 0 : i32
        %dma_wait3A_94 = arith.constant 0 : i32
        %dma_wait3A_95 = tpu.memref_slice %arg2[%dma_wait3A_93, %dma_wait3A_94] : memref<10240x128xf32, #tpu.memory_space<hbm>> -> memref<10240x128xf32, #tpu.memory_space<hbm>>
        tpu.wait_indirect_dma semaphore(%arg12 : memref<!tpu.dma_semaphore, #tpu.memory_space<semaphore_mem>>) src(%dma_wait3A_95 : memref<10240x128xf32, #tpu.memory_space<hbm>>) dst(%arg9 : memref<128x128xf32, #tpu.memory_space<vmem>>)
        "tpu.region"() ({
          %run_scoped3A = tpu.sem_alloc : memref<!tpu.dma_semaphore, #tpu.memory_space<semaphore_mem>>
          %dma_start3A_103 = arith.constant 0 : i32
          %dma_start3A_104 = tpu.memref_slice %arg8[%mul3A_77, %dma_start3A_103] : memref<32x128xi32, #tpu.memory_space<vmem>> -> memref<1x128xi32, #tpu.memory_space<vmem>>
          %dma_start3A_105 = tpu.memref_squeeze %dma_start3A_104 : memref<1x128xi32, #tpu.memory_space<vmem>> -> memref<128xi32, #tpu.memory_space<vmem>>
          %dma_start3A_106 = arith.constant 0 : i32
          %dma_start3A_107 = arith.constant 0 : i32
          %dma_start3A_108 = tpu.memref_slice %arg11[%dma_start3A_106, %dma_start3A_107] : memref<10240x128xf32, #tpu.memory_space<vmem_shared>> -> memref<10240x128xf32, #tpu.memory_space<vmem_shared>>
          tpu.enqueue_indirect_dma source(%arg9 : memref<128x128xf32, #tpu.memory_space<vmem>>) target(%dma_start3A_108 : memref<10240x128xf32, #tpu.memory_space<vmem_shared>>) offsets(%dma_start3A_105 : memref<128xi32, #tpu.memory_space<vmem>>) semaphore(%run_scoped3A : memref<!tpu.dma_semaphore, #tpu.memory_space<semaphore_mem>>) {add = true}
          %dma_wait3A_109 = arith.constant 0 : i32
          %dma_wait3A_110 = tpu.memref_slice %arg8[%mul3A_77, %dma_wait3A_109] : memref<32x128xi32, #tpu.memory_space<vmem>> -> memref<1x128xi32, #tpu.memory_space<vmem>>
          %dma_wait3A_111 = tpu.memref_squeeze %dma_wait3A_110 : memref<1x128xi32, #tpu.memory_space<vmem>> -> memref<128xi32, #tpu.memory_space<vmem>>
          %dma_wait3A_112 = arith.constant 0 : i32
          %dma_wait3A_113 = arith.constant 0 : i32
          %dma_wait3A_114 = tpu.memref_slice %arg11[%dma_wait3A_112, %dma_wait3A_113] : memref<10240x128xf32, #tpu.memory_space<vmem_shared>> -> memref<10240x128xf32, #tpu.memory_space<vmem_shared>>
          tpu.wait_indirect_dma semaphore(%run_scoped3A : memref<!tpu.dma_semaphore, #tpu.memory_space<semaphore_mem>>) src(%arg9 : memref<128x128xf32, #tpu.memory_space<vmem>>) dst(%dma_wait3A_114 : memref<10240x128xf32, #tpu.memory_space<vmem_shared>>)
          tpu.yield
        }) : () -> ()
        %mul3A_96 = arith.constant 128 : i32
        %mul3A_97 = arith.muli %add3A_79, %mul3A_96 : i32
        %dma_wait3A_98 = tpu.memref_slice %arg7[%mul3A_97] : memref<4096xi32, #tpu.memory_space<vmem>> -> memref<128xi32, #tpu.memory_space<vmem>>
        %dma_wait3A_99 = arith.constant 0 : i32
        %dma_wait3A_100 = arith.constant 0 : i32
        %dma_wait3A_101 = tpu.memref_slice %arg2[%dma_wait3A_99, %dma_wait3A_100] : memref<10240x128xf32, #tpu.memory_space<hbm>> -> memref<10240x128xf32, #tpu.memory_space<hbm>>
        tpu.wait_indirect_dma semaphore(%arg12 : memref<!tpu.dma_semaphore, #tpu.memory_space<semaphore_mem>>) src(%dma_wait3A_101 : memref<10240x128xf32, #tpu.memory_space<hbm>>) dst(%arg10 : memref<128x128xf32, #tpu.memory_space<vmem>>)
        "tpu.region"() ({
          %run_scoped3A = tpu.sem_alloc : memref<!tpu.dma_semaphore, #tpu.memory_space<semaphore_mem>>
          %dma_start3A_103 = arith.constant 0 : i32
          %dma_start3A_104 = tpu.memref_slice %arg8[%add3A_79, %dma_start3A_103] : memref<32x128xi32, #tpu.memory_space<vmem>> -> memref<1x128xi32, #tpu.memory_space<vmem>>
          %dma_start3A_105 = tpu.memref_squeeze %dma_start3A_104 : memref<1x128xi32, #tpu.memory_space<vmem>> -> memref<128xi32, #tpu.memory_space<vmem>>
          %dma_start3A_106 = arith.constant 0 : i32
          %dma_start3A_107 = arith.constant 0 : i32
          %dma_start3A_108 = tpu.memref_slice %arg11[%dma_start3A_106, %dma_start3A_107] : memref<10240x128xf32, #tpu.memory_space<vmem_shared>> -> memref<10240x128xf32, #tpu.memory_space<vmem_shared>>
          tpu.enqueue_indirect_dma source(%arg10 : memref<128x128xf32, #tpu.memory_space<vmem>>) target(%dma_start3A_108 : memref<10240x128xf32, #tpu.memory_space<vmem_shared>>) offsets(%dma_start3A_105 : memref<128xi32, #tpu.memory_space<vmem>>) semaphore(%run_scoped3A : memref<!tpu.dma_semaphore, #tpu.memory_space<semaphore_mem>>) {add = true}
          %dma_wait3A_109 = arith.constant 0 : i32
          %dma_wait3A_110 = tpu.memref_slice %arg8[%add3A_79, %dma_wait3A_109] : memref<32x128xi32, #tpu.memory_space<vmem>> -> memref<1x128xi32, #tpu.memory_space<vmem>>
          %dma_wait3A_111 = tpu.memref_squeeze %dma_wait3A_110 : memref<1x128xi32, #tpu.memory_space<vmem>> -> memref<128xi32, #tpu.memory_space<vmem>>
          %dma_wait3A_112 = arith.constant 0 : i32
          %dma_wait3A_113 = arith.constant 0 : i32
          %dma_wait3A_114 = tpu.memref_slice %arg11[%dma_wait3A_112, %dma_wait3A_113] : memref<10240x128xf32, #tpu.memory_space<vmem_shared>> -> memref<10240x128xf32, #tpu.memory_space<vmem_shared>>
          tpu.wait_indirect_dma semaphore(%run_scoped3A : memref<!tpu.dma_semaphore, #tpu.memory_space<semaphore_mem>>) src(%arg10 : memref<128x128xf32, #tpu.memory_space<vmem>>) dst(%dma_wait3A_114 : memref<10240x128xf32, #tpu.memory_space<vmem_shared>>)
          tpu.yield
        }) : () -> ()
        %scan3A_102 = arith.constant 0 : i32
        scf.yield %scan3A_102 : i32
      }
      %scan3A_51 = arith.constant 16 : i32
      %add3A_52 = arith.constant 96 : i32
      %add3A_53 = arith.addi %mul3A_20, %add3A_52 : i32
      %mul3A_54 = arith.constant 128 : i32
      %mul3A_55 = arith.muli %add3A_53, %mul3A_54 : i32
      "tpu.region"() ({
        %run_scoped3A = tpu.sem_alloc : memref<!tpu.dma_semaphore, #tpu.memory_space<semaphore_mem>>
        %dma_start3A = arith.constant 0 : i32
        %dma_start3A_74 = tpu.memref_slice %arg7[%dma_start3A] : memref<4096xi32, #tpu.memory_space<vmem>> -> memref<4096xi32, #tpu.memory_space<vmem>>
        %dma_start3A_75 = tpu.memref_slice %arg3[%mul3A_55] : memref<327680xi32, #tpu.memory_space<hbm>> -> memref<4096xi32, #tpu.memory_space<hbm>>
        %dma_start3A_76 = arith.constant 0 : i32
        %dma_start3A_77 = tpu.memref_slice %arg7[%dma_start3A_76] : memref<4096xi32, #tpu.memory_space<vmem>> -> memref<4096xi32, #tpu.memory_space<vmem>>
        %dma_start3A_78 = tpu.memref_slice %arg3[%mul3A_55] : memref<327680xi32, #tpu.memory_space<hbm>> -> memref<4096xi32, #tpu.memory_space<hbm>>
        tpu.enqueue_dma source(%dma_start3A_78 : memref<4096xi32, #tpu.memory_space<hbm>>) target(%dma_start3A_77 : memref<4096xi32, #tpu.memory_space<vmem>>) target_semaphore(%run_scoped3A : memref<!tpu.dma_semaphore, #tpu.memory_space<semaphore_mem>>)
        %dma_wait3A = arith.constant 0 : i32
        %dma_wait3A_79 = tpu.memref_slice %arg7[%dma_wait3A] : memref<4096xi32, #tpu.memory_space<vmem>> -> memref<4096xi32, #tpu.memory_space<vmem>>
        %dma_wait3A_80 = tpu.memref_slice %arg3[%mul3A_55] : memref<327680xi32, #tpu.memory_space<hbm>> -> memref<4096xi32, #tpu.memory_space<hbm>>
        %dma_wait3A_81 = arith.constant 0 : i32
        %dma_wait3A_82 = tpu.memref_slice %arg7[%dma_wait3A_81] : memref<4096xi32, #tpu.memory_space<vmem>> -> memref<4096xi32, #tpu.memory_space<vmem>>
        %dma_wait3A_83 = tpu.memref_slice %arg3[%mul3A_55] : memref<327680xi32, #tpu.memory_space<hbm>> -> memref<4096xi32, #tpu.memory_space<hbm>>
        tpu.wait_dma2 semaphore(%run_scoped3A : memref<!tpu.dma_semaphore, #tpu.memory_space<semaphore_mem>>) src(%dma_wait3A_83 : memref<4096xi32, #tpu.memory_space<hbm>>) dst(%dma_wait3A_82 : memref<4096xi32, #tpu.memory_space<vmem>>)
        tpu.yield
      }) : () -> ()
      "tpu.region"() ({
        %run_scoped3A = tpu.sem_alloc : memref<!tpu.dma_semaphore, #tpu.memory_space<semaphore_mem>>
        %dma_start3A = arith.constant 0 : i32
        %dma_start3A_74 = arith.constant 0 : i32
        %dma_start3A_75 = tpu.memref_slice %arg8[%dma_start3A, %dma_start3A_74] : memref<32x128xi32, #tpu.memory_space<vmem>> -> memref<32x128xi32, #tpu.memory_space<vmem>>
        %dma_start3A_76 = arith.constant 0 : i32
        %dma_start3A_77 = tpu.memref_slice %arg4[%add3A_53, %dma_start3A_76] : memref<2560x128xi32, #tpu.memory_space<hbm>> -> memref<32x128xi32, #tpu.memory_space<hbm>>
        %dma_start3A_78 = arith.constant 0 : i32
        %dma_start3A_79 = arith.constant 0 : i32
        %dma_start3A_80 = tpu.memref_slice %arg8[%dma_start3A_78, %dma_start3A_79] : memref<32x128xi32, #tpu.memory_space<vmem>> -> memref<32x128xi32, #tpu.memory_space<vmem>>
        %dma_start3A_81 = arith.constant 0 : i32
        %dma_start3A_82 = tpu.memref_slice %arg4[%add3A_53, %dma_start3A_81] : memref<2560x128xi32, #tpu.memory_space<hbm>> -> memref<32x128xi32, #tpu.memory_space<hbm>>
        tpu.enqueue_dma source(%dma_start3A_82 : memref<32x128xi32, #tpu.memory_space<hbm>>) target(%dma_start3A_80 : memref<32x128xi32, #tpu.memory_space<vmem>>) target_semaphore(%run_scoped3A : memref<!tpu.dma_semaphore, #tpu.memory_space<semaphore_mem>>)
        %dma_wait3A = arith.constant 0 : i32
        %dma_wait3A_83 = arith.constant 0 : i32
        %dma_wait3A_84 = tpu.memref_slice %arg8[%dma_wait3A, %dma_wait3A_83] : memref<32x128xi32, #tpu.memory_space<vmem>> -> memref<32x128xi32, #tpu.memory_space<vmem>>
        %dma_wait3A_85 = arith.constant 0 : i32
        %dma_wait3A_86 = tpu.memref_slice %arg4[%add3A_53, %dma_wait3A_85] : memref<2560x128xi32, #tpu.memory_space<hbm>> -> memref<32x128xi32, #tpu.memory_space<hbm>>
        %dma_wait3A_87 = arith.constant 0 : i32
        %dma_wait3A_88 = arith.constant 0 : i32
        %dma_wait3A_89 = tpu.memref_slice %arg8[%dma_wait3A_87, %dma_wait3A_88] : memref<32x128xi32, #tpu.memory_space<vmem>> -> memref<32x128xi32, #tpu.memory_space<vmem>>
        %dma_wait3A_90 = arith.constant 0 : i32
        %dma_wait3A_91 = tpu.memref_slice %arg4[%add3A_53, %dma_wait3A_90] : memref<2560x128xi32, #tpu.memory_space<hbm>> -> memref<32x128xi32, #tpu.memory_space<hbm>>
        tpu.wait_dma2 semaphore(%run_scoped3A : memref<!tpu.dma_semaphore, #tpu.memory_space<semaphore_mem>>) src(%dma_wait3A_91 : memref<32x128xi32, #tpu.memory_space<hbm>>) dst(%dma_wait3A_89 : memref<32x128xi32, #tpu.memory_space<vmem>>)
        tpu.yield
      }) : () -> ()
      %scan3A_56 = arith.constant 0 : i32
      %scan3A_57 = arith.constant 0 : i32
      %scan3A_58 = arith.constant 16 : i32
      %scan3A_59 = arith.addi %scan3A_57, %scan3A_58 : i32
      %scan3A_60 = arith.constant 1 : i32
      %scan3A_61 = scf.for %scan3A_74 = %scan3A_57 to %scan3A_59 step %scan3A_60 iter_args(%scan3A_75 = %scan3A_56) -> (i32)  : i32 {
        %mul3A_76 = arith.constant 2 : i32
        %mul3A_77 = arith.muli %mul3A_76, %scan3A_74 : i32
        %add3A_78 = arith.constant 1 : i32
        %add3A_79 = arith.addi %mul3A_77, %add3A_78 : i32
        %mul3A_80 = arith.constant 128 : i32
        %mul3A_81 = arith.muli %mul3A_77, %mul3A_80 : i32
        %dma_start3A = tpu.memref_slice %arg7[%mul3A_81] : memref<4096xi32, #tpu.memory_space<vmem>> -> memref<128xi32, #tpu.memory_space<vmem>>
        %dma_start3A_82 = arith.constant 0 : i32
        %dma_start3A_83 = arith.constant 0 : i32
        %dma_start3A_84 = tpu.memref_slice %arg2[%dma_start3A_82, %dma_start3A_83] : memref<10240x128xf32, #tpu.memory_space<hbm>> -> memref<10240x128xf32, #tpu.memory_space<hbm>>
        tpu.enqueue_indirect_dma source(%dma_start3A_84 : memref<10240x128xf32, #tpu.memory_space<hbm>>) target(%arg9 : memref<128x128xf32, #tpu.memory_space<vmem>>) offsets(%dma_start3A : memref<128xi32, #tpu.memory_space<vmem>>) semaphore(%arg12 : memref<!tpu.dma_semaphore, #tpu.memory_space<semaphore_mem>>)
        %mul3A_85 = arith.constant 128 : i32
        %mul3A_86 = arith.muli %add3A_79, %mul3A_85 : i32
        %dma_start3A_87 = tpu.memref_slice %arg7[%mul3A_86] : memref<4096xi32, #tpu.memory_space<vmem>> -> memref<128xi32, #tpu.memory_space<vmem>>
        %dma_start3A_88 = arith.constant 0 : i32
        %dma_start3A_89 = arith.constant 0 : i32
        %dma_start3A_90 = tpu.memref_slice %arg2[%dma_start3A_88, %dma_start3A_89] : memref<10240x128xf32, #tpu.memory_space<hbm>> -> memref<10240x128xf32, #tpu.memory_space<hbm>>
        tpu.enqueue_indirect_dma source(%dma_start3A_90 : memref<10240x128xf32, #tpu.memory_space<hbm>>) target(%arg10 : memref<128x128xf32, #tpu.memory_space<vmem>>) offsets(%dma_start3A_87 : memref<128xi32, #tpu.memory_space<vmem>>) semaphore(%arg12 : memref<!tpu.dma_semaphore, #tpu.memory_space<semaphore_mem>>)
        %mul3A_91 = arith.constant 128 : i32
        %mul3A_92 = arith.muli %mul3A_77, %mul3A_91 : i32
        %dma_wait3A = tpu.memref_slice %arg7[%mul3A_92] : memref<4096xi32, #tpu.memory_space<vmem>> -> memref<128xi32, #tpu.memory_space<vmem>>
        %dma_wait3A_93 = arith.constant 0 : i32
        %dma_wait3A_94 = arith.constant 0 : i32
        %dma_wait3A_95 = tpu.memref_slice %arg2[%dma_wait3A_93, %dma_wait3A_94] : memref<10240x128xf32, #tpu.memory_space<hbm>> -> memref<10240x128xf32, #tpu.memory_space<hbm>>
        tpu.wait_indirect_dma semaphore(%arg12 : memref<!tpu.dma_semaphore, #tpu.memory_space<semaphore_mem>>) src(%dma_wait3A_95 : memref<10240x128xf32, #tpu.memory_space<hbm>>) dst(%arg9 : memref<128x128xf32, #tpu.memory_space<vmem>>)
        "tpu.region"() ({
          %run_scoped3A = tpu.sem_alloc : memref<!tpu.dma_semaphore, #tpu.memory_space<semaphore_mem>>
          %dma_start3A_103 = arith.constant 0 : i32
          %dma_start3A_104 = tpu.memref_slice %arg8[%mul3A_77, %dma_start3A_103] : memref<32x128xi32, #tpu.memory_space<vmem>> -> memref<1x128xi32, #tpu.memory_space<vmem>>
          %dma_start3A_105 = tpu.memref_squeeze %dma_start3A_104 : memref<1x128xi32, #tpu.memory_space<vmem>> -> memref<128xi32, #tpu.memory_space<vmem>>
          %dma_start3A_106 = arith.constant 0 : i32
          %dma_start3A_107 = arith.constant 0 : i32
          %dma_start3A_108 = tpu.memref_slice %arg11[%dma_start3A_106, %dma_start3A_107] : memref<10240x128xf32, #tpu.memory_space<vmem_shared>> -> memref<10240x128xf32, #tpu.memory_space<vmem_shared>>
          tpu.enqueue_indirect_dma source(%arg9 : memref<128x128xf32, #tpu.memory_space<vmem>>) target(%dma_start3A_108 : memref<10240x128xf32, #tpu.memory_space<vmem_shared>>) offsets(%dma_start3A_105 : memref<128xi32, #tpu.memory_space<vmem>>) semaphore(%run_scoped3A : memref<!tpu.dma_semaphore, #tpu.memory_space<semaphore_mem>>) {add = true}
          %dma_wait3A_109 = arith.constant 0 : i32
          %dma_wait3A_110 = tpu.memref_slice %arg8[%mul3A_77, %dma_wait3A_109] : memref<32x128xi32, #tpu.memory_space<vmem>> -> memref<1x128xi32, #tpu.memory_space<vmem>>
          %dma_wait3A_111 = tpu.memref_squeeze %dma_wait3A_110 : memref<1x128xi32, #tpu.memory_space<vmem>> -> memref<128xi32, #tpu.memory_space<vmem>>
          %dma_wait3A_112 = arith.constant 0 : i32
          %dma_wait3A_113 = arith.constant 0 : i32
          %dma_wait3A_114 = tpu.memref_slice %arg11[%dma_wait3A_112, %dma_wait3A_113] : memref<10240x128xf32, #tpu.memory_space<vmem_shared>> -> memref<10240x128xf32, #tpu.memory_space<vmem_shared>>
          tpu.wait_indirect_dma semaphore(%run_scoped3A : memref<!tpu.dma_semaphore, #tpu.memory_space<semaphore_mem>>) src(%arg9 : memref<128x128xf32, #tpu.memory_space<vmem>>) dst(%dma_wait3A_114 : memref<10240x128xf32, #tpu.memory_space<vmem_shared>>)
          tpu.yield
        }) : () -> ()
        %mul3A_96 = arith.constant 128 : i32
        %mul3A_97 = arith.muli %add3A_79, %mul3A_96 : i32
        %dma_wait3A_98 = tpu.memref_slice %arg7[%mul3A_97] : memref<4096xi32, #tpu.memory_space<vmem>> -> memref<128xi32, #tpu.memory_space<vmem>>
        %dma_wait3A_99 = arith.constant 0 : i32
        %dma_wait3A_100 = arith.constant 0 : i32
        %dma_wait3A_101 = tpu.memref_slice %arg2[%dma_wait3A_99, %dma_wait3A_100] : memref<10240x128xf32, #tpu.memory_space<hbm>> -> memref<10240x128xf32, #tpu.memory_space<hbm>>
        tpu.wait_indirect_dma semaphore(%arg12 : memref<!tpu.dma_semaphore, #tpu.memory_space<semaphore_mem>>) src(%dma_wait3A_101 : memref<10240x128xf32, #tpu.memory_space<hbm>>) dst(%arg10 : memref<128x128xf32, #tpu.memory_space<vmem>>)
        "tpu.region"() ({
          %run_scoped3A = tpu.sem_alloc : memref<!tpu.dma_semaphore, #tpu.memory_space<semaphore_mem>>
          %dma_start3A_103 = arith.constant 0 : i32
          %dma_start3A_104 = tpu.memref_slice %arg8[%add3A_79, %dma_start3A_103] : memref<32x128xi32, #tpu.memory_space<vmem>> -> memref<1x128xi32, #tpu.memory_space<vmem>>
          %dma_start3A_105 = tpu.memref_squeeze %dma_start3A_104 : memref<1x128xi32, #tpu.memory_space<vmem>> -> memref<128xi32, #tpu.memory_space<vmem>>
          %dma_start3A_106 = arith.constant 0 : i32
          %dma_start3A_107 = arith.constant 0 : i32
          %dma_start3A_108 = tpu.memref_slice %arg11[%dma_start3A_106, %dma_start3A_107] : memref<10240x128xf32, #tpu.memory_space<vmem_shared>> -> memref<10240x128xf32, #tpu.memory_space<vmem_shared>>
          tpu.enqueue_indirect_dma source(%arg10 : memref<128x128xf32, #tpu.memory_space<vmem>>) target(%dma_start3A_108 : memref<10240x128xf32, #tpu.memory_space<vmem_shared>>) offsets(%dma_start3A_105 : memref<128xi32, #tpu.memory_space<vmem>>) semaphore(%run_scoped3A : memref<!tpu.dma_semaphore, #tpu.memory_space<semaphore_mem>>) {add = true}
          %dma_wait3A_109 = arith.constant 0 : i32
          %dma_wait3A_110 = tpu.memref_slice %arg8[%add3A_79, %dma_wait3A_109] : memref<32x128xi32, #tpu.memory_space<vmem>> -> memref<1x128xi32, #tpu.memory_space<vmem>>
          %dma_wait3A_111 = tpu.memref_squeeze %dma_wait3A_110 : memref<1x128xi32, #tpu.memory_space<vmem>> -> memref<128xi32, #tpu.memory_space<vmem>>
          %dma_wait3A_112 = arith.constant 0 : i32
          %dma_wait3A_113 = arith.constant 0 : i32
          %dma_wait3A_114 = tpu.memref_slice %arg11[%dma_wait3A_112, %dma_wait3A_113] : memref<10240x128xf32, #tpu.memory_space<vmem_shared>> -> memref<10240x128xf32, #tpu.memory_space<vmem_shared>>
          tpu.wait_indirect_dma semaphore(%run_scoped3A : memref<!tpu.dma_semaphore, #tpu.memory_space<semaphore_mem>>) src(%arg10 : memref<128x128xf32, #tpu.memory_space<vmem>>) dst(%dma_wait3A_114 : memref<10240x128xf32, #tpu.memory_space<vmem_shared>>)
          tpu.yield
        }) : () -> ()
        %scan3A_102 = arith.constant 0 : i32
        scf.yield %scan3A_102 : i32
      }
      %scan3A_62 = arith.constant 16 : i32
      %add3A_63 = arith.constant 128 : i32
      %add3A_64 = arith.addi %mul3A_20, %add3A_63 : i32
      %mul3A_65 = arith.constant 128 : i32
      %mul3A_66 = arith.muli %add3A_64, %mul3A_65 : i32
      "tpu.region"() ({
        %run_scoped3A = tpu.sem_alloc : memref<!tpu.dma_semaphore, #tpu.memory_space<semaphore_mem>>
        %dma_start3A = arith.constant 0 : i32
        %dma_start3A_74 = tpu.memref_slice %arg7[%dma_start3A] : memref<4096xi32, #tpu.memory_space<vmem>> -> memref<3072xi32, #tpu.memory_space<vmem>>
        %dma_start3A_75 = tpu.memref_slice %arg3[%mul3A_66] : memref<327680xi32, #tpu.memory_space<hbm>> -> memref<3072xi32, #tpu.memory_space<hbm>>
        %dma_start3A_76 = arith.constant 0 : i32
        %dma_start3A_77 = tpu.memref_slice %arg7[%dma_start3A_76] : memref<4096xi32, #tpu.memory_space<vmem>> -> memref<3072xi32, #tpu.memory_space<vmem>>
        %dma_start3A_78 = tpu.memref_slice %arg3[%mul3A_66] : memref<327680xi32, #tpu.memory_space<hbm>> -> memref<3072xi32, #tpu.memory_space<hbm>>
        tpu.enqueue_dma source(%dma_start3A_78 : memref<3072xi32, #tpu.memory_space<hbm>>) target(%dma_start3A_77 : memref<3072xi32, #tpu.memory_space<vmem>>) target_semaphore(%run_scoped3A : memref<!tpu.dma_semaphore, #tpu.memory_space<semaphore_mem>>)
        %dma_wait3A = arith.constant 0 : i32
        %dma_wait3A_79 = tpu.memref_slice %arg7[%dma_wait3A] : memref<4096xi32, #tpu.memory_space<vmem>> -> memref<3072xi32, #tpu.memory_space<vmem>>
        %dma_wait3A_80 = tpu.memref_slice %arg3[%mul3A_66] : memref<327680xi32, #tpu.memory_space<hbm>> -> memref<3072xi32, #tpu.memory_space<hbm>>
        %dma_wait3A_81 = arith.constant 0 : i32
        %dma_wait3A_82 = tpu.memref_slice %arg7[%dma_wait3A_81] : memref<4096xi32, #tpu.memory_space<vmem>> -> memref<3072xi32, #tpu.memory_space<vmem>>
        %dma_wait3A_83 = tpu.memref_slice %arg3[%mul3A_66] : memref<327680xi32, #tpu.memory_space<hbm>> -> memref<3072xi32, #tpu.memory_space<hbm>>
        tpu.wait_dma2 semaphore(%run_scoped3A : memref<!tpu.dma_semaphore, #tpu.memory_space<semaphore_mem>>) src(%dma_wait3A_83 : memref<3072xi32, #tpu.memory_space<hbm>>) dst(%dma_wait3A_82 : memref<3072xi32, #tpu.memory_space<vmem>>)
        tpu.yield
      }) : () -> ()
      "tpu.region"() ({
        %run_scoped3A = tpu.sem_alloc : memref<!tpu.dma_semaphore, #tpu.memory_space<semaphore_mem>>
        %dma_start3A = arith.constant 0 : i32
        %dma_start3A_74 = arith.constant 0 : i32
        %dma_start3A_75 = tpu.memref_slice %arg8[%dma_start3A, %dma_start3A_74] : memref<32x128xi32, #tpu.memory_space<vmem>> -> memref<24x128xi32, #tpu.memory_space<vmem>>
        %dma_start3A_76 = arith.constant 0 : i32
        %dma_start3A_77 = tpu.memref_slice %arg4[%add3A_64, %dma_start3A_76] : memref<2560x128xi32, #tpu.memory_space<hbm>> -> memref<24x128xi32, #tpu.memory_space<hbm>>
        %dma_start3A_78 = arith.constant 0 : i32
        %dma_start3A_79 = arith.constant 0 : i32
        %dma_start3A_80 = tpu.memref_slice %arg8[%dma_start3A_78, %dma_start3A_79] : memref<32x128xi32, #tpu.memory_space<vmem>> -> memref<24x128xi32, #tpu.memory_space<vmem>>
        %dma_start3A_81 = arith.constant 0 : i32
        %dma_start3A_82 = tpu.memref_slice %arg4[%add3A_64, %dma_start3A_81] : memref<2560x128xi32, #tpu.memory_space<hbm>> -> memref<24x128xi32, #tpu.memory_space<hbm>>
        tpu.enqueue_dma source(%dma_start3A_82 : memref<24x128xi32, #tpu.memory_space<hbm>>) target(%dma_start3A_80 : memref<24x128xi32, #tpu.memory_space<vmem>>) target_semaphore(%run_scoped3A : memref<!tpu.dma_semaphore, #tpu.memory_space<semaphore_mem>>)
        %dma_wait3A = arith.constant 0 : i32
        %dma_wait3A_83 = arith.constant 0 : i32
        %dma_wait3A_84 = tpu.memref_slice %arg8[%dma_wait3A, %dma_wait3A_83] : memref<32x128xi32, #tpu.memory_space<vmem>> -> memref<24x128xi32, #tpu.memory_space<vmem>>
        %dma_wait3A_85 = arith.constant 0 : i32
        %dma_wait3A_86 = tpu.memref_slice %arg4[%add3A_64, %dma_wait3A_85] : memref<2560x128xi32, #tpu.memory_space<hbm>> -> memref<24x128xi32, #tpu.memory_space<hbm>>
        %dma_wait3A_87 = arith.constant 0 : i32
        %dma_wait3A_88 = arith.constant 0 : i32
        %dma_wait3A_89 = tpu.memref_slice %arg8[%dma_wait3A_87, %dma_wait3A_88] : memref<32x128xi32, #tpu.memory_space<vmem>> -> memref<24x128xi32, #tpu.memory_space<vmem>>
        %dma_wait3A_90 = arith.constant 0 : i32
        %dma_wait3A_91 = tpu.memref_slice %arg4[%add3A_64, %dma_wait3A_90] : memref<2560x128xi32, #tpu.memory_space<hbm>> -> memref<24x128xi32, #tpu.memory_space<hbm>>
        tpu.wait_dma2 semaphore(%run_scoped3A : memref<!tpu.dma_semaphore, #tpu.memory_space<semaphore_mem>>) src(%dma_wait3A_91 : memref<24x128xi32, #tpu.memory_space<hbm>>) dst(%dma_wait3A_89 : memref<24x128xi32, #tpu.memory_space<vmem>>)
        tpu.yield
      }) : () -> ()
      %scan3A_67 = arith.constant 0 : i32
      %scan3A_68 = arith.constant 0 : i32
      %scan3A_69 = arith.constant 12 : i32
      %scan3A_70 = arith.addi %scan3A_68, %scan3A_69 : i32
      %scan3A_71 = arith.constant 1 : i32
      %scan3A_72 = scf.for %scan3A_74 = %scan3A_68 to %scan3A_70 step %scan3A_71 iter_args(%scan3A_75 = %scan3A_67) -> (i32)  : i32 {
        %mul3A_76 = arith.constant 2 : i32
        %mul3A_77 = arith.muli %mul3A_76, %scan3A_74 : i32
        %add3A_78 = arith.constant 1 : i32
        %add3A_79 = arith.addi %mul3A_77, %add3A_78 : i32
        %mul3A_80 = arith.constant 128 : i32
        %mul3A_81 = arith.muli %mul3A_77, %mul3A_80 : i32
        %dma_start3A = tpu.memref_slice %arg7[%mul3A_81] : memref<4096xi32, #tpu.memory_space<vmem>> -> memref<128xi32, #tpu.memory_space<vmem>>
        %dma_start3A_82 = arith.constant 0 : i32
        %dma_start3A_83 = arith.constant 0 : i32
        %dma_start3A_84 = tpu.memref_slice %arg2[%dma_start3A_82, %dma_start3A_83] : memref<10240x128xf32, #tpu.memory_space<hbm>> -> memref<10240x128xf32, #tpu.memory_space<hbm>>
        tpu.enqueue_indirect_dma source(%dma_start3A_84 : memref<10240x128xf32, #tpu.memory_space<hbm>>) target(%arg9 : memref<128x128xf32, #tpu.memory_space<vmem>>) offsets(%dma_start3A : memref<128xi32, #tpu.memory_space<vmem>>) semaphore(%arg12 : memref<!tpu.dma_semaphore, #tpu.memory_space<semaphore_mem>>)
        %mul3A_85 = arith.constant 128 : i32
        %mul3A_86 = arith.muli %add3A_79, %mul3A_85 : i32
        %dma_start3A_87 = tpu.memref_slice %arg7[%mul3A_86] : memref<4096xi32, #tpu.memory_space<vmem>> -> memref<128xi32, #tpu.memory_space<vmem>>
        %dma_start3A_88 = arith.constant 0 : i32
        %dma_start3A_89 = arith.constant 0 : i32
        %dma_start3A_90 = tpu.memref_slice %arg2[%dma_start3A_88, %dma_start3A_89] : memref<10240x128xf32, #tpu.memory_space<hbm>> -> memref<10240x128xf32, #tpu.memory_space<hbm>>
        tpu.enqueue_indirect_dma source(%dma_start3A_90 : memref<10240x128xf32, #tpu.memory_space<hbm>>) target(%arg10 : memref<128x128xf32, #tpu.memory_space<vmem>>) offsets(%dma_start3A_87 : memref<128xi32, #tpu.memory_space<vmem>>) semaphore(%arg12 : memref<!tpu.dma_semaphore, #tpu.memory_space<semaphore_mem>>)
        %mul3A_91 = arith.constant 128 : i32
        %mul3A_92 = arith.muli %mul3A_77, %mul3A_91 : i32
        %dma_wait3A = tpu.memref_slice %arg7[%mul3A_92] : memref<4096xi32, #tpu.memory_space<vmem>> -> memref<128xi32, #tpu.memory_space<vmem>>
        %dma_wait3A_93 = arith.constant 0 : i32
        %dma_wait3A_94 = arith.constant 0 : i32
        %dma_wait3A_95 = tpu.memref_slice %arg2[%dma_wait3A_93, %dma_wait3A_94] : memref<10240x128xf32, #tpu.memory_space<hbm>> -> memref<10240x128xf32, #tpu.memory_space<hbm>>
        tpu.wait_indirect_dma semaphore(%arg12 : memref<!tpu.dma_semaphore, #tpu.memory_space<semaphore_mem>>) src(%dma_wait3A_95 : memref<10240x128xf32, #tpu.memory_space<hbm>>) dst(%arg9 : memref<128x128xf32, #tpu.memory_space<vmem>>)
        "tpu.region"() ({
          %run_scoped3A = tpu.sem_alloc : memref<!tpu.dma_semaphore, #tpu.memory_space<semaphore_mem>>
          %dma_start3A_103 = arith.constant 0 : i32
          %dma_start3A_104 = tpu.memref_slice %arg8[%mul3A_77, %dma_start3A_103] : memref<32x128xi32, #tpu.memory_space<vmem>> -> memref<1x128xi32, #tpu.memory_space<vmem>>
          %dma_start3A_105 = tpu.memref_squeeze %dma_start3A_104 : memref<1x128xi32, #tpu.memory_space<vmem>> -> memref<128xi32, #tpu.memory_space<vmem>>
          %dma_start3A_106 = arith.constant 0 : i32
          %dma_start3A_107 = arith.constant 0 : i32
          %dma_start3A_108 = tpu.memref_slice %arg11[%dma_start3A_106, %dma_start3A_107] : memref<10240x128xf32, #tpu.memory_space<vmem_shared>> -> memref<10240x128xf32, #tpu.memory_space<vmem_shared>>
          tpu.enqueue_indirect_dma source(%arg9 : memref<128x128xf32, #tpu.memory_space<vmem>>) target(%dma_start3A_108 : memref<10240x128xf32, #tpu.memory_space<vmem_shared>>) offsets(%dma_start3A_105 : memref<128xi32, #tpu.memory_space<vmem>>) semaphore(%run_scoped3A : memref<!tpu.dma_semaphore, #tpu.memory_space<semaphore_mem>>) {add = true}
          %dma_wait3A_109 = arith.constant 0 : i32
          %dma_wait3A_110 = tpu.memref_slice %arg8[%mul3A_77, %dma_wait3A_109] : memref<32x128xi32, #tpu.memory_space<vmem>> -> memref<1x128xi32, #tpu.memory_space<vmem>>
          %dma_wait3A_111 = tpu.memref_squeeze %dma_wait3A_110 : memref<1x128xi32, #tpu.memory_space<vmem>> -> memref<128xi32, #tpu.memory_space<vmem>>
          %dma_wait3A_112 = arith.constant 0 : i32
          %dma_wait3A_113 = arith.constant 0 : i32
          %dma_wait3A_114 = tpu.memref_slice %arg11[%dma_wait3A_112, %dma_wait3A_113] : memref<10240x128xf32, #tpu.memory_space<vmem_shared>> -> memref<10240x128xf32, #tpu.memory_space<vmem_shared>>
          tpu.wait_indirect_dma semaphore(%run_scoped3A : memref<!tpu.dma_semaphore, #tpu.memory_space<semaphore_mem>>) src(%arg9 : memref<128x128xf32, #tpu.memory_space<vmem>>) dst(%dma_wait3A_114 : memref<10240x128xf32, #tpu.memory_space<vmem_shared>>)
          tpu.yield
        }) : () -> ()
        %mul3A_96 = arith.constant 128 : i32
        %mul3A_97 = arith.muli %add3A_79, %mul3A_96 : i32
        %dma_wait3A_98 = tpu.memref_slice %arg7[%mul3A_97] : memref<4096xi32, #tpu.memory_space<vmem>> -> memref<128xi32, #tpu.memory_space<vmem>>
        %dma_wait3A_99 = arith.constant 0 : i32
        %dma_wait3A_100 = arith.constant 0 : i32
        %dma_wait3A_101 = tpu.memref_slice %arg2[%dma_wait3A_99, %dma_wait3A_100] : memref<10240x128xf32, #tpu.memory_space<hbm>> -> memref<10240x128xf32, #tpu.memory_space<hbm>>
        tpu.wait_indirect_dma semaphore(%arg12 : memref<!tpu.dma_semaphore, #tpu.memory_space<semaphore_mem>>) src(%dma_wait3A_101 : memref<10240x128xf32, #tpu.memory_space<hbm>>) dst(%arg10 : memref<128x128xf32, #tpu.memory_space<vmem>>)
        "tpu.region"() ({
          %run_scoped3A = tpu.sem_alloc : memref<!tpu.dma_semaphore, #tpu.memory_space<semaphore_mem>>
          %dma_start3A_103 = arith.constant 0 : i32
          %dma_start3A_104 = tpu.memref_slice %arg8[%add3A_79, %dma_start3A_103] : memref<32x128xi32, #tpu.memory_space<vmem>> -> memref<1x128xi32, #tpu.memory_space<vmem>>
          %dma_start3A_105 = tpu.memref_squeeze %dma_start3A_104 : memref<1x128xi32, #tpu.memory_space<vmem>> -> memref<128xi32, #tpu.memory_space<vmem>>
          %dma_start3A_106 = arith.constant 0 : i32
          %dma_start3A_107 = arith.constant 0 : i32
          %dma_start3A_108 = tpu.memref_slice %arg11[%dma_start3A_106, %dma_start3A_107] : memref<10240x128xf32, #tpu.memory_space<vmem_shared>> -> memref<10240x128xf32, #tpu.memory_space<vmem_shared>>
          tpu.enqueue_indirect_dma source(%arg10 : memref<128x128xf32, #tpu.memory_space<vmem>>) target(%dma_start3A_108 : memref<10240x128xf32, #tpu.memory_space<vmem_shared>>) offsets(%dma_start3A_105 : memref<128xi32, #tpu.memory_space<vmem>>) semaphore(%run_scoped3A : memref<!tpu.dma_semaphore, #tpu.memory_space<semaphore_mem>>) {add = true}
          %dma_wait3A_109 = arith.constant 0 : i32
          %dma_wait3A_110 = tpu.memref_slice %arg8[%add3A_79, %dma_wait3A_109] : memref<32x128xi32, #tpu.memory_space<vmem>> -> memref<1x128xi32, #tpu.memory_space<vmem>>
          %dma_wait3A_111 = tpu.memref_squeeze %dma_wait3A_110 : memref<1x128xi32, #tpu.memory_space<vmem>> -> memref<128xi32, #tpu.memory_space<vmem>>
          %dma_wait3A_112 = arith.constant 0 : i32
          %dma_wait3A_113 = arith.constant 0 : i32
          %dma_wait3A_114 = tpu.memref_slice %arg11[%dma_wait3A_112, %dma_wait3A_113] : memref<10240x128xf32, #tpu.memory_space<vmem_shared>> -> memref<10240x128xf32, #tpu.memory_space<vmem_shared>>
          tpu.wait_indirect_dma semaphore(%run_scoped3A : memref<!tpu.dma_semaphore, #tpu.memory_space<semaphore_mem>>) src(%arg10 : memref<128x128xf32, #tpu.memory_space<vmem>>) dst(%dma_wait3A_114 : memref<10240x128xf32, #tpu.memory_space<vmem_shared>>)
          tpu.yield
        }) : () -> ()
        %scan3A_102 = arith.constant 0 : i32
        scf.yield %scan3A_102 : i32
      }
      %scan3A_73 = arith.constant 12 : i32
    } else {
    }
    %eq3A_3 = arith.constant 1 : i32
    %eq3A_4 = arith.cmpi eq, %arg0, %eq3A_3 : i32
    %convert_element_type3A_5 = arith.extui %eq3A_4 : i1 to i32
    %cond3A_6 = arith.constant 0 : i32
    %cond3A_7 = arith.cmpi ne, %convert_element_type3A_5, %cond3A_6 : i32
    scf.if %cond3A_7 {
      %mul3A_19 = arith.constant 8 : i32
      %mul3A_20 = arith.muli %arg1, %mul3A_19 : i32
      %add3A = arith.constant 2432 : i32
      %add3A_21 = arith.addi %add3A, %mul3A_20 : i32
      %add3A_22 = arith.constant 0 : i32
      %add3A_23 = arith.addi %add3A_21, %add3A_22 : i32
      %mul3A_24 = arith.constant 128 : i32
      %mul3A_25 = arith.muli %add3A_23, %mul3A_24 : i32
      "tpu.region"() ({
        %run_scoped3A = tpu.sem_alloc : memref<!tpu.dma_semaphore, #tpu.memory_space<semaphore_mem>>
        %dma_start3A = arith.constant 0 : i32
        %dma_start3A_32 = tpu.memref_slice %arg7[%dma_start3A] : memref<4096xi32, #tpu.memory_space<vmem>> -> memref<1024xi32, #tpu.memory_space<vmem>>
        %dma_start3A_33 = tpu.memref_slice %arg3[%mul3A_25] : memref<327680xi32, #tpu.memory_space<hbm>> -> memref<1024xi32, #tpu.memory_space<hbm>>
        %dma_start3A_34 = arith.constant 0 : i32
        %dma_start3A_35 = tpu.memref_slice %arg7[%dma_start3A_34] : memref<4096xi32, #tpu.memory_space<vmem>> -> memref<1024xi32, #tpu.memory_space<vmem>>
        %dma_start3A_36 = tpu.memref_slice %arg3[%mul3A_25] : memref<327680xi32, #tpu.memory_space<hbm>> -> memref<1024xi32, #tpu.memory_space<hbm>>
        tpu.enqueue_dma source(%dma_start3A_36 : memref<1024xi32, #tpu.memory_space<hbm>>) target(%dma_start3A_35 : memref<1024xi32, #tpu.memory_space<vmem>>) target_semaphore(%run_scoped3A : memref<!tpu.dma_semaphore, #tpu.memory_space<semaphore_mem>>)
        %dma_wait3A = arith.constant 0 : i32
        %dma_wait3A_37 = tpu.memref_slice %arg7[%dma_wait3A] : memref<4096xi32, #tpu.memory_space<vmem>> -> memref<1024xi32, #tpu.memory_space<vmem>>
        %dma_wait3A_38 = tpu.memref_slice %arg3[%mul3A_25] : memref<327680xi32, #tpu.memory_space<hbm>> -> memref<1024xi32, #tpu.memory_space<hbm>>
        %dma_wait3A_39 = arith.constant 0 : i32
        %dma_wait3A_40 = tpu.memref_slice %arg7[%dma_wait3A_39] : memref<4096xi32, #tpu.memory_space<vmem>> -> memref<1024xi32, #tpu.memory_space<vmem>>
        %dma_wait3A_41 = tpu.memref_slice %arg3[%mul3A_25] : memref<327680xi32, #tpu.memory_space<hbm>> -> memref<1024xi32, #tpu.memory_space<hbm>>
        tpu.wait_dma2 semaphore(%run_scoped3A : memref<!tpu.dma_semaphore, #tpu.memory_space<semaphore_mem>>) src(%dma_wait3A_41 : memref<1024xi32, #tpu.memory_space<hbm>>) dst(%dma_wait3A_40 : memref<1024xi32, #tpu.memory_space<vmem>>)
        tpu.yield
      }) : () -> ()
      "tpu.region"() ({
        %run_scoped3A = tpu.sem_alloc : memref<!tpu.dma_semaphore, #tpu.memory_space<semaphore_mem>>
        %dma_start3A = arith.constant 0 : i32
        %dma_start3A_32 = arith.constant 0 : i32
        %dma_start3A_33 = tpu.memref_slice %arg8[%dma_start3A, %dma_start3A_32] : memref<32x128xi32, #tpu.memory_space<vmem>> -> memref<8x128xi32, #tpu.memory_space<vmem>>
        %dma_start3A_34 = arith.constant 0 : i32
        %dma_start3A_35 = tpu.memref_slice %arg4[%add3A_23, %dma_start3A_34] : memref<2560x128xi32, #tpu.memory_space<hbm>> -> memref<8x128xi32, #tpu.memory_space<hbm>>
        %dma_start3A_36 = arith.constant 0 : i32
        %dma_start3A_37 = arith.constant 0 : i32
        %dma_start3A_38 = tpu.memref_slice %arg8[%dma_start3A_36, %dma_start3A_37] : memref<32x128xi32, #tpu.memory_space<vmem>> -> memref<8x128xi32, #tpu.memory_space<vmem>>
        %dma_start3A_39 = arith.constant 0 : i32
        %dma_start3A_40 = tpu.memref_slice %arg4[%add3A_23, %dma_start3A_39] : memref<2560x128xi32, #tpu.memory_space<hbm>> -> memref<8x128xi32, #tpu.memory_space<hbm>>
        tpu.enqueue_dma source(%dma_start3A_40 : memref<8x128xi32, #tpu.memory_space<hbm>>) target(%dma_start3A_38 : memref<8x128xi32, #tpu.memory_space<vmem>>) target_semaphore(%run_scoped3A : memref<!tpu.dma_semaphore, #tpu.memory_space<semaphore_mem>>)
        %dma_wait3A = arith.constant 0 : i32
        %dma_wait3A_41 = arith.constant 0 : i32
        %dma_wait3A_42 = tpu.memref_slice %arg8[%dma_wait3A, %dma_wait3A_41] : memref<32x128xi32, #tpu.memory_space<vmem>> -> memref<8x128xi32, #tpu.memory_space<vmem>>
        %dma_wait3A_43 = arith.constant 0 : i32
        %dma_wait3A_44 = tpu.memref_slice %arg4[%add3A_23, %dma_wait3A_43] : memref<2560x128xi32, #tpu.memory_space<hbm>> -> memref<8x128xi32, #tpu.memory_space<hbm>>
        %dma_wait3A_45 = arith.constant 0 : i32
        %dma_wait3A_46 = arith.constant 0 : i32
        %dma_wait3A_47 = tpu.memref_slice %arg8[%dma_wait3A_45, %dma_wait3A_46] : memref<32x128xi32, #tpu.memory_space<vmem>> -> memref<8x128xi32, #tpu.memory_space<vmem>>
        %dma_wait3A_48 = arith.constant 0 : i32
        %dma_wait3A_49 = tpu.memref_slice %arg4[%add3A_23, %dma_wait3A_48] : memref<2560x128xi32, #tpu.memory_space<hbm>> -> memref<8x128xi32, #tpu.memory_space<hbm>>
        tpu.wait_dma2 semaphore(%run_scoped3A : memref<!tpu.dma_semaphore, #tpu.memory_space<semaphore_mem>>) src(%dma_wait3A_49 : memref<8x128xi32, #tpu.memory_space<hbm>>) dst(%dma_wait3A_47 : memref<8x128xi32, #tpu.memory_space<vmem>>)
        tpu.yield
      }) : () -> ()
      %scan3A = arith.constant 0 : i32
      %scan3A_26 = arith.constant 0 : i32
      %scan3A_27 = arith.constant 4 : i32
      %scan3A_28 = arith.addi %scan3A_26, %scan3A_27 : i32
      %scan3A_29 = arith.constant 1 : i32
      %scan3A_30 = scf.for %scan3A_32 = %scan3A_26 to %scan3A_28 step %scan3A_29 iter_args(%scan3A_33 = %scan3A) -> (i32)  : i32 {
        %mul3A_34 = arith.constant 2 : i32
        %mul3A_35 = arith.muli %mul3A_34, %scan3A_32 : i32
        %add3A_36 = arith.constant 1 : i32
        %add3A_37 = arith.addi %mul3A_35, %add3A_36 : i32
        %mul3A_38 = arith.constant 128 : i32
        %mul3A_39 = arith.muli %mul3A_35, %mul3A_38 : i32
        %dma_start3A = tpu.memref_slice %arg7[%mul3A_39] : memref<4096xi32, #tpu.memory_space<vmem>> -> memref<128xi32, #tpu.memory_space<vmem>>
        %dma_start3A_40 = arith.constant 0 : i32
        %dma_start3A_41 = arith.constant 0 : i32
        %dma_start3A_42 = tpu.memref_slice %arg2[%dma_start3A_40, %dma_start3A_41] : memref<10240x128xf32, #tpu.memory_space<hbm>> -> memref<10240x128xf32, #tpu.memory_space<hbm>>
        tpu.enqueue_indirect_dma source(%dma_start3A_42 : memref<10240x128xf32, #tpu.memory_space<hbm>>) target(%arg9 : memref<128x128xf32, #tpu.memory_space<vmem>>) offsets(%dma_start3A : memref<128xi32, #tpu.memory_space<vmem>>) semaphore(%arg12 : memref<!tpu.dma_semaphore, #tpu.memory_space<semaphore_mem>>)
        %mul3A_43 = arith.constant 128 : i32
        %mul3A_44 = arith.muli %add3A_37, %mul3A_43 : i32
        %dma_start3A_45 = tpu.memref_slice %arg7[%mul3A_44] : memref<4096xi32, #tpu.memory_space<vmem>> -> memref<128xi32, #tpu.memory_space<vmem>>
        %dma_start3A_46 = arith.constant 0 : i32
        %dma_start3A_47 = arith.constant 0 : i32
        %dma_start3A_48 = tpu.memref_slice %arg2[%dma_start3A_46, %dma_start3A_47] : memref<10240x128xf32, #tpu.memory_space<hbm>> -> memref<10240x128xf32, #tpu.memory_space<hbm>>
        tpu.enqueue_indirect_dma source(%dma_start3A_48 : memref<10240x128xf32, #tpu.memory_space<hbm>>) target(%arg10 : memref<128x128xf32, #tpu.memory_space<vmem>>) offsets(%dma_start3A_45 : memref<128xi32, #tpu.memory_space<vmem>>) semaphore(%arg12 : memref<!tpu.dma_semaphore, #tpu.memory_space<semaphore_mem>>)
        %mul3A_49 = arith.constant 128 : i32
        %mul3A_50 = arith.muli %mul3A_35, %mul3A_49 : i32
        %dma_wait3A = tpu.memref_slice %arg7[%mul3A_50] : memref<4096xi32, #tpu.memory_space<vmem>> -> memref<128xi32, #tpu.memory_space<vmem>>
        %dma_wait3A_51 = arith.constant 0 : i32
        %dma_wait3A_52 = arith.constant 0 : i32
        %dma_wait3A_53 = tpu.memref_slice %arg2[%dma_wait3A_51, %dma_wait3A_52] : memref<10240x128xf32, #tpu.memory_space<hbm>> -> memref<10240x128xf32, #tpu.memory_space<hbm>>
        tpu.wait_indirect_dma semaphore(%arg12 : memref<!tpu.dma_semaphore, #tpu.memory_space<semaphore_mem>>) src(%dma_wait3A_53 : memref<10240x128xf32, #tpu.memory_space<hbm>>) dst(%arg9 : memref<128x128xf32, #tpu.memory_space<vmem>>)
        "tpu.region"() ({
          %run_scoped3A = tpu.sem_alloc : memref<!tpu.dma_semaphore, #tpu.memory_space<semaphore_mem>>
          %dma_start3A_61 = arith.constant 0 : i32
          %dma_start3A_62 = tpu.memref_slice %arg8[%mul3A_35, %dma_start3A_61] : memref<32x128xi32, #tpu.memory_space<vmem>> -> memref<1x128xi32, #tpu.memory_space<vmem>>
          %dma_start3A_63 = tpu.memref_squeeze %dma_start3A_62 : memref<1x128xi32, #tpu.memory_space<vmem>> -> memref<128xi32, #tpu.memory_space<vmem>>
          %dma_start3A_64 = arith.constant 0 : i32
          %dma_start3A_65 = arith.constant 0 : i32
          %dma_start3A_66 = tpu.memref_slice %arg11[%dma_start3A_64, %dma_start3A_65] : memref<10240x128xf32, #tpu.memory_space<vmem_shared>> -> memref<10240x128xf32, #tpu.memory_space<vmem_shared>>
          tpu.enqueue_indirect_dma source(%arg9 : memref<128x128xf32, #tpu.memory_space<vmem>>) target(%dma_start3A_66 : memref<10240x128xf32, #tpu.memory_space<vmem_shared>>) offsets(%dma_start3A_63 : memref<128xi32, #tpu.memory_space<vmem>>) semaphore(%run_scoped3A : memref<!tpu.dma_semaphore, #tpu.memory_space<semaphore_mem>>) {add = true}
          %dma_wait3A_67 = arith.constant 0 : i32
          %dma_wait3A_68 = tpu.memref_slice %arg8[%mul3A_35, %dma_wait3A_67] : memref<32x128xi32, #tpu.memory_space<vmem>> -> memref<1x128xi32, #tpu.memory_space<vmem>>
          %dma_wait3A_69 = tpu.memref_squeeze %dma_wait3A_68 : memref<1x128xi32, #tpu.memory_space<vmem>> -> memref<128xi32, #tpu.memory_space<vmem>>
          %dma_wait3A_70 = arith.constant 0 : i32
          %dma_wait3A_71 = arith.constant 0 : i32
          %dma_wait3A_72 = tpu.memref_slice %arg11[%dma_wait3A_70, %dma_wait3A_71] : memref<10240x128xf32, #tpu.memory_space<vmem_shared>> -> memref<10240x128xf32, #tpu.memory_space<vmem_shared>>
          tpu.wait_indirect_dma semaphore(%run_scoped3A : memref<!tpu.dma_semaphore, #tpu.memory_space<semaphore_mem>>) src(%arg9 : memref<128x128xf32, #tpu.memory_space<vmem>>) dst(%dma_wait3A_72 : memref<10240x128xf32, #tpu.memory_space<vmem_shared>>)
          tpu.yield
        }) : () -> ()
        %mul3A_54 = arith.constant 128 : i32
        %mul3A_55 = arith.muli %add3A_37, %mul3A_54 : i32
        %dma_wait3A_56 = tpu.memref_slice %arg7[%mul3A_55] : memref<4096xi32, #tpu.memory_space<vmem>> -> memref<128xi32, #tpu.memory_space<vmem>>
        %dma_wait3A_57 = arith.constant 0 : i32
        %dma_wait3A_58 = arith.constant 0 : i32
        %dma_wait3A_59 = tpu.memref_slice %arg2[%dma_wait3A_57, %dma_wait3A_58] : memref<10240x128xf32, #tpu.memory_space<hbm>> -> memref<10240x128xf32, #tpu.memory_space<hbm>>
        tpu.wait_indirect_dma semaphore(%arg12 : memref<!tpu.dma_semaphore, #tpu.memory_space<semaphore_mem>>) src(%dma_wait3A_59 : memref<10240x128xf32, #tpu.memory_space<hbm>>) dst(%arg10 : memref<128x128xf32, #tpu.memory_space<vmem>>)
        "tpu.region"() ({
          %run_scoped3A = tpu.sem_alloc : memref<!tpu.dma_semaphore, #tpu.memory_space<semaphore_mem>>
          %dma_start3A_61 = arith.constant 0 : i32
          %dma_start3A_62 = tpu.memref_slice %arg8[%add3A_37, %dma_start3A_61] : memref<32x128xi32, #tpu.memory_space<vmem>> -> memref<1x128xi32, #tpu.memory_space<vmem>>
          %dma_start3A_63 = tpu.memref_squeeze %dma_start3A_62 : memref<1x128xi32, #tpu.memory_space<vmem>> -> memref<128xi32, #tpu.memory_space<vmem>>
          %dma_start3A_64 = arith.constant 0 : i32
          %dma_start3A_65 = arith.constant 0 : i32
          %dma_start3A_66 = tpu.memref_slice %arg11[%dma_start3A_64, %dma_start3A_65] : memref<10240x128xf32, #tpu.memory_space<vmem_shared>> -> memref<10240x128xf32, #tpu.memory_space<vmem_shared>>
          tpu.enqueue_indirect_dma source(%arg10 : memref<128x128xf32, #tpu.memory_space<vmem>>) target(%dma_start3A_66 : memref<10240x128xf32, #tpu.memory_space<vmem_shared>>) offsets(%dma_start3A_63 : memref<128xi32, #tpu.memory_space<vmem>>) semaphore(%run_scoped3A : memref<!tpu.dma_semaphore, #tpu.memory_space<semaphore_mem>>) {add = true}
          %dma_wait3A_67 = arith.constant 0 : i32
          %dma_wait3A_68 = tpu.memref_slice %arg8[%add3A_37, %dma_wait3A_67] : memref<32x128xi32, #tpu.memory_space<vmem>> -> memref<1x128xi32, #tpu.memory_space<vmem>>
          %dma_wait3A_69 = tpu.memref_squeeze %dma_wait3A_68 : memref<1x128xi32, #tpu.memory_space<vmem>> -> memref<128xi32, #tpu.memory_space<vmem>>
          %dma_wait3A_70 = arith.constant 0 : i32
          %dma_wait3A_71 = arith.constant 0 : i32
          %dma_wait3A_72 = tpu.memref_slice %arg11[%dma_wait3A_70, %dma_wait3A_71] : memref<10240x128xf32, #tpu.memory_space<vmem_shared>> -> memref<10240x128xf32, #tpu.memory_space<vmem_shared>>
          tpu.wait_indirect_dma semaphore(%run_scoped3A : memref<!tpu.dma_semaphore, #tpu.memory_space<semaphore_mem>>) src(%arg10 : memref<128x128xf32, #tpu.memory_space<vmem>>) dst(%dma_wait3A_72 : memref<10240x128xf32, #tpu.memory_space<vmem_shared>>)
          tpu.yield
        }) : () -> ()
        %scan3A_60 = arith.constant 0 : i32
        scf.yield %scan3A_60 : i32
      }
      %scan3A_31 = arith.constant 4 : i32
    } else {
    }
    %barrier3A_8 = arith.constant 0 : index
    tpu.barrier barrier_id(%barrier3A_8)
    %eq3A_9 = arith.constant 0 : i32
    %eq3A_10 = arith.cmpi eq, %arg0, %eq3A_9 : i32
    %convert_element_type3A_11 = arith.extui %eq3A_10 : i1 to i32
    %cond3A_12 = arith.constant 0 : i32
    %cond3A_13 = arith.cmpi ne, %convert_element_type3A_11, %cond3A_12 : i32
    scf.if %cond3A_13 {
      "tpu.region"() ({
        %run_scoped3A = tpu.sem_alloc : memref<!tpu.dma_semaphore, #tpu.memory_space<semaphore_mem>>
        %dma_start3A = arith.constant 0 : i32
        %dma_start3A_19 = tpu.memref_slice %arg5[%mul3A_0, %dma_start3A] : memref<10240x128xf32, #tpu.memory_space<hbm>> -> memref<640x128xf32, #tpu.memory_space<hbm>>
        %dma_start3A_20 = arith.constant 0 : i32
        %dma_start3A_21 = tpu.memref_slice %arg11[%mul3A_0, %dma_start3A_20] : memref<10240x128xf32, #tpu.memory_space<vmem_shared>> -> memref<640x128xf32, #tpu.memory_space<vmem_shared>>
        tpu.enqueue_dma source(%dma_start3A_21 : memref<640x128xf32, #tpu.memory_space<vmem_shared>>) target(%dma_start3A_19 : memref<640x128xf32, #tpu.memory_space<hbm>>) target_semaphore(%run_scoped3A : memref<!tpu.dma_semaphore, #tpu.memory_space<semaphore_mem>>)
        %dma_wait3A = arith.constant 0 : i32
        %dma_wait3A_22 = tpu.memref_slice %arg5[%mul3A_0, %dma_wait3A] : memref<10240x128xf32, #tpu.memory_space<hbm>> -> memref<640x128xf32, #tpu.memory_space<hbm>>
        %dma_wait3A_23 = arith.constant 0 : i32
        %dma_wait3A_24 = tpu.memref_slice %arg11[%mul3A_0, %dma_wait3A_23] : memref<10240x128xf32, #tpu.memory_space<vmem_shared>> -> memref<640x128xf32, #tpu.memory_space<vmem_shared>>
        tpu.wait_dma2 semaphore(%run_scoped3A : memref<!tpu.dma_semaphore, #tpu.memory_space<semaphore_mem>>) src(%dma_wait3A_24 : memref<640x128xf32, #tpu.memory_space<vmem_shared>>) dst(%dma_wait3A_22 : memref<640x128xf32, #tpu.memory_space<hbm>>)
        tpu.yield
      }) : () -> ()
    } else {
    }
    %eq3A_14 = arith.constant 1 : i32
    %eq3A_15 = arith.cmpi eq, %arg0, %eq3A_14 : i32
    %convert_element_type3A_16 = arith.extui %eq3A_15 : i1 to i32
    %cond3A_17 = arith.constant 0 : i32
    %cond3A_18 = arith.cmpi ne, %convert_element_type3A_16, %cond3A_17 : i32
    scf.if %cond3A_18 {
      "tpu.region"() ({
        %run_scoped3A = tpu.sem_alloc : memref<!tpu.dma_semaphore, #tpu.memory_space<semaphore_mem>>
        %dma_start3A = arith.constant 0 : i32
        %dma_start3A_19 = tpu.memref_slice %arg6[%mul3A_0, %dma_start3A] : memref<10240x128xf32, #tpu.memory_space<hbm>> -> memref<640x128xf32, #tpu.memory_space<hbm>>
        %dma_start3A_20 = arith.constant 0 : i32
        %dma_start3A_21 = tpu.memref_slice %arg11[%mul3A_0, %dma_start3A_20] : memref<10240x128xf32, #tpu.memory_space<vmem_shared>> -> memref<640x128xf32, #tpu.memory_space<vmem_shared>>
        tpu.enqueue_dma source(%dma_start3A_21 : memref<640x128xf32, #tpu.memory_space<vmem_shared>>) target(%dma_start3A_19 : memref<640x128xf32, #tpu.memory_space<hbm>>) target_semaphore(%run_scoped3A : memref<!tpu.dma_semaphore, #tpu.memory_space<semaphore_mem>>)
        %dma_wait3A = arith.constant 0 : i32
        %dma_wait3A_22 = tpu.memref_slice %arg6[%mul3A_0, %dma_wait3A] : memref<10240x128xf32, #tpu.memory_space<hbm>> -> memref<640x128xf32, #tpu.memory_space<hbm>>
        %dma_wait3A_23 = arith.constant 0 : i32
        %dma_wait3A_24 = tpu.memref_slice %arg11[%mul3A_0, %dma_wait3A_23] : memref<10240x128xf32, #tpu.memory_space<vmem_shared>> -> memref<640x128xf32, #tpu.memory_space<vmem_shared>>
        tpu.wait_dma2 semaphore(%run_scoped3A : memref<!tpu.dma_semaphore, #tpu.memory_space<semaphore_mem>>) src(%dma_wait3A_24 : memref<640x128xf32, #tpu.memory_space<vmem_shared>>) dst(%dma_wait3A_22 : memref<640x128xf32, #tpu.memory_space<hbm>>)
        tpu.yield
      }) : () -> ()
    } else {
    }
    return
  }
}

#map = affine_map<(d0, d1) -> (0, 0)>
module attributes {stable_mosaic.version = 14 : i64} {
  func.func @_deg_kernel(%arg0: i32, %arg1: i32, %arg2: memref<2560x128xi32, #tpu.memory_space<hbm>>, %arg3: memref<10240x16xf32, #tpu.memory_space<hbm>>, %arg4: memref<10240x16xf32, #tpu.memory_space<hbm>>, %arg5: memref<10240x16xf32, #tpu.memory_space<hbm>>, %arg6: memref<128x16xf32, #tpu.memory_space<vmem>>, %arg7: memref<80x128xi32, #tpu.memory_space<vmem>>, %arg8: memref<10240x16xf32, #tpu.memory_space<vmem_shared>>) attributes {dimension_semantics = [#tpu.dimension_semantics<core_parallel>, #tpu.dimension_semantics<subcore_parallel>], iteration_bounds = array<i64: 2, 16>, scalar_prefetch = 0 : i64, scratch_operands = 3 : i64, tpu.core_type = #tpu.core_type<sc_vector_subcore>, window_params = [{transform_indices = #map}, {transform_indices = #map}, {transform_indices = #map}, {transform_indices = #map}]} {
    %mul3A = arith.constant 2 : i32
    %mul3A_0 = arith.muli %arg1, %mul3A : i32
    %add3A = arith.addi %mul3A_0, %arg0 : i32
    %mul3A_1 = arith.constant 640 : i32
    %mul3A_2 = arith.muli %arg1, %mul3A_1 : i32
    "tpu.region"() ({
      %run_scoped3A = tpu.sem_alloc : memref<!tpu.dma_semaphore, #tpu.memory_space<semaphore_mem>>
      %dma_start3A = arith.constant 0 : i32
      %dma_start3A_26 = tpu.memref_slice %arg8[%mul3A_2, %dma_start3A] : memref<10240x16xf32, #tpu.memory_space<vmem_shared>> -> memref<640x16xf32, #tpu.memory_space<vmem_shared>>
      %dma_start3A_27 = arith.constant 0 : i32
      %dma_start3A_28 = tpu.memref_slice %arg3[%mul3A_2, %dma_start3A_27] : memref<10240x16xf32, #tpu.memory_space<hbm>> -> memref<640x16xf32, #tpu.memory_space<hbm>>
      tpu.enqueue_dma source(%dma_start3A_28 : memref<640x16xf32, #tpu.memory_space<hbm>>) target(%dma_start3A_26 : memref<640x16xf32, #tpu.memory_space<vmem_shared>>) target_semaphore(%run_scoped3A : memref<!tpu.dma_semaphore, #tpu.memory_space<semaphore_mem>>)
      %dma_wait3A = arith.constant 0 : i32
      %dma_wait3A_29 = tpu.memref_slice %arg8[%mul3A_2, %dma_wait3A] : memref<10240x16xf32, #tpu.memory_space<vmem_shared>> -> memref<640x16xf32, #tpu.memory_space<vmem_shared>>
      %dma_wait3A_30 = arith.constant 0 : i32
      %dma_wait3A_31 = tpu.memref_slice %arg3[%mul3A_2, %dma_wait3A_30] : memref<10240x16xf32, #tpu.memory_space<hbm>> -> memref<640x16xf32, #tpu.memory_space<hbm>>
      tpu.wait_dma2 semaphore(%run_scoped3A : memref<!tpu.dma_semaphore, #tpu.memory_space<semaphore_mem>>) src(%dma_wait3A_31 : memref<640x16xf32, #tpu.memory_space<hbm>>) dst(%dma_wait3A_29 : memref<640x16xf32, #tpu.memory_space<vmem_shared>>)
      tpu.yield
    }) : () -> ()
    %scan3A = arith.constant 0 : i32
    %scan3A_3 = arith.constant 0 : i32
    %scan3A_4 = arith.constant 128 : i32
    %scan3A_5 = arith.addi %scan3A_3, %scan3A_4 : i32
    %scan3A_6 = arith.constant 1 : i32
    %scan3A_7 = scf.for %scan3A_26 = %scan3A_3 to %scan3A_5 step %scan3A_6 iter_args(%scan3A_27 = %scan3A) -> (i32)  : i32 {
      %broadcast_in_dim3A = arith.constant 1.000000e+00 : f32
      %broadcast_in_dim3A_28 = vector.broadcast %broadcast_in_dim3A : f32 to vector<16xf32>
      %swap3A = arith.index_cast %scan3A_26 : i32 to index
      %swap3A_29 = arith.constant 0 : index
      %swap3A_30 = tpu.vector_load %arg6[%swap3A, %swap3A_29] {strides = array<i32>} : memref<128x16xf32, #tpu.memory_space<vmem>>, vector<1x16xf32>,
      %swap3A_31 = vector.shape_cast %swap3A_30 : vector<1x16xf32> to vector<16xf32>
      %swap3A_32 = vector.shape_cast %broadcast_in_dim3A_28 : vector<16xf32> to vector<1x16xf32>
      tpu.vector_store %arg6[%swap3A, %swap3A_29], %swap3A_32 {strides = array<i32>} : memref<128x16xf32, #tpu.memory_space<vmem>>, vector<1x16xf32>,
      %scan3A_33 = arith.constant 0 : i32
      scf.yield %scan3A_33 : i32
    }
    %scan3A_8 = arith.constant 128 : i32
    %mul3A_9 = arith.constant 80 : i32
    %mul3A_10 = arith.muli %add3A, %mul3A_9 : i32
    "tpu.region"() ({
      %run_scoped3A = tpu.sem_alloc : memref<!tpu.dma_semaphore, #tpu.memory_space<semaphore_mem>>
      %dma_start3A = arith.constant 0 : i32
      %dma_start3A_26 = tpu.memref_slice %arg2[%mul3A_10, %dma_start3A] : memref<2560x128xi32, #tpu.memory_space<hbm>> -> memref<80x128xi32, #tpu.memory_space<hbm>>
      %dma_start3A_27 = arith.constant 0 : i32
      %dma_start3A_28 = tpu.memref_slice %arg2[%mul3A_10, %dma_start3A_27] : memref<2560x128xi32, #tpu.memory_space<hbm>> -> memref<80x128xi32, #tpu.memory_space<hbm>>
      tpu.enqueue_dma source(%dma_start3A_28 : memref<80x128xi32, #tpu.memory_space<hbm>>) target(%arg7 : memref<80x128xi32, #tpu.memory_space<vmem>>) target_semaphore(%run_scoped3A : memref<!tpu.dma_semaphore, #tpu.memory_space<semaphore_mem>>)
      %dma_wait3A = arith.constant 0 : i32
      %dma_wait3A_29 = tpu.memref_slice %arg2[%mul3A_10, %dma_wait3A] : memref<2560x128xi32, #tpu.memory_space<hbm>> -> memref<80x128xi32, #tpu.memory_space<hbm>>
      %dma_wait3A_30 = arith.constant 0 : i32
      %dma_wait3A_31 = tpu.memref_slice %arg2[%mul3A_10, %dma_wait3A_30] : memref<2560x128xi32, #tpu.memory_space<hbm>> -> memref<80x128xi32, #tpu.memory_space<hbm>>
      tpu.wait_dma2 semaphore(%run_scoped3A : memref<!tpu.dma_semaphore, #tpu.memory_space<semaphore_mem>>) src(%dma_wait3A_31 : memref<80x128xi32, #tpu.memory_space<hbm>>) dst(%arg7 : memref<80x128xi32, #tpu.memory_space<vmem>>)
      tpu.yield
    }) : () -> ()
    %barrier3A = arith.constant 0 : index
    tpu.barrier barrier_id(%barrier3A)
    %scan3A_11 = arith.constant 0 : i32
    %scan3A_12 = arith.constant 0 : i32
    %scan3A_13 = arith.constant 80 : i32
    %scan3A_14 = arith.addi %scan3A_12, %scan3A_13 : i32
    %scan3A_15 = arith.constant 1 : i32
    %scan3A_16 = scf.for %scan3A_26 = %scan3A_12 to %scan3A_14 step %scan3A_15 iter_args(%scan3A_27 = %scan3A_11) -> (i32)  : i32 {
      "tpu.region"() ({
        %run_scoped3A = tpu.sem_alloc : memref<!tpu.dma_semaphore, #tpu.memory_space<semaphore_mem>>
        %dma_start3A = arith.constant 0 : i32
        %dma_start3A_29 = tpu.memref_slice %arg7[%scan3A_26, %dma_start3A] : memref<80x128xi32, #tpu.memory_space<vmem>> -> memref<1x128xi32, #tpu.memory_space<vmem>>
        %dma_start3A_30 = tpu.memref_squeeze %dma_start3A_29 : memref<1x128xi32, #tpu.memory_space<vmem>> -> memref<128xi32, #tpu.memory_space<vmem>>
        %dma_start3A_31 = arith.constant 0 : i32
        %dma_start3A_32 = arith.constant 0 : i32
        %dma_start3A_33 = tpu.memref_slice %arg8[%dma_start3A_31, %dma_start3A_32] : memref<10240x16xf32, #tpu.memory_space<vmem_shared>> -> memref<10240x16xf32, #tpu.memory_space<vmem_shared>>
        tpu.enqueue_indirect_dma source(%arg6 : memref<128x16xf32, #tpu.memory_space<vmem>>) target(%dma_start3A_33 : memref<10240x16xf32, #tpu.memory_space<vmem_shared>>) offsets(%dma_start3A_30 : memref<128xi32, #tpu.memory_space<vmem>>) semaphore(%run_scoped3A : memref<!tpu.dma_semaphore, #tpu.memory_space<semaphore_mem>>) {add = true}
        %dma_wait3A = arith.constant 0 : i32
        %dma_wait3A_34 = tpu.memref_slice %arg7[%scan3A_26, %dma_wait3A] : memref<80x128xi32, #tpu.memory_space<vmem>> -> memref<1x128xi32, #tpu.memory_space<vmem>>
        %dma_wait3A_35 = tpu.memref_squeeze %dma_wait3A_34 : memref<1x128xi32, #tpu.memory_space<vmem>> -> memref<128xi32, #tpu.memory_space<vmem>>
        %dma_wait3A_36 = arith.constant 0 : i32
        %dma_wait3A_37 = arith.constant 0 : i32
        %dma_wait3A_38 = tpu.memref_slice %arg8[%dma_wait3A_36, %dma_wait3A_37] : memref<10240x16xf32, #tpu.memory_space<vmem_shared>> -> memref<10240x16xf32, #tpu.memory_space<vmem_shared>>
        tpu.wait_indirect_dma semaphore(%run_scoped3A : memref<!tpu.dma_semaphore, #tpu.memory_space<semaphore_mem>>) src(%arg6 : memref<128x16xf32, #tpu.memory_space<vmem>>) dst(%dma_wait3A_38 : memref<10240x16xf32, #tpu.memory_space<vmem_shared>>)
        tpu.yield
      }) : () -> ()
      %scan3A_28 = arith.constant 0 : i32
      scf.yield %scan3A_28 : i32
    }
    %scan3A_17 = arith.constant 80 : i32
    %barrier3A_18 = arith.constant 0 : index
    tpu.barrier barrier_id(%barrier3A_18)
    %eq3A = arith.constant 0 : i32
    %eq3A_19 = arith.cmpi eq, %arg0, %eq3A : i32
    %convert_element_type3A = arith.extui %eq3A_19 : i1 to i32
    %cond3A = arith.constant 0 : i32
    %cond3A_20 = arith.cmpi ne, %convert_element_type3A, %cond3A : i32
    scf.if %cond3A_20 {
      "tpu.region"() ({
        %run_scoped3A = tpu.sem_alloc : memref<!tpu.dma_semaphore, #tpu.memory_space<semaphore_mem>>
        %dma_start3A = arith.constant 0 : i32
        %dma_start3A_26 = tpu.memref_slice %arg4[%mul3A_2, %dma_start3A] : memref<10240x16xf32, #tpu.memory_space<hbm>> -> memref<640x16xf32, #tpu.memory_space<hbm>>
        %dma_start3A_27 = arith.constant 0 : i32
        %dma_start3A_28 = tpu.memref_slice %arg8[%mul3A_2, %dma_start3A_27] : memref<10240x16xf32, #tpu.memory_space<vmem_shared>> -> memref<640x16xf32, #tpu.memory_space<vmem_shared>>
        tpu.enqueue_dma source(%dma_start3A_28 : memref<640x16xf32, #tpu.memory_space<vmem_shared>>) target(%dma_start3A_26 : memref<640x16xf32, #tpu.memory_space<hbm>>) target_semaphore(%run_scoped3A : memref<!tpu.dma_semaphore, #tpu.memory_space<semaphore_mem>>)
        %dma_wait3A = arith.constant 0 : i32
        %dma_wait3A_29 = tpu.memref_slice %arg4[%mul3A_2, %dma_wait3A] : memref<10240x16xf32, #tpu.memory_space<hbm>> -> memref<640x16xf32, #tpu.memory_space<hbm>>
        %dma_wait3A_30 = arith.constant 0 : i32
        %dma_wait3A_31 = tpu.memref_slice %arg8[%mul3A_2, %dma_wait3A_30] : memref<10240x16xf32, #tpu.memory_space<vmem_shared>> -> memref<640x16xf32, #tpu.memory_space<vmem_shared>>
        tpu.wait_dma2 semaphore(%run_scoped3A : memref<!tpu.dma_semaphore, #tpu.memory_space<semaphore_mem>>) src(%dma_wait3A_31 : memref<640x16xf32, #tpu.memory_space<vmem_shared>>) dst(%dma_wait3A_29 : memref<640x16xf32, #tpu.memory_space<hbm>>)
        tpu.yield
      }) : () -> ()
    } else {
    }
    %eq3A_21 = arith.constant 1 : i32
    %eq3A_22 = arith.cmpi eq, %arg0, %eq3A_21 : i32
    %convert_element_type3A_23 = arith.extui %eq3A_22 : i1 to i32
    %cond3A_24 = arith.constant 0 : i32
    %cond3A_25 = arith.cmpi ne, %convert_element_type3A_23, %cond3A_24 : i32
    scf.if %cond3A_25 {
      "tpu.region"() ({
        %run_scoped3A = tpu.sem_alloc : memref<!tpu.dma_semaphore, #tpu.memory_space<semaphore_mem>>
        %dma_start3A = arith.constant 0 : i32
        %dma_start3A_26 = tpu.memref_slice %arg5[%mul3A_2, %dma_start3A] : memref<10240x16xf32, #tpu.memory_space<hbm>> -> memref<640x16xf32, #tpu.memory_space<hbm>>
        %dma_start3A_27 = arith.constant 0 : i32
        %dma_start3A_28 = tpu.memref_slice %arg8[%mul3A_2, %dma_start3A_27] : memref<10240x16xf32, #tpu.memory_space<vmem_shared>> -> memref<640x16xf32, #tpu.memory_space<vmem_shared>>
        tpu.enqueue_dma source(%dma_start3A_28 : memref<640x16xf32, #tpu.memory_space<vmem_shared>>) target(%dma_start3A_26 : memref<640x16xf32, #tpu.memory_space<hbm>>) target_semaphore(%run_scoped3A : memref<!tpu.dma_semaphore, #tpu.memory_space<semaphore_mem>>)
        %dma_wait3A = arith.constant 0 : i32
        %dma_wait3A_29 = tpu.memref_slice %arg5[%mul3A_2, %dma_wait3A] : memref<10240x16xf32, #tpu.memory_space<hbm>> -> memref<640x16xf32, #tpu.memory_space<hbm>>
        %dma_wait3A_30 = arith.constant 0 : i32
        %dma_wait3A_31 = tpu.memref_slice %arg8[%mul3A_2, %dma_wait3A_30] : memref<10240x16xf32, #tpu.memory_space<vmem_shared>> -> memref<640x16xf32, #tpu.memory_space<vmem_shared>>
        tpu.wait_dma2 semaphore(%run_scoped3A : memref<!tpu.dma_semaphore, #tpu.memory_space<semaphore_mem>>) src(%dma_wait3A_31 : memref<640x16xf32, #tpu.memory_space<vmem_shared>>) dst(%dma_wait3A_29 : memref<640x16xf32, #tpu.memory_space<hbm>>)
        tpu.yield
      }) : () -> ()
    } else {
    }
    return
  }
}

#map = affine_map<(d0, d1) -> (0, 0)>
#map1 = affine_map<(d0, d1) -> (0)>
module attributes {stable_mosaic.version = 14 : i64} {
  func.func @_agg_kernel(%arg0: i32, %arg1: i32, %arg2: memref<10240x128xf32, #tpu.memory_space<hbm>>, %arg3: memref<327680xi32, #tpu.memory_space<hbm>>, %arg4: memref<2560x128xi32, #tpu.memory_space<hbm>>, %arg5: memref<10240x128xf32, #tpu.memory_space<hbm>>, %arg6: memref<10240x128xf32, #tpu.memory_space<hbm>>, %arg7: memref<4096xi32, #tpu.memory_space<vmem>>, %arg8: memref<32x128xi32, #tpu.memory_space<vmem>>, %arg9: memref<128x128xf32, #tpu.memory_space<vmem>>, %arg10: memref<128x128xf32, #tpu.memory_space<vmem>>, %arg11: memref<10240x128xf32, #tpu.memory_space<vmem_shared>>, %arg12: memref<!tpu.dma_semaphore, #tpu.memory_space<semaphore_mem>>, %arg13: memref<!tpu.dma_semaphore, #tpu.memory_space<semaphore_mem>>) attributes {dimension_semantics = [#tpu.dimension_semantics<core_parallel>, #tpu.dimension_semantics<subcore_parallel>], iteration_bounds = array<i64: 2, 16>, scalar_prefetch = 0 : i64, scratch_operands = 7 : i64, tpu.core_type = #tpu.core_type<sc_vector_subcore>, window_params = [{transform_indices = #map}, {transform_indices = #map1}, {transform_indices = #map}, {transform_indices = #map}, {transform_indices = #map}]} {
    %mul3A = arith.constant 640 : i32
    %mul3A_0 = arith.muli %arg1, %mul3A : i32
    "tpu.region"() ({
      %run_scoped3A = tpu.sem_alloc : memref<!tpu.dma_semaphore, #tpu.memory_space<semaphore_mem>>
      %dma_start3A = arith.constant 0 : i32
      %dma_start3A_19 = tpu.memref_slice %arg11[%mul3A_0, %dma_start3A] : memref<10240x128xf32, #tpu.memory_space<vmem_shared>> -> memref<640x128xf32, #tpu.memory_space<vmem_shared>>
      %dma_start3A_20 = arith.constant 0 : i32
      %dma_start3A_21 = tpu.memref_slice %arg2[%mul3A_0, %dma_start3A_20] : memref<10240x128xf32, #tpu.memory_space<hbm>> -> memref<640x128xf32, #tpu.memory_space<hbm>>
      tpu.enqueue_dma source(%dma_start3A_21 : memref<640x128xf32, #tpu.memory_space<hbm>>) target(%dma_start3A_19 : memref<640x128xf32, #tpu.memory_space<vmem_shared>>) target_semaphore(%run_scoped3A : memref<!tpu.dma_semaphore, #tpu.memory_space<semaphore_mem>>)
      %dma_wait3A = arith.constant 0 : i32
      %dma_wait3A_22 = tpu.memref_slice %arg11[%mul3A_0, %dma_wait3A] : memref<10240x128xf32, #tpu.memory_space<vmem_shared>> -> memref<640x128xf32, #tpu.memory_space<vmem_shared>>
      %dma_wait3A_23 = arith.constant 0 : i32
      %dma_wait3A_24 = tpu.memref_slice %arg2[%mul3A_0, %dma_wait3A_23] : memref<10240x128xf32, #tpu.memory_space<hbm>> -> memref<640x128xf32, #tpu.memory_space<hbm>>
      tpu.wait_dma2 semaphore(%run_scoped3A : memref<!tpu.dma_semaphore, #tpu.memory_space<semaphore_mem>>) src(%dma_wait3A_24 : memref<640x128xf32, #tpu.memory_space<hbm>>) dst(%dma_wait3A_22 : memref<640x128xf32, #tpu.memory_space<vmem_shared>>)
      tpu.yield
    }) : () -> ()
    %barrier3A = arith.constant 0 : index
    tpu.barrier barrier_id(%barrier3A)
    %eq3A = arith.constant 0 : i32
    %eq3A_1 = arith.cmpi eq, %arg0, %eq3A : i32
    %convert_element_type3A = arith.extui %eq3A_1 : i1 to i32
    %cond3A = arith.constant 0 : i32
    %cond3A_2 = arith.cmpi ne, %convert_element_type3A, %cond3A : i32
    scf.if %cond3A_2 {
      %mul3A_19 = arith.constant 152 : i32
      %mul3A_20 = arith.muli %arg1, %mul3A_19 : i32
      %add3A = arith.constant 0 : i32
      %add3A_21 = arith.addi %mul3A_20, %add3A : i32
      %mul3A_22 = arith.constant 128 : i32
      %mul3A_23 = arith.muli %add3A_21, %mul3A_22 : i32
      "tpu.region"() ({
        %run_scoped3A = tpu.sem_alloc : memref<!tpu.dma_semaphore, #tpu.memory_space<semaphore_mem>>
        %dma_start3A = arith.constant 0 : i32
        %dma_start3A_74 = tpu.memref_slice %arg7[%dma_start3A] : memref<4096xi32, #tpu.memory_space<vmem>> -> memref<4096xi32, #tpu.memory_space<vmem>>
        %dma_start3A_75 = tpu.memref_slice %arg3[%mul3A_23] : memref<327680xi32, #tpu.memory_space<hbm>> -> memref<4096xi32, #tpu.memory_space<hbm>>
        %dma_start3A_76 = arith.constant 0 : i32
        %dma_start3A_77 = tpu.memref_slice %arg7[%dma_start3A_76] : memref<4096xi32, #tpu.memory_space<vmem>> -> memref<4096xi32, #tpu.memory_space<vmem>>
        %dma_start3A_78 = tpu.memref_slice %arg3[%mul3A_23] : memref<327680xi32, #tpu.memory_space<hbm>> -> memref<4096xi32, #tpu.memory_space<hbm>>
        tpu.enqueue_dma source(%dma_start3A_78 : memref<4096xi32, #tpu.memory_space<hbm>>) target(%dma_start3A_77 : memref<4096xi32, #tpu.memory_space<vmem>>) target_semaphore(%run_scoped3A : memref<!tpu.dma_semaphore, #tpu.memory_space<semaphore_mem>>)
        %dma_wait3A = arith.constant 0 : i32
        %dma_wait3A_79 = tpu.memref_slice %arg7[%dma_wait3A] : memref<4096xi32, #tpu.memory_space<vmem>> -> memref<4096xi32, #tpu.memory_space<vmem>>
        %dma_wait3A_80 = tpu.memref_slice %arg3[%mul3A_23] : memref<327680xi32, #tpu.memory_space<hbm>> -> memref<4096xi32, #tpu.memory_space<hbm>>
        %dma_wait3A_81 = arith.constant 0 : i32
        %dma_wait3A_82 = tpu.memref_slice %arg7[%dma_wait3A_81] : memref<4096xi32, #tpu.memory_space<vmem>> -> memref<4096xi32, #tpu.memory_space<vmem>>
        %dma_wait3A_83 = tpu.memref_slice %arg3[%mul3A_23] : memref<327680xi32, #tpu.memory_space<hbm>> -> memref<4096xi32, #tpu.memory_space<hbm>>
        tpu.wait_dma2 semaphore(%run_scoped3A : memref<!tpu.dma_semaphore, #tpu.memory_space<semaphore_mem>>) src(%dma_wait3A_83 : memref<4096xi32, #tpu.memory_space<hbm>>) dst(%dma_wait3A_82 : memref<4096xi32, #tpu.memory_space<vmem>>)
        tpu.yield
      }) : () -> ()
      "tpu.region"() ({
        %run_scoped3A = tpu.sem_alloc : memref<!tpu.dma_semaphore, #tpu.memory_space<semaphore_mem>>
        %dma_start3A = arith.constant 0 : i32
        %dma_start3A_74 = arith.constant 0 : i32
        %dma_start3A_75 = tpu.memref_slice %arg8[%dma_start3A, %dma_start3A_74] : memref<32x128xi32, #tpu.memory_space<vmem>> -> memref<32x128xi32, #tpu.memory_space<vmem>>
        %dma_start3A_76 = arith.constant 0 : i32
        %dma_start3A_77 = tpu.memref_slice %arg4[%add3A_21, %dma_start3A_76] : memref<2560x128xi32, #tpu.memory_space<hbm>> -> memref<32x128xi32, #tpu.memory_space<hbm>>
        %dma_start3A_78 = arith.constant 0 : i32
        %dma_start3A_79 = arith.constant 0 : i32
        %dma_start3A_80 = tpu.memref_slice %arg8[%dma_start3A_78, %dma_start3A_79] : memref<32x128xi32, #tpu.memory_space<vmem>> -> memref<32x128xi32, #tpu.memory_space<vmem>>
        %dma_start3A_81 = arith.constant 0 : i32
        %dma_start3A_82 = tpu.memref_slice %arg4[%add3A_21, %dma_start3A_81] : memref<2560x128xi32, #tpu.memory_space<hbm>> -> memref<32x128xi32, #tpu.memory_space<hbm>>
        tpu.enqueue_dma source(%dma_start3A_82 : memref<32x128xi32, #tpu.memory_space<hbm>>) target(%dma_start3A_80 : memref<32x128xi32, #tpu.memory_space<vmem>>) target_semaphore(%run_scoped3A : memref<!tpu.dma_semaphore, #tpu.memory_space<semaphore_mem>>)
        %dma_wait3A = arith.constant 0 : i32
        %dma_wait3A_83 = arith.constant 0 : i32
        %dma_wait3A_84 = tpu.memref_slice %arg8[%dma_wait3A, %dma_wait3A_83] : memref<32x128xi32, #tpu.memory_space<vmem>> -> memref<32x128xi32, #tpu.memory_space<vmem>>
        %dma_wait3A_85 = arith.constant 0 : i32
        %dma_wait3A_86 = tpu.memref_slice %arg4[%add3A_21, %dma_wait3A_85] : memref<2560x128xi32, #tpu.memory_space<hbm>> -> memref<32x128xi32, #tpu.memory_space<hbm>>
        %dma_wait3A_87 = arith.constant 0 : i32
        %dma_wait3A_88 = arith.constant 0 : i32
        %dma_wait3A_89 = tpu.memref_slice %arg8[%dma_wait3A_87, %dma_wait3A_88] : memref<32x128xi32, #tpu.memory_space<vmem>> -> memref<32x128xi32, #tpu.memory_space<vmem>>
        %dma_wait3A_90 = arith.constant 0 : i32
        %dma_wait3A_91 = tpu.memref_slice %arg4[%add3A_21, %dma_wait3A_90] : memref<2560x128xi32, #tpu.memory_space<hbm>> -> memref<32x128xi32, #tpu.memory_space<hbm>>
        tpu.wait_dma2 semaphore(%run_scoped3A : memref<!tpu.dma_semaphore, #tpu.memory_space<semaphore_mem>>) src(%dma_wait3A_91 : memref<32x128xi32, #tpu.memory_space<hbm>>) dst(%dma_wait3A_89 : memref<32x128xi32, #tpu.memory_space<vmem>>)
        tpu.yield
      }) : () -> ()
      %scan3A = arith.constant 0 : i32
      %scan3A_24 = arith.constant 0 : i32
      %scan3A_25 = arith.constant 16 : i32
      %scan3A_26 = arith.addi %scan3A_24, %scan3A_25 : i32
      %scan3A_27 = arith.constant 1 : i32
      %scan3A_28 = scf.for %scan3A_74 = %scan3A_24 to %scan3A_26 step %scan3A_27 iter_args(%scan3A_75 = %scan3A) -> (i32)  : i32 {
        %mul3A_76 = arith.constant 2 : i32
        %mul3A_77 = arith.muli %mul3A_76, %scan3A_74 : i32
        %add3A_78 = arith.constant 1 : i32
        %add3A_79 = arith.addi %mul3A_77, %add3A_78 : i32
        %mul3A_80 = arith.constant 128 : i32
        %mul3A_81 = arith.muli %mul3A_77, %mul3A_80 : i32
        %dma_start3A = tpu.memref_slice %arg7[%mul3A_81] : memref<4096xi32, #tpu.memory_space<vmem>> -> memref<128xi32, #tpu.memory_space<vmem>>
        %dma_start3A_82 = arith.constant 0 : i32
        %dma_start3A_83 = arith.constant 0 : i32
        %dma_start3A_84 = tpu.memref_slice %arg2[%dma_start3A_82, %dma_start3A_83] : memref<10240x128xf32, #tpu.memory_space<hbm>> -> memref<10240x128xf32, #tpu.memory_space<hbm>>
        tpu.enqueue_indirect_dma source(%dma_start3A_84 : memref<10240x128xf32, #tpu.memory_space<hbm>>) target(%arg9 : memref<128x128xf32, #tpu.memory_space<vmem>>) offsets(%dma_start3A : memref<128xi32, #tpu.memory_space<vmem>>) semaphore(%arg12 : memref<!tpu.dma_semaphore, #tpu.memory_space<semaphore_mem>>)
        %mul3A_85 = arith.constant 128 : i32
        %mul3A_86 = arith.muli %add3A_79, %mul3A_85 : i32
        %dma_start3A_87 = tpu.memref_slice %arg7[%mul3A_86] : memref<4096xi32, #tpu.memory_space<vmem>> -> memref<128xi32, #tpu.memory_space<vmem>>
        %dma_start3A_88 = arith.constant 0 : i32
        %dma_start3A_89 = arith.constant 0 : i32
        %dma_start3A_90 = tpu.memref_slice %arg2[%dma_start3A_88, %dma_start3A_89] : memref<10240x128xf32, #tpu.memory_space<hbm>> -> memref<10240x128xf32, #tpu.memory_space<hbm>>
        tpu.enqueue_indirect_dma source(%dma_start3A_90 : memref<10240x128xf32, #tpu.memory_space<hbm>>) target(%arg10 : memref<128x128xf32, #tpu.memory_space<vmem>>) offsets(%dma_start3A_87 : memref<128xi32, #tpu.memory_space<vmem>>) semaphore(%arg12 : memref<!tpu.dma_semaphore, #tpu.memory_space<semaphore_mem>>)
        %mul3A_91 = arith.constant 128 : i32
        %mul3A_92 = arith.muli %mul3A_77, %mul3A_91 : i32
        %dma_wait3A = tpu.memref_slice %arg7[%mul3A_92] : memref<4096xi32, #tpu.memory_space<vmem>> -> memref<128xi32, #tpu.memory_space<vmem>>
        %dma_wait3A_93 = arith.constant 0 : i32
        %dma_wait3A_94 = arith.constant 0 : i32
        %dma_wait3A_95 = tpu.memref_slice %arg2[%dma_wait3A_93, %dma_wait3A_94] : memref<10240x128xf32, #tpu.memory_space<hbm>> -> memref<10240x128xf32, #tpu.memory_space<hbm>>
        tpu.wait_indirect_dma semaphore(%arg12 : memref<!tpu.dma_semaphore, #tpu.memory_space<semaphore_mem>>) src(%dma_wait3A_95 : memref<10240x128xf32, #tpu.memory_space<hbm>>) dst(%arg9 : memref<128x128xf32, #tpu.memory_space<vmem>>)
        "tpu.region"() ({
          %run_scoped3A = tpu.sem_alloc : memref<!tpu.dma_semaphore, #tpu.memory_space<semaphore_mem>>
          %dma_start3A_103 = arith.constant 0 : i32
          %dma_start3A_104 = tpu.memref_slice %arg8[%mul3A_77, %dma_start3A_103] : memref<32x128xi32, #tpu.memory_space<vmem>> -> memref<1x128xi32, #tpu.memory_space<vmem>>
          %dma_start3A_105 = tpu.memref_squeeze %dma_start3A_104 : memref<1x128xi32, #tpu.memory_space<vmem>> -> memref<128xi32, #tpu.memory_space<vmem>>
          %dma_start3A_106 = arith.constant 0 : i32
          %dma_start3A_107 = arith.constant 0 : i32
          %dma_start3A_108 = tpu.memref_slice %arg11[%dma_start3A_106, %dma_start3A_107] : memref<10240x128xf32, #tpu.memory_space<vmem_shared>> -> memref<10240x128xf32, #tpu.memory_space<vmem_shared>>
          tpu.enqueue_indirect_dma source(%arg9 : memref<128x128xf32, #tpu.memory_space<vmem>>) target(%dma_start3A_108 : memref<10240x128xf32, #tpu.memory_space<vmem_shared>>) offsets(%dma_start3A_105 : memref<128xi32, #tpu.memory_space<vmem>>) semaphore(%run_scoped3A : memref<!tpu.dma_semaphore, #tpu.memory_space<semaphore_mem>>) {add = true}
          %dma_wait3A_109 = arith.constant 0 : i32
          %dma_wait3A_110 = tpu.memref_slice %arg8[%mul3A_77, %dma_wait3A_109] : memref<32x128xi32, #tpu.memory_space<vmem>> -> memref<1x128xi32, #tpu.memory_space<vmem>>
          %dma_wait3A_111 = tpu.memref_squeeze %dma_wait3A_110 : memref<1x128xi32, #tpu.memory_space<vmem>> -> memref<128xi32, #tpu.memory_space<vmem>>
          %dma_wait3A_112 = arith.constant 0 : i32
          %dma_wait3A_113 = arith.constant 0 : i32
          %dma_wait3A_114 = tpu.memref_slice %arg11[%dma_wait3A_112, %dma_wait3A_113] : memref<10240x128xf32, #tpu.memory_space<vmem_shared>> -> memref<10240x128xf32, #tpu.memory_space<vmem_shared>>
          tpu.wait_indirect_dma semaphore(%run_scoped3A : memref<!tpu.dma_semaphore, #tpu.memory_space<semaphore_mem>>) src(%arg9 : memref<128x128xf32, #tpu.memory_space<vmem>>) dst(%dma_wait3A_114 : memref<10240x128xf32, #tpu.memory_space<vmem_shared>>)
          tpu.yield
        }) : () -> ()
        %mul3A_96 = arith.constant 128 : i32
        %mul3A_97 = arith.muli %add3A_79, %mul3A_96 : i32
        %dma_wait3A_98 = tpu.memref_slice %arg7[%mul3A_97] : memref<4096xi32, #tpu.memory_space<vmem>> -> memref<128xi32, #tpu.memory_space<vmem>>
        %dma_wait3A_99 = arith.constant 0 : i32
        %dma_wait3A_100 = arith.constant 0 : i32
        %dma_wait3A_101 = tpu.memref_slice %arg2[%dma_wait3A_99, %dma_wait3A_100] : memref<10240x128xf32, #tpu.memory_space<hbm>> -> memref<10240x128xf32, #tpu.memory_space<hbm>>
        tpu.wait_indirect_dma semaphore(%arg12 : memref<!tpu.dma_semaphore, #tpu.memory_space<semaphore_mem>>) src(%dma_wait3A_101 : memref<10240x128xf32, #tpu.memory_space<hbm>>) dst(%arg10 : memref<128x128xf32, #tpu.memory_space<vmem>>)
        "tpu.region"() ({
          %run_scoped3A = tpu.sem_alloc : memref<!tpu.dma_semaphore, #tpu.memory_space<semaphore_mem>>
          %dma_start3A_103 = arith.constant 0 : i32
          %dma_start3A_104 = tpu.memref_slice %arg8[%add3A_79, %dma_start3A_103] : memref<32x128xi32, #tpu.memory_space<vmem>> -> memref<1x128xi32, #tpu.memory_space<vmem>>
          %dma_start3A_105 = tpu.memref_squeeze %dma_start3A_104 : memref<1x128xi32, #tpu.memory_space<vmem>> -> memref<128xi32, #tpu.memory_space<vmem>>
          %dma_start3A_106 = arith.constant 0 : i32
          %dma_start3A_107 = arith.constant 0 : i32
          %dma_start3A_108 = tpu.memref_slice %arg11[%dma_start3A_106, %dma_start3A_107] : memref<10240x128xf32, #tpu.memory_space<vmem_shared>> -> memref<10240x128xf32, #tpu.memory_space<vmem_shared>>
          tpu.enqueue_indirect_dma source(%arg10 : memref<128x128xf32, #tpu.memory_space<vmem>>) target(%dma_start3A_108 : memref<10240x128xf32, #tpu.memory_space<vmem_shared>>) offsets(%dma_start3A_105 : memref<128xi32, #tpu.memory_space<vmem>>) semaphore(%run_scoped3A : memref<!tpu.dma_semaphore, #tpu.memory_space<semaphore_mem>>) {add = true}
          %dma_wait3A_109 = arith.constant 0 : i32
          %dma_wait3A_110 = tpu.memref_slice %arg8[%add3A_79, %dma_wait3A_109] : memref<32x128xi32, #tpu.memory_space<vmem>> -> memref<1x128xi32, #tpu.memory_space<vmem>>
          %dma_wait3A_111 = tpu.memref_squeeze %dma_wait3A_110 : memref<1x128xi32, #tpu.memory_space<vmem>> -> memref<128xi32, #tpu.memory_space<vmem>>
          %dma_wait3A_112 = arith.constant 0 : i32
          %dma_wait3A_113 = arith.constant 0 : i32
          %dma_wait3A_114 = tpu.memref_slice %arg11[%dma_wait3A_112, %dma_wait3A_113] : memref<10240x128xf32, #tpu.memory_space<vmem_shared>> -> memref<10240x128xf32, #tpu.memory_space<vmem_shared>>
          tpu.wait_indirect_dma semaphore(%run_scoped3A : memref<!tpu.dma_semaphore, #tpu.memory_space<semaphore_mem>>) src(%arg10 : memref<128x128xf32, #tpu.memory_space<vmem>>) dst(%dma_wait3A_114 : memref<10240x128xf32, #tpu.memory_space<vmem_shared>>)
          tpu.yield
        }) : () -> ()
        %scan3A_102 = arith.constant 0 : i32
        scf.yield %scan3A_102 : i32
      }
      %scan3A_29 = arith.constant 16 : i32
      %add3A_30 = arith.constant 32 : i32
      %add3A_31 = arith.addi %mul3A_20, %add3A_30 : i32
      %mul3A_32 = arith.constant 128 : i32
      %mul3A_33 = arith.muli %add3A_31, %mul3A_32 : i32
      "tpu.region"() ({
        %run_scoped3A = tpu.sem_alloc : memref<!tpu.dma_semaphore, #tpu.memory_space<semaphore_mem>>
        %dma_start3A = arith.constant 0 : i32
        %dma_start3A_74 = tpu.memref_slice %arg7[%dma_start3A] : memref<4096xi32, #tpu.memory_space<vmem>> -> memref<4096xi32, #tpu.memory_space<vmem>>
        %dma_start3A_75 = tpu.memref_slice %arg3[%mul3A_33] : memref<327680xi32, #tpu.memory_space<hbm>> -> memref<4096xi32, #tpu.memory_space<hbm>>
        %dma_start3A_76 = arith.constant 0 : i32
        %dma_start3A_77 = tpu.memref_slice %arg7[%dma_start3A_76] : memref<4096xi32, #tpu.memory_space<vmem>> -> memref<4096xi32, #tpu.memory_space<vmem>>
        %dma_start3A_78 = tpu.memref_slice %arg3[%mul3A_33] : memref<327680xi32, #tpu.memory_space<hbm>> -> memref<4096xi32, #tpu.memory_space<hbm>>
        tpu.enqueue_dma source(%dma_start3A_78 : memref<4096xi32, #tpu.memory_space<hbm>>) target(%dma_start3A_77 : memref<4096xi32, #tpu.memory_space<vmem>>) target_semaphore(%run_scoped3A : memref<!tpu.dma_semaphore, #tpu.memory_space<semaphore_mem>>)
        %dma_wait3A = arith.constant 0 : i32
        %dma_wait3A_79 = tpu.memref_slice %arg7[%dma_wait3A] : memref<4096xi32, #tpu.memory_space<vmem>> -> memref<4096xi32, #tpu.memory_space<vmem>>
        %dma_wait3A_80 = tpu.memref_slice %arg3[%mul3A_33] : memref<327680xi32, #tpu.memory_space<hbm>> -> memref<4096xi32, #tpu.memory_space<hbm>>
        %dma_wait3A_81 = arith.constant 0 : i32
        %dma_wait3A_82 = tpu.memref_slice %arg7[%dma_wait3A_81] : memref<4096xi32, #tpu.memory_space<vmem>> -> memref<4096xi32, #tpu.memory_space<vmem>>
        %dma_wait3A_83 = tpu.memref_slice %arg3[%mul3A_33] : memref<327680xi32, #tpu.memory_space<hbm>> -> memref<4096xi32, #tpu.memory_space<hbm>>
        tpu.wait_dma2 semaphore(%run_scoped3A : memref<!tpu.dma_semaphore, #tpu.memory_space<semaphore_mem>>) src(%dma_wait3A_83 : memref<4096xi32, #tpu.memory_space<hbm>>) dst(%dma_wait3A_82 : memref<4096xi32, #tpu.memory_space<vmem>>)
        tpu.yield
      }) : () -> ()
      "tpu.region"() ({
        %run_scoped3A = tpu.sem_alloc : memref<!tpu.dma_semaphore, #tpu.memory_space<semaphore_mem>>
        %dma_start3A = arith.constant 0 : i32
        %dma_start3A_74 = arith.constant 0 : i32
        %dma_start3A_75 = tpu.memref_slice %arg8[%dma_start3A, %dma_start3A_74] : memref<32x128xi32, #tpu.memory_space<vmem>> -> memref<32x128xi32, #tpu.memory_space<vmem>>
        %dma_start3A_76 = arith.constant 0 : i32
        %dma_start3A_77 = tpu.memref_slice %arg4[%add3A_31, %dma_start3A_76] : memref<2560x128xi32, #tpu.memory_space<hbm>> -> memref<32x128xi32, #tpu.memory_space<hbm>>
        %dma_start3A_78 = arith.constant 0 : i32
        %dma_start3A_79 = arith.constant 0 : i32
        %dma_start3A_80 = tpu.memref_slice %arg8[%dma_start3A_78, %dma_start3A_79] : memref<32x128xi32, #tpu.memory_space<vmem>> -> memref<32x128xi32, #tpu.memory_space<vmem>>
        %dma_start3A_81 = arith.constant 0 : i32
        %dma_start3A_82 = tpu.memref_slice %arg4[%add3A_31, %dma_start3A_81] : memref<2560x128xi32, #tpu.memory_space<hbm>> -> memref<32x128xi32, #tpu.memory_space<hbm>>
        tpu.enqueue_dma source(%dma_start3A_82 : memref<32x128xi32, #tpu.memory_space<hbm>>) target(%dma_start3A_80 : memref<32x128xi32, #tpu.memory_space<vmem>>) target_semaphore(%run_scoped3A : memref<!tpu.dma_semaphore, #tpu.memory_space<semaphore_mem>>)
        %dma_wait3A = arith.constant 0 : i32
        %dma_wait3A_83 = arith.constant 0 : i32
        %dma_wait3A_84 = tpu.memref_slice %arg8[%dma_wait3A, %dma_wait3A_83] : memref<32x128xi32, #tpu.memory_space<vmem>> -> memref<32x128xi32, #tpu.memory_space<vmem>>
        %dma_wait3A_85 = arith.constant 0 : i32
        %dma_wait3A_86 = tpu.memref_slice %arg4[%add3A_31, %dma_wait3A_85] : memref<2560x128xi32, #tpu.memory_space<hbm>> -> memref<32x128xi32, #tpu.memory_space<hbm>>
        %dma_wait3A_87 = arith.constant 0 : i32
        %dma_wait3A_88 = arith.constant 0 : i32
        %dma_wait3A_89 = tpu.memref_slice %arg8[%dma_wait3A_87, %dma_wait3A_88] : memref<32x128xi32, #tpu.memory_space<vmem>> -> memref<32x128xi32, #tpu.memory_space<vmem>>
        %dma_wait3A_90 = arith.constant 0 : i32
        %dma_wait3A_91 = tpu.memref_slice %arg4[%add3A_31, %dma_wait3A_90] : memref<2560x128xi32, #tpu.memory_space<hbm>> -> memref<32x128xi32, #tpu.memory_space<hbm>>
        tpu.wait_dma2 semaphore(%run_scoped3A : memref<!tpu.dma_semaphore, #tpu.memory_space<semaphore_mem>>) src(%dma_wait3A_91 : memref<32x128xi32, #tpu.memory_space<hbm>>) dst(%dma_wait3A_89 : memref<32x128xi32, #tpu.memory_space<vmem>>)
        tpu.yield
      }) : () -> ()
      %scan3A_34 = arith.constant 0 : i32
      %scan3A_35 = arith.constant 0 : i32
      %scan3A_36 = arith.constant 16 : i32
      %scan3A_37 = arith.addi %scan3A_35, %scan3A_36 : i32
      %scan3A_38 = arith.constant 1 : i32
      %scan3A_39 = scf.for %scan3A_74 = %scan3A_35 to %scan3A_37 step %scan3A_38 iter_args(%scan3A_75 = %scan3A_34) -> (i32)  : i32 {
        %mul3A_76 = arith.constant 2 : i32
        %mul3A_77 = arith.muli %mul3A_76, %scan3A_74 : i32
        %add3A_78 = arith.constant 1 : i32
        %add3A_79 = arith.addi %mul3A_77, %add3A_78 : i32
        %mul3A_80 = arith.constant 128 : i32
        %mul3A_81 = arith.muli %mul3A_77, %mul3A_80 : i32
        %dma_start3A = tpu.memref_slice %arg7[%mul3A_81] : memref<4096xi32, #tpu.memory_space<vmem>> -> memref<128xi32, #tpu.memory_space<vmem>>
        %dma_start3A_82 = arith.constant 0 : i32
        %dma_start3A_83 = arith.constant 0 : i32
        %dma_start3A_84 = tpu.memref_slice %arg2[%dma_start3A_82, %dma_start3A_83] : memref<10240x128xf32, #tpu.memory_space<hbm>> -> memref<10240x128xf32, #tpu.memory_space<hbm>>
        tpu.enqueue_indirect_dma source(%dma_start3A_84 : memref<10240x128xf32, #tpu.memory_space<hbm>>) target(%arg9 : memref<128x128xf32, #tpu.memory_space<vmem>>) offsets(%dma_start3A : memref<128xi32, #tpu.memory_space<vmem>>) semaphore(%arg12 : memref<!tpu.dma_semaphore, #tpu.memory_space<semaphore_mem>>)
        %mul3A_85 = arith.constant 128 : i32
        %mul3A_86 = arith.muli %add3A_79, %mul3A_85 : i32
        %dma_start3A_87 = tpu.memref_slice %arg7[%mul3A_86] : memref<4096xi32, #tpu.memory_space<vmem>> -> memref<128xi32, #tpu.memory_space<vmem>>
        %dma_start3A_88 = arith.constant 0 : i32
        %dma_start3A_89 = arith.constant 0 : i32
        %dma_start3A_90 = tpu.memref_slice %arg2[%dma_start3A_88, %dma_start3A_89] : memref<10240x128xf32, #tpu.memory_space<hbm>> -> memref<10240x128xf32, #tpu.memory_space<hbm>>
        tpu.enqueue_indirect_dma source(%dma_start3A_90 : memref<10240x128xf32, #tpu.memory_space<hbm>>) target(%arg10 : memref<128x128xf32, #tpu.memory_space<vmem>>) offsets(%dma_start3A_87 : memref<128xi32, #tpu.memory_space<vmem>>) semaphore(%arg12 : memref<!tpu.dma_semaphore, #tpu.memory_space<semaphore_mem>>)
        %mul3A_91 = arith.constant 128 : i32
        %mul3A_92 = arith.muli %mul3A_77, %mul3A_91 : i32
        %dma_wait3A = tpu.memref_slice %arg7[%mul3A_92] : memref<4096xi32, #tpu.memory_space<vmem>> -> memref<128xi32, #tpu.memory_space<vmem>>
        %dma_wait3A_93 = arith.constant 0 : i32
        %dma_wait3A_94 = arith.constant 0 : i32
        %dma_wait3A_95 = tpu.memref_slice %arg2[%dma_wait3A_93, %dma_wait3A_94] : memref<10240x128xf32, #tpu.memory_space<hbm>> -> memref<10240x128xf32, #tpu.memory_space<hbm>>
        tpu.wait_indirect_dma semaphore(%arg12 : memref<!tpu.dma_semaphore, #tpu.memory_space<semaphore_mem>>) src(%dma_wait3A_95 : memref<10240x128xf32, #tpu.memory_space<hbm>>) dst(%arg9 : memref<128x128xf32, #tpu.memory_space<vmem>>)
        "tpu.region"() ({
          %run_scoped3A = tpu.sem_alloc : memref<!tpu.dma_semaphore, #tpu.memory_space<semaphore_mem>>
          %dma_start3A_103 = arith.constant 0 : i32
          %dma_start3A_104 = tpu.memref_slice %arg8[%mul3A_77, %dma_start3A_103] : memref<32x128xi32, #tpu.memory_space<vmem>> -> memref<1x128xi32, #tpu.memory_space<vmem>>
          %dma_start3A_105 = tpu.memref_squeeze %dma_start3A_104 : memref<1x128xi32, #tpu.memory_space<vmem>> -> memref<128xi32, #tpu.memory_space<vmem>>
          %dma_start3A_106 = arith.constant 0 : i32
          %dma_start3A_107 = arith.constant 0 : i32
          %dma_start3A_108 = tpu.memref_slice %arg11[%dma_start3A_106, %dma_start3A_107] : memref<10240x128xf32, #tpu.memory_space<vmem_shared>> -> memref<10240x128xf32, #tpu.memory_space<vmem_shared>>
          tpu.enqueue_indirect_dma source(%arg9 : memref<128x128xf32, #tpu.memory_space<vmem>>) target(%dma_start3A_108 : memref<10240x128xf32, #tpu.memory_space<vmem_shared>>) offsets(%dma_start3A_105 : memref<128xi32, #tpu.memory_space<vmem>>) semaphore(%run_scoped3A : memref<!tpu.dma_semaphore, #tpu.memory_space<semaphore_mem>>) {add = true}
          %dma_wait3A_109 = arith.constant 0 : i32
          %dma_wait3A_110 = tpu.memref_slice %arg8[%mul3A_77, %dma_wait3A_109] : memref<32x128xi32, #tpu.memory_space<vmem>> -> memref<1x128xi32, #tpu.memory_space<vmem>>
          %dma_wait3A_111 = tpu.memref_squeeze %dma_wait3A_110 : memref<1x128xi32, #tpu.memory_space<vmem>> -> memref<128xi32, #tpu.memory_space<vmem>>
          %dma_wait3A_112 = arith.constant 0 : i32
          %dma_wait3A_113 = arith.constant 0 : i32
          %dma_wait3A_114 = tpu.memref_slice %arg11[%dma_wait3A_112, %dma_wait3A_113] : memref<10240x128xf32, #tpu.memory_space<vmem_shared>> -> memref<10240x128xf32, #tpu.memory_space<vmem_shared>>
          tpu.wait_indirect_dma semaphore(%run_scoped3A : memref<!tpu.dma_semaphore, #tpu.memory_space<semaphore_mem>>) src(%arg9 : memref<128x128xf32, #tpu.memory_space<vmem>>) dst(%dma_wait3A_114 : memref<10240x128xf32, #tpu.memory_space<vmem_shared>>)
          tpu.yield
        }) : () -> ()
        %mul3A_96 = arith.constant 128 : i32
        %mul3A_97 = arith.muli %add3A_79, %mul3A_96 : i32
        %dma_wait3A_98 = tpu.memref_slice %arg7[%mul3A_97] : memref<4096xi32, #tpu.memory_space<vmem>> -> memref<128xi32, #tpu.memory_space<vmem>>
        %dma_wait3A_99 = arith.constant 0 : i32
        %dma_wait3A_100 = arith.constant 0 : i32
        %dma_wait3A_101 = tpu.memref_slice %arg2[%dma_wait3A_99, %dma_wait3A_100] : memref<10240x128xf32, #tpu.memory_space<hbm>> -> memref<10240x128xf32, #tpu.memory_space<hbm>>
        tpu.wait_indirect_dma semaphore(%arg12 : memref<!tpu.dma_semaphore, #tpu.memory_space<semaphore_mem>>) src(%dma_wait3A_101 : memref<10240x128xf32, #tpu.memory_space<hbm>>) dst(%arg10 : memref<128x128xf32, #tpu.memory_space<vmem>>)
        "tpu.region"() ({
          %run_scoped3A = tpu.sem_alloc : memref<!tpu.dma_semaphore, #tpu.memory_space<semaphore_mem>>
          %dma_start3A_103 = arith.constant 0 : i32
          %dma_start3A_104 = tpu.memref_slice %arg8[%add3A_79, %dma_start3A_103] : memref<32x128xi32, #tpu.memory_space<vmem>> -> memref<1x128xi32, #tpu.memory_space<vmem>>
          %dma_start3A_105 = tpu.memref_squeeze %dma_start3A_104 : memref<1x128xi32, #tpu.memory_space<vmem>> -> memref<128xi32, #tpu.memory_space<vmem>>
          %dma_start3A_106 = arith.constant 0 : i32
          %dma_start3A_107 = arith.constant 0 : i32
          %dma_start3A_108 = tpu.memref_slice %arg11[%dma_start3A_106, %dma_start3A_107] : memref<10240x128xf32, #tpu.memory_space<vmem_shared>> -> memref<10240x128xf32, #tpu.memory_space<vmem_shared>>
          tpu.enqueue_indirect_dma source(%arg10 : memref<128x128xf32, #tpu.memory_space<vmem>>) target(%dma_start3A_108 : memref<10240x128xf32, #tpu.memory_space<vmem_shared>>) offsets(%dma_start3A_105 : memref<128xi32, #tpu.memory_space<vmem>>) semaphore(%run_scoped3A : memref<!tpu.dma_semaphore, #tpu.memory_space<semaphore_mem>>) {add = true}
          %dma_wait3A_109 = arith.constant 0 : i32
          %dma_wait3A_110 = tpu.memref_slice %arg8[%add3A_79, %dma_wait3A_109] : memref<32x128xi32, #tpu.memory_space<vmem>> -> memref<1x128xi32, #tpu.memory_space<vmem>>
          %dma_wait3A_111 = tpu.memref_squeeze %dma_wait3A_110 : memref<1x128xi32, #tpu.memory_space<vmem>> -> memref<128xi32, #tpu.memory_space<vmem>>
          %dma_wait3A_112 = arith.constant 0 : i32
          %dma_wait3A_113 = arith.constant 0 : i32
          %dma_wait3A_114 = tpu.memref_slice %arg11[%dma_wait3A_112, %dma_wait3A_113] : memref<10240x128xf32, #tpu.memory_space<vmem_shared>> -> memref<10240x128xf32, #tpu.memory_space<vmem_shared>>
          tpu.wait_indirect_dma semaphore(%run_scoped3A : memref<!tpu.dma_semaphore, #tpu.memory_space<semaphore_mem>>) src(%arg10 : memref<128x128xf32, #tpu.memory_space<vmem>>) dst(%dma_wait3A_114 : memref<10240x128xf32, #tpu.memory_space<vmem_shared>>)
          tpu.yield
        }) : () -> ()
        %scan3A_102 = arith.constant 0 : i32
        scf.yield %scan3A_102 : i32
      }
      %scan3A_40 = arith.constant 16 : i32
      %add3A_41 = arith.constant 64 : i32
      %add3A_42 = arith.addi %mul3A_20, %add3A_41 : i32
      %mul3A_43 = arith.constant 128 : i32
      %mul3A_44 = arith.muli %add3A_42, %mul3A_43 : i32
      "tpu.region"() ({
        %run_scoped3A = tpu.sem_alloc : memref<!tpu.dma_semaphore, #tpu.memory_space<semaphore_mem>>
        %dma_start3A = arith.constant 0 : i32
        %dma_start3A_74 = tpu.memref_slice %arg7[%dma_start3A] : memref<4096xi32, #tpu.memory_space<vmem>> -> memref<4096xi32, #tpu.memory_space<vmem>>
        %dma_start3A_75 = tpu.memref_slice %arg3[%mul3A_44] : memref<327680xi32, #tpu.memory_space<hbm>> -> memref<4096xi32, #tpu.memory_space<hbm>>
        %dma_start3A_76 = arith.constant 0 : i32
        %dma_start3A_77 = tpu.memref_slice %arg7[%dma_start3A_76] : memref<4096xi32, #tpu.memory_space<vmem>> -> memref<4096xi32, #tpu.memory_space<vmem>>
        %dma_start3A_78 = tpu.memref_slice %arg3[%mul3A_44] : memref<327680xi32, #tpu.memory_space<hbm>> -> memref<4096xi32, #tpu.memory_space<hbm>>
        tpu.enqueue_dma source(%dma_start3A_78 : memref<4096xi32, #tpu.memory_space<hbm>>) target(%dma_start3A_77 : memref<4096xi32, #tpu.memory_space<vmem>>) target_semaphore(%run_scoped3A : memref<!tpu.dma_semaphore, #tpu.memory_space<semaphore_mem>>)
        %dma_wait3A = arith.constant 0 : i32
        %dma_wait3A_79 = tpu.memref_slice %arg7[%dma_wait3A] : memref<4096xi32, #tpu.memory_space<vmem>> -> memref<4096xi32, #tpu.memory_space<vmem>>
        %dma_wait3A_80 = tpu.memref_slice %arg3[%mul3A_44] : memref<327680xi32, #tpu.memory_space<hbm>> -> memref<4096xi32, #tpu.memory_space<hbm>>
        %dma_wait3A_81 = arith.constant 0 : i32
        %dma_wait3A_82 = tpu.memref_slice %arg7[%dma_wait3A_81] : memref<4096xi32, #tpu.memory_space<vmem>> -> memref<4096xi32, #tpu.memory_space<vmem>>
        %dma_wait3A_83 = tpu.memref_slice %arg3[%mul3A_44] : memref<327680xi32, #tpu.memory_space<hbm>> -> memref<4096xi32, #tpu.memory_space<hbm>>
        tpu.wait_dma2 semaphore(%run_scoped3A : memref<!tpu.dma_semaphore, #tpu.memory_space<semaphore_mem>>) src(%dma_wait3A_83 : memref<4096xi32, #tpu.memory_space<hbm>>) dst(%dma_wait3A_82 : memref<4096xi32, #tpu.memory_space<vmem>>)
        tpu.yield
      }) : () -> ()
      "tpu.region"() ({
        %run_scoped3A = tpu.sem_alloc : memref<!tpu.dma_semaphore, #tpu.memory_space<semaphore_mem>>
        %dma_start3A = arith.constant 0 : i32
        %dma_start3A_74 = arith.constant 0 : i32
        %dma_start3A_75 = tpu.memref_slice %arg8[%dma_start3A, %dma_start3A_74] : memref<32x128xi32, #tpu.memory_space<vmem>> -> memref<32x128xi32, #tpu.memory_space<vmem>>
        %dma_start3A_76 = arith.constant 0 : i32
        %dma_start3A_77 = tpu.memref_slice %arg4[%add3A_42, %dma_start3A_76] : memref<2560x128xi32, #tpu.memory_space<hbm>> -> memref<32x128xi32, #tpu.memory_space<hbm>>
        %dma_start3A_78 = arith.constant 0 : i32
        %dma_start3A_79 = arith.constant 0 : i32
        %dma_start3A_80 = tpu.memref_slice %arg8[%dma_start3A_78, %dma_start3A_79] : memref<32x128xi32, #tpu.memory_space<vmem>> -> memref<32x128xi32, #tpu.memory_space<vmem>>
        %dma_start3A_81 = arith.constant 0 : i32
        %dma_start3A_82 = tpu.memref_slice %arg4[%add3A_42, %dma_start3A_81] : memref<2560x128xi32, #tpu.memory_space<hbm>> -> memref<32x128xi32, #tpu.memory_space<hbm>>
        tpu.enqueue_dma source(%dma_start3A_82 : memref<32x128xi32, #tpu.memory_space<hbm>>) target(%dma_start3A_80 : memref<32x128xi32, #tpu.memory_space<vmem>>) target_semaphore(%run_scoped3A : memref<!tpu.dma_semaphore, #tpu.memory_space<semaphore_mem>>)
        %dma_wait3A = arith.constant 0 : i32
        %dma_wait3A_83 = arith.constant 0 : i32
        %dma_wait3A_84 = tpu.memref_slice %arg8[%dma_wait3A, %dma_wait3A_83] : memref<32x128xi32, #tpu.memory_space<vmem>> -> memref<32x128xi32, #tpu.memory_space<vmem>>
        %dma_wait3A_85 = arith.constant 0 : i32
        %dma_wait3A_86 = tpu.memref_slice %arg4[%add3A_42, %dma_wait3A_85] : memref<2560x128xi32, #tpu.memory_space<hbm>> -> memref<32x128xi32, #tpu.memory_space<hbm>>
        %dma_wait3A_87 = arith.constant 0 : i32
        %dma_wait3A_88 = arith.constant 0 : i32
        %dma_wait3A_89 = tpu.memref_slice %arg8[%dma_wait3A_87, %dma_wait3A_88] : memref<32x128xi32, #tpu.memory_space<vmem>> -> memref<32x128xi32, #tpu.memory_space<vmem>>
        %dma_wait3A_90 = arith.constant 0 : i32
        %dma_wait3A_91 = tpu.memref_slice %arg4[%add3A_42, %dma_wait3A_90] : memref<2560x128xi32, #tpu.memory_space<hbm>> -> memref<32x128xi32, #tpu.memory_space<hbm>>
        tpu.wait_dma2 semaphore(%run_scoped3A : memref<!tpu.dma_semaphore, #tpu.memory_space<semaphore_mem>>) src(%dma_wait3A_91 : memref<32x128xi32, #tpu.memory_space<hbm>>) dst(%dma_wait3A_89 : memref<32x128xi32, #tpu.memory_space<vmem>>)
        tpu.yield
      }) : () -> ()
      %scan3A_45 = arith.constant 0 : i32
      %scan3A_46 = arith.constant 0 : i32
      %scan3A_47 = arith.constant 16 : i32
      %scan3A_48 = arith.addi %scan3A_46, %scan3A_47 : i32
      %scan3A_49 = arith.constant 1 : i32
      %scan3A_50 = scf.for %scan3A_74 = %scan3A_46 to %scan3A_48 step %scan3A_49 iter_args(%scan3A_75 = %scan3A_45) -> (i32)  : i32 {
        %mul3A_76 = arith.constant 2 : i32
        %mul3A_77 = arith.muli %mul3A_76, %scan3A_74 : i32
        %add3A_78 = arith.constant 1 : i32
        %add3A_79 = arith.addi %mul3A_77, %add3A_78 : i32
        %mul3A_80 = arith.constant 128 : i32
        %mul3A_81 = arith.muli %mul3A_77, %mul3A_80 : i32
        %dma_start3A = tpu.memref_slice %arg7[%mul3A_81] : memref<4096xi32, #tpu.memory_space<vmem>> -> memref<128xi32, #tpu.memory_space<vmem>>
        %dma_start3A_82 = arith.constant 0 : i32
        %dma_start3A_83 = arith.constant 0 : i32
        %dma_start3A_84 = tpu.memref_slice %arg2[%dma_start3A_82, %dma_start3A_83] : memref<10240x128xf32, #tpu.memory_space<hbm>> -> memref<10240x128xf32, #tpu.memory_space<hbm>>
        tpu.enqueue_indirect_dma source(%dma_start3A_84 : memref<10240x128xf32, #tpu.memory_space<hbm>>) target(%arg9 : memref<128x128xf32, #tpu.memory_space<vmem>>) offsets(%dma_start3A : memref<128xi32, #tpu.memory_space<vmem>>) semaphore(%arg12 : memref<!tpu.dma_semaphore, #tpu.memory_space<semaphore_mem>>)
        %mul3A_85 = arith.constant 128 : i32
        %mul3A_86 = arith.muli %add3A_79, %mul3A_85 : i32
        %dma_start3A_87 = tpu.memref_slice %arg7[%mul3A_86] : memref<4096xi32, #tpu.memory_space<vmem>> -> memref<128xi32, #tpu.memory_space<vmem>>
        %dma_start3A_88 = arith.constant 0 : i32
        %dma_start3A_89 = arith.constant 0 : i32
        %dma_start3A_90 = tpu.memref_slice %arg2[%dma_start3A_88, %dma_start3A_89] : memref<10240x128xf32, #tpu.memory_space<hbm>> -> memref<10240x128xf32, #tpu.memory_space<hbm>>
        tpu.enqueue_indirect_dma source(%dma_start3A_90 : memref<10240x128xf32, #tpu.memory_space<hbm>>) target(%arg10 : memref<128x128xf32, #tpu.memory_space<vmem>>) offsets(%dma_start3A_87 : memref<128xi32, #tpu.memory_space<vmem>>) semaphore(%arg12 : memref<!tpu.dma_semaphore, #tpu.memory_space<semaphore_mem>>)
        %mul3A_91 = arith.constant 128 : i32
        %mul3A_92 = arith.muli %mul3A_77, %mul3A_91 : i32
        %dma_wait3A = tpu.memref_slice %arg7[%mul3A_92] : memref<4096xi32, #tpu.memory_space<vmem>> -> memref<128xi32, #tpu.memory_space<vmem>>
        %dma_wait3A_93 = arith.constant 0 : i32
        %dma_wait3A_94 = arith.constant 0 : i32
        %dma_wait3A_95 = tpu.memref_slice %arg2[%dma_wait3A_93, %dma_wait3A_94] : memref<10240x128xf32, #tpu.memory_space<hbm>> -> memref<10240x128xf32, #tpu.memory_space<hbm>>
        tpu.wait_indirect_dma semaphore(%arg12 : memref<!tpu.dma_semaphore, #tpu.memory_space<semaphore_mem>>) src(%dma_wait3A_95 : memref<10240x128xf32, #tpu.memory_space<hbm>>) dst(%arg9 : memref<128x128xf32, #tpu.memory_space<vmem>>)
        "tpu.region"() ({
          %run_scoped3A = tpu.sem_alloc : memref<!tpu.dma_semaphore, #tpu.memory_space<semaphore_mem>>
          %dma_start3A_103 = arith.constant 0 : i32
          %dma_start3A_104 = tpu.memref_slice %arg8[%mul3A_77, %dma_start3A_103] : memref<32x128xi32, #tpu.memory_space<vmem>> -> memref<1x128xi32, #tpu.memory_space<vmem>>
          %dma_start3A_105 = tpu.memref_squeeze %dma_start3A_104 : memref<1x128xi32, #tpu.memory_space<vmem>> -> memref<128xi32, #tpu.memory_space<vmem>>
          %dma_start3A_106 = arith.constant 0 : i32
          %dma_start3A_107 = arith.constant 0 : i32
          %dma_start3A_108 = tpu.memref_slice %arg11[%dma_start3A_106, %dma_start3A_107] : memref<10240x128xf32, #tpu.memory_space<vmem_shared>> -> memref<10240x128xf32, #tpu.memory_space<vmem_shared>>
          tpu.enqueue_indirect_dma source(%arg9 : memref<128x128xf32, #tpu.memory_space<vmem>>) target(%dma_start3A_108 : memref<10240x128xf32, #tpu.memory_space<vmem_shared>>) offsets(%dma_start3A_105 : memref<128xi32, #tpu.memory_space<vmem>>) semaphore(%run_scoped3A : memref<!tpu.dma_semaphore, #tpu.memory_space<semaphore_mem>>) {add = true}
          %dma_wait3A_109 = arith.constant 0 : i32
          %dma_wait3A_110 = tpu.memref_slice %arg8[%mul3A_77, %dma_wait3A_109] : memref<32x128xi32, #tpu.memory_space<vmem>> -> memref<1x128xi32, #tpu.memory_space<vmem>>
          %dma_wait3A_111 = tpu.memref_squeeze %dma_wait3A_110 : memref<1x128xi32, #tpu.memory_space<vmem>> -> memref<128xi32, #tpu.memory_space<vmem>>
          %dma_wait3A_112 = arith.constant 0 : i32
          %dma_wait3A_113 = arith.constant 0 : i32
          %dma_wait3A_114 = tpu.memref_slice %arg11[%dma_wait3A_112, %dma_wait3A_113] : memref<10240x128xf32, #tpu.memory_space<vmem_shared>> -> memref<10240x128xf32, #tpu.memory_space<vmem_shared>>
          tpu.wait_indirect_dma semaphore(%run_scoped3A : memref<!tpu.dma_semaphore, #tpu.memory_space<semaphore_mem>>) src(%arg9 : memref<128x128xf32, #tpu.memory_space<vmem>>) dst(%dma_wait3A_114 : memref<10240x128xf32, #tpu.memory_space<vmem_shared>>)
          tpu.yield
        }) : () -> ()
        %mul3A_96 = arith.constant 128 : i32
        %mul3A_97 = arith.muli %add3A_79, %mul3A_96 : i32
        %dma_wait3A_98 = tpu.memref_slice %arg7[%mul3A_97] : memref<4096xi32, #tpu.memory_space<vmem>> -> memref<128xi32, #tpu.memory_space<vmem>>
        %dma_wait3A_99 = arith.constant 0 : i32
        %dma_wait3A_100 = arith.constant 0 : i32
        %dma_wait3A_101 = tpu.memref_slice %arg2[%dma_wait3A_99, %dma_wait3A_100] : memref<10240x128xf32, #tpu.memory_space<hbm>> -> memref<10240x128xf32, #tpu.memory_space<hbm>>
        tpu.wait_indirect_dma semaphore(%arg12 : memref<!tpu.dma_semaphore, #tpu.memory_space<semaphore_mem>>) src(%dma_wait3A_101 : memref<10240x128xf32, #tpu.memory_space<hbm>>) dst(%arg10 : memref<128x128xf32, #tpu.memory_space<vmem>>)
        "tpu.region"() ({
          %run_scoped3A = tpu.sem_alloc : memref<!tpu.dma_semaphore, #tpu.memory_space<semaphore_mem>>
          %dma_start3A_103 = arith.constant 0 : i32
          %dma_start3A_104 = tpu.memref_slice %arg8[%add3A_79, %dma_start3A_103] : memref<32x128xi32, #tpu.memory_space<vmem>> -> memref<1x128xi32, #tpu.memory_space<vmem>>
          %dma_start3A_105 = tpu.memref_squeeze %dma_start3A_104 : memref<1x128xi32, #tpu.memory_space<vmem>> -> memref<128xi32, #tpu.memory_space<vmem>>
          %dma_start3A_106 = arith.constant 0 : i32
          %dma_start3A_107 = arith.constant 0 : i32
          %dma_start3A_108 = tpu.memref_slice %arg11[%dma_start3A_106, %dma_start3A_107] : memref<10240x128xf32, #tpu.memory_space<vmem_shared>> -> memref<10240x128xf32, #tpu.memory_space<vmem_shared>>
          tpu.enqueue_indirect_dma source(%arg10 : memref<128x128xf32, #tpu.memory_space<vmem>>) target(%dma_start3A_108 : memref<10240x128xf32, #tpu.memory_space<vmem_shared>>) offsets(%dma_start3A_105 : memref<128xi32, #tpu.memory_space<vmem>>) semaphore(%run_scoped3A : memref<!tpu.dma_semaphore, #tpu.memory_space<semaphore_mem>>) {add = true}
          %dma_wait3A_109 = arith.constant 0 : i32
          %dma_wait3A_110 = tpu.memref_slice %arg8[%add3A_79, %dma_wait3A_109] : memref<32x128xi32, #tpu.memory_space<vmem>> -> memref<1x128xi32, #tpu.memory_space<vmem>>
          %dma_wait3A_111 = tpu.memref_squeeze %dma_wait3A_110 : memref<1x128xi32, #tpu.memory_space<vmem>> -> memref<128xi32, #tpu.memory_space<vmem>>
          %dma_wait3A_112 = arith.constant 0 : i32
          %dma_wait3A_113 = arith.constant 0 : i32
          %dma_wait3A_114 = tpu.memref_slice %arg11[%dma_wait3A_112, %dma_wait3A_113] : memref<10240x128xf32, #tpu.memory_space<vmem_shared>> -> memref<10240x128xf32, #tpu.memory_space<vmem_shared>>
          tpu.wait_indirect_dma semaphore(%run_scoped3A : memref<!tpu.dma_semaphore, #tpu.memory_space<semaphore_mem>>) src(%arg10 : memref<128x128xf32, #tpu.memory_space<vmem>>) dst(%dma_wait3A_114 : memref<10240x128xf32, #tpu.memory_space<vmem_shared>>)
          tpu.yield
        }) : () -> ()
        %scan3A_102 = arith.constant 0 : i32
        scf.yield %scan3A_102 : i32
      }
      %scan3A_51 = arith.constant 16 : i32
      %add3A_52 = arith.constant 96 : i32
      %add3A_53 = arith.addi %mul3A_20, %add3A_52 : i32
      %mul3A_54 = arith.constant 128 : i32
      %mul3A_55 = arith.muli %add3A_53, %mul3A_54 : i32
      "tpu.region"() ({
        %run_scoped3A = tpu.sem_alloc : memref<!tpu.dma_semaphore, #tpu.memory_space<semaphore_mem>>
        %dma_start3A = arith.constant 0 : i32
        %dma_start3A_74 = tpu.memref_slice %arg7[%dma_start3A] : memref<4096xi32, #tpu.memory_space<vmem>> -> memref<4096xi32, #tpu.memory_space<vmem>>
        %dma_start3A_75 = tpu.memref_slice %arg3[%mul3A_55] : memref<327680xi32, #tpu.memory_space<hbm>> -> memref<4096xi32, #tpu.memory_space<hbm>>
        %dma_start3A_76 = arith.constant 0 : i32
        %dma_start3A_77 = tpu.memref_slice %arg7[%dma_start3A_76] : memref<4096xi32, #tpu.memory_space<vmem>> -> memref<4096xi32, #tpu.memory_space<vmem>>
        %dma_start3A_78 = tpu.memref_slice %arg3[%mul3A_55] : memref<327680xi32, #tpu.memory_space<hbm>> -> memref<4096xi32, #tpu.memory_space<hbm>>
        tpu.enqueue_dma source(%dma_start3A_78 : memref<4096xi32, #tpu.memory_space<hbm>>) target(%dma_start3A_77 : memref<4096xi32, #tpu.memory_space<vmem>>) target_semaphore(%run_scoped3A : memref<!tpu.dma_semaphore, #tpu.memory_space<semaphore_mem>>)
        %dma_wait3A = arith.constant 0 : i32
        %dma_wait3A_79 = tpu.memref_slice %arg7[%dma_wait3A] : memref<4096xi32, #tpu.memory_space<vmem>> -> memref<4096xi32, #tpu.memory_space<vmem>>
        %dma_wait3A_80 = tpu.memref_slice %arg3[%mul3A_55] : memref<327680xi32, #tpu.memory_space<hbm>> -> memref<4096xi32, #tpu.memory_space<hbm>>
        %dma_wait3A_81 = arith.constant 0 : i32
        %dma_wait3A_82 = tpu.memref_slice %arg7[%dma_wait3A_81] : memref<4096xi32, #tpu.memory_space<vmem>> -> memref<4096xi32, #tpu.memory_space<vmem>>
        %dma_wait3A_83 = tpu.memref_slice %arg3[%mul3A_55] : memref<327680xi32, #tpu.memory_space<hbm>> -> memref<4096xi32, #tpu.memory_space<hbm>>
        tpu.wait_dma2 semaphore(%run_scoped3A : memref<!tpu.dma_semaphore, #tpu.memory_space<semaphore_mem>>) src(%dma_wait3A_83 : memref<4096xi32, #tpu.memory_space<hbm>>) dst(%dma_wait3A_82 : memref<4096xi32, #tpu.memory_space<vmem>>)
        tpu.yield
      }) : () -> ()
      "tpu.region"() ({
        %run_scoped3A = tpu.sem_alloc : memref<!tpu.dma_semaphore, #tpu.memory_space<semaphore_mem>>
        %dma_start3A = arith.constant 0 : i32
        %dma_start3A_74 = arith.constant 0 : i32
        %dma_start3A_75 = tpu.memref_slice %arg8[%dma_start3A, %dma_start3A_74] : memref<32x128xi32, #tpu.memory_space<vmem>> -> memref<32x128xi32, #tpu.memory_space<vmem>>
        %dma_start3A_76 = arith.constant 0 : i32
        %dma_start3A_77 = tpu.memref_slice %arg4[%add3A_53, %dma_start3A_76] : memref<2560x128xi32, #tpu.memory_space<hbm>> -> memref<32x128xi32, #tpu.memory_space<hbm>>
        %dma_start3A_78 = arith.constant 0 : i32
        %dma_start3A_79 = arith.constant 0 : i32
        %dma_start3A_80 = tpu.memref_slice %arg8[%dma_start3A_78, %dma_start3A_79] : memref<32x128xi32, #tpu.memory_space<vmem>> -> memref<32x128xi32, #tpu.memory_space<vmem>>
        %dma_start3A_81 = arith.constant 0 : i32
        %dma_start3A_82 = tpu.memref_slice %arg4[%add3A_53, %dma_start3A_81] : memref<2560x128xi32, #tpu.memory_space<hbm>> -> memref<32x128xi32, #tpu.memory_space<hbm>>
        tpu.enqueue_dma source(%dma_start3A_82 : memref<32x128xi32, #tpu.memory_space<hbm>>) target(%dma_start3A_80 : memref<32x128xi32, #tpu.memory_space<vmem>>) target_semaphore(%run_scoped3A : memref<!tpu.dma_semaphore, #tpu.memory_space<semaphore_mem>>)
        %dma_wait3A = arith.constant 0 : i32
        %dma_wait3A_83 = arith.constant 0 : i32
        %dma_wait3A_84 = tpu.memref_slice %arg8[%dma_wait3A, %dma_wait3A_83] : memref<32x128xi32, #tpu.memory_space<vmem>> -> memref<32x128xi32, #tpu.memory_space<vmem>>
        %dma_wait3A_85 = arith.constant 0 : i32
        %dma_wait3A_86 = tpu.memref_slice %arg4[%add3A_53, %dma_wait3A_85] : memref<2560x128xi32, #tpu.memory_space<hbm>> -> memref<32x128xi32, #tpu.memory_space<hbm>>
        %dma_wait3A_87 = arith.constant 0 : i32
        %dma_wait3A_88 = arith.constant 0 : i32
        %dma_wait3A_89 = tpu.memref_slice %arg8[%dma_wait3A_87, %dma_wait3A_88] : memref<32x128xi32, #tpu.memory_space<vmem>> -> memref<32x128xi32, #tpu.memory_space<vmem>>
        %dma_wait3A_90 = arith.constant 0 : i32
        %dma_wait3A_91 = tpu.memref_slice %arg4[%add3A_53, %dma_wait3A_90] : memref<2560x128xi32, #tpu.memory_space<hbm>> -> memref<32x128xi32, #tpu.memory_space<hbm>>
        tpu.wait_dma2 semaphore(%run_scoped3A : memref<!tpu.dma_semaphore, #tpu.memory_space<semaphore_mem>>) src(%dma_wait3A_91 : memref<32x128xi32, #tpu.memory_space<hbm>>) dst(%dma_wait3A_89 : memref<32x128xi32, #tpu.memory_space<vmem>>)
        tpu.yield
      }) : () -> ()
      %scan3A_56 = arith.constant 0 : i32
      %scan3A_57 = arith.constant 0 : i32
      %scan3A_58 = arith.constant 16 : i32
      %scan3A_59 = arith.addi %scan3A_57, %scan3A_58 : i32
      %scan3A_60 = arith.constant 1 : i32
      %scan3A_61 = scf.for %scan3A_74 = %scan3A_57 to %scan3A_59 step %scan3A_60 iter_args(%scan3A_75 = %scan3A_56) -> (i32)  : i32 {
        %mul3A_76 = arith.constant 2 : i32
        %mul3A_77 = arith.muli %mul3A_76, %scan3A_74 : i32
        %add3A_78 = arith.constant 1 : i32
        %add3A_79 = arith.addi %mul3A_77, %add3A_78 : i32
        %mul3A_80 = arith.constant 128 : i32
        %mul3A_81 = arith.muli %mul3A_77, %mul3A_80 : i32
        %dma_start3A = tpu.memref_slice %arg7[%mul3A_81] : memref<4096xi32, #tpu.memory_space<vmem>> -> memref<128xi32, #tpu.memory_space<vmem>>
        %dma_start3A_82 = arith.constant 0 : i32
        %dma_start3A_83 = arith.constant 0 : i32
        %dma_start3A_84 = tpu.memref_slice %arg2[%dma_start3A_82, %dma_start3A_83] : memref<10240x128xf32, #tpu.memory_space<hbm>> -> memref<10240x128xf32, #tpu.memory_space<hbm>>
        tpu.enqueue_indirect_dma source(%dma_start3A_84 : memref<10240x128xf32, #tpu.memory_space<hbm>>) target(%arg9 : memref<128x128xf32, #tpu.memory_space<vmem>>) offsets(%dma_start3A : memref<128xi32, #tpu.memory_space<vmem>>) semaphore(%arg12 : memref<!tpu.dma_semaphore, #tpu.memory_space<semaphore_mem>>)
        %mul3A_85 = arith.constant 128 : i32
        %mul3A_86 = arith.muli %add3A_79, %mul3A_85 : i32
        %dma_start3A_87 = tpu.memref_slice %arg7[%mul3A_86] : memref<4096xi32, #tpu.memory_space<vmem>> -> memref<128xi32, #tpu.memory_space<vmem>>
        %dma_start3A_88 = arith.constant 0 : i32
        %dma_start3A_89 = arith.constant 0 : i32
        %dma_start3A_90 = tpu.memref_slice %arg2[%dma_start3A_88, %dma_start3A_89] : memref<10240x128xf32, #tpu.memory_space<hbm>> -> memref<10240x128xf32, #tpu.memory_space<hbm>>
        tpu.enqueue_indirect_dma source(%dma_start3A_90 : memref<10240x128xf32, #tpu.memory_space<hbm>>) target(%arg10 : memref<128x128xf32, #tpu.memory_space<vmem>>) offsets(%dma_start3A_87 : memref<128xi32, #tpu.memory_space<vmem>>) semaphore(%arg12 : memref<!tpu.dma_semaphore, #tpu.memory_space<semaphore_mem>>)
        %mul3A_91 = arith.constant 128 : i32
        %mul3A_92 = arith.muli %mul3A_77, %mul3A_91 : i32
        %dma_wait3A = tpu.memref_slice %arg7[%mul3A_92] : memref<4096xi32, #tpu.memory_space<vmem>> -> memref<128xi32, #tpu.memory_space<vmem>>
        %dma_wait3A_93 = arith.constant 0 : i32
        %dma_wait3A_94 = arith.constant 0 : i32
        %dma_wait3A_95 = tpu.memref_slice %arg2[%dma_wait3A_93, %dma_wait3A_94] : memref<10240x128xf32, #tpu.memory_space<hbm>> -> memref<10240x128xf32, #tpu.memory_space<hbm>>
        tpu.wait_indirect_dma semaphore(%arg12 : memref<!tpu.dma_semaphore, #tpu.memory_space<semaphore_mem>>) src(%dma_wait3A_95 : memref<10240x128xf32, #tpu.memory_space<hbm>>) dst(%arg9 : memref<128x128xf32, #tpu.memory_space<vmem>>)
        "tpu.region"() ({
          %run_scoped3A = tpu.sem_alloc : memref<!tpu.dma_semaphore, #tpu.memory_space<semaphore_mem>>
          %dma_start3A_103 = arith.constant 0 : i32
          %dma_start3A_104 = tpu.memref_slice %arg8[%mul3A_77, %dma_start3A_103] : memref<32x128xi32, #tpu.memory_space<vmem>> -> memref<1x128xi32, #tpu.memory_space<vmem>>
          %dma_start3A_105 = tpu.memref_squeeze %dma_start3A_104 : memref<1x128xi32, #tpu.memory_space<vmem>> -> memref<128xi32, #tpu.memory_space<vmem>>
          %dma_start3A_106 = arith.constant 0 : i32
          %dma_start3A_107 = arith.constant 0 : i32
          %dma_start3A_108 = tpu.memref_slice %arg11[%dma_start3A_106, %dma_start3A_107] : memref<10240x128xf32, #tpu.memory_space<vmem_shared>> -> memref<10240x128xf32, #tpu.memory_space<vmem_shared>>
          tpu.enqueue_indirect_dma source(%arg9 : memref<128x128xf32, #tpu.memory_space<vmem>>) target(%dma_start3A_108 : memref<10240x128xf32, #tpu.memory_space<vmem_shared>>) offsets(%dma_start3A_105 : memref<128xi32, #tpu.memory_space<vmem>>) semaphore(%run_scoped3A : memref<!tpu.dma_semaphore, #tpu.memory_space<semaphore_mem>>) {add = true}
          %dma_wait3A_109 = arith.constant 0 : i32
          %dma_wait3A_110 = tpu.memref_slice %arg8[%mul3A_77, %dma_wait3A_109] : memref<32x128xi32, #tpu.memory_space<vmem>> -> memref<1x128xi32, #tpu.memory_space<vmem>>
          %dma_wait3A_111 = tpu.memref_squeeze %dma_wait3A_110 : memref<1x128xi32, #tpu.memory_space<vmem>> -> memref<128xi32, #tpu.memory_space<vmem>>
          %dma_wait3A_112 = arith.constant 0 : i32
          %dma_wait3A_113 = arith.constant 0 : i32
          %dma_wait3A_114 = tpu.memref_slice %arg11[%dma_wait3A_112, %dma_wait3A_113] : memref<10240x128xf32, #tpu.memory_space<vmem_shared>> -> memref<10240x128xf32, #tpu.memory_space<vmem_shared>>
          tpu.wait_indirect_dma semaphore(%run_scoped3A : memref<!tpu.dma_semaphore, #tpu.memory_space<semaphore_mem>>) src(%arg9 : memref<128x128xf32, #tpu.memory_space<vmem>>) dst(%dma_wait3A_114 : memref<10240x128xf32, #tpu.memory_space<vmem_shared>>)
          tpu.yield
        }) : () -> ()
        %mul3A_96 = arith.constant 128 : i32
        %mul3A_97 = arith.muli %add3A_79, %mul3A_96 : i32
        %dma_wait3A_98 = tpu.memref_slice %arg7[%mul3A_97] : memref<4096xi32, #tpu.memory_space<vmem>> -> memref<128xi32, #tpu.memory_space<vmem>>
        %dma_wait3A_99 = arith.constant 0 : i32
        %dma_wait3A_100 = arith.constant 0 : i32
        %dma_wait3A_101 = tpu.memref_slice %arg2[%dma_wait3A_99, %dma_wait3A_100] : memref<10240x128xf32, #tpu.memory_space<hbm>> -> memref<10240x128xf32, #tpu.memory_space<hbm>>
        tpu.wait_indirect_dma semaphore(%arg12 : memref<!tpu.dma_semaphore, #tpu.memory_space<semaphore_mem>>) src(%dma_wait3A_101 : memref<10240x128xf32, #tpu.memory_space<hbm>>) dst(%arg10 : memref<128x128xf32, #tpu.memory_space<vmem>>)
        "tpu.region"() ({
          %run_scoped3A = tpu.sem_alloc : memref<!tpu.dma_semaphore, #tpu.memory_space<semaphore_mem>>
          %dma_start3A_103 = arith.constant 0 : i32
          %dma_start3A_104 = tpu.memref_slice %arg8[%add3A_79, %dma_start3A_103] : memref<32x128xi32, #tpu.memory_space<vmem>> -> memref<1x128xi32, #tpu.memory_space<vmem>>
          %dma_start3A_105 = tpu.memref_squeeze %dma_start3A_104 : memref<1x128xi32, #tpu.memory_space<vmem>> -> memref<128xi32, #tpu.memory_space<vmem>>
          %dma_start3A_106 = arith.constant 0 : i32
          %dma_start3A_107 = arith.constant 0 : i32
          %dma_start3A_108 = tpu.memref_slice %arg11[%dma_start3A_106, %dma_start3A_107] : memref<10240x128xf32, #tpu.memory_space<vmem_shared>> -> memref<10240x128xf32, #tpu.memory_space<vmem_shared>>
          tpu.enqueue_indirect_dma source(%arg10 : memref<128x128xf32, #tpu.memory_space<vmem>>) target(%dma_start3A_108 : memref<10240x128xf32, #tpu.memory_space<vmem_shared>>) offsets(%dma_start3A_105 : memref<128xi32, #tpu.memory_space<vmem>>) semaphore(%run_scoped3A : memref<!tpu.dma_semaphore, #tpu.memory_space<semaphore_mem>>) {add = true}
          %dma_wait3A_109 = arith.constant 0 : i32
          %dma_wait3A_110 = tpu.memref_slice %arg8[%add3A_79, %dma_wait3A_109] : memref<32x128xi32, #tpu.memory_space<vmem>> -> memref<1x128xi32, #tpu.memory_space<vmem>>
          %dma_wait3A_111 = tpu.memref_squeeze %dma_wait3A_110 : memref<1x128xi32, #tpu.memory_space<vmem>> -> memref<128xi32, #tpu.memory_space<vmem>>
          %dma_wait3A_112 = arith.constant 0 : i32
          %dma_wait3A_113 = arith.constant 0 : i32
          %dma_wait3A_114 = tpu.memref_slice %arg11[%dma_wait3A_112, %dma_wait3A_113] : memref<10240x128xf32, #tpu.memory_space<vmem_shared>> -> memref<10240x128xf32, #tpu.memory_space<vmem_shared>>
          tpu.wait_indirect_dma semaphore(%run_scoped3A : memref<!tpu.dma_semaphore, #tpu.memory_space<semaphore_mem>>) src(%arg10 : memref<128x128xf32, #tpu.memory_space<vmem>>) dst(%dma_wait3A_114 : memref<10240x128xf32, #tpu.memory_space<vmem_shared>>)
          tpu.yield
        }) : () -> ()
        %scan3A_102 = arith.constant 0 : i32
        scf.yield %scan3A_102 : i32
      }
      %scan3A_62 = arith.constant 16 : i32
      %add3A_63 = arith.constant 128 : i32
      %add3A_64 = arith.addi %mul3A_20, %add3A_63 : i32
      %mul3A_65 = arith.constant 128 : i32
      %mul3A_66 = arith.muli %add3A_64, %mul3A_65 : i32
      "tpu.region"() ({
        %run_scoped3A = tpu.sem_alloc : memref<!tpu.dma_semaphore, #tpu.memory_space<semaphore_mem>>
        %dma_start3A = arith.constant 0 : i32
        %dma_start3A_74 = tpu.memref_slice %arg7[%dma_start3A] : memref<4096xi32, #tpu.memory_space<vmem>> -> memref<3072xi32, #tpu.memory_space<vmem>>
        %dma_start3A_75 = tpu.memref_slice %arg3[%mul3A_66] : memref<327680xi32, #tpu.memory_space<hbm>> -> memref<3072xi32, #tpu.memory_space<hbm>>
        %dma_start3A_76 = arith.constant 0 : i32
        %dma_start3A_77 = tpu.memref_slice %arg7[%dma_start3A_76] : memref<4096xi32, #tpu.memory_space<vmem>> -> memref<3072xi32, #tpu.memory_space<vmem>>
        %dma_start3A_78 = tpu.memref_slice %arg3[%mul3A_66] : memref<327680xi32, #tpu.memory_space<hbm>> -> memref<3072xi32, #tpu.memory_space<hbm>>
        tpu.enqueue_dma source(%dma_start3A_78 : memref<3072xi32, #tpu.memory_space<hbm>>) target(%dma_start3A_77 : memref<3072xi32, #tpu.memory_space<vmem>>) target_semaphore(%run_scoped3A : memref<!tpu.dma_semaphore, #tpu.memory_space<semaphore_mem>>)
        %dma_wait3A = arith.constant 0 : i32
        %dma_wait3A_79 = tpu.memref_slice %arg7[%dma_wait3A] : memref<4096xi32, #tpu.memory_space<vmem>> -> memref<3072xi32, #tpu.memory_space<vmem>>
        %dma_wait3A_80 = tpu.memref_slice %arg3[%mul3A_66] : memref<327680xi32, #tpu.memory_space<hbm>> -> memref<3072xi32, #tpu.memory_space<hbm>>
        %dma_wait3A_81 = arith.constant 0 : i32
        %dma_wait3A_82 = tpu.memref_slice %arg7[%dma_wait3A_81] : memref<4096xi32, #tpu.memory_space<vmem>> -> memref<3072xi32, #tpu.memory_space<vmem>>
        %dma_wait3A_83 = tpu.memref_slice %arg3[%mul3A_66] : memref<327680xi32, #tpu.memory_space<hbm>> -> memref<3072xi32, #tpu.memory_space<hbm>>
        tpu.wait_dma2 semaphore(%run_scoped3A : memref<!tpu.dma_semaphore, #tpu.memory_space<semaphore_mem>>) src(%dma_wait3A_83 : memref<3072xi32, #tpu.memory_space<hbm>>) dst(%dma_wait3A_82 : memref<3072xi32, #tpu.memory_space<vmem>>)
        tpu.yield
      }) : () -> ()
      "tpu.region"() ({
        %run_scoped3A = tpu.sem_alloc : memref<!tpu.dma_semaphore, #tpu.memory_space<semaphore_mem>>
        %dma_start3A = arith.constant 0 : i32
        %dma_start3A_74 = arith.constant 0 : i32
        %dma_start3A_75 = tpu.memref_slice %arg8[%dma_start3A, %dma_start3A_74] : memref<32x128xi32, #tpu.memory_space<vmem>> -> memref<24x128xi32, #tpu.memory_space<vmem>>
        %dma_start3A_76 = arith.constant 0 : i32
        %dma_start3A_77 = tpu.memref_slice %arg4[%add3A_64, %dma_start3A_76] : memref<2560x128xi32, #tpu.memory_space<hbm>> -> memref<24x128xi32, #tpu.memory_space<hbm>>
        %dma_start3A_78 = arith.constant 0 : i32
        %dma_start3A_79 = arith.constant 0 : i32
        %dma_start3A_80 = tpu.memref_slice %arg8[%dma_start3A_78, %dma_start3A_79] : memref<32x128xi32, #tpu.memory_space<vmem>> -> memref<24x128xi32, #tpu.memory_space<vmem>>
        %dma_start3A_81 = arith.constant 0 : i32
        %dma_start3A_82 = tpu.memref_slice %arg4[%add3A_64, %dma_start3A_81] : memref<2560x128xi32, #tpu.memory_space<hbm>> -> memref<24x128xi32, #tpu.memory_space<hbm>>
        tpu.enqueue_dma source(%dma_start3A_82 : memref<24x128xi32, #tpu.memory_space<hbm>>) target(%dma_start3A_80 : memref<24x128xi32, #tpu.memory_space<vmem>>) target_semaphore(%run_scoped3A : memref<!tpu.dma_semaphore, #tpu.memory_space<semaphore_mem>>)
        %dma_wait3A = arith.constant 0 : i32
        %dma_wait3A_83 = arith.constant 0 : i32
        %dma_wait3A_84 = tpu.memref_slice %arg8[%dma_wait3A, %dma_wait3A_83] : memref<32x128xi32, #tpu.memory_space<vmem>> -> memref<24x128xi32, #tpu.memory_space<vmem>>
        %dma_wait3A_85 = arith.constant 0 : i32
        %dma_wait3A_86 = tpu.memref_slice %arg4[%add3A_64, %dma_wait3A_85] : memref<2560x128xi32, #tpu.memory_space<hbm>> -> memref<24x128xi32, #tpu.memory_space<hbm>>
        %dma_wait3A_87 = arith.constant 0 : i32
        %dma_wait3A_88 = arith.constant 0 : i32
        %dma_wait3A_89 = tpu.memref_slice %arg8[%dma_wait3A_87, %dma_wait3A_88] : memref<32x128xi32, #tpu.memory_space<vmem>> -> memref<24x128xi32, #tpu.memory_space<vmem>>
        %dma_wait3A_90 = arith.constant 0 : i32
        %dma_wait3A_91 = tpu.memref_slice %arg4[%add3A_64, %dma_wait3A_90] : memref<2560x128xi32, #tpu.memory_space<hbm>> -> memref<24x128xi32, #tpu.memory_space<hbm>>
        tpu.wait_dma2 semaphore(%run_scoped3A : memref<!tpu.dma_semaphore, #tpu.memory_space<semaphore_mem>>) src(%dma_wait3A_91 : memref<24x128xi32, #tpu.memory_space<hbm>>) dst(%dma_wait3A_89 : memref<24x128xi32, #tpu.memory_space<vmem>>)
        tpu.yield
      }) : () -> ()
      %scan3A_67 = arith.constant 0 : i32
      %scan3A_68 = arith.constant 0 : i32
      %scan3A_69 = arith.constant 12 : i32
      %scan3A_70 = arith.addi %scan3A_68, %scan3A_69 : i32
      %scan3A_71 = arith.constant 1 : i32
      %scan3A_72 = scf.for %scan3A_74 = %scan3A_68 to %scan3A_70 step %scan3A_71 iter_args(%scan3A_75 = %scan3A_67) -> (i32)  : i32 {
        %mul3A_76 = arith.constant 2 : i32
        %mul3A_77 = arith.muli %mul3A_76, %scan3A_74 : i32
        %add3A_78 = arith.constant 1 : i32
        %add3A_79 = arith.addi %mul3A_77, %add3A_78 : i32
        %mul3A_80 = arith.constant 128 : i32
        %mul3A_81 = arith.muli %mul3A_77, %mul3A_80 : i32
        %dma_start3A = tpu.memref_slice %arg7[%mul3A_81] : memref<4096xi32, #tpu.memory_space<vmem>> -> memref<128xi32, #tpu.memory_space<vmem>>
        %dma_start3A_82 = arith.constant 0 : i32
        %dma_start3A_83 = arith.constant 0 : i32
        %dma_start3A_84 = tpu.memref_slice %arg2[%dma_start3A_82, %dma_start3A_83] : memref<10240x128xf32, #tpu.memory_space<hbm>> -> memref<10240x128xf32, #tpu.memory_space<hbm>>
        tpu.enqueue_indirect_dma source(%dma_start3A_84 : memref<10240x128xf32, #tpu.memory_space<hbm>>) target(%arg9 : memref<128x128xf32, #tpu.memory_space<vmem>>) offsets(%dma_start3A : memref<128xi32, #tpu.memory_space<vmem>>) semaphore(%arg12 : memref<!tpu.dma_semaphore, #tpu.memory_space<semaphore_mem>>)
        %mul3A_85 = arith.constant 128 : i32
        %mul3A_86 = arith.muli %add3A_79, %mul3A_85 : i32
        %dma_start3A_87 = tpu.memref_slice %arg7[%mul3A_86] : memref<4096xi32, #tpu.memory_space<vmem>> -> memref<128xi32, #tpu.memory_space<vmem>>
        %dma_start3A_88 = arith.constant 0 : i32
        %dma_start3A_89 = arith.constant 0 : i32
        %dma_start3A_90 = tpu.memref_slice %arg2[%dma_start3A_88, %dma_start3A_89] : memref<10240x128xf32, #tpu.memory_space<hbm>> -> memref<10240x128xf32, #tpu.memory_space<hbm>>
        tpu.enqueue_indirect_dma source(%dma_start3A_90 : memref<10240x128xf32, #tpu.memory_space<hbm>>) target(%arg10 : memref<128x128xf32, #tpu.memory_space<vmem>>) offsets(%dma_start3A_87 : memref<128xi32, #tpu.memory_space<vmem>>) semaphore(%arg12 : memref<!tpu.dma_semaphore, #tpu.memory_space<semaphore_mem>>)
        %mul3A_91 = arith.constant 128 : i32
        %mul3A_92 = arith.muli %mul3A_77, %mul3A_91 : i32
        %dma_wait3A = tpu.memref_slice %arg7[%mul3A_92] : memref<4096xi32, #tpu.memory_space<vmem>> -> memref<128xi32, #tpu.memory_space<vmem>>
        %dma_wait3A_93 = arith.constant 0 : i32
        %dma_wait3A_94 = arith.constant 0 : i32
        %dma_wait3A_95 = tpu.memref_slice %arg2[%dma_wait3A_93, %dma_wait3A_94] : memref<10240x128xf32, #tpu.memory_space<hbm>> -> memref<10240x128xf32, #tpu.memory_space<hbm>>
        tpu.wait_indirect_dma semaphore(%arg12 : memref<!tpu.dma_semaphore, #tpu.memory_space<semaphore_mem>>) src(%dma_wait3A_95 : memref<10240x128xf32, #tpu.memory_space<hbm>>) dst(%arg9 : memref<128x128xf32, #tpu.memory_space<vmem>>)
        "tpu.region"() ({
          %run_scoped3A = tpu.sem_alloc : memref<!tpu.dma_semaphore, #tpu.memory_space<semaphore_mem>>
          %dma_start3A_103 = arith.constant 0 : i32
          %dma_start3A_104 = tpu.memref_slice %arg8[%mul3A_77, %dma_start3A_103] : memref<32x128xi32, #tpu.memory_space<vmem>> -> memref<1x128xi32, #tpu.memory_space<vmem>>
          %dma_start3A_105 = tpu.memref_squeeze %dma_start3A_104 : memref<1x128xi32, #tpu.memory_space<vmem>> -> memref<128xi32, #tpu.memory_space<vmem>>
          %dma_start3A_106 = arith.constant 0 : i32
          %dma_start3A_107 = arith.constant 0 : i32
          %dma_start3A_108 = tpu.memref_slice %arg11[%dma_start3A_106, %dma_start3A_107] : memref<10240x128xf32, #tpu.memory_space<vmem_shared>> -> memref<10240x128xf32, #tpu.memory_space<vmem_shared>>
          tpu.enqueue_indirect_dma source(%arg9 : memref<128x128xf32, #tpu.memory_space<vmem>>) target(%dma_start3A_108 : memref<10240x128xf32, #tpu.memory_space<vmem_shared>>) offsets(%dma_start3A_105 : memref<128xi32, #tpu.memory_space<vmem>>) semaphore(%run_scoped3A : memref<!tpu.dma_semaphore, #tpu.memory_space<semaphore_mem>>) {add = true}
          %dma_wait3A_109 = arith.constant 0 : i32
          %dma_wait3A_110 = tpu.memref_slice %arg8[%mul3A_77, %dma_wait3A_109] : memref<32x128xi32, #tpu.memory_space<vmem>> -> memref<1x128xi32, #tpu.memory_space<vmem>>
          %dma_wait3A_111 = tpu.memref_squeeze %dma_wait3A_110 : memref<1x128xi32, #tpu.memory_space<vmem>> -> memref<128xi32, #tpu.memory_space<vmem>>
          %dma_wait3A_112 = arith.constant 0 : i32
          %dma_wait3A_113 = arith.constant 0 : i32
          %dma_wait3A_114 = tpu.memref_slice %arg11[%dma_wait3A_112, %dma_wait3A_113] : memref<10240x128xf32, #tpu.memory_space<vmem_shared>> -> memref<10240x128xf32, #tpu.memory_space<vmem_shared>>
          tpu.wait_indirect_dma semaphore(%run_scoped3A : memref<!tpu.dma_semaphore, #tpu.memory_space<semaphore_mem>>) src(%arg9 : memref<128x128xf32, #tpu.memory_space<vmem>>) dst(%dma_wait3A_114 : memref<10240x128xf32, #tpu.memory_space<vmem_shared>>)
          tpu.yield
        }) : () -> ()
        %mul3A_96 = arith.constant 128 : i32
        %mul3A_97 = arith.muli %add3A_79, %mul3A_96 : i32
        %dma_wait3A_98 = tpu.memref_slice %arg7[%mul3A_97] : memref<4096xi32, #tpu.memory_space<vmem>> -> memref<128xi32, #tpu.memory_space<vmem>>
        %dma_wait3A_99 = arith.constant 0 : i32
        %dma_wait3A_100 = arith.constant 0 : i32
        %dma_wait3A_101 = tpu.memref_slice %arg2[%dma_wait3A_99, %dma_wait3A_100] : memref<10240x128xf32, #tpu.memory_space<hbm>> -> memref<10240x128xf32, #tpu.memory_space<hbm>>
        tpu.wait_indirect_dma semaphore(%arg12 : memref<!tpu.dma_semaphore, #tpu.memory_space<semaphore_mem>>) src(%dma_wait3A_101 : memref<10240x128xf32, #tpu.memory_space<hbm>>) dst(%arg10 : memref<128x128xf32, #tpu.memory_space<vmem>>)
        "tpu.region"() ({
          %run_scoped3A = tpu.sem_alloc : memref<!tpu.dma_semaphore, #tpu.memory_space<semaphore_mem>>
          %dma_start3A_103 = arith.constant 0 : i32
          %dma_start3A_104 = tpu.memref_slice %arg8[%add3A_79, %dma_start3A_103] : memref<32x128xi32, #tpu.memory_space<vmem>> -> memref<1x128xi32, #tpu.memory_space<vmem>>
          %dma_start3A_105 = tpu.memref_squeeze %dma_start3A_104 : memref<1x128xi32, #tpu.memory_space<vmem>> -> memref<128xi32, #tpu.memory_space<vmem>>
          %dma_start3A_106 = arith.constant 0 : i32
          %dma_start3A_107 = arith.constant 0 : i32
          %dma_start3A_108 = tpu.memref_slice %arg11[%dma_start3A_106, %dma_start3A_107] : memref<10240x128xf32, #tpu.memory_space<vmem_shared>> -> memref<10240x128xf32, #tpu.memory_space<vmem_shared>>
          tpu.enqueue_indirect_dma source(%arg10 : memref<128x128xf32, #tpu.memory_space<vmem>>) target(%dma_start3A_108 : memref<10240x128xf32, #tpu.memory_space<vmem_shared>>) offsets(%dma_start3A_105 : memref<128xi32, #tpu.memory_space<vmem>>) semaphore(%run_scoped3A : memref<!tpu.dma_semaphore, #tpu.memory_space<semaphore_mem>>) {add = true}
          %dma_wait3A_109 = arith.constant 0 : i32
          %dma_wait3A_110 = tpu.memref_slice %arg8[%add3A_79, %dma_wait3A_109] : memref<32x128xi32, #tpu.memory_space<vmem>> -> memref<1x128xi32, #tpu.memory_space<vmem>>
          %dma_wait3A_111 = tpu.memref_squeeze %dma_wait3A_110 : memref<1x128xi32, #tpu.memory_space<vmem>> -> memref<128xi32, #tpu.memory_space<vmem>>
          %dma_wait3A_112 = arith.constant 0 : i32
          %dma_wait3A_113 = arith.constant 0 : i32
          %dma_wait3A_114 = tpu.memref_slice %arg11[%dma_wait3A_112, %dma_wait3A_113] : memref<10240x128xf32, #tpu.memory_space<vmem_shared>> -> memref<10240x128xf32, #tpu.memory_space<vmem_shared>>
          tpu.wait_indirect_dma semaphore(%run_scoped3A : memref<!tpu.dma_semaphore, #tpu.memory_space<semaphore_mem>>) src(%arg10 : memref<128x128xf32, #tpu.memory_space<vmem>>) dst(%dma_wait3A_114 : memref<10240x128xf32, #tpu.memory_space<vmem_shared>>)
          tpu.yield
        }) : () -> ()
        %scan3A_102 = arith.constant 0 : i32
        scf.yield %scan3A_102 : i32
      }
      %scan3A_73 = arith.constant 12 : i32
    } else {
    }
    %eq3A_3 = arith.constant 1 : i32
    %eq3A_4 = arith.cmpi eq, %arg0, %eq3A_3 : i32
    %convert_element_type3A_5 = arith.extui %eq3A_4 : i1 to i32
    %cond3A_6 = arith.constant 0 : i32
    %cond3A_7 = arith.cmpi ne, %convert_element_type3A_5, %cond3A_6 : i32
    scf.if %cond3A_7 {
      %mul3A_19 = arith.constant 8 : i32
      %mul3A_20 = arith.muli %arg1, %mul3A_19 : i32
      %add3A = arith.constant 2432 : i32
      %add3A_21 = arith.addi %add3A, %mul3A_20 : i32
      %add3A_22 = arith.constant 0 : i32
      %add3A_23 = arith.addi %add3A_21, %add3A_22 : i32
      %mul3A_24 = arith.constant 128 : i32
      %mul3A_25 = arith.muli %add3A_23, %mul3A_24 : i32
      "tpu.region"() ({
        %run_scoped3A = tpu.sem_alloc : memref<!tpu.dma_semaphore, #tpu.memory_space<semaphore_mem>>
        %dma_start3A = arith.constant 0 : i32
        %dma_start3A_32 = tpu.memref_slice %arg7[%dma_start3A] : memref<4096xi32, #tpu.memory_space<vmem>> -> memref<1024xi32, #tpu.memory_space<vmem>>
        %dma_start3A_33 = tpu.memref_slice %arg3[%mul3A_25] : memref<327680xi32, #tpu.memory_space<hbm>> -> memref<1024xi32, #tpu.memory_space<hbm>>
        %dma_start3A_34 = arith.constant 0 : i32
        %dma_start3A_35 = tpu.memref_slice %arg7[%dma_start3A_34] : memref<4096xi32, #tpu.memory_space<vmem>> -> memref<1024xi32, #tpu.memory_space<vmem>>
        %dma_start3A_36 = tpu.memref_slice %arg3[%mul3A_25] : memref<327680xi32, #tpu.memory_space<hbm>> -> memref<1024xi32, #tpu.memory_space<hbm>>
        tpu.enqueue_dma source(%dma_start3A_36 : memref<1024xi32, #tpu.memory_space<hbm>>) target(%dma_start3A_35 : memref<1024xi32, #tpu.memory_space<vmem>>) target_semaphore(%run_scoped3A : memref<!tpu.dma_semaphore, #tpu.memory_space<semaphore_mem>>)
        %dma_wait3A = arith.constant 0 : i32
        %dma_wait3A_37 = tpu.memref_slice %arg7[%dma_wait3A] : memref<4096xi32, #tpu.memory_space<vmem>> -> memref<1024xi32, #tpu.memory_space<vmem>>
        %dma_wait3A_38 = tpu.memref_slice %arg3[%mul3A_25] : memref<327680xi32, #tpu.memory_space<hbm>> -> memref<1024xi32, #tpu.memory_space<hbm>>
        %dma_wait3A_39 = arith.constant 0 : i32
        %dma_wait3A_40 = tpu.memref_slice %arg7[%dma_wait3A_39] : memref<4096xi32, #tpu.memory_space<vmem>> -> memref<1024xi32, #tpu.memory_space<vmem>>
        %dma_wait3A_41 = tpu.memref_slice %arg3[%mul3A_25] : memref<327680xi32, #tpu.memory_space<hbm>> -> memref<1024xi32, #tpu.memory_space<hbm>>
        tpu.wait_dma2 semaphore(%run_scoped3A : memref<!tpu.dma_semaphore, #tpu.memory_space<semaphore_mem>>) src(%dma_wait3A_41 : memref<1024xi32, #tpu.memory_space<hbm>>) dst(%dma_wait3A_40 : memref<1024xi32, #tpu.memory_space<vmem>>)
        tpu.yield
      }) : () -> ()
      "tpu.region"() ({
        %run_scoped3A = tpu.sem_alloc : memref<!tpu.dma_semaphore, #tpu.memory_space<semaphore_mem>>
        %dma_start3A = arith.constant 0 : i32
        %dma_start3A_32 = arith.constant 0 : i32
        %dma_start3A_33 = tpu.memref_slice %arg8[%dma_start3A, %dma_start3A_32] : memref<32x128xi32, #tpu.memory_space<vmem>> -> memref<8x128xi32, #tpu.memory_space<vmem>>
        %dma_start3A_34 = arith.constant 0 : i32
        %dma_start3A_35 = tpu.memref_slice %arg4[%add3A_23, %dma_start3A_34] : memref<2560x128xi32, #tpu.memory_space<hbm>> -> memref<8x128xi32, #tpu.memory_space<hbm>>
        %dma_start3A_36 = arith.constant 0 : i32
        %dma_start3A_37 = arith.constant 0 : i32
        %dma_start3A_38 = tpu.memref_slice %arg8[%dma_start3A_36, %dma_start3A_37] : memref<32x128xi32, #tpu.memory_space<vmem>> -> memref<8x128xi32, #tpu.memory_space<vmem>>
        %dma_start3A_39 = arith.constant 0 : i32
        %dma_start3A_40 = tpu.memref_slice %arg4[%add3A_23, %dma_start3A_39] : memref<2560x128xi32, #tpu.memory_space<hbm>> -> memref<8x128xi32, #tpu.memory_space<hbm>>
        tpu.enqueue_dma source(%dma_start3A_40 : memref<8x128xi32, #tpu.memory_space<hbm>>) target(%dma_start3A_38 : memref<8x128xi32, #tpu.memory_space<vmem>>) target_semaphore(%run_scoped3A : memref<!tpu.dma_semaphore, #tpu.memory_space<semaphore_mem>>)
        %dma_wait3A = arith.constant 0 : i32
        %dma_wait3A_41 = arith.constant 0 : i32
        %dma_wait3A_42 = tpu.memref_slice %arg8[%dma_wait3A, %dma_wait3A_41] : memref<32x128xi32, #tpu.memory_space<vmem>> -> memref<8x128xi32, #tpu.memory_space<vmem>>
        %dma_wait3A_43 = arith.constant 0 : i32
        %dma_wait3A_44 = tpu.memref_slice %arg4[%add3A_23, %dma_wait3A_43] : memref<2560x128xi32, #tpu.memory_space<hbm>> -> memref<8x128xi32, #tpu.memory_space<hbm>>
        %dma_wait3A_45 = arith.constant 0 : i32
        %dma_wait3A_46 = arith.constant 0 : i32
        %dma_wait3A_47 = tpu.memref_slice %arg8[%dma_wait3A_45, %dma_wait3A_46] : memref<32x128xi32, #tpu.memory_space<vmem>> -> memref<8x128xi32, #tpu.memory_space<vmem>>
        %dma_wait3A_48 = arith.constant 0 : i32
        %dma_wait3A_49 = tpu.memref_slice %arg4[%add3A_23, %dma_wait3A_48] : memref<2560x128xi32, #tpu.memory_space<hbm>> -> memref<8x128xi32, #tpu.memory_space<hbm>>
        tpu.wait_dma2 semaphore(%run_scoped3A : memref<!tpu.dma_semaphore, #tpu.memory_space<semaphore_mem>>) src(%dma_wait3A_49 : memref<8x128xi32, #tpu.memory_space<hbm>>) dst(%dma_wait3A_47 : memref<8x128xi32, #tpu.memory_space<vmem>>)
        tpu.yield
      }) : () -> ()
      %scan3A = arith.constant 0 : i32
      %scan3A_26 = arith.constant 0 : i32
      %scan3A_27 = arith.constant 4 : i32
      %scan3A_28 = arith.addi %scan3A_26, %scan3A_27 : i32
      %scan3A_29 = arith.constant 1 : i32
      %scan3A_30 = scf.for %scan3A_32 = %scan3A_26 to %scan3A_28 step %scan3A_29 iter_args(%scan3A_33 = %scan3A) -> (i32)  : i32 {
        %mul3A_34 = arith.constant 2 : i32
        %mul3A_35 = arith.muli %mul3A_34, %scan3A_32 : i32
        %add3A_36 = arith.constant 1 : i32
        %add3A_37 = arith.addi %mul3A_35, %add3A_36 : i32
        %mul3A_38 = arith.constant 128 : i32
        %mul3A_39 = arith.muli %mul3A_35, %mul3A_38 : i32
        %dma_start3A = tpu.memref_slice %arg7[%mul3A_39] : memref<4096xi32, #tpu.memory_space<vmem>> -> memref<128xi32, #tpu.memory_space<vmem>>
        %dma_start3A_40 = arith.constant 0 : i32
        %dma_start3A_41 = arith.constant 0 : i32
        %dma_start3A_42 = tpu.memref_slice %arg2[%dma_start3A_40, %dma_start3A_41] : memref<10240x128xf32, #tpu.memory_space<hbm>> -> memref<10240x128xf32, #tpu.memory_space<hbm>>
        tpu.enqueue_indirect_dma source(%dma_start3A_42 : memref<10240x128xf32, #tpu.memory_space<hbm>>) target(%arg9 : memref<128x128xf32, #tpu.memory_space<vmem>>) offsets(%dma_start3A : memref<128xi32, #tpu.memory_space<vmem>>) semaphore(%arg12 : memref<!tpu.dma_semaphore, #tpu.memory_space<semaphore_mem>>)
        %mul3A_43 = arith.constant 128 : i32
        %mul3A_44 = arith.muli %add3A_37, %mul3A_43 : i32
        %dma_start3A_45 = tpu.memref_slice %arg7[%mul3A_44] : memref<4096xi32, #tpu.memory_space<vmem>> -> memref<128xi32, #tpu.memory_space<vmem>>
        %dma_start3A_46 = arith.constant 0 : i32
        %dma_start3A_47 = arith.constant 0 : i32
        %dma_start3A_48 = tpu.memref_slice %arg2[%dma_start3A_46, %dma_start3A_47] : memref<10240x128xf32, #tpu.memory_space<hbm>> -> memref<10240x128xf32, #tpu.memory_space<hbm>>
        tpu.enqueue_indirect_dma source(%dma_start3A_48 : memref<10240x128xf32, #tpu.memory_space<hbm>>) target(%arg10 : memref<128x128xf32, #tpu.memory_space<vmem>>) offsets(%dma_start3A_45 : memref<128xi32, #tpu.memory_space<vmem>>) semaphore(%arg12 : memref<!tpu.dma_semaphore, #tpu.memory_space<semaphore_mem>>)
        %mul3A_49 = arith.constant 128 : i32
        %mul3A_50 = arith.muli %mul3A_35, %mul3A_49 : i32
        %dma_wait3A = tpu.memref_slice %arg7[%mul3A_50] : memref<4096xi32, #tpu.memory_space<vmem>> -> memref<128xi32, #tpu.memory_space<vmem>>
        %dma_wait3A_51 = arith.constant 0 : i32
        %dma_wait3A_52 = arith.constant 0 : i32
        %dma_wait3A_53 = tpu.memref_slice %arg2[%dma_wait3A_51, %dma_wait3A_52] : memref<10240x128xf32, #tpu.memory_space<hbm>> -> memref<10240x128xf32, #tpu.memory_space<hbm>>
        tpu.wait_indirect_dma semaphore(%arg12 : memref<!tpu.dma_semaphore, #tpu.memory_space<semaphore_mem>>) src(%dma_wait3A_53 : memref<10240x128xf32, #tpu.memory_space<hbm>>) dst(%arg9 : memref<128x128xf32, #tpu.memory_space<vmem>>)
        "tpu.region"() ({
          %run_scoped3A = tpu.sem_alloc : memref<!tpu.dma_semaphore, #tpu.memory_space<semaphore_mem>>
          %dma_start3A_61 = arith.constant 0 : i32
          %dma_start3A_62 = tpu.memref_slice %arg8[%mul3A_35, %dma_start3A_61] : memref<32x128xi32, #tpu.memory_space<vmem>> -> memref<1x128xi32, #tpu.memory_space<vmem>>
          %dma_start3A_63 = tpu.memref_squeeze %dma_start3A_62 : memref<1x128xi32, #tpu.memory_space<vmem>> -> memref<128xi32, #tpu.memory_space<vmem>>
          %dma_start3A_64 = arith.constant 0 : i32
          %dma_start3A_65 = arith.constant 0 : i32
          %dma_start3A_66 = tpu.memref_slice %arg11[%dma_start3A_64, %dma_start3A_65] : memref<10240x128xf32, #tpu.memory_space<vmem_shared>> -> memref<10240x128xf32, #tpu.memory_space<vmem_shared>>
          tpu.enqueue_indirect_dma source(%arg9 : memref<128x128xf32, #tpu.memory_space<vmem>>) target(%dma_start3A_66 : memref<10240x128xf32, #tpu.memory_space<vmem_shared>>) offsets(%dma_start3A_63 : memref<128xi32, #tpu.memory_space<vmem>>) semaphore(%run_scoped3A : memref<!tpu.dma_semaphore, #tpu.memory_space<semaphore_mem>>) {add = true}
          %dma_wait3A_67 = arith.constant 0 : i32
          %dma_wait3A_68 = tpu.memref_slice %arg8[%mul3A_35, %dma_wait3A_67] : memref<32x128xi32, #tpu.memory_space<vmem>> -> memref<1x128xi32, #tpu.memory_space<vmem>>
          %dma_wait3A_69 = tpu.memref_squeeze %dma_wait3A_68 : memref<1x128xi32, #tpu.memory_space<vmem>> -> memref<128xi32, #tpu.memory_space<vmem>>
          %dma_wait3A_70 = arith.constant 0 : i32
          %dma_wait3A_71 = arith.constant 0 : i32
          %dma_wait3A_72 = tpu.memref_slice %arg11[%dma_wait3A_70, %dma_wait3A_71] : memref<10240x128xf32, #tpu.memory_space<vmem_shared>> -> memref<10240x128xf32, #tpu.memory_space<vmem_shared>>
          tpu.wait_indirect_dma semaphore(%run_scoped3A : memref<!tpu.dma_semaphore, #tpu.memory_space<semaphore_mem>>) src(%arg9 : memref<128x128xf32, #tpu.memory_space<vmem>>) dst(%dma_wait3A_72 : memref<10240x128xf32, #tpu.memory_space<vmem_shared>>)
          tpu.yield
        }) : () -> ()
        %mul3A_54 = arith.constant 128 : i32
        %mul3A_55 = arith.muli %add3A_37, %mul3A_54 : i32
        %dma_wait3A_56 = tpu.memref_slice %arg7[%mul3A_55] : memref<4096xi32, #tpu.memory_space<vmem>> -> memref<128xi32, #tpu.memory_space<vmem>>
        %dma_wait3A_57 = arith.constant 0 : i32
        %dma_wait3A_58 = arith.constant 0 : i32
        %dma_wait3A_59 = tpu.memref_slice %arg2[%dma_wait3A_57, %dma_wait3A_58] : memref<10240x128xf32, #tpu.memory_space<hbm>> -> memref<10240x128xf32, #tpu.memory_space<hbm>>
        tpu.wait_indirect_dma semaphore(%arg12 : memref<!tpu.dma_semaphore, #tpu.memory_space<semaphore_mem>>) src(%dma_wait3A_59 : memref<10240x128xf32, #tpu.memory_space<hbm>>) dst(%arg10 : memref<128x128xf32, #tpu.memory_space<vmem>>)
        "tpu.region"() ({
          %run_scoped3A = tpu.sem_alloc : memref<!tpu.dma_semaphore, #tpu.memory_space<semaphore_mem>>
          %dma_start3A_61 = arith.constant 0 : i32
          %dma_start3A_62 = tpu.memref_slice %arg8[%add3A_37, %dma_start3A_61] : memref<32x128xi32, #tpu.memory_space<vmem>> -> memref<1x128xi32, #tpu.memory_space<vmem>>
          %dma_start3A_63 = tpu.memref_squeeze %dma_start3A_62 : memref<1x128xi32, #tpu.memory_space<vmem>> -> memref<128xi32, #tpu.memory_space<vmem>>
          %dma_start3A_64 = arith.constant 0 : i32
          %dma_start3A_65 = arith.constant 0 : i32
          %dma_start3A_66 = tpu.memref_slice %arg11[%dma_start3A_64, %dma_start3A_65] : memref<10240x128xf32, #tpu.memory_space<vmem_shared>> -> memref<10240x128xf32, #tpu.memory_space<vmem_shared>>
          tpu.enqueue_indirect_dma source(%arg10 : memref<128x128xf32, #tpu.memory_space<vmem>>) target(%dma_start3A_66 : memref<10240x128xf32, #tpu.memory_space<vmem_shared>>) offsets(%dma_start3A_63 : memref<128xi32, #tpu.memory_space<vmem>>) semaphore(%run_scoped3A : memref<!tpu.dma_semaphore, #tpu.memory_space<semaphore_mem>>) {add = true}
          %dma_wait3A_67 = arith.constant 0 : i32
          %dma_wait3A_68 = tpu.memref_slice %arg8[%add3A_37, %dma_wait3A_67] : memref<32x128xi32, #tpu.memory_space<vmem>> -> memref<1x128xi32, #tpu.memory_space<vmem>>
          %dma_wait3A_69 = tpu.memref_squeeze %dma_wait3A_68 : memref<1x128xi32, #tpu.memory_space<vmem>> -> memref<128xi32, #tpu.memory_space<vmem>>
          %dma_wait3A_70 = arith.constant 0 : i32
          %dma_wait3A_71 = arith.constant 0 : i32
          %dma_wait3A_72 = tpu.memref_slice %arg11[%dma_wait3A_70, %dma_wait3A_71] : memref<10240x128xf32, #tpu.memory_space<vmem_shared>> -> memref<10240x128xf32, #tpu.memory_space<vmem_shared>>
          tpu.wait_indirect_dma semaphore(%run_scoped3A : memref<!tpu.dma_semaphore, #tpu.memory_space<semaphore_mem>>) src(%arg10 : memref<128x128xf32, #tpu.memory_space<vmem>>) dst(%dma_wait3A_72 : memref<10240x128xf32, #tpu.memory_space<vmem_shared>>)
          tpu.yield
        }) : () -> ()
        %scan3A_60 = arith.constant 0 : i32
        scf.yield %scan3A_60 : i32
      }
      %scan3A_31 = arith.constant 4 : i32
    } else {
    }
    %barrier3A_8 = arith.constant 0 : index
    tpu.barrier barrier_id(%barrier3A_8)
    %eq3A_9 = arith.constant 0 : i32
    %eq3A_10 = arith.cmpi eq, %arg0, %eq3A_9 : i32
    %convert_element_type3A_11 = arith.extui %eq3A_10 : i1 to i32
    %cond3A_12 = arith.constant 0 : i32
    %cond3A_13 = arith.cmpi ne, %convert_element_type3A_11, %cond3A_12 : i32
    scf.if %cond3A_13 {
      "tpu.region"() ({
        %run_scoped3A = tpu.sem_alloc : memref<!tpu.dma_semaphore, #tpu.memory_space<semaphore_mem>>
        %dma_start3A = arith.constant 0 : i32
        %dma_start3A_19 = tpu.memref_slice %arg5[%mul3A_0, %dma_start3A] : memref<10240x128xf32, #tpu.memory_space<hbm>> -> memref<640x128xf32, #tpu.memory_space<hbm>>
        %dma_start3A_20 = arith.constant 0 : i32
        %dma_start3A_21 = tpu.memref_slice %arg11[%mul3A_0, %dma_start3A_20] : memref<10240x128xf32, #tpu.memory_space<vmem_shared>> -> memref<640x128xf32, #tpu.memory_space<vmem_shared>>
        tpu.enqueue_dma source(%dma_start3A_21 : memref<640x128xf32, #tpu.memory_space<vmem_shared>>) target(%dma_start3A_19 : memref<640x128xf32, #tpu.memory_space<hbm>>) target_semaphore(%run_scoped3A : memref<!tpu.dma_semaphore, #tpu.memory_space<semaphore_mem>>)
        %dma_wait3A = arith.constant 0 : i32
        %dma_wait3A_22 = tpu.memref_slice %arg5[%mul3A_0, %dma_wait3A] : memref<10240x128xf32, #tpu.memory_space<hbm>> -> memref<640x128xf32, #tpu.memory_space<hbm>>
        %dma_wait3A_23 = arith.constant 0 : i32
        %dma_wait3A_24 = tpu.memref_slice %arg11[%mul3A_0, %dma_wait3A_23] : memref<10240x128xf32, #tpu.memory_space<vmem_shared>> -> memref<640x128xf32, #tpu.memory_space<vmem_shared>>
        tpu.wait_dma2 semaphore(%run_scoped3A : memref<!tpu.dma_semaphore, #tpu.memory_space<semaphore_mem>>) src(%dma_wait3A_24 : memref<640x128xf32, #tpu.memory_space<vmem_shared>>) dst(%dma_wait3A_22 : memref<640x128xf32, #tpu.memory_space<hbm>>)
        tpu.yield
      }) : () -> ()
    } else {
    }
    %eq3A_14 = arith.constant 1 : i32
    %eq3A_15 = arith.cmpi eq, %arg0, %eq3A_14 : i32
    %convert_element_type3A_16 = arith.extui %eq3A_15 : i1 to i32
    %cond3A_17 = arith.constant 0 : i32
    %cond3A_18 = arith.cmpi ne, %convert_element_type3A_16, %cond3A_17 : i32
    scf.if %cond3A_18 {
      "tpu.region"() ({
        %run_scoped3A = tpu.sem_alloc : memref<!tpu.dma_semaphore, #tpu.memory_space<semaphore_mem>>
        %dma_start3A = arith.constant 0 : i32
        %dma_start3A_19 = tpu.memref_slice %arg6[%mul3A_0, %dma_start3A] : memref<10240x128xf32, #tpu.memory_space<hbm>> -> memref<640x128xf32, #tpu.memory_space<hbm>>
        %dma_start3A_20 = arith.constant 0 : i32
        %dma_start3A_21 = tpu.memref_slice %arg11[%mul3A_0, %dma_start3A_20] : memref<10240x128xf32, #tpu.memory_space<vmem_shared>> -> memref<640x128xf32, #tpu.memory_space<vmem_shared>>
        tpu.enqueue_dma source(%dma_start3A_21 : memref<640x128xf32, #tpu.memory_space<vmem_shared>>) target(%dma_start3A_19 : memref<640x128xf32, #tpu.memory_space<hbm>>) target_semaphore(%run_scoped3A : memref<!tpu.dma_semaphore, #tpu.memory_space<semaphore_mem>>)
        %dma_wait3A = arith.constant 0 : i32
        %dma_wait3A_22 = tpu.memref_slice %arg6[%mul3A_0, %dma_wait3A] : memref<10240x128xf32, #tpu.memory_space<hbm>> -> memref<640x128xf32, #tpu.memory_space<hbm>>
        %dma_wait3A_23 = arith.constant 0 : i32
        %dma_wait3A_24 = tpu.memref_slice %arg11[%mul3A_0, %dma_wait3A_23] : memref<10240x128xf32, #tpu.memory_space<vmem_shared>> -> memref<640x128xf32, #tpu.memory_space<vmem_shared>>
        tpu.wait_dma2 semaphore(%run_scoped3A : memref<!tpu.dma_semaphore, #tpu.memory_space<semaphore_mem>>) src(%dma_wait3A_24 : memref<640x128xf32, #tpu.memory_space<vmem_shared>>) dst(%dma_wait3A_22 : memref<640x128xf32, #tpu.memory_space<hbm>>)
        tpu.yield
      }) : () -> ()
    } else {
    }
    return
  }
}

#map = affine_map<(d0, d1) -> (0, 0)>
#map1 = affine_map<(d0, d1) -> (0)>
module attributes {stable_mosaic.version = 14 : i64} {
  func.func @_agg_kernel(%arg0: i32, %arg1: i32, %arg2: memref<10240x128xf32, #tpu.memory_space<hbm>>, %arg3: memref<327680xi32, #tpu.memory_space<hbm>>, %arg4: memref<2560x128xi32, #tpu.memory_space<hbm>>, %arg5: memref<10240x128xf32, #tpu.memory_space<hbm>>, %arg6: memref<10240x128xf32, #tpu.memory_space<hbm>>, %arg7: memref<4096xi32, #tpu.memory_space<vmem>>, %arg8: memref<32x128xi32, #tpu.memory_space<vmem>>, %arg9: memref<128x128xf32, #tpu.memory_space<vmem>>, %arg10: memref<128x128xf32, #tpu.memory_space<vmem>>, %arg11: memref<10240x128xf32, #tpu.memory_space<vmem_shared>>, %arg12: memref<!tpu.dma_semaphore, #tpu.memory_space<semaphore_mem>>, %arg13: memref<!tpu.dma_semaphore, #tpu.memory_space<semaphore_mem>>) attributes {dimension_semantics = [#tpu.dimension_semantics<core_parallel>, #tpu.dimension_semantics<subcore_parallel>], iteration_bounds = array<i64: 2, 16>, scalar_prefetch = 0 : i64, scratch_operands = 7 : i64, tpu.core_type = #tpu.core_type<sc_vector_subcore>, window_params = [{transform_indices = #map}, {transform_indices = #map1}, {transform_indices = #map}, {transform_indices = #map}, {transform_indices = #map}]} {
    %mul3A = arith.constant 640 : i32
    %mul3A_0 = arith.muli %arg1, %mul3A : i32
    "tpu.region"() ({
      %run_scoped3A = tpu.sem_alloc : memref<!tpu.dma_semaphore, #tpu.memory_space<semaphore_mem>>
      %dma_start3A = arith.constant 0 : i32
      %dma_start3A_19 = tpu.memref_slice %arg11[%mul3A_0, %dma_start3A] : memref<10240x128xf32, #tpu.memory_space<vmem_shared>> -> memref<640x128xf32, #tpu.memory_space<vmem_shared>>
      %dma_start3A_20 = arith.constant 0 : i32
      %dma_start3A_21 = tpu.memref_slice %arg2[%mul3A_0, %dma_start3A_20] : memref<10240x128xf32, #tpu.memory_space<hbm>> -> memref<640x128xf32, #tpu.memory_space<hbm>>
      tpu.enqueue_dma source(%dma_start3A_21 : memref<640x128xf32, #tpu.memory_space<hbm>>) target(%dma_start3A_19 : memref<640x128xf32, #tpu.memory_space<vmem_shared>>) target_semaphore(%run_scoped3A : memref<!tpu.dma_semaphore, #tpu.memory_space<semaphore_mem>>)
      %dma_wait3A = arith.constant 0 : i32
      %dma_wait3A_22 = tpu.memref_slice %arg11[%mul3A_0, %dma_wait3A] : memref<10240x128xf32, #tpu.memory_space<vmem_shared>> -> memref<640x128xf32, #tpu.memory_space<vmem_shared>>
      %dma_wait3A_23 = arith.constant 0 : i32
      %dma_wait3A_24 = tpu.memref_slice %arg2[%mul3A_0, %dma_wait3A_23] : memref<10240x128xf32, #tpu.memory_space<hbm>> -> memref<640x128xf32, #tpu.memory_space<hbm>>
      tpu.wait_dma2 semaphore(%run_scoped3A : memref<!tpu.dma_semaphore, #tpu.memory_space<semaphore_mem>>) src(%dma_wait3A_24 : memref<640x128xf32, #tpu.memory_space<hbm>>) dst(%dma_wait3A_22 : memref<640x128xf32, #tpu.memory_space<vmem_shared>>)
      tpu.yield
    }) : () -> ()
    %barrier3A = arith.constant 0 : index
    tpu.barrier barrier_id(%barrier3A)
    %eq3A = arith.constant 0 : i32
    %eq3A_1 = arith.cmpi eq, %arg0, %eq3A : i32
    %convert_element_type3A = arith.extui %eq3A_1 : i1 to i32
    %cond3A = arith.constant 0 : i32
    %cond3A_2 = arith.cmpi ne, %convert_element_type3A, %cond3A : i32
    scf.if %cond3A_2 {
      %mul3A_19 = arith.constant 152 : i32
      %mul3A_20 = arith.muli %arg1, %mul3A_19 : i32
      %add3A = arith.constant 0 : i32
      %add3A_21 = arith.addi %mul3A_20, %add3A : i32
      %mul3A_22 = arith.constant 128 : i32
      %mul3A_23 = arith.muli %add3A_21, %mul3A_22 : i32
      "tpu.region"() ({
        %run_scoped3A = tpu.sem_alloc : memref<!tpu.dma_semaphore, #tpu.memory_space<semaphore_mem>>
        %dma_start3A = arith.constant 0 : i32
        %dma_start3A_74 = tpu.memref_slice %arg7[%dma_start3A] : memref<4096xi32, #tpu.memory_space<vmem>> -> memref<4096xi32, #tpu.memory_space<vmem>>
        %dma_start3A_75 = tpu.memref_slice %arg3[%mul3A_23] : memref<327680xi32, #tpu.memory_space<hbm>> -> memref<4096xi32, #tpu.memory_space<hbm>>
        %dma_start3A_76 = arith.constant 0 : i32
        %dma_start3A_77 = tpu.memref_slice %arg7[%dma_start3A_76] : memref<4096xi32, #tpu.memory_space<vmem>> -> memref<4096xi32, #tpu.memory_space<vmem>>
        %dma_start3A_78 = tpu.memref_slice %arg3[%mul3A_23] : memref<327680xi32, #tpu.memory_space<hbm>> -> memref<4096xi32, #tpu.memory_space<hbm>>
        tpu.enqueue_dma source(%dma_start3A_78 : memref<4096xi32, #tpu.memory_space<hbm>>) target(%dma_start3A_77 : memref<4096xi32, #tpu.memory_space<vmem>>) target_semaphore(%run_scoped3A : memref<!tpu.dma_semaphore, #tpu.memory_space<semaphore_mem>>)
        %dma_wait3A = arith.constant 0 : i32
        %dma_wait3A_79 = tpu.memref_slice %arg7[%dma_wait3A] : memref<4096xi32, #tpu.memory_space<vmem>> -> memref<4096xi32, #tpu.memory_space<vmem>>
        %dma_wait3A_80 = tpu.memref_slice %arg3[%mul3A_23] : memref<327680xi32, #tpu.memory_space<hbm>> -> memref<4096xi32, #tpu.memory_space<hbm>>
        %dma_wait3A_81 = arith.constant 0 : i32
        %dma_wait3A_82 = tpu.memref_slice %arg7[%dma_wait3A_81] : memref<4096xi32, #tpu.memory_space<vmem>> -> memref<4096xi32, #tpu.memory_space<vmem>>
        %dma_wait3A_83 = tpu.memref_slice %arg3[%mul3A_23] : memref<327680xi32, #tpu.memory_space<hbm>> -> memref<4096xi32, #tpu.memory_space<hbm>>
        tpu.wait_dma2 semaphore(%run_scoped3A : memref<!tpu.dma_semaphore, #tpu.memory_space<semaphore_mem>>) src(%dma_wait3A_83 : memref<4096xi32, #tpu.memory_space<hbm>>) dst(%dma_wait3A_82 : memref<4096xi32, #tpu.memory_space<vmem>>)
        tpu.yield
      }) : () -> ()
      "tpu.region"() ({
        %run_scoped3A = tpu.sem_alloc : memref<!tpu.dma_semaphore, #tpu.memory_space<semaphore_mem>>
        %dma_start3A = arith.constant 0 : i32
        %dma_start3A_74 = arith.constant 0 : i32
        %dma_start3A_75 = tpu.memref_slice %arg8[%dma_start3A, %dma_start3A_74] : memref<32x128xi32, #tpu.memory_space<vmem>> -> memref<32x128xi32, #tpu.memory_space<vmem>>
        %dma_start3A_76 = arith.constant 0 : i32
        %dma_start3A_77 = tpu.memref_slice %arg4[%add3A_21, %dma_start3A_76] : memref<2560x128xi32, #tpu.memory_space<hbm>> -> memref<32x128xi32, #tpu.memory_space<hbm>>
        %dma_start3A_78 = arith.constant 0 : i32
        %dma_start3A_79 = arith.constant 0 : i32
        %dma_start3A_80 = tpu.memref_slice %arg8[%dma_start3A_78, %dma_start3A_79] : memref<32x128xi32, #tpu.memory_space<vmem>> -> memref<32x128xi32, #tpu.memory_space<vmem>>
        %dma_start3A_81 = arith.constant 0 : i32
        %dma_start3A_82 = tpu.memref_slice %arg4[%add3A_21, %dma_start3A_81] : memref<2560x128xi32, #tpu.memory_space<hbm>> -> memref<32x128xi32, #tpu.memory_space<hbm>>
        tpu.enqueue_dma source(%dma_start3A_82 : memref<32x128xi32, #tpu.memory_space<hbm>>) target(%dma_start3A_80 : memref<32x128xi32, #tpu.memory_space<vmem>>) target_semaphore(%run_scoped3A : memref<!tpu.dma_semaphore, #tpu.memory_space<semaphore_mem>>)
        %dma_wait3A = arith.constant 0 : i32
        %dma_wait3A_83 = arith.constant 0 : i32
        %dma_wait3A_84 = tpu.memref_slice %arg8[%dma_wait3A, %dma_wait3A_83] : memref<32x128xi32, #tpu.memory_space<vmem>> -> memref<32x128xi32, #tpu.memory_space<vmem>>
        %dma_wait3A_85 = arith.constant 0 : i32
        %dma_wait3A_86 = tpu.memref_slice %arg4[%add3A_21, %dma_wait3A_85] : memref<2560x128xi32, #tpu.memory_space<hbm>> -> memref<32x128xi32, #tpu.memory_space<hbm>>
        %dma_wait3A_87 = arith.constant 0 : i32
        %dma_wait3A_88 = arith.constant 0 : i32
        %dma_wait3A_89 = tpu.memref_slice %arg8[%dma_wait3A_87, %dma_wait3A_88] : memref<32x128xi32, #tpu.memory_space<vmem>> -> memref<32x128xi32, #tpu.memory_space<vmem>>
        %dma_wait3A_90 = arith.constant 0 : i32
        %dma_wait3A_91 = tpu.memref_slice %arg4[%add3A_21, %dma_wait3A_90] : memref<2560x128xi32, #tpu.memory_space<hbm>> -> memref<32x128xi32, #tpu.memory_space<hbm>>
        tpu.wait_dma2 semaphore(%run_scoped3A : memref<!tpu.dma_semaphore, #tpu.memory_space<semaphore_mem>>) src(%dma_wait3A_91 : memref<32x128xi32, #tpu.memory_space<hbm>>) dst(%dma_wait3A_89 : memref<32x128xi32, #tpu.memory_space<vmem>>)
        tpu.yield
      }) : () -> ()
      %scan3A = arith.constant 0 : i32
      %scan3A_24 = arith.constant 0 : i32
      %scan3A_25 = arith.constant 16 : i32
      %scan3A_26 = arith.addi %scan3A_24, %scan3A_25 : i32
      %scan3A_27 = arith.constant 1 : i32
      %scan3A_28 = scf.for %scan3A_74 = %scan3A_24 to %scan3A_26 step %scan3A_27 iter_args(%scan3A_75 = %scan3A) -> (i32)  : i32 {
        %mul3A_76 = arith.constant 2 : i32
        %mul3A_77 = arith.muli %mul3A_76, %scan3A_74 : i32
        %add3A_78 = arith.constant 1 : i32
        %add3A_79 = arith.addi %mul3A_77, %add3A_78 : i32
        %mul3A_80 = arith.constant 128 : i32
        %mul3A_81 = arith.muli %mul3A_77, %mul3A_80 : i32
        %dma_start3A = tpu.memref_slice %arg7[%mul3A_81] : memref<4096xi32, #tpu.memory_space<vmem>> -> memref<128xi32, #tpu.memory_space<vmem>>
        %dma_start3A_82 = arith.constant 0 : i32
        %dma_start3A_83 = arith.constant 0 : i32
        %dma_start3A_84 = tpu.memref_slice %arg2[%dma_start3A_82, %dma_start3A_83] : memref<10240x128xf32, #tpu.memory_space<hbm>> -> memref<10240x128xf32, #tpu.memory_space<hbm>>
        tpu.enqueue_indirect_dma source(%dma_start3A_84 : memref<10240x128xf32, #tpu.memory_space<hbm>>) target(%arg9 : memref<128x128xf32, #tpu.memory_space<vmem>>) offsets(%dma_start3A : memref<128xi32, #tpu.memory_space<vmem>>) semaphore(%arg12 : memref<!tpu.dma_semaphore, #tpu.memory_space<semaphore_mem>>)
        %mul3A_85 = arith.constant 128 : i32
        %mul3A_86 = arith.muli %add3A_79, %mul3A_85 : i32
        %dma_start3A_87 = tpu.memref_slice %arg7[%mul3A_86] : memref<4096xi32, #tpu.memory_space<vmem>> -> memref<128xi32, #tpu.memory_space<vmem>>
        %dma_start3A_88 = arith.constant 0 : i32
        %dma_start3A_89 = arith.constant 0 : i32
        %dma_start3A_90 = tpu.memref_slice %arg2[%dma_start3A_88, %dma_start3A_89] : memref<10240x128xf32, #tpu.memory_space<hbm>> -> memref<10240x128xf32, #tpu.memory_space<hbm>>
        tpu.enqueue_indirect_dma source(%dma_start3A_90 : memref<10240x128xf32, #tpu.memory_space<hbm>>) target(%arg10 : memref<128x128xf32, #tpu.memory_space<vmem>>) offsets(%dma_start3A_87 : memref<128xi32, #tpu.memory_space<vmem>>) semaphore(%arg12 : memref<!tpu.dma_semaphore, #tpu.memory_space<semaphore_mem>>)
        %mul3A_91 = arith.constant 128 : i32
        %mul3A_92 = arith.muli %mul3A_77, %mul3A_91 : i32
        %dma_wait3A = tpu.memref_slice %arg7[%mul3A_92] : memref<4096xi32, #tpu.memory_space<vmem>> -> memref<128xi32, #tpu.memory_space<vmem>>
        %dma_wait3A_93 = arith.constant 0 : i32
        %dma_wait3A_94 = arith.constant 0 : i32
        %dma_wait3A_95 = tpu.memref_slice %arg2[%dma_wait3A_93, %dma_wait3A_94] : memref<10240x128xf32, #tpu.memory_space<hbm>> -> memref<10240x128xf32, #tpu.memory_space<hbm>>
        tpu.wait_indirect_dma semaphore(%arg12 : memref<!tpu.dma_semaphore, #tpu.memory_space<semaphore_mem>>) src(%dma_wait3A_95 : memref<10240x128xf32, #tpu.memory_space<hbm>>) dst(%arg9 : memref<128x128xf32, #tpu.memory_space<vmem>>)
        "tpu.region"() ({
          %run_scoped3A = tpu.sem_alloc : memref<!tpu.dma_semaphore, #tpu.memory_space<semaphore_mem>>
          %dma_start3A_103 = arith.constant 0 : i32
          %dma_start3A_104 = tpu.memref_slice %arg8[%mul3A_77, %dma_start3A_103] : memref<32x128xi32, #tpu.memory_space<vmem>> -> memref<1x128xi32, #tpu.memory_space<vmem>>
          %dma_start3A_105 = tpu.memref_squeeze %dma_start3A_104 : memref<1x128xi32, #tpu.memory_space<vmem>> -> memref<128xi32, #tpu.memory_space<vmem>>
          %dma_start3A_106 = arith.constant 0 : i32
          %dma_start3A_107 = arith.constant 0 : i32
          %dma_start3A_108 = tpu.memref_slice %arg11[%dma_start3A_106, %dma_start3A_107] : memref<10240x128xf32, #tpu.memory_space<vmem_shared>> -> memref<10240x128xf32, #tpu.memory_space<vmem_shared>>
          tpu.enqueue_indirect_dma source(%arg9 : memref<128x128xf32, #tpu.memory_space<vmem>>) target(%dma_start3A_108 : memref<10240x128xf32, #tpu.memory_space<vmem_shared>>) offsets(%dma_start3A_105 : memref<128xi32, #tpu.memory_space<vmem>>) semaphore(%run_scoped3A : memref<!tpu.dma_semaphore, #tpu.memory_space<semaphore_mem>>) {add = true}
          %dma_wait3A_109 = arith.constant 0 : i32
          %dma_wait3A_110 = tpu.memref_slice %arg8[%mul3A_77, %dma_wait3A_109] : memref<32x128xi32, #tpu.memory_space<vmem>> -> memref<1x128xi32, #tpu.memory_space<vmem>>
          %dma_wait3A_111 = tpu.memref_squeeze %dma_wait3A_110 : memref<1x128xi32, #tpu.memory_space<vmem>> -> memref<128xi32, #tpu.memory_space<vmem>>
          %dma_wait3A_112 = arith.constant 0 : i32
          %dma_wait3A_113 = arith.constant 0 : i32
          %dma_wait3A_114 = tpu.memref_slice %arg11[%dma_wait3A_112, %dma_wait3A_113] : memref<10240x128xf32, #tpu.memory_space<vmem_shared>> -> memref<10240x128xf32, #tpu.memory_space<vmem_shared>>
          tpu.wait_indirect_dma semaphore(%run_scoped3A : memref<!tpu.dma_semaphore, #tpu.memory_space<semaphore_mem>>) src(%arg9 : memref<128x128xf32, #tpu.memory_space<vmem>>) dst(%dma_wait3A_114 : memref<10240x128xf32, #tpu.memory_space<vmem_shared>>)
          tpu.yield
        }) : () -> ()
        %mul3A_96 = arith.constant 128 : i32
        %mul3A_97 = arith.muli %add3A_79, %mul3A_96 : i32
        %dma_wait3A_98 = tpu.memref_slice %arg7[%mul3A_97] : memref<4096xi32, #tpu.memory_space<vmem>> -> memref<128xi32, #tpu.memory_space<vmem>>
        %dma_wait3A_99 = arith.constant 0 : i32
        %dma_wait3A_100 = arith.constant 0 : i32
        %dma_wait3A_101 = tpu.memref_slice %arg2[%dma_wait3A_99, %dma_wait3A_100] : memref<10240x128xf32, #tpu.memory_space<hbm>> -> memref<10240x128xf32, #tpu.memory_space<hbm>>
        tpu.wait_indirect_dma semaphore(%arg12 : memref<!tpu.dma_semaphore, #tpu.memory_space<semaphore_mem>>) src(%dma_wait3A_101 : memref<10240x128xf32, #tpu.memory_space<hbm>>) dst(%arg10 : memref<128x128xf32, #tpu.memory_space<vmem>>)
        "tpu.region"() ({
          %run_scoped3A = tpu.sem_alloc : memref<!tpu.dma_semaphore, #tpu.memory_space<semaphore_mem>>
          %dma_start3A_103 = arith.constant 0 : i32
          %dma_start3A_104 = tpu.memref_slice %arg8[%add3A_79, %dma_start3A_103] : memref<32x128xi32, #tpu.memory_space<vmem>> -> memref<1x128xi32, #tpu.memory_space<vmem>>
          %dma_start3A_105 = tpu.memref_squeeze %dma_start3A_104 : memref<1x128xi32, #tpu.memory_space<vmem>> -> memref<128xi32, #tpu.memory_space<vmem>>
          %dma_start3A_106 = arith.constant 0 : i32
          %dma_start3A_107 = arith.constant 0 : i32
          %dma_start3A_108 = tpu.memref_slice %arg11[%dma_start3A_106, %dma_start3A_107] : memref<10240x128xf32, #tpu.memory_space<vmem_shared>> -> memref<10240x128xf32, #tpu.memory_space<vmem_shared>>
          tpu.enqueue_indirect_dma source(%arg10 : memref<128x128xf32, #tpu.memory_space<vmem>>) target(%dma_start3A_108 : memref<10240x128xf32, #tpu.memory_space<vmem_shared>>) offsets(%dma_start3A_105 : memref<128xi32, #tpu.memory_space<vmem>>) semaphore(%run_scoped3A : memref<!tpu.dma_semaphore, #tpu.memory_space<semaphore_mem>>) {add = true}
          %dma_wait3A_109 = arith.constant 0 : i32
          %dma_wait3A_110 = tpu.memref_slice %arg8[%add3A_79, %dma_wait3A_109] : memref<32x128xi32, #tpu.memory_space<vmem>> -> memref<1x128xi32, #tpu.memory_space<vmem>>
          %dma_wait3A_111 = tpu.memref_squeeze %dma_wait3A_110 : memref<1x128xi32, #tpu.memory_space<vmem>> -> memref<128xi32, #tpu.memory_space<vmem>>
          %dma_wait3A_112 = arith.constant 0 : i32
          %dma_wait3A_113 = arith.constant 0 : i32
          %dma_wait3A_114 = tpu.memref_slice %arg11[%dma_wait3A_112, %dma_wait3A_113] : memref<10240x128xf32, #tpu.memory_space<vmem_shared>> -> memref<10240x128xf32, #tpu.memory_space<vmem_shared>>
          tpu.wait_indirect_dma semaphore(%run_scoped3A : memref<!tpu.dma_semaphore, #tpu.memory_space<semaphore_mem>>) src(%arg10 : memref<128x128xf32, #tpu.memory_space<vmem>>) dst(%dma_wait3A_114 : memref<10240x128xf32, #tpu.memory_space<vmem_shared>>)
          tpu.yield
        }) : () -> ()
        %scan3A_102 = arith.constant 0 : i32
        scf.yield %scan3A_102 : i32
      }
      %scan3A_29 = arith.constant 16 : i32
      %add3A_30 = arith.constant 32 : i32
      %add3A_31 = arith.addi %mul3A_20, %add3A_30 : i32
      %mul3A_32 = arith.constant 128 : i32
      %mul3A_33 = arith.muli %add3A_31, %mul3A_32 : i32
      "tpu.region"() ({
        %run_scoped3A = tpu.sem_alloc : memref<!tpu.dma_semaphore, #tpu.memory_space<semaphore_mem>>
        %dma_start3A = arith.constant 0 : i32
        %dma_start3A_74 = tpu.memref_slice %arg7[%dma_start3A] : memref<4096xi32, #tpu.memory_space<vmem>> -> memref<4096xi32, #tpu.memory_space<vmem>>
        %dma_start3A_75 = tpu.memref_slice %arg3[%mul3A_33] : memref<327680xi32, #tpu.memory_space<hbm>> -> memref<4096xi32, #tpu.memory_space<hbm>>
        %dma_start3A_76 = arith.constant 0 : i32
        %dma_start3A_77 = tpu.memref_slice %arg7[%dma_start3A_76] : memref<4096xi32, #tpu.memory_space<vmem>> -> memref<4096xi32, #tpu.memory_space<vmem>>
        %dma_start3A_78 = tpu.memref_slice %arg3[%mul3A_33] : memref<327680xi32, #tpu.memory_space<hbm>> -> memref<4096xi32, #tpu.memory_space<hbm>>
        tpu.enqueue_dma source(%dma_start3A_78 : memref<4096xi32, #tpu.memory_space<hbm>>) target(%dma_start3A_77 : memref<4096xi32, #tpu.memory_space<vmem>>) target_semaphore(%run_scoped3A : memref<!tpu.dma_semaphore, #tpu.memory_space<semaphore_mem>>)
        %dma_wait3A = arith.constant 0 : i32
        %dma_wait3A_79 = tpu.memref_slice %arg7[%dma_wait3A] : memref<4096xi32, #tpu.memory_space<vmem>> -> memref<4096xi32, #tpu.memory_space<vmem>>
        %dma_wait3A_80 = tpu.memref_slice %arg3[%mul3A_33] : memref<327680xi32, #tpu.memory_space<hbm>> -> memref<4096xi32, #tpu.memory_space<hbm>>
        %dma_wait3A_81 = arith.constant 0 : i32
        %dma_wait3A_82 = tpu.memref_slice %arg7[%dma_wait3A_81] : memref<4096xi32, #tpu.memory_space<vmem>> -> memref<4096xi32, #tpu.memory_space<vmem>>
        %dma_wait3A_83 = tpu.memref_slice %arg3[%mul3A_33] : memref<327680xi32, #tpu.memory_space<hbm>> -> memref<4096xi32, #tpu.memory_space<hbm>>
        tpu.wait_dma2 semaphore(%run_scoped3A : memref<!tpu.dma_semaphore, #tpu.memory_space<semaphore_mem>>) src(%dma_wait3A_83 : memref<4096xi32, #tpu.memory_space<hbm>>) dst(%dma_wait3A_82 : memref<4096xi32, #tpu.memory_space<vmem>>)
        tpu.yield
      }) : () -> ()
      "tpu.region"() ({
        %run_scoped3A = tpu.sem_alloc : memref<!tpu.dma_semaphore, #tpu.memory_space<semaphore_mem>>
        %dma_start3A = arith.constant 0 : i32
        %dma_start3A_74 = arith.constant 0 : i32
        %dma_start3A_75 = tpu.memref_slice %arg8[%dma_start3A, %dma_start3A_74] : memref<32x128xi32, #tpu.memory_space<vmem>> -> memref<32x128xi32, #tpu.memory_space<vmem>>
        %dma_start3A_76 = arith.constant 0 : i32
        %dma_start3A_77 = tpu.memref_slice %arg4[%add3A_31, %dma_start3A_76] : memref<2560x128xi32, #tpu.memory_space<hbm>> -> memref<32x128xi32, #tpu.memory_space<hbm>>
        %dma_start3A_78 = arith.constant 0 : i32
        %dma_start3A_79 = arith.constant 0 : i32
        %dma_start3A_80 = tpu.memref_slice %arg8[%dma_start3A_78, %dma_start3A_79] : memref<32x128xi32, #tpu.memory_space<vmem>> -> memref<32x128xi32, #tpu.memory_space<vmem>>
        %dma_start3A_81 = arith.constant 0 : i32
        %dma_start3A_82 = tpu.memref_slice %arg4[%add3A_31, %dma_start3A_81] : memref<2560x128xi32, #tpu.memory_space<hbm>> -> memref<32x128xi32, #tpu.memory_space<hbm>>
        tpu.enqueue_dma source(%dma_start3A_82 : memref<32x128xi32, #tpu.memory_space<hbm>>) target(%dma_start3A_80 : memref<32x128xi32, #tpu.memory_space<vmem>>) target_semaphore(%run_scoped3A : memref<!tpu.dma_semaphore, #tpu.memory_space<semaphore_mem>>)
        %dma_wait3A = arith.constant 0 : i32
        %dma_wait3A_83 = arith.constant 0 : i32
        %dma_wait3A_84 = tpu.memref_slice %arg8[%dma_wait3A, %dma_wait3A_83] : memref<32x128xi32, #tpu.memory_space<vmem>> -> memref<32x128xi32, #tpu.memory_space<vmem>>
        %dma_wait3A_85 = arith.constant 0 : i32
        %dma_wait3A_86 = tpu.memref_slice %arg4[%add3A_31, %dma_wait3A_85] : memref<2560x128xi32, #tpu.memory_space<hbm>> -> memref<32x128xi32, #tpu.memory_space<hbm>>
        %dma_wait3A_87 = arith.constant 0 : i32
        %dma_wait3A_88 = arith.constant 0 : i32
        %dma_wait3A_89 = tpu.memref_slice %arg8[%dma_wait3A_87, %dma_wait3A_88] : memref<32x128xi32, #tpu.memory_space<vmem>> -> memref<32x128xi32, #tpu.memory_space<vmem>>
        %dma_wait3A_90 = arith.constant 0 : i32
        %dma_wait3A_91 = tpu.memref_slice %arg4[%add3A_31, %dma_wait3A_90] : memref<2560x128xi32, #tpu.memory_space<hbm>> -> memref<32x128xi32, #tpu.memory_space<hbm>>
        tpu.wait_dma2 semaphore(%run_scoped3A : memref<!tpu.dma_semaphore, #tpu.memory_space<semaphore_mem>>) src(%dma_wait3A_91 : memref<32x128xi32, #tpu.memory_space<hbm>>) dst(%dma_wait3A_89 : memref<32x128xi32, #tpu.memory_space<vmem>>)
        tpu.yield
      }) : () -> ()
      %scan3A_34 = arith.constant 0 : i32
      %scan3A_35 = arith.constant 0 : i32
      %scan3A_36 = arith.constant 16 : i32
      %scan3A_37 = arith.addi %scan3A_35, %scan3A_36 : i32
      %scan3A_38 = arith.constant 1 : i32
      %scan3A_39 = scf.for %scan3A_74 = %scan3A_35 to %scan3A_37 step %scan3A_38 iter_args(%scan3A_75 = %scan3A_34) -> (i32)  : i32 {
        %mul3A_76 = arith.constant 2 : i32
        %mul3A_77 = arith.muli %mul3A_76, %scan3A_74 : i32
        %add3A_78 = arith.constant 1 : i32
        %add3A_79 = arith.addi %mul3A_77, %add3A_78 : i32
        %mul3A_80 = arith.constant 128 : i32
        %mul3A_81 = arith.muli %mul3A_77, %mul3A_80 : i32
        %dma_start3A = tpu.memref_slice %arg7[%mul3A_81] : memref<4096xi32, #tpu.memory_space<vmem>> -> memref<128xi32, #tpu.memory_space<vmem>>
        %dma_start3A_82 = arith.constant 0 : i32
        %dma_start3A_83 = arith.constant 0 : i32
        %dma_start3A_84 = tpu.memref_slice %arg2[%dma_start3A_82, %dma_start3A_83] : memref<10240x128xf32, #tpu.memory_space<hbm>> -> memref<10240x128xf32, #tpu.memory_space<hbm>>
        tpu.enqueue_indirect_dma source(%dma_start3A_84 : memref<10240x128xf32, #tpu.memory_space<hbm>>) target(%arg9 : memref<128x128xf32, #tpu.memory_space<vmem>>) offsets(%dma_start3A : memref<128xi32, #tpu.memory_space<vmem>>) semaphore(%arg12 : memref<!tpu.dma_semaphore, #tpu.memory_space<semaphore_mem>>)
        %mul3A_85 = arith.constant 128 : i32
        %mul3A_86 = arith.muli %add3A_79, %mul3A_85 : i32
        %dma_start3A_87 = tpu.memref_slice %arg7[%mul3A_86] : memref<4096xi32, #tpu.memory_space<vmem>> -> memref<128xi32, #tpu.memory_space<vmem>>
        %dma_start3A_88 = arith.constant 0 : i32
        %dma_start3A_89 = arith.constant 0 : i32
        %dma_start3A_90 = tpu.memref_slice %arg2[%dma_start3A_88, %dma_start3A_89] : memref<10240x128xf32, #tpu.memory_space<hbm>> -> memref<10240x128xf32, #tpu.memory_space<hbm>>
        tpu.enqueue_indirect_dma source(%dma_start3A_90 : memref<10240x128xf32, #tpu.memory_space<hbm>>) target(%arg10 : memref<128x128xf32, #tpu.memory_space<vmem>>) offsets(%dma_start3A_87 : memref<128xi32, #tpu.memory_space<vmem>>) semaphore(%arg12 : memref<!tpu.dma_semaphore, #tpu.memory_space<semaphore_mem>>)
        %mul3A_91 = arith.constant 128 : i32
        %mul3A_92 = arith.muli %mul3A_77, %mul3A_91 : i32
        %dma_wait3A = tpu.memref_slice %arg7[%mul3A_92] : memref<4096xi32, #tpu.memory_space<vmem>> -> memref<128xi32, #tpu.memory_space<vmem>>
        %dma_wait3A_93 = arith.constant 0 : i32
        %dma_wait3A_94 = arith.constant 0 : i32
        %dma_wait3A_95 = tpu.memref_slice %arg2[%dma_wait3A_93, %dma_wait3A_94] : memref<10240x128xf32, #tpu.memory_space<hbm>> -> memref<10240x128xf32, #tpu.memory_space<hbm>>
        tpu.wait_indirect_dma semaphore(%arg12 : memref<!tpu.dma_semaphore, #tpu.memory_space<semaphore_mem>>) src(%dma_wait3A_95 : memref<10240x128xf32, #tpu.memory_space<hbm>>) dst(%arg9 : memref<128x128xf32, #tpu.memory_space<vmem>>)
        "tpu.region"() ({
          %run_scoped3A = tpu.sem_alloc : memref<!tpu.dma_semaphore, #tpu.memory_space<semaphore_mem>>
          %dma_start3A_103 = arith.constant 0 : i32
          %dma_start3A_104 = tpu.memref_slice %arg8[%mul3A_77, %dma_start3A_103] : memref<32x128xi32, #tpu.memory_space<vmem>> -> memref<1x128xi32, #tpu.memory_space<vmem>>
          %dma_start3A_105 = tpu.memref_squeeze %dma_start3A_104 : memref<1x128xi32, #tpu.memory_space<vmem>> -> memref<128xi32, #tpu.memory_space<vmem>>
          %dma_start3A_106 = arith.constant 0 : i32
          %dma_start3A_107 = arith.constant 0 : i32
          %dma_start3A_108 = tpu.memref_slice %arg11[%dma_start3A_106, %dma_start3A_107] : memref<10240x128xf32, #tpu.memory_space<vmem_shared>> -> memref<10240x128xf32, #tpu.memory_space<vmem_shared>>
          tpu.enqueue_indirect_dma source(%arg9 : memref<128x128xf32, #tpu.memory_space<vmem>>) target(%dma_start3A_108 : memref<10240x128xf32, #tpu.memory_space<vmem_shared>>) offsets(%dma_start3A_105 : memref<128xi32, #tpu.memory_space<vmem>>) semaphore(%run_scoped3A : memref<!tpu.dma_semaphore, #tpu.memory_space<semaphore_mem>>) {add = true}
          %dma_wait3A_109 = arith.constant 0 : i32
          %dma_wait3A_110 = tpu.memref_slice %arg8[%mul3A_77, %dma_wait3A_109] : memref<32x128xi32, #tpu.memory_space<vmem>> -> memref<1x128xi32, #tpu.memory_space<vmem>>
          %dma_wait3A_111 = tpu.memref_squeeze %dma_wait3A_110 : memref<1x128xi32, #tpu.memory_space<vmem>> -> memref<128xi32, #tpu.memory_space<vmem>>
          %dma_wait3A_112 = arith.constant 0 : i32
          %dma_wait3A_113 = arith.constant 0 : i32
          %dma_wait3A_114 = tpu.memref_slice %arg11[%dma_wait3A_112, %dma_wait3A_113] : memref<10240x128xf32, #tpu.memory_space<vmem_shared>> -> memref<10240x128xf32, #tpu.memory_space<vmem_shared>>
          tpu.wait_indirect_dma semaphore(%run_scoped3A : memref<!tpu.dma_semaphore, #tpu.memory_space<semaphore_mem>>) src(%arg9 : memref<128x128xf32, #tpu.memory_space<vmem>>) dst(%dma_wait3A_114 : memref<10240x128xf32, #tpu.memory_space<vmem_shared>>)
          tpu.yield
        }) : () -> ()
        %mul3A_96 = arith.constant 128 : i32
        %mul3A_97 = arith.muli %add3A_79, %mul3A_96 : i32
        %dma_wait3A_98 = tpu.memref_slice %arg7[%mul3A_97] : memref<4096xi32, #tpu.memory_space<vmem>> -> memref<128xi32, #tpu.memory_space<vmem>>
        %dma_wait3A_99 = arith.constant 0 : i32
        %dma_wait3A_100 = arith.constant 0 : i32
        %dma_wait3A_101 = tpu.memref_slice %arg2[%dma_wait3A_99, %dma_wait3A_100] : memref<10240x128xf32, #tpu.memory_space<hbm>> -> memref<10240x128xf32, #tpu.memory_space<hbm>>
        tpu.wait_indirect_dma semaphore(%arg12 : memref<!tpu.dma_semaphore, #tpu.memory_space<semaphore_mem>>) src(%dma_wait3A_101 : memref<10240x128xf32, #tpu.memory_space<hbm>>) dst(%arg10 : memref<128x128xf32, #tpu.memory_space<vmem>>)
        "tpu.region"() ({
          %run_scoped3A = tpu.sem_alloc : memref<!tpu.dma_semaphore, #tpu.memory_space<semaphore_mem>>
          %dma_start3A_103 = arith.constant 0 : i32
          %dma_start3A_104 = tpu.memref_slice %arg8[%add3A_79, %dma_start3A_103] : memref<32x128xi32, #tpu.memory_space<vmem>> -> memref<1x128xi32, #tpu.memory_space<vmem>>
          %dma_start3A_105 = tpu.memref_squeeze %dma_start3A_104 : memref<1x128xi32, #tpu.memory_space<vmem>> -> memref<128xi32, #tpu.memory_space<vmem>>
          %dma_start3A_106 = arith.constant 0 : i32
          %dma_start3A_107 = arith.constant 0 : i32
          %dma_start3A_108 = tpu.memref_slice %arg11[%dma_start3A_106, %dma_start3A_107] : memref<10240x128xf32, #tpu.memory_space<vmem_shared>> -> memref<10240x128xf32, #tpu.memory_space<vmem_shared>>
          tpu.enqueue_indirect_dma source(%arg10 : memref<128x128xf32, #tpu.memory_space<vmem>>) target(%dma_start3A_108 : memref<10240x128xf32, #tpu.memory_space<vmem_shared>>) offsets(%dma_start3A_105 : memref<128xi32, #tpu.memory_space<vmem>>) semaphore(%run_scoped3A : memref<!tpu.dma_semaphore, #tpu.memory_space<semaphore_mem>>) {add = true}
          %dma_wait3A_109 = arith.constant 0 : i32
          %dma_wait3A_110 = tpu.memref_slice %arg8[%add3A_79, %dma_wait3A_109] : memref<32x128xi32, #tpu.memory_space<vmem>> -> memref<1x128xi32, #tpu.memory_space<vmem>>
          %dma_wait3A_111 = tpu.memref_squeeze %dma_wait3A_110 : memref<1x128xi32, #tpu.memory_space<vmem>> -> memref<128xi32, #tpu.memory_space<vmem>>
          %dma_wait3A_112 = arith.constant 0 : i32
          %dma_wait3A_113 = arith.constant 0 : i32
          %dma_wait3A_114 = tpu.memref_slice %arg11[%dma_wait3A_112, %dma_wait3A_113] : memref<10240x128xf32, #tpu.memory_space<vmem_shared>> -> memref<10240x128xf32, #tpu.memory_space<vmem_shared>>
          tpu.wait_indirect_dma semaphore(%run_scoped3A : memref<!tpu.dma_semaphore, #tpu.memory_space<semaphore_mem>>) src(%arg10 : memref<128x128xf32, #tpu.memory_space<vmem>>) dst(%dma_wait3A_114 : memref<10240x128xf32, #tpu.memory_space<vmem_shared>>)
          tpu.yield
        }) : () -> ()
        %scan3A_102 = arith.constant 0 : i32
        scf.yield %scan3A_102 : i32
      }
      %scan3A_40 = arith.constant 16 : i32
      %add3A_41 = arith.constant 64 : i32
      %add3A_42 = arith.addi %mul3A_20, %add3A_41 : i32
      %mul3A_43 = arith.constant 128 : i32
      %mul3A_44 = arith.muli %add3A_42, %mul3A_43 : i32
      "tpu.region"() ({
        %run_scoped3A = tpu.sem_alloc : memref<!tpu.dma_semaphore, #tpu.memory_space<semaphore_mem>>
        %dma_start3A = arith.constant 0 : i32
        %dma_start3A_74 = tpu.memref_slice %arg7[%dma_start3A] : memref<4096xi32, #tpu.memory_space<vmem>> -> memref<4096xi32, #tpu.memory_space<vmem>>
        %dma_start3A_75 = tpu.memref_slice %arg3[%mul3A_44] : memref<327680xi32, #tpu.memory_space<hbm>> -> memref<4096xi32, #tpu.memory_space<hbm>>
        %dma_start3A_76 = arith.constant 0 : i32
        %dma_start3A_77 = tpu.memref_slice %arg7[%dma_start3A_76] : memref<4096xi32, #tpu.memory_space<vmem>> -> memref<4096xi32, #tpu.memory_space<vmem>>
        %dma_start3A_78 = tpu.memref_slice %arg3[%mul3A_44] : memref<327680xi32, #tpu.memory_space<hbm>> -> memref<4096xi32, #tpu.memory_space<hbm>>
        tpu.enqueue_dma source(%dma_start3A_78 : memref<4096xi32, #tpu.memory_space<hbm>>) target(%dma_start3A_77 : memref<4096xi32, #tpu.memory_space<vmem>>) target_semaphore(%run_scoped3A : memref<!tpu.dma_semaphore, #tpu.memory_space<semaphore_mem>>)
        %dma_wait3A = arith.constant 0 : i32
        %dma_wait3A_79 = tpu.memref_slice %arg7[%dma_wait3A] : memref<4096xi32, #tpu.memory_space<vmem>> -> memref<4096xi32, #tpu.memory_space<vmem>>
        %dma_wait3A_80 = tpu.memref_slice %arg3[%mul3A_44] : memref<327680xi32, #tpu.memory_space<hbm>> -> memref<4096xi32, #tpu.memory_space<hbm>>
        %dma_wait3A_81 = arith.constant 0 : i32
        %dma_wait3A_82 = tpu.memref_slice %arg7[%dma_wait3A_81] : memref<4096xi32, #tpu.memory_space<vmem>> -> memref<4096xi32, #tpu.memory_space<vmem>>
        %dma_wait3A_83 = tpu.memref_slice %arg3[%mul3A_44] : memref<327680xi32, #tpu.memory_space<hbm>> -> memref<4096xi32, #tpu.memory_space<hbm>>
        tpu.wait_dma2 semaphore(%run_scoped3A : memref<!tpu.dma_semaphore, #tpu.memory_space<semaphore_mem>>) src(%dma_wait3A_83 : memref<4096xi32, #tpu.memory_space<hbm>>) dst(%dma_wait3A_82 : memref<4096xi32, #tpu.memory_space<vmem>>)
        tpu.yield
      }) : () -> ()
      "tpu.region"() ({
        %run_scoped3A = tpu.sem_alloc : memref<!tpu.dma_semaphore, #tpu.memory_space<semaphore_mem>>
        %dma_start3A = arith.constant 0 : i32
        %dma_start3A_74 = arith.constant 0 : i32
        %dma_start3A_75 = tpu.memref_slice %arg8[%dma_start3A, %dma_start3A_74] : memref<32x128xi32, #tpu.memory_space<vmem>> -> memref<32x128xi32, #tpu.memory_space<vmem>>
        %dma_start3A_76 = arith.constant 0 : i32
        %dma_start3A_77 = tpu.memref_slice %arg4[%add3A_42, %dma_start3A_76] : memref<2560x128xi32, #tpu.memory_space<hbm>> -> memref<32x128xi32, #tpu.memory_space<hbm>>
        %dma_start3A_78 = arith.constant 0 : i32
        %dma_start3A_79 = arith.constant 0 : i32
        %dma_start3A_80 = tpu.memref_slice %arg8[%dma_start3A_78, %dma_start3A_79] : memref<32x128xi32, #tpu.memory_space<vmem>> -> memref<32x128xi32, #tpu.memory_space<vmem>>
        %dma_start3A_81 = arith.constant 0 : i32
        %dma_start3A_82 = tpu.memref_slice %arg4[%add3A_42, %dma_start3A_81] : memref<2560x128xi32, #tpu.memory_space<hbm>> -> memref<32x128xi32, #tpu.memory_space<hbm>>
        tpu.enqueue_dma source(%dma_start3A_82 : memref<32x128xi32, #tpu.memory_space<hbm>>) target(%dma_start3A_80 : memref<32x128xi32, #tpu.memory_space<vmem>>) target_semaphore(%run_scoped3A : memref<!tpu.dma_semaphore, #tpu.memory_space<semaphore_mem>>)
        %dma_wait3A = arith.constant 0 : i32
        %dma_wait3A_83 = arith.constant 0 : i32
        %dma_wait3A_84 = tpu.memref_slice %arg8[%dma_wait3A, %dma_wait3A_83] : memref<32x128xi32, #tpu.memory_space<vmem>> -> memref<32x128xi32, #tpu.memory_space<vmem>>
        %dma_wait3A_85 = arith.constant 0 : i32
        %dma_wait3A_86 = tpu.memref_slice %arg4[%add3A_42, %dma_wait3A_85] : memref<2560x128xi32, #tpu.memory_space<hbm>> -> memref<32x128xi32, #tpu.memory_space<hbm>>
        %dma_wait3A_87 = arith.constant 0 : i32
        %dma_wait3A_88 = arith.constant 0 : i32
        %dma_wait3A_89 = tpu.memref_slice %arg8[%dma_wait3A_87, %dma_wait3A_88] : memref<32x128xi32, #tpu.memory_space<vmem>> -> memref<32x128xi32, #tpu.memory_space<vmem>>
        %dma_wait3A_90 = arith.constant 0 : i32
        %dma_wait3A_91 = tpu.memref_slice %arg4[%add3A_42, %dma_wait3A_90] : memref<2560x128xi32, #tpu.memory_space<hbm>> -> memref<32x128xi32, #tpu.memory_space<hbm>>
        tpu.wait_dma2 semaphore(%run_scoped3A : memref<!tpu.dma_semaphore, #tpu.memory_space<semaphore_mem>>) src(%dma_wait3A_91 : memref<32x128xi32, #tpu.memory_space<hbm>>) dst(%dma_wait3A_89 : memref<32x128xi32, #tpu.memory_space<vmem>>)
        tpu.yield
      }) : () -> ()
      %scan3A_45 = arith.constant 0 : i32
      %scan3A_46 = arith.constant 0 : i32
      %scan3A_47 = arith.constant 16 : i32
      %scan3A_48 = arith.addi %scan3A_46, %scan3A_47 : i32
      %scan3A_49 = arith.constant 1 : i32
      %scan3A_50 = scf.for %scan3A_74 = %scan3A_46 to %scan3A_48 step %scan3A_49 iter_args(%scan3A_75 = %scan3A_45) -> (i32)  : i32 {
        %mul3A_76 = arith.constant 2 : i32
        %mul3A_77 = arith.muli %mul3A_76, %scan3A_74 : i32
        %add3A_78 = arith.constant 1 : i32
        %add3A_79 = arith.addi %mul3A_77, %add3A_78 : i32
        %mul3A_80 = arith.constant 128 : i32
        %mul3A_81 = arith.muli %mul3A_77, %mul3A_80 : i32
        %dma_start3A = tpu.memref_slice %arg7[%mul3A_81] : memref<4096xi32, #tpu.memory_space<vmem>> -> memref<128xi32, #tpu.memory_space<vmem>>
        %dma_start3A_82 = arith.constant 0 : i32
        %dma_start3A_83 = arith.constant 0 : i32
        %dma_start3A_84 = tpu.memref_slice %arg2[%dma_start3A_82, %dma_start3A_83] : memref<10240x128xf32, #tpu.memory_space<hbm>> -> memref<10240x128xf32, #tpu.memory_space<hbm>>
        tpu.enqueue_indirect_dma source(%dma_start3A_84 : memref<10240x128xf32, #tpu.memory_space<hbm>>) target(%arg9 : memref<128x128xf32, #tpu.memory_space<vmem>>) offsets(%dma_start3A : memref<128xi32, #tpu.memory_space<vmem>>) semaphore(%arg12 : memref<!tpu.dma_semaphore, #tpu.memory_space<semaphore_mem>>)
        %mul3A_85 = arith.constant 128 : i32
        %mul3A_86 = arith.muli %add3A_79, %mul3A_85 : i32
        %dma_start3A_87 = tpu.memref_slice %arg7[%mul3A_86] : memref<4096xi32, #tpu.memory_space<vmem>> -> memref<128xi32, #tpu.memory_space<vmem>>
        %dma_start3A_88 = arith.constant 0 : i32
        %dma_start3A_89 = arith.constant 0 : i32
        %dma_start3A_90 = tpu.memref_slice %arg2[%dma_start3A_88, %dma_start3A_89] : memref<10240x128xf32, #tpu.memory_space<hbm>> -> memref<10240x128xf32, #tpu.memory_space<hbm>>
        tpu.enqueue_indirect_dma source(%dma_start3A_90 : memref<10240x128xf32, #tpu.memory_space<hbm>>) target(%arg10 : memref<128x128xf32, #tpu.memory_space<vmem>>) offsets(%dma_start3A_87 : memref<128xi32, #tpu.memory_space<vmem>>) semaphore(%arg12 : memref<!tpu.dma_semaphore, #tpu.memory_space<semaphore_mem>>)
        %mul3A_91 = arith.constant 128 : i32
        %mul3A_92 = arith.muli %mul3A_77, %mul3A_91 : i32
        %dma_wait3A = tpu.memref_slice %arg7[%mul3A_92] : memref<4096xi32, #tpu.memory_space<vmem>> -> memref<128xi32, #tpu.memory_space<vmem>>
        %dma_wait3A_93 = arith.constant 0 : i32
        %dma_wait3A_94 = arith.constant 0 : i32
        %dma_wait3A_95 = tpu.memref_slice %arg2[%dma_wait3A_93, %dma_wait3A_94] : memref<10240x128xf32, #tpu.memory_space<hbm>> -> memref<10240x128xf32, #tpu.memory_space<hbm>>
        tpu.wait_indirect_dma semaphore(%arg12 : memref<!tpu.dma_semaphore, #tpu.memory_space<semaphore_mem>>) src(%dma_wait3A_95 : memref<10240x128xf32, #tpu.memory_space<hbm>>) dst(%arg9 : memref<128x128xf32, #tpu.memory_space<vmem>>)
        "tpu.region"() ({
          %run_scoped3A = tpu.sem_alloc : memref<!tpu.dma_semaphore, #tpu.memory_space<semaphore_mem>>
          %dma_start3A_103 = arith.constant 0 : i32
          %dma_start3A_104 = tpu.memref_slice %arg8[%mul3A_77, %dma_start3A_103] : memref<32x128xi32, #tpu.memory_space<vmem>> -> memref<1x128xi32, #tpu.memory_space<vmem>>
          %dma_start3A_105 = tpu.memref_squeeze %dma_start3A_104 : memref<1x128xi32, #tpu.memory_space<vmem>> -> memref<128xi32, #tpu.memory_space<vmem>>
          %dma_start3A_106 = arith.constant 0 : i32
          %dma_start3A_107 = arith.constant 0 : i32
          %dma_start3A_108 = tpu.memref_slice %arg11[%dma_start3A_106, %dma_start3A_107] : memref<10240x128xf32, #tpu.memory_space<vmem_shared>> -> memref<10240x128xf32, #tpu.memory_space<vmem_shared>>
          tpu.enqueue_indirect_dma source(%arg9 : memref<128x128xf32, #tpu.memory_space<vmem>>) target(%dma_start3A_108 : memref<10240x128xf32, #tpu.memory_space<vmem_shared>>) offsets(%dma_start3A_105 : memref<128xi32, #tpu.memory_space<vmem>>) semaphore(%run_scoped3A : memref<!tpu.dma_semaphore, #tpu.memory_space<semaphore_mem>>) {add = true}
          %dma_wait3A_109 = arith.constant 0 : i32
          %dma_wait3A_110 = tpu.memref_slice %arg8[%mul3A_77, %dma_wait3A_109] : memref<32x128xi32, #tpu.memory_space<vmem>> -> memref<1x128xi32, #tpu.memory_space<vmem>>
          %dma_wait3A_111 = tpu.memref_squeeze %dma_wait3A_110 : memref<1x128xi32, #tpu.memory_space<vmem>> -> memref<128xi32, #tpu.memory_space<vmem>>
          %dma_wait3A_112 = arith.constant 0 : i32
          %dma_wait3A_113 = arith.constant 0 : i32
          %dma_wait3A_114 = tpu.memref_slice %arg11[%dma_wait3A_112, %dma_wait3A_113] : memref<10240x128xf32, #tpu.memory_space<vmem_shared>> -> memref<10240x128xf32, #tpu.memory_space<vmem_shared>>
          tpu.wait_indirect_dma semaphore(%run_scoped3A : memref<!tpu.dma_semaphore, #tpu.memory_space<semaphore_mem>>) src(%arg9 : memref<128x128xf32, #tpu.memory_space<vmem>>) dst(%dma_wait3A_114 : memref<10240x128xf32, #tpu.memory_space<vmem_shared>>)
          tpu.yield
        }) : () -> ()
        %mul3A_96 = arith.constant 128 : i32
        %mul3A_97 = arith.muli %add3A_79, %mul3A_96 : i32
        %dma_wait3A_98 = tpu.memref_slice %arg7[%mul3A_97] : memref<4096xi32, #tpu.memory_space<vmem>> -> memref<128xi32, #tpu.memory_space<vmem>>
        %dma_wait3A_99 = arith.constant 0 : i32
        %dma_wait3A_100 = arith.constant 0 : i32
        %dma_wait3A_101 = tpu.memref_slice %arg2[%dma_wait3A_99, %dma_wait3A_100] : memref<10240x128xf32, #tpu.memory_space<hbm>> -> memref<10240x128xf32, #tpu.memory_space<hbm>>
        tpu.wait_indirect_dma semaphore(%arg12 : memref<!tpu.dma_semaphore, #tpu.memory_space<semaphore_mem>>) src(%dma_wait3A_101 : memref<10240x128xf32, #tpu.memory_space<hbm>>) dst(%arg10 : memref<128x128xf32, #tpu.memory_space<vmem>>)
        "tpu.region"() ({
          %run_scoped3A = tpu.sem_alloc : memref<!tpu.dma_semaphore, #tpu.memory_space<semaphore_mem>>
          %dma_start3A_103 = arith.constant 0 : i32
          %dma_start3A_104 = tpu.memref_slice %arg8[%add3A_79, %dma_start3A_103] : memref<32x128xi32, #tpu.memory_space<vmem>> -> memref<1x128xi32, #tpu.memory_space<vmem>>
          %dma_start3A_105 = tpu.memref_squeeze %dma_start3A_104 : memref<1x128xi32, #tpu.memory_space<vmem>> -> memref<128xi32, #tpu.memory_space<vmem>>
          %dma_start3A_106 = arith.constant 0 : i32
          %dma_start3A_107 = arith.constant 0 : i32
          %dma_start3A_108 = tpu.memref_slice %arg11[%dma_start3A_106, %dma_start3A_107] : memref<10240x128xf32, #tpu.memory_space<vmem_shared>> -> memref<10240x128xf32, #tpu.memory_space<vmem_shared>>
          tpu.enqueue_indirect_dma source(%arg10 : memref<128x128xf32, #tpu.memory_space<vmem>>) target(%dma_start3A_108 : memref<10240x128xf32, #tpu.memory_space<vmem_shared>>) offsets(%dma_start3A_105 : memref<128xi32, #tpu.memory_space<vmem>>) semaphore(%run_scoped3A : memref<!tpu.dma_semaphore, #tpu.memory_space<semaphore_mem>>) {add = true}
          %dma_wait3A_109 = arith.constant 0 : i32
          %dma_wait3A_110 = tpu.memref_slice %arg8[%add3A_79, %dma_wait3A_109] : memref<32x128xi32, #tpu.memory_space<vmem>> -> memref<1x128xi32, #tpu.memory_space<vmem>>
          %dma_wait3A_111 = tpu.memref_squeeze %dma_wait3A_110 : memref<1x128xi32, #tpu.memory_space<vmem>> -> memref<128xi32, #tpu.memory_space<vmem>>
          %dma_wait3A_112 = arith.constant 0 : i32
          %dma_wait3A_113 = arith.constant 0 : i32
          %dma_wait3A_114 = tpu.memref_slice %arg11[%dma_wait3A_112, %dma_wait3A_113] : memref<10240x128xf32, #tpu.memory_space<vmem_shared>> -> memref<10240x128xf32, #tpu.memory_space<vmem_shared>>
          tpu.wait_indirect_dma semaphore(%run_scoped3A : memref<!tpu.dma_semaphore, #tpu.memory_space<semaphore_mem>>) src(%arg10 : memref<128x128xf32, #tpu.memory_space<vmem>>) dst(%dma_wait3A_114 : memref<10240x128xf32, #tpu.memory_space<vmem_shared>>)
          tpu.yield
        }) : () -> ()
        %scan3A_102 = arith.constant 0 : i32
        scf.yield %scan3A_102 : i32
      }
      %scan3A_51 = arith.constant 16 : i32
      %add3A_52 = arith.constant 96 : i32
      %add3A_53 = arith.addi %mul3A_20, %add3A_52 : i32
      %mul3A_54 = arith.constant 128 : i32
      %mul3A_55 = arith.muli %add3A_53, %mul3A_54 : i32
      "tpu.region"() ({
        %run_scoped3A = tpu.sem_alloc : memref<!tpu.dma_semaphore, #tpu.memory_space<semaphore_mem>>
        %dma_start3A = arith.constant 0 : i32
        %dma_start3A_74 = tpu.memref_slice %arg7[%dma_start3A] : memref<4096xi32, #tpu.memory_space<vmem>> -> memref<4096xi32, #tpu.memory_space<vmem>>
        %dma_start3A_75 = tpu.memref_slice %arg3[%mul3A_55] : memref<327680xi32, #tpu.memory_space<hbm>> -> memref<4096xi32, #tpu.memory_space<hbm>>
        %dma_start3A_76 = arith.constant 0 : i32
        %dma_start3A_77 = tpu.memref_slice %arg7[%dma_start3A_76] : memref<4096xi32, #tpu.memory_space<vmem>> -> memref<4096xi32, #tpu.memory_space<vmem>>
        %dma_start3A_78 = tpu.memref_slice %arg3[%mul3A_55] : memref<327680xi32, #tpu.memory_space<hbm>> -> memref<4096xi32, #tpu.memory_space<hbm>>
        tpu.enqueue_dma source(%dma_start3A_78 : memref<4096xi32, #tpu.memory_space<hbm>>) target(%dma_start3A_77 : memref<4096xi32, #tpu.memory_space<vmem>>) target_semaphore(%run_scoped3A : memref<!tpu.dma_semaphore, #tpu.memory_space<semaphore_mem>>)
        %dma_wait3A = arith.constant 0 : i32
        %dma_wait3A_79 = tpu.memref_slice %arg7[%dma_wait3A] : memref<4096xi32, #tpu.memory_space<vmem>> -> memref<4096xi32, #tpu.memory_space<vmem>>
        %dma_wait3A_80 = tpu.memref_slice %arg3[%mul3A_55] : memref<327680xi32, #tpu.memory_space<hbm>> -> memref<4096xi32, #tpu.memory_space<hbm>>
        %dma_wait3A_81 = arith.constant 0 : i32
        %dma_wait3A_82 = tpu.memref_slice %arg7[%dma_wait3A_81] : memref<4096xi32, #tpu.memory_space<vmem>> -> memref<4096xi32, #tpu.memory_space<vmem>>
        %dma_wait3A_83 = tpu.memref_slice %arg3[%mul3A_55] : memref<327680xi32, #tpu.memory_space<hbm>> -> memref<4096xi32, #tpu.memory_space<hbm>>
        tpu.wait_dma2 semaphore(%run_scoped3A : memref<!tpu.dma_semaphore, #tpu.memory_space<semaphore_mem>>) src(%dma_wait3A_83 : memref<4096xi32, #tpu.memory_space<hbm>>) dst(%dma_wait3A_82 : memref<4096xi32, #tpu.memory_space<vmem>>)
        tpu.yield
      }) : () -> ()
      "tpu.region"() ({
        %run_scoped3A = tpu.sem_alloc : memref<!tpu.dma_semaphore, #tpu.memory_space<semaphore_mem>>
        %dma_start3A = arith.constant 0 : i32
        %dma_start3A_74 = arith.constant 0 : i32
        %dma_start3A_75 = tpu.memref_slice %arg8[%dma_start3A, %dma_start3A_74] : memref<32x128xi32, #tpu.memory_space<vmem>> -> memref<32x128xi32, #tpu.memory_space<vmem>>
        %dma_start3A_76 = arith.constant 0 : i32
        %dma_start3A_77 = tpu.memref_slice %arg4[%add3A_53, %dma_start3A_76] : memref<2560x128xi32, #tpu.memory_space<hbm>> -> memref<32x128xi32, #tpu.memory_space<hbm>>
        %dma_start3A_78 = arith.constant 0 : i32
        %dma_start3A_79 = arith.constant 0 : i32
        %dma_start3A_80 = tpu.memref_slice %arg8[%dma_start3A_78, %dma_start3A_79] : memref<32x128xi32, #tpu.memory_space<vmem>> -> memref<32x128xi32, #tpu.memory_space<vmem>>
        %dma_start3A_81 = arith.constant 0 : i32
        %dma_start3A_82 = tpu.memref_slice %arg4[%add3A_53, %dma_start3A_81] : memref<2560x128xi32, #tpu.memory_space<hbm>> -> memref<32x128xi32, #tpu.memory_space<hbm>>
        tpu.enqueue_dma source(%dma_start3A_82 : memref<32x128xi32, #tpu.memory_space<hbm>>) target(%dma_start3A_80 : memref<32x128xi32, #tpu.memory_space<vmem>>) target_semaphore(%run_scoped3A : memref<!tpu.dma_semaphore, #tpu.memory_space<semaphore_mem>>)
        %dma_wait3A = arith.constant 0 : i32
        %dma_wait3A_83 = arith.constant 0 : i32
        %dma_wait3A_84 = tpu.memref_slice %arg8[%dma_wait3A, %dma_wait3A_83] : memref<32x128xi32, #tpu.memory_space<vmem>> -> memref<32x128xi32, #tpu.memory_space<vmem>>
        %dma_wait3A_85 = arith.constant 0 : i32
        %dma_wait3A_86 = tpu.memref_slice %arg4[%add3A_53, %dma_wait3A_85] : memref<2560x128xi32, #tpu.memory_space<hbm>> -> memref<32x128xi32, #tpu.memory_space<hbm>>
        %dma_wait3A_87 = arith.constant 0 : i32
        %dma_wait3A_88 = arith.constant 0 : i32
        %dma_wait3A_89 = tpu.memref_slice %arg8[%dma_wait3A_87, %dma_wait3A_88] : memref<32x128xi32, #tpu.memory_space<vmem>> -> memref<32x128xi32, #tpu.memory_space<vmem>>
        %dma_wait3A_90 = arith.constant 0 : i32
        %dma_wait3A_91 = tpu.memref_slice %arg4[%add3A_53, %dma_wait3A_90] : memref<2560x128xi32, #tpu.memory_space<hbm>> -> memref<32x128xi32, #tpu.memory_space<hbm>>
        tpu.wait_dma2 semaphore(%run_scoped3A : memref<!tpu.dma_semaphore, #tpu.memory_space<semaphore_mem>>) src(%dma_wait3A_91 : memref<32x128xi32, #tpu.memory_space<hbm>>) dst(%dma_wait3A_89 : memref<32x128xi32, #tpu.memory_space<vmem>>)
        tpu.yield
      }) : () -> ()
      %scan3A_56 = arith.constant 0 : i32
      %scan3A_57 = arith.constant 0 : i32
      %scan3A_58 = arith.constant 16 : i32
      %scan3A_59 = arith.addi %scan3A_57, %scan3A_58 : i32
      %scan3A_60 = arith.constant 1 : i32
      %scan3A_61 = scf.for %scan3A_74 = %scan3A_57 to %scan3A_59 step %scan3A_60 iter_args(%scan3A_75 = %scan3A_56) -> (i32)  : i32 {
        %mul3A_76 = arith.constant 2 : i32
        %mul3A_77 = arith.muli %mul3A_76, %scan3A_74 : i32
        %add3A_78 = arith.constant 1 : i32
        %add3A_79 = arith.addi %mul3A_77, %add3A_78 : i32
        %mul3A_80 = arith.constant 128 : i32
        %mul3A_81 = arith.muli %mul3A_77, %mul3A_80 : i32
        %dma_start3A = tpu.memref_slice %arg7[%mul3A_81] : memref<4096xi32, #tpu.memory_space<vmem>> -> memref<128xi32, #tpu.memory_space<vmem>>
        %dma_start3A_82 = arith.constant 0 : i32
        %dma_start3A_83 = arith.constant 0 : i32
        %dma_start3A_84 = tpu.memref_slice %arg2[%dma_start3A_82, %dma_start3A_83] : memref<10240x128xf32, #tpu.memory_space<hbm>> -> memref<10240x128xf32, #tpu.memory_space<hbm>>
        tpu.enqueue_indirect_dma source(%dma_start3A_84 : memref<10240x128xf32, #tpu.memory_space<hbm>>) target(%arg9 : memref<128x128xf32, #tpu.memory_space<vmem>>) offsets(%dma_start3A : memref<128xi32, #tpu.memory_space<vmem>>) semaphore(%arg12 : memref<!tpu.dma_semaphore, #tpu.memory_space<semaphore_mem>>)
        %mul3A_85 = arith.constant 128 : i32
        %mul3A_86 = arith.muli %add3A_79, %mul3A_85 : i32
        %dma_start3A_87 = tpu.memref_slice %arg7[%mul3A_86] : memref<4096xi32, #tpu.memory_space<vmem>> -> memref<128xi32, #tpu.memory_space<vmem>>
        %dma_start3A_88 = arith.constant 0 : i32
        %dma_start3A_89 = arith.constant 0 : i32
        %dma_start3A_90 = tpu.memref_slice %arg2[%dma_start3A_88, %dma_start3A_89] : memref<10240x128xf32, #tpu.memory_space<hbm>> -> memref<10240x128xf32, #tpu.memory_space<hbm>>
        tpu.enqueue_indirect_dma source(%dma_start3A_90 : memref<10240x128xf32, #tpu.memory_space<hbm>>) target(%arg10 : memref<128x128xf32, #tpu.memory_space<vmem>>) offsets(%dma_start3A_87 : memref<128xi32, #tpu.memory_space<vmem>>) semaphore(%arg12 : memref<!tpu.dma_semaphore, #tpu.memory_space<semaphore_mem>>)
        %mul3A_91 = arith.constant 128 : i32
        %mul3A_92 = arith.muli %mul3A_77, %mul3A_91 : i32
        %dma_wait3A = tpu.memref_slice %arg7[%mul3A_92] : memref<4096xi32, #tpu.memory_space<vmem>> -> memref<128xi32, #tpu.memory_space<vmem>>
        %dma_wait3A_93 = arith.constant 0 : i32
        %dma_wait3A_94 = arith.constant 0 : i32
        %dma_wait3A_95 = tpu.memref_slice %arg2[%dma_wait3A_93, %dma_wait3A_94] : memref<10240x128xf32, #tpu.memory_space<hbm>> -> memref<10240x128xf32, #tpu.memory_space<hbm>>
        tpu.wait_indirect_dma semaphore(%arg12 : memref<!tpu.dma_semaphore, #tpu.memory_space<semaphore_mem>>) src(%dma_wait3A_95 : memref<10240x128xf32, #tpu.memory_space<hbm>>) dst(%arg9 : memref<128x128xf32, #tpu.memory_space<vmem>>)
        "tpu.region"() ({
          %run_scoped3A = tpu.sem_alloc : memref<!tpu.dma_semaphore, #tpu.memory_space<semaphore_mem>>
          %dma_start3A_103 = arith.constant 0 : i32
          %dma_start3A_104 = tpu.memref_slice %arg8[%mul3A_77, %dma_start3A_103] : memref<32x128xi32, #tpu.memory_space<vmem>> -> memref<1x128xi32, #tpu.memory_space<vmem>>
          %dma_start3A_105 = tpu.memref_squeeze %dma_start3A_104 : memref<1x128xi32, #tpu.memory_space<vmem>> -> memref<128xi32, #tpu.memory_space<vmem>>
          %dma_start3A_106 = arith.constant 0 : i32
          %dma_start3A_107 = arith.constant 0 : i32
          %dma_start3A_108 = tpu.memref_slice %arg11[%dma_start3A_106, %dma_start3A_107] : memref<10240x128xf32, #tpu.memory_space<vmem_shared>> -> memref<10240x128xf32, #tpu.memory_space<vmem_shared>>
          tpu.enqueue_indirect_dma source(%arg9 : memref<128x128xf32, #tpu.memory_space<vmem>>) target(%dma_start3A_108 : memref<10240x128xf32, #tpu.memory_space<vmem_shared>>) offsets(%dma_start3A_105 : memref<128xi32, #tpu.memory_space<vmem>>) semaphore(%run_scoped3A : memref<!tpu.dma_semaphore, #tpu.memory_space<semaphore_mem>>) {add = true}
          %dma_wait3A_109 = arith.constant 0 : i32
          %dma_wait3A_110 = tpu.memref_slice %arg8[%mul3A_77, %dma_wait3A_109] : memref<32x128xi32, #tpu.memory_space<vmem>> -> memref<1x128xi32, #tpu.memory_space<vmem>>
          %dma_wait3A_111 = tpu.memref_squeeze %dma_wait3A_110 : memref<1x128xi32, #tpu.memory_space<vmem>> -> memref<128xi32, #tpu.memory_space<vmem>>
          %dma_wait3A_112 = arith.constant 0 : i32
          %dma_wait3A_113 = arith.constant 0 : i32
          %dma_wait3A_114 = tpu.memref_slice %arg11[%dma_wait3A_112, %dma_wait3A_113] : memref<10240x128xf32, #tpu.memory_space<vmem_shared>> -> memref<10240x128xf32, #tpu.memory_space<vmem_shared>>
          tpu.wait_indirect_dma semaphore(%run_scoped3A : memref<!tpu.dma_semaphore, #tpu.memory_space<semaphore_mem>>) src(%arg9 : memref<128x128xf32, #tpu.memory_space<vmem>>) dst(%dma_wait3A_114 : memref<10240x128xf32, #tpu.memory_space<vmem_shared>>)
          tpu.yield
        }) : () -> ()
        %mul3A_96 = arith.constant 128 : i32
        %mul3A_97 = arith.muli %add3A_79, %mul3A_96 : i32
        %dma_wait3A_98 = tpu.memref_slice %arg7[%mul3A_97] : memref<4096xi32, #tpu.memory_space<vmem>> -> memref<128xi32, #tpu.memory_space<vmem>>
        %dma_wait3A_99 = arith.constant 0 : i32
        %dma_wait3A_100 = arith.constant 0 : i32
        %dma_wait3A_101 = tpu.memref_slice %arg2[%dma_wait3A_99, %dma_wait3A_100] : memref<10240x128xf32, #tpu.memory_space<hbm>> -> memref<10240x128xf32, #tpu.memory_space<hbm>>
        tpu.wait_indirect_dma semaphore(%arg12 : memref<!tpu.dma_semaphore, #tpu.memory_space<semaphore_mem>>) src(%dma_wait3A_101 : memref<10240x128xf32, #tpu.memory_space<hbm>>) dst(%arg10 : memref<128x128xf32, #tpu.memory_space<vmem>>)
        "tpu.region"() ({
          %run_scoped3A = tpu.sem_alloc : memref<!tpu.dma_semaphore, #tpu.memory_space<semaphore_mem>>
          %dma_start3A_103 = arith.constant 0 : i32
          %dma_start3A_104 = tpu.memref_slice %arg8[%add3A_79, %dma_start3A_103] : memref<32x128xi32, #tpu.memory_space<vmem>> -> memref<1x128xi32, #tpu.memory_space<vmem>>
          %dma_start3A_105 = tpu.memref_squeeze %dma_start3A_104 : memref<1x128xi32, #tpu.memory_space<vmem>> -> memref<128xi32, #tpu.memory_space<vmem>>
          %dma_start3A_106 = arith.constant 0 : i32
          %dma_start3A_107 = arith.constant 0 : i32
          %dma_start3A_108 = tpu.memref_slice %arg11[%dma_start3A_106, %dma_start3A_107] : memref<10240x128xf32, #tpu.memory_space<vmem_shared>> -> memref<10240x128xf32, #tpu.memory_space<vmem_shared>>
          tpu.enqueue_indirect_dma source(%arg10 : memref<128x128xf32, #tpu.memory_space<vmem>>) target(%dma_start3A_108 : memref<10240x128xf32, #tpu.memory_space<vmem_shared>>) offsets(%dma_start3A_105 : memref<128xi32, #tpu.memory_space<vmem>>) semaphore(%run_scoped3A : memref<!tpu.dma_semaphore, #tpu.memory_space<semaphore_mem>>) {add = true}
          %dma_wait3A_109 = arith.constant 0 : i32
          %dma_wait3A_110 = tpu.memref_slice %arg8[%add3A_79, %dma_wait3A_109] : memref<32x128xi32, #tpu.memory_space<vmem>> -> memref<1x128xi32, #tpu.memory_space<vmem>>
          %dma_wait3A_111 = tpu.memref_squeeze %dma_wait3A_110 : memref<1x128xi32, #tpu.memory_space<vmem>> -> memref<128xi32, #tpu.memory_space<vmem>>
          %dma_wait3A_112 = arith.constant 0 : i32
          %dma_wait3A_113 = arith.constant 0 : i32
          %dma_wait3A_114 = tpu.memref_slice %arg11[%dma_wait3A_112, %dma_wait3A_113] : memref<10240x128xf32, #tpu.memory_space<vmem_shared>> -> memref<10240x128xf32, #tpu.memory_space<vmem_shared>>
          tpu.wait_indirect_dma semaphore(%run_scoped3A : memref<!tpu.dma_semaphore, #tpu.memory_space<semaphore_mem>>) src(%arg10 : memref<128x128xf32, #tpu.memory_space<vmem>>) dst(%dma_wait3A_114 : memref<10240x128xf32, #tpu.memory_space<vmem_shared>>)
          tpu.yield
        }) : () -> ()
        %scan3A_102 = arith.constant 0 : i32
        scf.yield %scan3A_102 : i32
      }
      %scan3A_62 = arith.constant 16 : i32
      %add3A_63 = arith.constant 128 : i32
      %add3A_64 = arith.addi %mul3A_20, %add3A_63 : i32
      %mul3A_65 = arith.constant 128 : i32
      %mul3A_66 = arith.muli %add3A_64, %mul3A_65 : i32
      "tpu.region"() ({
        %run_scoped3A = tpu.sem_alloc : memref<!tpu.dma_semaphore, #tpu.memory_space<semaphore_mem>>
        %dma_start3A = arith.constant 0 : i32
        %dma_start3A_74 = tpu.memref_slice %arg7[%dma_start3A] : memref<4096xi32, #tpu.memory_space<vmem>> -> memref<3072xi32, #tpu.memory_space<vmem>>
        %dma_start3A_75 = tpu.memref_slice %arg3[%mul3A_66] : memref<327680xi32, #tpu.memory_space<hbm>> -> memref<3072xi32, #tpu.memory_space<hbm>>
        %dma_start3A_76 = arith.constant 0 : i32
        %dma_start3A_77 = tpu.memref_slice %arg7[%dma_start3A_76] : memref<4096xi32, #tpu.memory_space<vmem>> -> memref<3072xi32, #tpu.memory_space<vmem>>
        %dma_start3A_78 = tpu.memref_slice %arg3[%mul3A_66] : memref<327680xi32, #tpu.memory_space<hbm>> -> memref<3072xi32, #tpu.memory_space<hbm>>
        tpu.enqueue_dma source(%dma_start3A_78 : memref<3072xi32, #tpu.memory_space<hbm>>) target(%dma_start3A_77 : memref<3072xi32, #tpu.memory_space<vmem>>) target_semaphore(%run_scoped3A : memref<!tpu.dma_semaphore, #tpu.memory_space<semaphore_mem>>)
        %dma_wait3A = arith.constant 0 : i32
        %dma_wait3A_79 = tpu.memref_slice %arg7[%dma_wait3A] : memref<4096xi32, #tpu.memory_space<vmem>> -> memref<3072xi32, #tpu.memory_space<vmem>>
        %dma_wait3A_80 = tpu.memref_slice %arg3[%mul3A_66] : memref<327680xi32, #tpu.memory_space<hbm>> -> memref<3072xi32, #tpu.memory_space<hbm>>
        %dma_wait3A_81 = arith.constant 0 : i32
        %dma_wait3A_82 = tpu.memref_slice %arg7[%dma_wait3A_81] : memref<4096xi32, #tpu.memory_space<vmem>> -> memref<3072xi32, #tpu.memory_space<vmem>>
        %dma_wait3A_83 = tpu.memref_slice %arg3[%mul3A_66] : memref<327680xi32, #tpu.memory_space<hbm>> -> memref<3072xi32, #tpu.memory_space<hbm>>
        tpu.wait_dma2 semaphore(%run_scoped3A : memref<!tpu.dma_semaphore, #tpu.memory_space<semaphore_mem>>) src(%dma_wait3A_83 : memref<3072xi32, #tpu.memory_space<hbm>>) dst(%dma_wait3A_82 : memref<3072xi32, #tpu.memory_space<vmem>>)
        tpu.yield
      }) : () -> ()
      "tpu.region"() ({
        %run_scoped3A = tpu.sem_alloc : memref<!tpu.dma_semaphore, #tpu.memory_space<semaphore_mem>>
        %dma_start3A = arith.constant 0 : i32
        %dma_start3A_74 = arith.constant 0 : i32
        %dma_start3A_75 = tpu.memref_slice %arg8[%dma_start3A, %dma_start3A_74] : memref<32x128xi32, #tpu.memory_space<vmem>> -> memref<24x128xi32, #tpu.memory_space<vmem>>
        %dma_start3A_76 = arith.constant 0 : i32
        %dma_start3A_77 = tpu.memref_slice %arg4[%add3A_64, %dma_start3A_76] : memref<2560x128xi32, #tpu.memory_space<hbm>> -> memref<24x128xi32, #tpu.memory_space<hbm>>
        %dma_start3A_78 = arith.constant 0 : i32
        %dma_start3A_79 = arith.constant 0 : i32
        %dma_start3A_80 = tpu.memref_slice %arg8[%dma_start3A_78, %dma_start3A_79] : memref<32x128xi32, #tpu.memory_space<vmem>> -> memref<24x128xi32, #tpu.memory_space<vmem>>
        %dma_start3A_81 = arith.constant 0 : i32
        %dma_start3A_82 = tpu.memref_slice %arg4[%add3A_64, %dma_start3A_81] : memref<2560x128xi32, #tpu.memory_space<hbm>> -> memref<24x128xi32, #tpu.memory_space<hbm>>
        tpu.enqueue_dma source(%dma_start3A_82 : memref<24x128xi32, #tpu.memory_space<hbm>>) target(%dma_start3A_80 : memref<24x128xi32, #tpu.memory_space<vmem>>) target_semaphore(%run_scoped3A : memref<!tpu.dma_semaphore, #tpu.memory_space<semaphore_mem>>)
        %dma_wait3A = arith.constant 0 : i32
        %dma_wait3A_83 = arith.constant 0 : i32
        %dma_wait3A_84 = tpu.memref_slice %arg8[%dma_wait3A, %dma_wait3A_83] : memref<32x128xi32, #tpu.memory_space<vmem>> -> memref<24x128xi32, #tpu.memory_space<vmem>>
        %dma_wait3A_85 = arith.constant 0 : i32
        %dma_wait3A_86 = tpu.memref_slice %arg4[%add3A_64, %dma_wait3A_85] : memref<2560x128xi32, #tpu.memory_space<hbm>> -> memref<24x128xi32, #tpu.memory_space<hbm>>
        %dma_wait3A_87 = arith.constant 0 : i32
        %dma_wait3A_88 = arith.constant 0 : i32
        %dma_wait3A_89 = tpu.memref_slice %arg8[%dma_wait3A_87, %dma_wait3A_88] : memref<32x128xi32, #tpu.memory_space<vmem>> -> memref<24x128xi32, #tpu.memory_space<vmem>>
        %dma_wait3A_90 = arith.constant 0 : i32
        %dma_wait3A_91 = tpu.memref_slice %arg4[%add3A_64, %dma_wait3A_90] : memref<2560x128xi32, #tpu.memory_space<hbm>> -> memref<24x128xi32, #tpu.memory_space<hbm>>
        tpu.wait_dma2 semaphore(%run_scoped3A : memref<!tpu.dma_semaphore, #tpu.memory_space<semaphore_mem>>) src(%dma_wait3A_91 : memref<24x128xi32, #tpu.memory_space<hbm>>) dst(%dma_wait3A_89 : memref<24x128xi32, #tpu.memory_space<vmem>>)
        tpu.yield
      }) : () -> ()
      %scan3A_67 = arith.constant 0 : i32
      %scan3A_68 = arith.constant 0 : i32
      %scan3A_69 = arith.constant 12 : i32
      %scan3A_70 = arith.addi %scan3A_68, %scan3A_69 : i32
      %scan3A_71 = arith.constant 1 : i32
      %scan3A_72 = scf.for %scan3A_74 = %scan3A_68 to %scan3A_70 step %scan3A_71 iter_args(%scan3A_75 = %scan3A_67) -> (i32)  : i32 {
        %mul3A_76 = arith.constant 2 : i32
        %mul3A_77 = arith.muli %mul3A_76, %scan3A_74 : i32
        %add3A_78 = arith.constant 1 : i32
        %add3A_79 = arith.addi %mul3A_77, %add3A_78 : i32
        %mul3A_80 = arith.constant 128 : i32
        %mul3A_81 = arith.muli %mul3A_77, %mul3A_80 : i32
        %dma_start3A = tpu.memref_slice %arg7[%mul3A_81] : memref<4096xi32, #tpu.memory_space<vmem>> -> memref<128xi32, #tpu.memory_space<vmem>>
        %dma_start3A_82 = arith.constant 0 : i32
        %dma_start3A_83 = arith.constant 0 : i32
        %dma_start3A_84 = tpu.memref_slice %arg2[%dma_start3A_82, %dma_start3A_83] : memref<10240x128xf32, #tpu.memory_space<hbm>> -> memref<10240x128xf32, #tpu.memory_space<hbm>>
        tpu.enqueue_indirect_dma source(%dma_start3A_84 : memref<10240x128xf32, #tpu.memory_space<hbm>>) target(%arg9 : memref<128x128xf32, #tpu.memory_space<vmem>>) offsets(%dma_start3A : memref<128xi32, #tpu.memory_space<vmem>>) semaphore(%arg12 : memref<!tpu.dma_semaphore, #tpu.memory_space<semaphore_mem>>)
        %mul3A_85 = arith.constant 128 : i32
        %mul3A_86 = arith.muli %add3A_79, %mul3A_85 : i32
        %dma_start3A_87 = tpu.memref_slice %arg7[%mul3A_86] : memref<4096xi32, #tpu.memory_space<vmem>> -> memref<128xi32, #tpu.memory_space<vmem>>
        %dma_start3A_88 = arith.constant 0 : i32
        %dma_start3A_89 = arith.constant 0 : i32
        %dma_start3A_90 = tpu.memref_slice %arg2[%dma_start3A_88, %dma_start3A_89] : memref<10240x128xf32, #tpu.memory_space<hbm>> -> memref<10240x128xf32, #tpu.memory_space<hbm>>
        tpu.enqueue_indirect_dma source(%dma_start3A_90 : memref<10240x128xf32, #tpu.memory_space<hbm>>) target(%arg10 : memref<128x128xf32, #tpu.memory_space<vmem>>) offsets(%dma_start3A_87 : memref<128xi32, #tpu.memory_space<vmem>>) semaphore(%arg12 : memref<!tpu.dma_semaphore, #tpu.memory_space<semaphore_mem>>)
        %mul3A_91 = arith.constant 128 : i32
        %mul3A_92 = arith.muli %mul3A_77, %mul3A_91 : i32
        %dma_wait3A = tpu.memref_slice %arg7[%mul3A_92] : memref<4096xi32, #tpu.memory_space<vmem>> -> memref<128xi32, #tpu.memory_space<vmem>>
        %dma_wait3A_93 = arith.constant 0 : i32
        %dma_wait3A_94 = arith.constant 0 : i32
        %dma_wait3A_95 = tpu.memref_slice %arg2[%dma_wait3A_93, %dma_wait3A_94] : memref<10240x128xf32, #tpu.memory_space<hbm>> -> memref<10240x128xf32, #tpu.memory_space<hbm>>
        tpu.wait_indirect_dma semaphore(%arg12 : memref<!tpu.dma_semaphore, #tpu.memory_space<semaphore_mem>>) src(%dma_wait3A_95 : memref<10240x128xf32, #tpu.memory_space<hbm>>) dst(%arg9 : memref<128x128xf32, #tpu.memory_space<vmem>>)
        "tpu.region"() ({
          %run_scoped3A = tpu.sem_alloc : memref<!tpu.dma_semaphore, #tpu.memory_space<semaphore_mem>>
          %dma_start3A_103 = arith.constant 0 : i32
          %dma_start3A_104 = tpu.memref_slice %arg8[%mul3A_77, %dma_start3A_103] : memref<32x128xi32, #tpu.memory_space<vmem>> -> memref<1x128xi32, #tpu.memory_space<vmem>>
          %dma_start3A_105 = tpu.memref_squeeze %dma_start3A_104 : memref<1x128xi32, #tpu.memory_space<vmem>> -> memref<128xi32, #tpu.memory_space<vmem>>
          %dma_start3A_106 = arith.constant 0 : i32
          %dma_start3A_107 = arith.constant 0 : i32
          %dma_start3A_108 = tpu.memref_slice %arg11[%dma_start3A_106, %dma_start3A_107] : memref<10240x128xf32, #tpu.memory_space<vmem_shared>> -> memref<10240x128xf32, #tpu.memory_space<vmem_shared>>
          tpu.enqueue_indirect_dma source(%arg9 : memref<128x128xf32, #tpu.memory_space<vmem>>) target(%dma_start3A_108 : memref<10240x128xf32, #tpu.memory_space<vmem_shared>>) offsets(%dma_start3A_105 : memref<128xi32, #tpu.memory_space<vmem>>) semaphore(%run_scoped3A : memref<!tpu.dma_semaphore, #tpu.memory_space<semaphore_mem>>) {add = true}
          %dma_wait3A_109 = arith.constant 0 : i32
          %dma_wait3A_110 = tpu.memref_slice %arg8[%mul3A_77, %dma_wait3A_109] : memref<32x128xi32, #tpu.memory_space<vmem>> -> memref<1x128xi32, #tpu.memory_space<vmem>>
          %dma_wait3A_111 = tpu.memref_squeeze %dma_wait3A_110 : memref<1x128xi32, #tpu.memory_space<vmem>> -> memref<128xi32, #tpu.memory_space<vmem>>
          %dma_wait3A_112 = arith.constant 0 : i32
          %dma_wait3A_113 = arith.constant 0 : i32
          %dma_wait3A_114 = tpu.memref_slice %arg11[%dma_wait3A_112, %dma_wait3A_113] : memref<10240x128xf32, #tpu.memory_space<vmem_shared>> -> memref<10240x128xf32, #tpu.memory_space<vmem_shared>>
          tpu.wait_indirect_dma semaphore(%run_scoped3A : memref<!tpu.dma_semaphore, #tpu.memory_space<semaphore_mem>>) src(%arg9 : memref<128x128xf32, #tpu.memory_space<vmem>>) dst(%dma_wait3A_114 : memref<10240x128xf32, #tpu.memory_space<vmem_shared>>)
          tpu.yield
        }) : () -> ()
        %mul3A_96 = arith.constant 128 : i32
        %mul3A_97 = arith.muli %add3A_79, %mul3A_96 : i32
        %dma_wait3A_98 = tpu.memref_slice %arg7[%mul3A_97] : memref<4096xi32, #tpu.memory_space<vmem>> -> memref<128xi32, #tpu.memory_space<vmem>>
        %dma_wait3A_99 = arith.constant 0 : i32
        %dma_wait3A_100 = arith.constant 0 : i32
        %dma_wait3A_101 = tpu.memref_slice %arg2[%dma_wait3A_99, %dma_wait3A_100] : memref<10240x128xf32, #tpu.memory_space<hbm>> -> memref<10240x128xf32, #tpu.memory_space<hbm>>
        tpu.wait_indirect_dma semaphore(%arg12 : memref<!tpu.dma_semaphore, #tpu.memory_space<semaphore_mem>>) src(%dma_wait3A_101 : memref<10240x128xf32, #tpu.memory_space<hbm>>) dst(%arg10 : memref<128x128xf32, #tpu.memory_space<vmem>>)
        "tpu.region"() ({
          %run_scoped3A = tpu.sem_alloc : memref<!tpu.dma_semaphore, #tpu.memory_space<semaphore_mem>>
          %dma_start3A_103 = arith.constant 0 : i32
          %dma_start3A_104 = tpu.memref_slice %arg8[%add3A_79, %dma_start3A_103] : memref<32x128xi32, #tpu.memory_space<vmem>> -> memref<1x128xi32, #tpu.memory_space<vmem>>
          %dma_start3A_105 = tpu.memref_squeeze %dma_start3A_104 : memref<1x128xi32, #tpu.memory_space<vmem>> -> memref<128xi32, #tpu.memory_space<vmem>>
          %dma_start3A_106 = arith.constant 0 : i32
          %dma_start3A_107 = arith.constant 0 : i32
          %dma_start3A_108 = tpu.memref_slice %arg11[%dma_start3A_106, %dma_start3A_107] : memref<10240x128xf32, #tpu.memory_space<vmem_shared>> -> memref<10240x128xf32, #tpu.memory_space<vmem_shared>>
          tpu.enqueue_indirect_dma source(%arg10 : memref<128x128xf32, #tpu.memory_space<vmem>>) target(%dma_start3A_108 : memref<10240x128xf32, #tpu.memory_space<vmem_shared>>) offsets(%dma_start3A_105 : memref<128xi32, #tpu.memory_space<vmem>>) semaphore(%run_scoped3A : memref<!tpu.dma_semaphore, #tpu.memory_space<semaphore_mem>>) {add = true}
          %dma_wait3A_109 = arith.constant 0 : i32
          %dma_wait3A_110 = tpu.memref_slice %arg8[%add3A_79, %dma_wait3A_109] : memref<32x128xi32, #tpu.memory_space<vmem>> -> memref<1x128xi32, #tpu.memory_space<vmem>>
          %dma_wait3A_111 = tpu.memref_squeeze %dma_wait3A_110 : memref<1x128xi32, #tpu.memory_space<vmem>> -> memref<128xi32, #tpu.memory_space<vmem>>
          %dma_wait3A_112 = arith.constant 0 : i32
          %dma_wait3A_113 = arith.constant 0 : i32
          %dma_wait3A_114 = tpu.memref_slice %arg11[%dma_wait3A_112, %dma_wait3A_113] : memref<10240x128xf32, #tpu.memory_space<vmem_shared>> -> memref<10240x128xf32, #tpu.memory_space<vmem_shared>>
          tpu.wait_indirect_dma semaphore(%run_scoped3A : memref<!tpu.dma_semaphore, #tpu.memory_space<semaphore_mem>>) src(%arg10 : memref<128x128xf32, #tpu.memory_space<vmem>>) dst(%dma_wait3A_114 : memref<10240x128xf32, #tpu.memory_space<vmem_shared>>)
          tpu.yield
        }) : () -> ()
        %scan3A_102 = arith.constant 0 : i32
        scf.yield %scan3A_102 : i32
      }
      %scan3A_73 = arith.constant 12 : i32
    } else {
    }
    %eq3A_3 = arith.constant 1 : i32
    %eq3A_4 = arith.cmpi eq, %arg0, %eq3A_3 : i32
    %convert_element_type3A_5 = arith.extui %eq3A_4 : i1 to i32
    %cond3A_6 = arith.constant 0 : i32
    %cond3A_7 = arith.cmpi ne, %convert_element_type3A_5, %cond3A_6 : i32
    scf.if %cond3A_7 {
      %mul3A_19 = arith.constant 8 : i32
      %mul3A_20 = arith.muli %arg1, %mul3A_19 : i32
      %add3A = arith.constant 2432 : i32
      %add3A_21 = arith.addi %add3A, %mul3A_20 : i32
      %add3A_22 = arith.constant 0 : i32
      %add3A_23 = arith.addi %add3A_21, %add3A_22 : i32
      %mul3A_24 = arith.constant 128 : i32
      %mul3A_25 = arith.muli %add3A_23, %mul3A_24 : i32
      "tpu.region"() ({
        %run_scoped3A = tpu.sem_alloc : memref<!tpu.dma_semaphore, #tpu.memory_space<semaphore_mem>>
        %dma_start3A = arith.constant 0 : i32
        %dma_start3A_32 = tpu.memref_slice %arg7[%dma_start3A] : memref<4096xi32, #tpu.memory_space<vmem>> -> memref<1024xi32, #tpu.memory_space<vmem>>
        %dma_start3A_33 = tpu.memref_slice %arg3[%mul3A_25] : memref<327680xi32, #tpu.memory_space<hbm>> -> memref<1024xi32, #tpu.memory_space<hbm>>
        %dma_start3A_34 = arith.constant 0 : i32
        %dma_start3A_35 = tpu.memref_slice %arg7[%dma_start3A_34] : memref<4096xi32, #tpu.memory_space<vmem>> -> memref<1024xi32, #tpu.memory_space<vmem>>
        %dma_start3A_36 = tpu.memref_slice %arg3[%mul3A_25] : memref<327680xi32, #tpu.memory_space<hbm>> -> memref<1024xi32, #tpu.memory_space<hbm>>
        tpu.enqueue_dma source(%dma_start3A_36 : memref<1024xi32, #tpu.memory_space<hbm>>) target(%dma_start3A_35 : memref<1024xi32, #tpu.memory_space<vmem>>) target_semaphore(%run_scoped3A : memref<!tpu.dma_semaphore, #tpu.memory_space<semaphore_mem>>)
        %dma_wait3A = arith.constant 0 : i32
        %dma_wait3A_37 = tpu.memref_slice %arg7[%dma_wait3A] : memref<4096xi32, #tpu.memory_space<vmem>> -> memref<1024xi32, #tpu.memory_space<vmem>>
        %dma_wait3A_38 = tpu.memref_slice %arg3[%mul3A_25] : memref<327680xi32, #tpu.memory_space<hbm>> -> memref<1024xi32, #tpu.memory_space<hbm>>
        %dma_wait3A_39 = arith.constant 0 : i32
        %dma_wait3A_40 = tpu.memref_slice %arg7[%dma_wait3A_39] : memref<4096xi32, #tpu.memory_space<vmem>> -> memref<1024xi32, #tpu.memory_space<vmem>>
        %dma_wait3A_41 = tpu.memref_slice %arg3[%mul3A_25] : memref<327680xi32, #tpu.memory_space<hbm>> -> memref<1024xi32, #tpu.memory_space<hbm>>
        tpu.wait_dma2 semaphore(%run_scoped3A : memref<!tpu.dma_semaphore, #tpu.memory_space<semaphore_mem>>) src(%dma_wait3A_41 : memref<1024xi32, #tpu.memory_space<hbm>>) dst(%dma_wait3A_40 : memref<1024xi32, #tpu.memory_space<vmem>>)
        tpu.yield
      }) : () -> ()
      "tpu.region"() ({
        %run_scoped3A = tpu.sem_alloc : memref<!tpu.dma_semaphore, #tpu.memory_space<semaphore_mem>>
        %dma_start3A = arith.constant 0 : i32
        %dma_start3A_32 = arith.constant 0 : i32
        %dma_start3A_33 = tpu.memref_slice %arg8[%dma_start3A, %dma_start3A_32] : memref<32x128xi32, #tpu.memory_space<vmem>> -> memref<8x128xi32, #tpu.memory_space<vmem>>
        %dma_start3A_34 = arith.constant 0 : i32
        %dma_start3A_35 = tpu.memref_slice %arg4[%add3A_23, %dma_start3A_34] : memref<2560x128xi32, #tpu.memory_space<hbm>> -> memref<8x128xi32, #tpu.memory_space<hbm>>
        %dma_start3A_36 = arith.constant 0 : i32
        %dma_start3A_37 = arith.constant 0 : i32
        %dma_start3A_38 = tpu.memref_slice %arg8[%dma_start3A_36, %dma_start3A_37] : memref<32x128xi32, #tpu.memory_space<vmem>> -> memref<8x128xi32, #tpu.memory_space<vmem>>
        %dma_start3A_39 = arith.constant 0 : i32
        %dma_start3A_40 = tpu.memref_slice %arg4[%add3A_23, %dma_start3A_39] : memref<2560x128xi32, #tpu.memory_space<hbm>> -> memref<8x128xi32, #tpu.memory_space<hbm>>
        tpu.enqueue_dma source(%dma_start3A_40 : memref<8x128xi32, #tpu.memory_space<hbm>>) target(%dma_start3A_38 : memref<8x128xi32, #tpu.memory_space<vmem>>) target_semaphore(%run_scoped3A : memref<!tpu.dma_semaphore, #tpu.memory_space<semaphore_mem>>)
        %dma_wait3A = arith.constant 0 : i32
        %dma_wait3A_41 = arith.constant 0 : i32
        %dma_wait3A_42 = tpu.memref_slice %arg8[%dma_wait3A, %dma_wait3A_41] : memref<32x128xi32, #tpu.memory_space<vmem>> -> memref<8x128xi32, #tpu.memory_space<vmem>>
        %dma_wait3A_43 = arith.constant 0 : i32
        %dma_wait3A_44 = tpu.memref_slice %arg4[%add3A_23, %dma_wait3A_43] : memref<2560x128xi32, #tpu.memory_space<hbm>> -> memref<8x128xi32, #tpu.memory_space<hbm>>
        %dma_wait3A_45 = arith.constant 0 : i32
        %dma_wait3A_46 = arith.constant 0 : i32
        %dma_wait3A_47 = tpu.memref_slice %arg8[%dma_wait3A_45, %dma_wait3A_46] : memref<32x128xi32, #tpu.memory_space<vmem>> -> memref<8x128xi32, #tpu.memory_space<vmem>>
        %dma_wait3A_48 = arith.constant 0 : i32
        %dma_wait3A_49 = tpu.memref_slice %arg4[%add3A_23, %dma_wait3A_48] : memref<2560x128xi32, #tpu.memory_space<hbm>> -> memref<8x128xi32, #tpu.memory_space<hbm>>
        tpu.wait_dma2 semaphore(%run_scoped3A : memref<!tpu.dma_semaphore, #tpu.memory_space<semaphore_mem>>) src(%dma_wait3A_49 : memref<8x128xi32, #tpu.memory_space<hbm>>) dst(%dma_wait3A_47 : memref<8x128xi32, #tpu.memory_space<vmem>>)
        tpu.yield
      }) : () -> ()
      %scan3A = arith.constant 0 : i32
      %scan3A_26 = arith.constant 0 : i32
      %scan3A_27 = arith.constant 4 : i32
      %scan3A_28 = arith.addi %scan3A_26, %scan3A_27 : i32
      %scan3A_29 = arith.constant 1 : i32
      %scan3A_30 = scf.for %scan3A_32 = %scan3A_26 to %scan3A_28 step %scan3A_29 iter_args(%scan3A_33 = %scan3A) -> (i32)  : i32 {
        %mul3A_34 = arith.constant 2 : i32
        %mul3A_35 = arith.muli %mul3A_34, %scan3A_32 : i32
        %add3A_36 = arith.constant 1 : i32
        %add3A_37 = arith.addi %mul3A_35, %add3A_36 : i32
        %mul3A_38 = arith.constant 128 : i32
        %mul3A_39 = arith.muli %mul3A_35, %mul3A_38 : i32
        %dma_start3A = tpu.memref_slice %arg7[%mul3A_39] : memref<4096xi32, #tpu.memory_space<vmem>> -> memref<128xi32, #tpu.memory_space<vmem>>
        %dma_start3A_40 = arith.constant 0 : i32
        %dma_start3A_41 = arith.constant 0 : i32
        %dma_start3A_42 = tpu.memref_slice %arg2[%dma_start3A_40, %dma_start3A_41] : memref<10240x128xf32, #tpu.memory_space<hbm>> -> memref<10240x128xf32, #tpu.memory_space<hbm>>
        tpu.enqueue_indirect_dma source(%dma_start3A_42 : memref<10240x128xf32, #tpu.memory_space<hbm>>) target(%arg9 : memref<128x128xf32, #tpu.memory_space<vmem>>) offsets(%dma_start3A : memref<128xi32, #tpu.memory_space<vmem>>) semaphore(%arg12 : memref<!tpu.dma_semaphore, #tpu.memory_space<semaphore_mem>>)
        %mul3A_43 = arith.constant 128 : i32
        %mul3A_44 = arith.muli %add3A_37, %mul3A_43 : i32
        %dma_start3A_45 = tpu.memref_slice %arg7[%mul3A_44] : memref<4096xi32, #tpu.memory_space<vmem>> -> memref<128xi32, #tpu.memory_space<vmem>>
        %dma_start3A_46 = arith.constant 0 : i32
        %dma_start3A_47 = arith.constant 0 : i32
        %dma_start3A_48 = tpu.memref_slice %arg2[%dma_start3A_46, %dma_start3A_47] : memref<10240x128xf32, #tpu.memory_space<hbm>> -> memref<10240x128xf32, #tpu.memory_space<hbm>>
        tpu.enqueue_indirect_dma source(%dma_start3A_48 : memref<10240x128xf32, #tpu.memory_space<hbm>>) target(%arg10 : memref<128x128xf32, #tpu.memory_space<vmem>>) offsets(%dma_start3A_45 : memref<128xi32, #tpu.memory_space<vmem>>) semaphore(%arg12 : memref<!tpu.dma_semaphore, #tpu.memory_space<semaphore_mem>>)
        %mul3A_49 = arith.constant 128 : i32
        %mul3A_50 = arith.muli %mul3A_35, %mul3A_49 : i32
        %dma_wait3A = tpu.memref_slice %arg7[%mul3A_50] : memref<4096xi32, #tpu.memory_space<vmem>> -> memref<128xi32, #tpu.memory_space<vmem>>
        %dma_wait3A_51 = arith.constant 0 : i32
        %dma_wait3A_52 = arith.constant 0 : i32
        %dma_wait3A_53 = tpu.memref_slice %arg2[%dma_wait3A_51, %dma_wait3A_52] : memref<10240x128xf32, #tpu.memory_space<hbm>> -> memref<10240x128xf32, #tpu.memory_space<hbm>>
        tpu.wait_indirect_dma semaphore(%arg12 : memref<!tpu.dma_semaphore, #tpu.memory_space<semaphore_mem>>) src(%dma_wait3A_53 : memref<10240x128xf32, #tpu.memory_space<hbm>>) dst(%arg9 : memref<128x128xf32, #tpu.memory_space<vmem>>)
        "tpu.region"() ({
          %run_scoped3A = tpu.sem_alloc : memref<!tpu.dma_semaphore, #tpu.memory_space<semaphore_mem>>
          %dma_start3A_61 = arith.constant 0 : i32
          %dma_start3A_62 = tpu.memref_slice %arg8[%mul3A_35, %dma_start3A_61] : memref<32x128xi32, #tpu.memory_space<vmem>> -> memref<1x128xi32, #tpu.memory_space<vmem>>
          %dma_start3A_63 = tpu.memref_squeeze %dma_start3A_62 : memref<1x128xi32, #tpu.memory_space<vmem>> -> memref<128xi32, #tpu.memory_space<vmem>>
          %dma_start3A_64 = arith.constant 0 : i32
          %dma_start3A_65 = arith.constant 0 : i32
          %dma_start3A_66 = tpu.memref_slice %arg11[%dma_start3A_64, %dma_start3A_65] : memref<10240x128xf32, #tpu.memory_space<vmem_shared>> -> memref<10240x128xf32, #tpu.memory_space<vmem_shared>>
          tpu.enqueue_indirect_dma source(%arg9 : memref<128x128xf32, #tpu.memory_space<vmem>>) target(%dma_start3A_66 : memref<10240x128xf32, #tpu.memory_space<vmem_shared>>) offsets(%dma_start3A_63 : memref<128xi32, #tpu.memory_space<vmem>>) semaphore(%run_scoped3A : memref<!tpu.dma_semaphore, #tpu.memory_space<semaphore_mem>>) {add = true}
          %dma_wait3A_67 = arith.constant 0 : i32
          %dma_wait3A_68 = tpu.memref_slice %arg8[%mul3A_35, %dma_wait3A_67] : memref<32x128xi32, #tpu.memory_space<vmem>> -> memref<1x128xi32, #tpu.memory_space<vmem>>
          %dma_wait3A_69 = tpu.memref_squeeze %dma_wait3A_68 : memref<1x128xi32, #tpu.memory_space<vmem>> -> memref<128xi32, #tpu.memory_space<vmem>>
          %dma_wait3A_70 = arith.constant 0 : i32
          %dma_wait3A_71 = arith.constant 0 : i32
          %dma_wait3A_72 = tpu.memref_slice %arg11[%dma_wait3A_70, %dma_wait3A_71] : memref<10240x128xf32, #tpu.memory_space<vmem_shared>> -> memref<10240x128xf32, #tpu.memory_space<vmem_shared>>
          tpu.wait_indirect_dma semaphore(%run_scoped3A : memref<!tpu.dma_semaphore, #tpu.memory_space<semaphore_mem>>) src(%arg9 : memref<128x128xf32, #tpu.memory_space<vmem>>) dst(%dma_wait3A_72 : memref<10240x128xf32, #tpu.memory_space<vmem_shared>>)
          tpu.yield
        }) : () -> ()
        %mul3A_54 = arith.constant 128 : i32
        %mul3A_55 = arith.muli %add3A_37, %mul3A_54 : i32
        %dma_wait3A_56 = tpu.memref_slice %arg7[%mul3A_55] : memref<4096xi32, #tpu.memory_space<vmem>> -> memref<128xi32, #tpu.memory_space<vmem>>
        %dma_wait3A_57 = arith.constant 0 : i32
        %dma_wait3A_58 = arith.constant 0 : i32
        %dma_wait3A_59 = tpu.memref_slice %arg2[%dma_wait3A_57, %dma_wait3A_58] : memref<10240x128xf32, #tpu.memory_space<hbm>> -> memref<10240x128xf32, #tpu.memory_space<hbm>>
        tpu.wait_indirect_dma semaphore(%arg12 : memref<!tpu.dma_semaphore, #tpu.memory_space<semaphore_mem>>) src(%dma_wait3A_59 : memref<10240x128xf32, #tpu.memory_space<hbm>>) dst(%arg10 : memref<128x128xf32, #tpu.memory_space<vmem>>)
        "tpu.region"() ({
          %run_scoped3A = tpu.sem_alloc : memref<!tpu.dma_semaphore, #tpu.memory_space<semaphore_mem>>
          %dma_start3A_61 = arith.constant 0 : i32
          %dma_start3A_62 = tpu.memref_slice %arg8[%add3A_37, %dma_start3A_61] : memref<32x128xi32, #tpu.memory_space<vmem>> -> memref<1x128xi32, #tpu.memory_space<vmem>>
          %dma_start3A_63 = tpu.memref_squeeze %dma_start3A_62 : memref<1x128xi32, #tpu.memory_space<vmem>> -> memref<128xi32, #tpu.memory_space<vmem>>
          %dma_start3A_64 = arith.constant 0 : i32
          %dma_start3A_65 = arith.constant 0 : i32
          %dma_start3A_66 = tpu.memref_slice %arg11[%dma_start3A_64, %dma_start3A_65] : memref<10240x128xf32, #tpu.memory_space<vmem_shared>> -> memref<10240x128xf32, #tpu.memory_space<vmem_shared>>
          tpu.enqueue_indirect_dma source(%arg10 : memref<128x128xf32, #tpu.memory_space<vmem>>) target(%dma_start3A_66 : memref<10240x128xf32, #tpu.memory_space<vmem_shared>>) offsets(%dma_start3A_63 : memref<128xi32, #tpu.memory_space<vmem>>) semaphore(%run_scoped3A : memref<!tpu.dma_semaphore, #tpu.memory_space<semaphore_mem>>) {add = true}
          %dma_wait3A_67 = arith.constant 0 : i32
          %dma_wait3A_68 = tpu.memref_slice %arg8[%add3A_37, %dma_wait3A_67] : memref<32x128xi32, #tpu.memory_space<vmem>> -> memref<1x128xi32, #tpu.memory_space<vmem>>
          %dma_wait3A_69 = tpu.memref_squeeze %dma_wait3A_68 : memref<1x128xi32, #tpu.memory_space<vmem>> -> memref<128xi32, #tpu.memory_space<vmem>>
          %dma_wait3A_70 = arith.constant 0 : i32
          %dma_wait3A_71 = arith.constant 0 : i32
          %dma_wait3A_72 = tpu.memref_slice %arg11[%dma_wait3A_70, %dma_wait3A_71] : memref<10240x128xf32, #tpu.memory_space<vmem_shared>> -> memref<10240x128xf32, #tpu.memory_space<vmem_shared>>
          tpu.wait_indirect_dma semaphore(%run_scoped3A : memref<!tpu.dma_semaphore, #tpu.memory_space<semaphore_mem>>) src(%arg10 : memref<128x128xf32, #tpu.memory_space<vmem>>) dst(%dma_wait3A_72 : memref<10240x128xf32, #tpu.memory_space<vmem_shared>>)
          tpu.yield
        }) : () -> ()
        %scan3A_60 = arith.constant 0 : i32
        scf.yield %scan3A_60 : i32
      }
      %scan3A_31 = arith.constant 4 : i32
    } else {
    }
    %barrier3A_8 = arith.constant 0 : index
    tpu.barrier barrier_id(%barrier3A_8)
    %eq3A_9 = arith.constant 0 : i32
    %eq3A_10 = arith.cmpi eq, %arg0, %eq3A_9 : i32
    %convert_element_type3A_11 = arith.extui %eq3A_10 : i1 to i32
    %cond3A_12 = arith.constant 0 : i32
    %cond3A_13 = arith.cmpi ne, %convert_element_type3A_11, %cond3A_12 : i32
    scf.if %cond3A_13 {
      "tpu.region"() ({
        %run_scoped3A = tpu.sem_alloc : memref<!tpu.dma_semaphore, #tpu.memory_space<semaphore_mem>>
        %dma_start3A = arith.constant 0 : i32
        %dma_start3A_19 = tpu.memref_slice %arg5[%mul3A_0, %dma_start3A] : memref<10240x128xf32, #tpu.memory_space<hbm>> -> memref<640x128xf32, #tpu.memory_space<hbm>>
        %dma_start3A_20 = arith.constant 0 : i32
        %dma_start3A_21 = tpu.memref_slice %arg11[%mul3A_0, %dma_start3A_20] : memref<10240x128xf32, #tpu.memory_space<vmem_shared>> -> memref<640x128xf32, #tpu.memory_space<vmem_shared>>
        tpu.enqueue_dma source(%dma_start3A_21 : memref<640x128xf32, #tpu.memory_space<vmem_shared>>) target(%dma_start3A_19 : memref<640x128xf32, #tpu.memory_space<hbm>>) target_semaphore(%run_scoped3A : memref<!tpu.dma_semaphore, #tpu.memory_space<semaphore_mem>>)
        %dma_wait3A = arith.constant 0 : i32
        %dma_wait3A_22 = tpu.memref_slice %arg5[%mul3A_0, %dma_wait3A] : memref<10240x128xf32, #tpu.memory_space<hbm>> -> memref<640x128xf32, #tpu.memory_space<hbm>>
        %dma_wait3A_23 = arith.constant 0 : i32
        %dma_wait3A_24 = tpu.memref_slice %arg11[%mul3A_0, %dma_wait3A_23] : memref<10240x128xf32, #tpu.memory_space<vmem_shared>> -> memref<640x128xf32, #tpu.memory_space<vmem_shared>>
        tpu.wait_dma2 semaphore(%run_scoped3A : memref<!tpu.dma_semaphore, #tpu.memory_space<semaphore_mem>>) src(%dma_wait3A_24 : memref<640x128xf32, #tpu.memory_space<vmem_shared>>) dst(%dma_wait3A_22 : memref<640x128xf32, #tpu.memory_space<hbm>>)
        tpu.yield
      }) : () -> ()
    } else {
    }
    %eq3A_14 = arith.constant 1 : i32
    %eq3A_15 = arith.cmpi eq, %arg0, %eq3A_14 : i32
    %convert_element_type3A_16 = arith.extui %eq3A_15 : i1 to i32
    %cond3A_17 = arith.constant 0 : i32
    %cond3A_18 = arith.cmpi ne, %convert_element_type3A_16, %cond3A_17 : i32
    scf.if %cond3A_18 {
      "tpu.region"() ({
        %run_scoped3A = tpu.sem_alloc : memref<!tpu.dma_semaphore, #tpu.memory_space<semaphore_mem>>
        %dma_start3A = arith.constant 0 : i32
        %dma_start3A_19 = tpu.memref_slice %arg6[%mul3A_0, %dma_start3A] : memref<10240x128xf32, #tpu.memory_space<hbm>> -> memref<640x128xf32, #tpu.memory_space<hbm>>
        %dma_start3A_20 = arith.constant 0 : i32
        %dma_start3A_21 = tpu.memref_slice %arg11[%mul3A_0, %dma_start3A_20] : memref<10240x128xf32, #tpu.memory_space<vmem_shared>> -> memref<640x128xf32, #tpu.memory_space<vmem_shared>>
        tpu.enqueue_dma source(%dma_start3A_21 : memref<640x128xf32, #tpu.memory_space<vmem_shared>>) target(%dma_start3A_19 : memref<640x128xf32, #tpu.memory_space<hbm>>) target_semaphore(%run_scoped3A : memref<!tpu.dma_semaphore, #tpu.memory_space<semaphore_mem>>)
        %dma_wait3A = arith.constant 0 : i32
        %dma_wait3A_22 = tpu.memref_slice %arg6[%mul3A_0, %dma_wait3A] : memref<10240x128xf32, #tpu.memory_space<hbm>> -> memref<640x128xf32, #tpu.memory_space<hbm>>
        %dma_wait3A_23 = arith.constant 0 : i32
        %dma_wait3A_24 = tpu.memref_slice %arg11[%mul3A_0, %dma_wait3A_23] : memref<10240x128xf32, #tpu.memory_space<vmem_shared>> -> memref<640x128xf32, #tpu.memory_space<vmem_shared>>
        tpu.wait_dma2 semaphore(%run_scoped3A : memref<!tpu.dma_semaphore, #tpu.memory_space<semaphore_mem>>) src(%dma_wait3A_24 : memref<640x128xf32, #tpu.memory_space<vmem_shared>>) dst(%dma_wait3A_22 : memref<640x128xf32, #tpu.memory_space<hbm>>)
        tpu.yield
      }) : () -> ()
    } else {
    }
    return
  }
}

module attributes {stable_mosaic.version = 14 : i64} {
  func.func @_m1_body(%arg0: i32, %arg1: memref<256x128xf32, #tpu.memory_space<vmem>>, %arg2: memref<128x256xf32, #tpu.memory_space<vmem>>, %arg3: memref<256x16xf32, #tpu.memory_space<vmem>>, %arg4: memref<256x16xf32, #tpu.memory_space<vmem>>, %arg5: memref<256x128xf32, #tpu.memory_space<vmem>>, %arg6: memref<256x128xf32, #tpu.memory_space<vmem>>) attributes {dimension_semantics = [#tpu.dimension_semantics<arbitrary>], iteration_bounds = array<i64: 40>, scalar_prefetch = 0 : i64, scratch_operands = 0 : i64, tpu.core_type = #tpu.core_type<tc>, window_params = [{transform_indices = @transform_0, window_bounds = array<i64: 256, 128>}, {pipeline_mode = #tpu.pipeline_mode<synchronous>, transform_indices = @transform_1, window_bounds = array<i64: 128, 256>}, {transform_indices = @transform_2, window_bounds = array<i64: 256, 16>}, {transform_indices = @transform_3, window_bounds = array<i64: 256, 16>}, {transform_indices = @transform_4, window_bounds = array<i64: 256, 128>}, {transform_indices = @transform_5, window_bounds = array<i64: 256, 128>}]} {
    %get3A = arith.constant 0 : index
    %get3A_0 = arith.constant 0 : index
    %get3A_1 = vector.load %arg3[%get3A, %get3A_0] : memref<256x16xf32, #tpu.memory_space<vmem>>, vector<256x16xf32>
    %get3A_2 = arith.constant 0 : index
    %get3A_3 = arith.constant 0 : index
    %get3A_4 = vector.load %arg4[%get3A_2, %get3A_3] : memref<256x16xf32, #tpu.memory_space<vmem>>, vector<256x16xf32>
    %add3A = arith.addf %get3A_1, %get3A_4 : vector<256x16xf32>
    %add3A_5 = arith.constant 1.000000e+00 : f32
    %add3A_6 = vector.broadcast %add3A_5 : f32 to vector<256x16xf32>
    %add3A_7 = arith.addf %add3A, %add3A_6 : vector<256x16xf32>
    %rsqrt3A = math.rsqrt %add3A_7 : vector<256x16xf32>
    %slice3A = vector.extract_strided_slice %rsqrt3A {offsets = [0, 0], sizes = [256, 1], strides = [1, 1]} : vector<256x16xf32> to vector<256x1xf32>
    %get3A_8 = arith.constant 0 : index
    %get3A_9 = arith.constant 0 : index
    %get3A_10 = vector.load %arg1[%get3A_8, %get3A_9] : memref<256x128xf32, #tpu.memory_space<vmem>>, vector<256x128xf32>
    %get3A_11 = arith.constant 0 : index
    %get3A_12 = arith.constant 0 : index
    %get3A_13 = vector.load %arg2[%get3A_11, %get3A_12] : memref<128x256xf32, #tpu.memory_space<vmem>>, vector<128x256xf32>
    %dot_general3A = arith.constant dense<0.000000e+00> : vector<256x256xf32>
    %dot_general3A_14 = tpu.matmul %get3A_10, %get3A_13, %dot_general3A {dimension_numbers = #tpu.dot_dimension_numbers<[1], [0], [0], [1], [0, 0, 1, 1], [], []>, transpose_lhs_hint = false} : vector<256x128xf32>, vector<128x256xf32>, vector<256x256xf32> -> vector<256x256xf32>
    %mul3A = vector.broadcast %slice3A : vector<256x1xf32> to vector<256x256xf32>
    %mul3A_15 = arith.mulf %dot_general3A_14, %mul3A : vector<256x256xf32>
    %slice3A_16 = vector.extract_strided_slice %mul3A_15 {offsets = [0, 0], sizes = [256, 128], strides = [1, 1]} : vector<256x256xf32> to vector<256x128xf32>
    %swap3A = arith.constant 0 : index
    %swap3A_17 = arith.constant 0 : index
    %swap3A_18 = vector.load %arg5[%swap3A, %swap3A_17] : memref<256x128xf32, #tpu.memory_space<vmem>>, vector<256x128xf32>
    tpu.vector_store %arg5[%swap3A, %swap3A_17], %slice3A_16 {strides = array<i32>} : memref<256x128xf32, #tpu.memory_space<vmem>>, vector<256x128xf32>,
    %slice3A_19 = vector.extract_strided_slice %mul3A_15 {offsets = [0, 128], sizes = [256, 128], strides = [1, 1]} : vector<256x256xf32> to vector<256x128xf32>
    %swap3A_20 = arith.constant 0 : index
    %swap3A_21 = arith.constant 0 : index
    %swap3A_22 = vector.load %arg6[%swap3A_20, %swap3A_21] : memref<256x128xf32, #tpu.memory_space<vmem>>, vector<256x128xf32>
    tpu.vector_store %arg6[%swap3A_20, %swap3A_21], %slice3A_19 {strides = array<i32>} : memref<256x128xf32, #tpu.memory_space<vmem>>, vector<256x128xf32>,
    return
  }
  func.func @transform_0(%arg0: i32) -> (i32, i32) {
    %c0_i32 = arith.constant 0 : i32
    %c0_i32_0 = arith.constant 0 : i32
    return %arg0, %c0_i32 : i32, i32
  }
  func.func @transform_1(%arg0: i32) -> (i32, i32) {
    %c0_i32 = arith.constant 0 : i32
    %c0_i32_0 = arith.constant 0 : i32
    %c0_i32_1 = arith.constant 0 : i32
    return %c0_i32, %c0_i32_0 : i32, i32
  }
  func.func @transform_2(%arg0: i32) -> (i32, i32) {
    %c0_i32 = arith.constant 0 : i32
    %c0_i32_0 = arith.constant 0 : i32
    return %arg0, %c0_i32 : i32, i32
  }
  func.func @transform_3(%arg0: i32) -> (i32, i32) {
    %c0_i32 = arith.constant 0 : i32
    %c0_i32_0 = arith.constant 0 : i32
    return %arg0, %c0_i32 : i32, i32
  }
  func.func @transform_4(%arg0: i32) -> (i32, i32) {
    %c0_i32 = arith.constant 0 : i32
    %c0_i32_0 = arith.constant 0 : i32
    return %arg0, %c0_i32 : i32, i32
  }
  func.func @transform_5(%arg0: i32) -> (i32, i32) {
    %c0_i32 = arith.constant 0 : i32
    %c0_i32_0 = arith.constant 0 : i32
    return %arg0, %c0_i32 : i32, i32
  }
}

module attributes {stable_mosaic.version = 14 : i64} {
  func.func @_m3_body(%arg0: i32, %arg1: memref<256x128xf32, #tpu.memory_space<vmem>>, %arg2: memref<256x128xf32, #tpu.memory_space<vmem>>, %arg3: memref<256x128xf32, #tpu.memory_space<vmem>>, %arg4: memref<256x16xf32, #tpu.memory_space<vmem>>, %arg5: memref<256x16xf32, #tpu.memory_space<vmem>>, %arg6: memref<1x128xf32, #tpu.memory_space<vmem>>, %arg7: memref<256x128xf32, #tpu.memory_space<vmem>>) attributes {dimension_semantics = [#tpu.dimension_semantics<arbitrary>], iteration_bounds = array<i64: 40>, scalar_prefetch = 0 : i64, scratch_operands = 0 : i64, tpu.core_type = #tpu.core_type<tc>, window_params = [{transform_indices = @transform_0, window_bounds = array<i64: 256, 128>}, {transform_indices = @transform_1, window_bounds = array<i64: 256, 128>}, {transform_indices = @transform_2, window_bounds = array<i64: 256, 128>}, {transform_indices = @transform_3, window_bounds = array<i64: 256, 16>}, {transform_indices = @transform_4, window_bounds = array<i64: 256, 16>}, {pipeline_mode = #tpu.pipeline_mode<synchronous>, transform_indices = @transform_5, window_bounds = array<i64: 1, 128>}, {transform_indices = @transform_6, window_bounds = array<i64: 256, 128>}]} {
    %get3A = arith.constant 0 : index
    %get3A_0 = arith.constant 0 : index
    %get3A_1 = vector.load %arg4[%get3A, %get3A_0] : memref<256x16xf32, #tpu.memory_space<vmem>>, vector<256x16xf32>
    %get3A_2 = arith.constant 0 : index
    %get3A_3 = arith.constant 0 : index
    %get3A_4 = vector.load %arg5[%get3A_2, %get3A_3] : memref<256x16xf32, #tpu.memory_space<vmem>>, vector<256x16xf32>
    %add3A = arith.addf %get3A_1, %get3A_4 : vector<256x16xf32>
    %add3A_5 = arith.constant 1.000000e+00 : f32
    %add3A_6 = vector.broadcast %add3A_5 : f32 to vector<256x16xf32>
    %add3A_7 = arith.addf %add3A, %add3A_6 : vector<256x16xf32>
    %rsqrt3A = math.rsqrt %add3A_7 : vector<256x16xf32>
    %slice3A = vector.extract_strided_slice %rsqrt3A {offsets = [0, 0], sizes = [256, 1], strides = [1, 1]} : vector<256x16xf32> to vector<256x1xf32>
    %get3A_8 = arith.constant 0 : index
    %get3A_9 = arith.constant 0 : index
    %get3A_10 = vector.load %arg1[%get3A_8, %get3A_9] : memref<256x128xf32, #tpu.memory_space<vmem>>, vector<256x128xf32>
    %get3A_11 = arith.constant 0 : index
    %get3A_12 = arith.constant 0 : index
    %get3A_13 = vector.load %arg2[%get3A_11, %get3A_12] : memref<256x128xf32, #tpu.memory_space<vmem>>, vector<256x128xf32>
    %add3A_14 = arith.addf %get3A_10, %get3A_13 : vector<256x128xf32>
    %get3A_15 = arith.constant 0 : index
    %get3A_16 = arith.constant 0 : index
    %get3A_17 = vector.load %arg3[%get3A_15, %get3A_16] : memref<256x128xf32, #tpu.memory_space<vmem>>, vector<256x128xf32>
    %sub3A = arith.subf %add3A_14, %get3A_17 : vector<256x128xf32>
    %mul3A = vector.broadcast %slice3A : vector<256x1xf32> to vector<256x128xf32>
    %mul3A_18 = arith.mulf %sub3A, %mul3A : vector<256x128xf32>
    %get3A_19 = arith.constant 0 : index
    %get3A_20 = arith.constant 0 : index
    %get3A_21 = vector.load %arg6[%get3A_19, %get3A_20] : memref<1x128xf32, #tpu.memory_space<vmem>>, vector<1x128xf32>
    %add3A_22 = vector.broadcast %get3A_21 : vector<1x128xf32> to vector<256x128xf32>
    %add3A_23 = arith.addf %mul3A_18, %add3A_22 : vector<256x128xf32>
    %max3A = arith.constant 0.000000e+00 : f32
    %max3A_24 = vector.broadcast %max3A : f32 to vector<256x128xf32>
    %max3A_25 = arith.maximumf %add3A_23, %max3A_24 : vector<256x128xf32>
    %swap3A = arith.constant 0 : index
    %swap3A_26 = arith.constant 0 : index
    %swap3A_27 = vector.load %arg7[%swap3A, %swap3A_26] : memref<256x128xf32, #tpu.memory_space<vmem>>, vector<256x128xf32>
    tpu.vector_store %arg7[%swap3A, %swap3A_26], %max3A_25 {strides = array<i32>} : memref<256x128xf32, #tpu.memory_space<vmem>>, vector<256x128xf32>,
    return
  }
  func.func @transform_0(%arg0: i32) -> (i32, i32) {
    %c0_i32 = arith.constant 0 : i32
    %c0_i32_0 = arith.constant 0 : i32
    return %arg0, %c0_i32 : i32, i32
  }
  func.func @transform_1(%arg0: i32) -> (i32, i32) {
    %c0_i32 = arith.constant 0 : i32
    %c0_i32_0 = arith.constant 0 : i32
    return %arg0, %c0_i32 : i32, i32
  }
  func.func @transform_2(%arg0: i32) -> (i32, i32) {
    %c0_i32 = arith.constant 0 : i32
    %c0_i32_0 = arith.constant 0 : i32
    return %arg0, %c0_i32 : i32, i32
  }
  func.func @transform_3(%arg0: i32) -> (i32, i32) {
    %c0_i32 = arith.constant 0 : i32
    %c0_i32_0 = arith.constant 0 : i32
    return %arg0, %c0_i32 : i32, i32
  }
  func.func @transform_4(%arg0: i32) -> (i32, i32) {
    %c0_i32 = arith.constant 0 : i32
    %c0_i32_0 = arith.constant 0 : i32
    return %arg0, %c0_i32 : i32, i32
  }
  func.func @transform_5(%arg0: i32) -> (i32, i32) {
    %c0_i32 = arith.constant 0 : i32
    %c0_i32_0 = arith.constant 0 : i32
    %c0_i32_1 = arith.constant 0 : i32
    return %c0_i32, %c0_i32_0 : i32, i32
  }
  func.func @transform_6(%arg0: i32) -> (i32, i32) {
    %c0_i32 = arith.constant 0 : i32
    %c0_i32_0 = arith.constant 0 : i32
    return %arg0, %c0_i32 : i32, i32
  }
}

module attributes {stable_mosaic.version = 14 : i64} {
  func.func @_m2_body(%arg0: i32, %arg1: memref<256x128xf32, #tpu.memory_space<vmem>>, %arg2: memref<256x128xf32, #tpu.memory_space<vmem>>, %arg3: memref<256x128xf32, #tpu.memory_space<vmem>>, %arg4: memref<256x128xf32, #tpu.memory_space<vmem>>, %arg5: memref<256x128xf32, #tpu.memory_space<vmem>>, %arg6: memref<256x128xf32, #tpu.memory_space<vmem>>, %arg7: memref<256x16xf32, #tpu.memory_space<vmem>>, %arg8: memref<256x16xf32, #tpu.memory_space<vmem>>, %arg9: memref<1x256xf32, #tpu.memory_space<vmem>>, %arg10: memref<256x128xf32, #tpu.memory_space<vmem>>, %arg11: memref<256x128xf32, #tpu.memory_space<vmem>>) attributes {dimension_semantics = [#tpu.dimension_semantics<arbitrary>], iteration_bounds = array<i64: 40>, scalar_prefetch = 0 : i64, scratch_operands = 0 : i64, tpu.core_type = #tpu.core_type<tc>, window_params = [{transform_indices = @transform_0, window_bounds = array<i64: 256, 128>}, {transform_indices = @transform_1, window_bounds = array<i64: 256, 128>}, {transform_indices = @transform_2, window_bounds = array<i64: 256, 128>}, {transform_indices = @transform_3, window_bounds = array<i64: 256, 128>}, {transform_indices = @transform_4, window_bounds = array<i64: 256, 128>}, {transform_indices = @transform_5, window_bounds = array<i64: 256, 128>}, {transform_indices = @transform_6, window_bounds = array<i64: 256, 16>}, {transform_indices = @transform_7, window_bounds = array<i64: 256, 16>}, {pipeline_mode = #tpu.pipeline_mode<synchronous>, transform_indices = @transform_8, window_bounds = array<i64: 1, 256>}, {pipeline_mode = #tpu.pipeline_mode<synchronous>, transform_indices = @transform_9, window_bounds = array<i64: 256, 128>}, {transform_indices = @transform_10, window_bounds = array<i64: 256, 128>}]} {
    %get3A = arith.constant 0 : index
    %get3A_0 = arith.constant 0 : index
    %get3A_1 = vector.load %arg7[%get3A, %get3A_0] : memref<256x16xf32, #tpu.memory_space<vmem>>, vector<256x16xf32>
    %get3A_2 = arith.constant 0 : index
    %get3A_3 = arith.constant 0 : index
    %get3A_4 = vector.load %arg8[%get3A_2, %get3A_3] : memref<256x16xf32, #tpu.memory_space<vmem>>, vector<256x16xf32>
    %add3A = arith.addf %get3A_1, %get3A_4 : vector<256x16xf32>
    %add3A_5 = arith.constant 1.000000e+00 : f32
    %add3A_6 = vector.broadcast %add3A_5 : f32 to vector<256x16xf32>
    %add3A_7 = arith.addf %add3A, %add3A_6 : vector<256x16xf32>
    %rsqrt3A = math.rsqrt %add3A_7 : vector<256x16xf32>
    %slice3A = vector.extract_strided_slice %rsqrt3A {offsets = [0, 0], sizes = [256, 1], strides = [1, 1]} : vector<256x16xf32> to vector<256x1xf32>
    %get3A_8 = arith.constant 0 : index
    %get3A_9 = arith.constant 0 : index
    %get3A_10 = vector.load %arg1[%get3A_8, %get3A_9] : memref<256x128xf32, #tpu.memory_space<vmem>>, vector<256x128xf32>
    %get3A_11 = arith.constant 0 : index
    %get3A_12 = arith.constant 0 : index
    %get3A_13 = vector.load %arg2[%get3A_11, %get3A_12] : memref<256x128xf32, #tpu.memory_space<vmem>>, vector<256x128xf32>
    %add3A_14 = arith.addf %get3A_10, %get3A_13 : vector<256x128xf32>
    %get3A_15 = arith.constant 0 : index
    %get3A_16 = arith.constant 0 : index
    %get3A_17 = vector.load %arg5[%get3A_15, %get3A_16] : memref<256x128xf32, #tpu.memory_space<vmem>>, vector<256x128xf32>
    %sub3A = arith.subf %add3A_14, %get3A_17 : vector<256x128xf32>
    %get3A_18 = arith.constant 0 : index
    %get3A_19 = arith.constant 0 : index
    %get3A_20 = vector.load %arg3[%get3A_18, %get3A_19] : memref<256x128xf32, #tpu.memory_space<vmem>>, vector<256x128xf32>
    %get3A_21 = arith.constant 0 : index
    %get3A_22 = arith.constant 0 : index
    %get3A_23 = vector.load %arg4[%get3A_21, %get3A_22] : memref<256x128xf32, #tpu.memory_space<vmem>>, vector<256x128xf32>
    %add3A_24 = arith.addf %get3A_20, %get3A_23 : vector<256x128xf32>
    %get3A_25 = arith.constant 0 : index
    %get3A_26 = arith.constant 0 : index
    %get3A_27 = vector.load %arg6[%get3A_25, %get3A_26] : memref<256x128xf32, #tpu.memory_space<vmem>>, vector<256x128xf32>
    %sub3A_28 = arith.subf %add3A_24, %get3A_27 : vector<256x128xf32>
    %concatenate3A = tpu.concatenate %sub3A, %sub3A_28 in 1 : vector<256x128xf32>, vector<256x128xf32> -> vector<256x256xf32>
    %mul3A = vector.broadcast %slice3A : vector<256x1xf32> to vector<256x256xf32>
    %mul3A_29 = arith.mulf %concatenate3A, %mul3A : vector<256x256xf32>
    %get3A_30 = arith.constant 0 : index
    %get3A_31 = arith.constant 0 : index
    %get3A_32 = vector.load %arg9[%get3A_30, %get3A_31] : memref<1x256xf32, #tpu.memory_space<vmem>>, vector<1x256xf32>
    %add3A_33 = vector.broadcast %get3A_32 : vector<1x256xf32> to vector<256x256xf32>
    %add3A_34 = arith.addf %mul3A_29, %add3A_33 : vector<256x256xf32>
    %max3A = arith.constant 0.000000e+00 : f32
    %max3A_35 = vector.broadcast %max3A : f32 to vector<256x256xf32>
    %max3A_36 = arith.maximumf %add3A_34, %max3A_35 : vector<256x256xf32>
    %get3A_37 = arith.constant 0 : index
    %get3A_38 = arith.constant 0 : index
    %get3A_39 = vector.load %arg10[%get3A_37, %get3A_38] : memref<256x128xf32, #tpu.memory_space<vmem>>, vector<256x128xf32>
    %dot_general3A = arith.constant dense<0.000000e+00> : vector<256x128xf32>
    %dot_general3A_40 = tpu.matmul %max3A_36, %get3A_39, %dot_general3A {dimension_numbers = #tpu.dot_dimension_numbers<[1], [0], [0], [1], [0, 0, 1, 1], [], []>, transpose_lhs_hint = false} : vector<256x256xf32>, vector<256x128xf32>, vector<256x128xf32> -> vector<256x128xf32>
    %mul3A_41 = vector.broadcast %slice3A : vector<256x1xf32> to vector<256x128xf32>
    %mul3A_42 = arith.mulf %dot_general3A_40, %mul3A_41 : vector<256x128xf32>
    %swap3A = arith.constant 0 : index
    %swap3A_43 = arith.constant 0 : index
    %swap3A_44 = vector.load %arg11[%swap3A, %swap3A_43] : memref<256x128xf32, #tpu.memory_space<vmem>>, vector<256x128xf32>
    tpu.vector_store %arg11[%swap3A, %swap3A_43], %mul3A_42 {strides = array<i32>} : memref<256x128xf32, #tpu.memory_space<vmem>>, vector<256x128xf32>,
    return
  }
  func.func @transform_0(%arg0: i32) -> (i32, i32) {
    %c0_i32 = arith.constant 0 : i32
    %c0_i32_0 = arith.constant 0 : i32
    return %arg0, %c0_i32 : i32, i32
  }
  func.func @transform_1(%arg0: i32) -> (i32, i32) {
    %c0_i32 = arith.constant 0 : i32
    %c0_i32_0 = arith.constant 0 : i32
    return %arg0, %c0_i32 : i32, i32
  }
  func.func @transform_2(%arg0: i32) -> (i32, i32) {
    %c0_i32 = arith.constant 0 : i32
    %c0_i32_0 = arith.constant 0 : i32
    return %arg0, %c0_i32 : i32, i32
  }
  func.func @transform_3(%arg0: i32) -> (i32, i32) {
    %c0_i32 = arith.constant 0 : i32
    %c0_i32_0 = arith.constant 0 : i32
    return %arg0, %c0_i32 : i32, i32
  }
  func.func @transform_4(%arg0: i32) -> (i32, i32) {
    %c0_i32 = arith.constant 0 : i32
    %c0_i32_0 = arith.constant 0 : i32
    return %arg0, %c0_i32 : i32, i32
  }
  func.func @transform_5(%arg0: i32) -> (i32, i32) {
    %c0_i32 = arith.constant 0 : i32
    %c0_i32_0 = arith.constant 0 : i32
    return %arg0, %c0_i32 : i32, i32
  }
  func.func @transform_6(%arg0: i32) -> (i32, i32) {
    %c0_i32 = arith.constant 0 : i32
    %c0_i32_0 = arith.constant 0 : i32
    return %arg0, %c0_i32 : i32, i32
  }
  func.func @transform_7(%arg0: i32) -> (i32, i32) {
    %c0_i32 = arith.constant 0 : i32
    %c0_i32_0 = arith.constant 0 : i32
    return %arg0, %c0_i32 : i32, i32
  }
  func.func @transform_8(%arg0: i32) -> (i32, i32) {
    %c0_i32 = arith.constant 0 : i32
    %c0_i32_0 = arith.constant 0 : i32
    %c0_i32_1 = arith.constant 0 : i32
    return %c0_i32, %c0_i32_0 : i32, i32
  }
  func.func @transform_9(%arg0: i32) -> (i32, i32) {
    %c0_i32 = arith.constant 0 : i32
    %c0_i32_0 = arith.constant 0 : i32
    %c0_i32_1 = arith.constant 0 : i32
    return %c0_i32, %c0_i32_0 : i32, i32
  }
  func.func @transform_10(%arg0: i32) -> (i32, i32) {
    %c0_i32 = arith.constant 0 : i32
    %c0_i32_0 = arith.constant 0 : i32
    return %arg0, %c0_i32 : i32, i32
  }
}

</mosaic_0001>

<sc_bundles>
// kernel: kernel.12.cloned.1.call-start
scs
__scs_entry_jumppad:
0x0: {  	(pc) =	sbr.rel $0x88, $3  }
0x1: {  	(tag) =	ssettag $0x0;
	lr =	simm.s32 $0x1  }
0x2: {  	[smem:$0x3F9B] =	sst lr;
	_ =	strace $0xD0000000  }
0x3: {  	_ = 	snop  }
0x4: {  	_ = 	snop  }
0x5: {  	_ = 	snop  }
0x6: {  	_ = 	snop  }
0x7: {  	_ = 	snop  }
__scs_overlays_trampoline_lowered:
0x8: {  	[smem:$0x3FAA] =	sst s0  }
0x9: {  	[smem:$0x3FAB] =	sst s1  }
0xa: {  	[smem:$0x3FAC] =	sst s2  }
0xb: {  	[smem:$0x3FAD] =	sst s3  }
0xc: {  	[smem:$0x3FAE] =	sst s4  }
0xd: {  	[smem:$0x3FAF] =	sst s5  }
0xe: {  	[smem:$0x3FB0] =	sst s6  }
0xf: {  	[smem:$0x3FB1] =	sst s7  }
0x10: {  	[smem:$0x3FB2] =	sst s8  }
0x11: {  	[smem:$0x3FB3] =	sst s9;
	s0 =	simm.s32 @!p0 $0x0  }
0x12: {  	s1 =	sld [smem:$0x3F99];
	s0 =	simm.s32 @p0 $0x1  }
0x13: {  	[smem:$0x3FB4] =	sst s0;
	s0 =	simm.s32 @!p1 $0x0  }
0x14: {  	s2 =	sld [smem:$0x3F98];
	s0 =	simm.s32 @p1 $0x1  }
0x15: {  	[smem:$0x3FB5] =	sst s0;
	s0 =	simm.s32 @!p2 $0x0  }
0x16: {  	s3 =	sld [smem:$0x3FDB];
	s0 =	simm.s32 @p2 $0x1  }
0x17: {  	s4 =	simm.s32 $0x1BF5;
	[smem:$0x3FB7] =	sst s0  }
0x18: {  	s0 =	sld [smem:$0x3F9A];
	_ =	swait.ge [sflag:s4], $0x0  }
0x19: {  	s7 =	sld [smem:$0x3F9B]  }
0x1a: {  	s8 =	sadd.s32 $0xFFFFE003, lr  }
0x1b: {  	s9 =	sadd.s32 $0xFFFFFEF7, lr;
	s5 =	simm.s32 $0xFFFFFFFF;
	p2 =	slt.u32 s8, $0xFFFFF086  }
0x1c: {  	p1 =	slt.u32 s9, $0xF7A;
	s5 =	simm.s32 @!p2 $0x0  }
0x1d: {  	s5 =	simm.s32 @p1 $0x1;
	p0 =	seq.s32 s7, s2  }
0x1e: {  	s7 =	smul.u32 @!p0 $0xF7A, s2;
	p2 =	seq.s32 @!p0 s5, $0x0  }
0x1f: {  	s9 =	smul.u32 $0xF7A, s1;
	s8 =	simm.s32 @!p0 $0x1BF5;
	p2 =	por !p2, p0  }
0x20: {  	[sflag:s8] =	ssyncset.s32 @!p0 $0xFFFFF086;
	s6 =	sadd.s32 @!p0 s3, s7;
	s7 =	simm.s32 @!p0 $0x108  }
0x21: {  	s3 =	sadd.s32 s3, s9;
	s6 =	sadd.s32 @!p0 $0x88, s6;
	s7 =	simm.s32 @p2 $0x1082  }
0x22: {  	[simem:s7], [sflag:s8] =	dma.local @!p0 [hbm:s6], $0xF7A  }
0x23: {  	s9 =	sor.u32 $0xD0000000, s2;
	s6 =	simm.s32 $0x108;
	_ =	swait.ge @!p0 [sflag:s8], $0x0  }
0x24: {  	s3 =	sadd.s32 $0x88, s3;
	s6 =	simm.s32 @!p1 $0x1082;
	[sflag:s4] =	ssyncset.s32 $0xFFFFF086  }
0x25: {  	[simem:s6], [sflag:s4] =	dma.local [hbm:s3], $0xF7A  }
0x26: {  	[smem:$0x3F9B] =	sst s1;
	(tag) =	ssettag s2;
	_ =	strace s9  }
0x27: {  	s1 =	sld [smem:$0x3FAB]  }
0x28: {  	s2 =	sld [smem:$0x3FAC]  }
0x29: {  	s4 =	sld [smem:$0x3FAE]  }
0x2a: {  	p0 =	seq.s32 s5, $0x0;
	s5 =	sld [smem:$0x3FAF]  }
0x2b: {  	s6 =	sld [smem:$0x3FB0]  }
0x2c: {  	s7 =	sld [smem:$0x3FB1]  }
0x2d: {  	s3 =	simm.s32 $0x108;
	s8 =	sld [smem:$0x3FB2]  }
0x2e: {  	s3 =	simm.s32 @!p0 $0x1082;
	s9 =	sld [smem:$0x3FB3]  }
0x2f: {  	lr =	sadd.s32 s0, s3;
	s0 =	sld [smem:$0x3FAA]  }
0x30: {  	s3 =	sld [smem:$0x3FAD]  }
0x31: {  	[smem:$0x3FB6] =	sst s10  }
0x32: {  	s10 =	sld [smem:$0x3FB4];
	_ =	sdelay $0x3  }
0x33: {  	p0 =	seq.s32 s10, $0x1;
	s10 =	sld [smem:$0x3FB6];
	_ =	sdelay $0x3  }
0x34: {  	[smem:$0x3FB6] =	sst s10  }
0x35: {  	s10 =	sld [smem:$0x3FB5];
	_ =	sdelay $0x3  }
0x36: {  	p1 =	seq.s32 s10, $0x1;
	s10 =	sld [smem:$0x3FB6];
	_ =	sdelay $0x3  }
0x37: {  	[smem:$0x3FB6] =	sst s10  }
0x38: {  	s10 =	sld [smem:$0x3FB7]  }
0x39: {  	_ = 	snop;
	(pc) =	sbr.ind lr, $3  }
0x3a: {  	_ = 	snop  }
0x3b: {  	_ = 	snop  }
0x3c: {  	p2 =	seq.s32 s10, $0x1;
	s10 =	sld [smem:$0x3FB6]  }
0x3d: {  	_ =	shalt  }
0x3e: {  	_ =	shalt  }
0x3f: {  	_ =	shalt  }
0x40: {  	_ =	shalt  }
0x41: {  	_ =	shalt  }
0x42: {  	_ =	shalt  }
0x43: {  	_ =	shalt  }
0x44: {  	_ =	shalt  }
0x45: {  	_ =	shalt  }
0x46: {  	_ =	shalt  }
0x47: {  	_ =	shalt  }
0x48: {  	_ =	shalt  }
0x49: {  	_ =	shalt  }
0x4a: {  	_ =	shalt  }
0x4b: {  	_ =	shalt  }
0x4c: {  	_ =	shalt  }
0x4d: {  	_ =	shalt  }
0x4e: {  	_ =	shalt  }
0x4f: {  	_ =	shalt  }
0x50: {  	_ =	shalt  }
0x51: {  	_ =	shalt  }
0x52: {  	_ =	shalt  }
0x53: {  	_ =	shalt  }
0x54: {  	_ =	shalt  }
0x55: {  	_ =	shalt  }
0x56: {  	_ =	shalt  }
0x57: {  	_ =	shalt  }
0x58: {  	_ =	shalt  }
0x59: {  	_ =	shalt  }
0x5a: {  	_ =	shalt  }
0x5b: {  	_ =	shalt  }
0x5c: {  	_ =	shalt  }
0x5d: {  	_ =	shalt  }
0x5e: {  	_ =	shalt  }
0x5f: {  	_ =	shalt  }
0x60: {  	_ =	shalt  }
0x61: {  	_ =	shalt  }
0x62: {  	_ =	shalt  }
0x63: {  	_ =	shalt  }
0x64: {  	_ =	shalt  }
0x65: {  	_ =	shalt  }
0x66: {  	_ =	shalt  }
0x67: {  	_ =	shalt  }
0x68: {  	_ =	shalt  }
0x69: {  	_ =	shalt  }
0x6a: {  	_ =	shalt  }
0x6b: {  	_ =	shalt  }
0x6c: {  	_ =	shalt  }
0x6d: {  	_ =	shalt  }
0x6e: {  	_ =	shalt  }
0x6f: {  	_ =	shalt  }
0x70: {  	_ =	shalt  }
0x71: {  	_ =	shalt  }
0x72: {  	_ =	shalt  }
0x73: {  	_ =	shalt  }
0x74: {  	_ =	shalt  }
0x75: {  	_ =	shalt  }
0x76: {  	_ =	shalt  }
0x77: {  	_ =	shalt  }
0x78: {  	_ =	shalt  }
0x79: {  	_ =	shalt  }
0x7a: {  	_ =	shalt  }
0x7b: {  	_ =	shalt  }
0x7c: {  	_ =	shalt  }
0x7d: {  	_ =	shalt  }
0x7e: {  	_ =	shalt  }
0x7f: {  	_ =	shalt  }
0x80: {  	_ =	shalt  }
0x81: {  	_ =	shalt  }
0x82: {  	_ =	shalt  }
0x83: {  	_ =	shalt  }
0x84: {  	_ =	shalt  }
0x85: {  	_ =	shalt  }
0x86: {  	_ =	shalt  }
0x87: {  	_ =	shalt  }
.Lfunc_end0:
.L_simem_size_0:
called_computation.1_lowered:
.L_overlay_start_0:
0x88: {  	s2 =	sld [smem:$0x3FD9]  }
0x89: {  	s3 =	sld [smem:$0x3FFE];
	_ =	sdelay $0x1  }
0x8a: {  	s1 =	srdreg.scid  }
0x8b: {  	s0 =	sand.u32 $0x1, s1  }
0x8c: {  	s17 =	sshll.u32 s0, $0xA;
	s2 =	sadd.s32 s3, s2  }
0x8d: {  	s2 =	sadd.s32 s2, s17  }
0x8e: {  	[smem:$0x3FC2] =	sst s2  }
0x8f: {  	_ = 	snop  }
0x90: {  	s2 =	sld [smem:$0x3FD0];
	(tm) =	ssettm $0x1  }
0x91: {  	s18 =	sld [smem:$0x3FFB];
	_ =	sdelay $0x3  }
0x92: {  	_ =	strace s18  }
0x93: {  	s3 =	sld [smem:$0x3FFC];
	_ =	sdelay $0x3  }
0x94: {  	_ =	strace s3  }
0x95: {  	s3 =	sld [smem:$0x3FFD];
	_ =	sdelay $0x3  }
0x96: {  	_ =	strace s3  }
0x97: {  	_ =	strace $0x8FFFFFFF  }
0x98: {  	s19 =	sld [smem:$0x3FDB];
	_ =	sdelay $0x1  }
0x99: {  	s4 =	simm.s32 $_scs_section_size  }
0x9a: {  	s5 =	simm.s32 $_size__tile_overlayer_lowered;
	s6 =	simm.s32 $_tile_overlayer_lowered  }
0x9b: {  	s22 =	simm.s32 $0x1BFF;
	s21 =	sshll.u32 s6, $0x1;
	s3 =	sadd.s32 s4, s19  }
0x9c: {  	s7 =	simm.s32 $0x0;
	s20 =	sshll.u32 s5, $0x1;
	s5 =	sadd.s32 s21, s3  }
0x9d: {  	[timem:s7], [sflag:s22] =	dma.local [hbm:s5], s20  }
0x9e: {  	_ =	swait.ge [sflag:s22], s20  }
0x9f: {  	s4 =	ssub.s32 $0x0, s20;
	[sflag:s22] =	ssyncset.done $0x0  }
0xa0: {  	[sflag:s22] =	ssyncadd.s32 s4;
	_ =	sdelay $0x1  }
0xa1: {  	s23 =	simm.s32 $0x1B8B  }
0xa2: {  	_ =	swait.ge [sflag:s23], $0x1  }
0xa3: {  	[sflag:s23] =	ssyncset.done $0x0  }
0xa4: {  	s25 =	simm.s32 $0x1B8E;
	s24 =	sld [smem:$0x3FFE];
	[sflag:s23] =	ssyncadd.s32 $0xFFFFFFFF  }
0xa5: {  	s26 =	simm.s32 $execute0_lowered;
	[smem:$0x3FD2] =	sst s25  }
0xa6: {  	s5 =	sshll.u32 s26, $0x1;
	_ =	strace $0x80000049;
	[dreg:$0x1] =	wrdreg $0xFFFFFFFF  }
0xa7: {  	s28 =	simm.s32 $_size_execute0_lowered;
	s3 =	sadd.s32 s3, s5;
	[dreg:$0x0] =	wrdreg $0x0  }
0xa8: {  	s5 =	sshll.u32 s28, $0x1;
	[dreg:$0x2] =	wrdreg s3  }
0xa9: {  	[dreg:$0x3] =	wrdreg s5  }
0xaa: {  	[dreg:$0x4] =	wrdreg $0xC0  }
0xab: {  	_ =	task [dreg:s7], $0x5FFFF  }
0xac: {  	[dreg:$0x1] =	wrdreg $0xFFFFFFFF  }
0xad: {  	[dreg:$0x0] =	wrdreg $0x60  }
0xae: {  	[dreg:$0x2] =	wrdreg s24  }
0xaf: {  	[dreg:$0x3] =	wrdreg s2  }
0xb0: {  	[dreg:$0x4] =	wrdreg $0xA0000  }
0xb1: {  	[dreg:$0x5] =	wrdreg $0x9  }
0xb2: {  	_ =	task.clear_ibuf [dreg:s7], $0x6FFFF;
	_ =	strace $0x90000049  }
0xb3: {  	s29 =	simm.s32 $0x9;
	_ =	strace $0x8000004B  }
0xb4: {  	_ =	swait.ge [sflag:s29], $0x1  }
0xb5: {  	[sflag:s29] =	ssyncadd.s32 $0xFFFFFFFF  }
0xb6: {  	_ =	strace $0x9000004B  }
0xb7: {  	_ =	sfence  }
0xb8: {  	s30 =	sld [smem:$0x0];
	_ =	sdelay $0x2  }
0xb9: {  	s31 =	sshll.u32 s1, $0xD;
	s1 =	sshrl.u32 s1, $0x2  }
0xba: {  	s3 =	sand.u32 $0x4000, s31;
	s1 =	sadd.s32 s1, s30  }
0xbb: {  	s0 =	sor.u32 s3, s0;
	s1 =	sshll.u32 s1, $0x11  }
0xbc: {  	s0 =	sor.u32 s1, s0  }
0xbd: {  	s0 =	sadd.s32 $0x8F2B, s0  }
0xbe: {  	[sflag:s0] =	ssyncadd.remote.s32 $0x1  }
0xbf: {  	_ =	sfence.sel $0xFFFF  }
0xc0: {  	[dreg:$0x0] =	wrdreg $0xFFFFFFFF;
	(pc) =	sbr.abs _section_cstart, $3  }
0xc1: {  	[dreg:$0x1] =	wrdreg $0xFFFFFFFF  }
0xc2: {  	_ =	task.clear_ibuf [dreg:s7], $0x2FFFF;
	_ =	strace $0x9FFFFFFF  }
0xc3: {  	(tm) =	ssettm $0x7FFFFFFF  }
tec
execute0_lowered:
.L_overlay_start_1:
0x0: {  	(tag) =	ssettag $0x1  }
0x1: {  	s0 =	rddreg [dreg:$0x0]  }
0x2: {  	s3 =	rddreg [dreg:$0x1]  }
0x3: {  	s1 =	rddreg [dreg:$0x2];
	s2 =	simm.s32 $0x0  }
0x4: {  	s5 =	srdreg.scid;
	s7 =	stileid.u32;
	s28 =	simm.s32 $0x2000  }
0x5: {  	s29 =	simm.s32 $0x6000;
	s30 =	simm.s32 $0x1;
	[smem:$0x7FF] =	sst s2  }
0x6: {  	s4 =	sadd.s32 $0x3E00, s0;
	s5 =	sand.u32 $0x1, s5;
	s21 =	sadd.s32 $0x7BE00, s0  }
0x7: {  	s9 =	smul.u32 $0x50000, s7;
	s6 =	sadd.s32 $0xADE00, s0;
	s0 =	sadd.s32 $0xD5E00, s0  }
0x8: {  	s26 =	sshll.u32 s7, $0x7;
	s11 =	sshll.u32 s7, $0x6;
	s22 =	smul.u32 $0x980, s7  }
0x9: {  	_ =	strace $0x8000004A;
	s8 =	ssub.s32 $0x2, s5;
	[dreg:$0x4] =	wrdreg s6  }
0xa: {  	s6 =	smul.u32 $0x2800, s7;
	[dreg:$0x5] =	wrdreg s0;
	s12 =	sor.u32 $0x9800, s26  }
0xb: {  	p0 =	sne.s32 s5, $0x0;
	s26 =	simm.s32 $0x80;
	s0 =	simm.s32 $0x0  }
0xc: {  	s10 =	sshrl.u32 s8, $0x1;
	s25 =	sshrl.u32 s9, $0x2;
	s31 =	sadd.s32 s21, s12  }
0xd: {  	s12 =	sadd.s32 s3, s12;
	s13 =	sadd.s32 s21, s22;
	s14 =	sadd.s32 s3, s22  }
0xe: {  	s16 =	sadd.s32 $0x200, s22;
	s18 =	sadd.s32 $0x400, s22;
	s20 =	sadd.s32 $0x600, s22  }
0xf: {  	s22 =	sadd.s32 $0x800, s22;
	s24 =	ssub.s32 s8, s10;
	s8 =	sadd.s32 s25, s1  }
.Ltmp0:
0x10: {  	s9 =	sadd.s32 s4, s6;
	s10 =	sor.u32 $0x1C02, s11;
	(pc) =	sbr.rel .LBB2_1-.Ltmp0, $4  }
0x11: {  	[dreg:$0x6] =	wrdreg s31;
	s15 =	sadd.s32 s21, s16;
	s16 =	sadd.s32 s3, s16  }
0x12: {  	s17 =	sadd.s32 s21, s18;
	s18 =	sadd.s32 s3, s18;
	s19 =	sadd.s32 s21, s20  }
0x13: {  	s20 =	sadd.s32 s3, s20;
	s21 =	sadd.s32 s21, s22;
	s22 =	sadd.s32 s3, s22  }
0x14: {  	s25 =	simm.s32 $0x1000;
	s23 =	smax.u32 s24, $0x1;
	s24 =	simm.s32 $0x2  }
.LBB2_13:
0x15: {  	s5 =	rddreg [dreg:$0x6]  }
0x16: {  	[tilespmem:s2], [sflag:$0x2] =	stream.linear.gather [hbm4b:s5+s2], $0x400, $0x38;
	[tilespmem:$0x1E000] =	vst v63  }
0x17: {  	_ =	swait.ge [sflag:s24], $0x400  }
0x18: {  	[sflag:s24] =	ssyncset.done $0x0  }
0x19: {  	[sflag:s24] =	ssyncadd.s32 $0xFFFFFC00  }
0x1a: {  	[tilespmem:s25], [sflag:$0x2] =	stream.linear.gather [hbm4b:s12+s2], $0x400, $0x38;
	[tilespmem:$0x1E000] =	vst v63  }
0x1b: {  	_ =	swait.ge [sflag:s24], $0x400  }
0x1c: {  	[sflag:s24] =	ssyncset.done $0x0  }
0x1d: {  	[sflag:s24] =	ssyncadd.s32 $0xFFFFFC00  }
0x1e: {  	[tilespmem:s28], [sflag:$0x1] =	stream.indirect.gather [hbm4b:s4+s26], $0x80, s2, s26, $0xb8;
	[tilespmem:$0x1E000] =	vst v63  }
0x1f: {  	_ = 	snop  }
0x20: {  	[tilespmem:s29], [sflag:$0x1] =	stream.indirect.gather [hbm4b:s4+s26], $0x80, s26, s26, $0xb8;
	[tilespmem:$0x1E000] =	vst v63  }
0x21: {  	_ =	swait.ge [sflag:s30], $0x4000  }
0x22: {  	[sflag:s30] =	ssyncset.done $0x0  }
0x23: {  	[sflag:s30] =	ssyncadd.s32 $0xFFFFC000  }
0x24: {  	[spmem:s1] =	stream.indirect.scatter.add.f32 [tilespmem:s28], [sflag:$0x2], $0x80, s25, s26, $0xb8;
	[tilespmem:$0x1E000] =	vst v63  }
0x25: {  	_ =	swait.ge [sflag:s24], $0x4000  }
0x26: {  	[sflag:s24] =	ssyncset.done $0x0  }
0x27: {  	[sflag:s24] =	ssyncadd.s32 $0xFFFFC000  }
0x28: {  	_ =	swait.ge [sflag:s30], $0x4000  }
0x29: {  	[sflag:s30] =	ssyncset.done $0x0  }
0x2a: {  	s31 =	simm.s32 $0x1080;
	[sflag:s30] =	ssyncadd.s32 $0xFFFFC000  }
0x2b: {  	[spmem:s1] =	stream.indirect.scatter.add.f32 [tilespmem:s29], [sflag:$0x2], $0x80, s31, s26, $0xb8;
	[tilespmem:$0x1E000] =	vst v63  }
0x2c: {  	_ =	swait.ge [sflag:s24], $0x4000  }
0x2d: {  	[sflag:s24] =	ssyncset.done $0x0  }
0x2e: {  	s7 =	simm.s32 $0x100;
	[sflag:s24] =	ssyncadd.s32 $0xFFFFC000  }
0x2f: {  	[tilespmem:s28], [sflag:$0x1] =	stream.indirect.gather [hbm4b:s4+s26], $0x80, s7, s26, $0xb8;
	[tilespmem:$0x1E000] =	vst v63  }
0x30: {  	s11 =	simm.s32 $0x180  }
0x31: {  	[tilespmem:s29], [sflag:$0x1] =	stream.indirect.gather [hbm4b:s4+s26], $0x80, s11, s26, $0xb8;
	[tilespmem:$0x1E000] =	vst v63  }
0x32: {  	_ =	swait.ge [sflag:s30], $0x4000  }
0x33: {  	[sflag:s30] =	ssyncset.done $0x0  }
0x34: {  	s31 =	simm.s32 $0x1100;
	[sflag:s30] =	ssyncadd.s32 $0xFFFFC000  }
0x35: {  	[spmem:s1] =	stream.indirect.scatter.add.f32 [tilespmem:s28], [sflag:$0x2], $0x80, s31, s26, $0xb8;
	[tilespmem:$0x1E000] =	vst v63  }
0x36: {  	_ =	swait.ge [sflag:s24], $0x4000  }
0x37: {  	[sflag:s24] =	ssyncset.done $0x0  }
0x38: {  	[sflag:s24] =	ssyncadd.s32 $0xFFFFC000  }
0x39: {  	_ =	swait.ge [sflag:s30], $0x4000  }
0x3a: {  	[sflag:s30] =	ssyncset.done $0x0  }
0x3b: {  	s7 =	simm.s32 $0x1180;
	[sflag:s30] =	ssyncadd.s32 $0xFFFFC000  }
0x3c: {  	[spmem:s1] =	stream.indirect.scatter.add.f32 [tilespmem:s29], [sflag:$0x2], $0x80, s7, s26, $0xb8;
	[tilespmem:$0x1E000] =	vst v63  }
0x3d: {  	_ =	swait.ge [sflag:s24], $0x4000  }
0x3e: {  	[sflag:s24] =	ssyncset.done $0x0  }
0x3f: {  	s11 =	simm.s32 $0x200;
	[sflag:s24] =	ssyncadd.s32 $0xFFFFC000  }
0x40: {  	[tilespmem:s28], [sflag:$0x1] =	stream.indirect.gather [hbm4b:s4+s26], $0x80, s11, s26, $0xb8;
	[tilespmem:$0x1E000] =	vst v63  }
0x41: {  	s31 =	simm.s32 $0x280  }
0x42: {  	[tilespmem:s29], [sflag:$0x1] =	stream.indirect.gather [hbm4b:s4+s26], $0x80, s31, s26, $0xb8;
	[tilespmem:$0x1E000] =	vst v63  }
0x43: {  	_ =	swait.ge [sflag:s30], $0x4000  }
0x44: {  	[sflag:s30] =	ssyncset.done $0x0  }
0x45: {  	s7 =	simm.s32 $0x1200;
	[sflag:s30] =	ssyncadd.s32 $0xFFFFC000  }
0x46: {  	[spmem:s1] =	stream.indirect.scatter.add.f32 [tilespmem:s28], [sflag:$0x2], $0x80, s7, s26, $0xb8;
	[tilespmem:$0x1E000] =	vst v63  }
0x47: {  	_ =	swait.ge [sflag:s24], $0x4000  }
0x48: {  	[sflag:s24] =	ssyncset.done $0x0  }
0x49: {  	[sflag:s24] =	ssyncadd.s32 $0xFFFFC000  }
0x4a: {  	_ =	swait.ge [sflag:s30], $0x4000  }
0x4b: {  	[sflag:s30] =	ssyncset.done $0x0  }
0x4c: {  	s11 =	simm.s32 $0x1280;
	[sflag:s30] =	ssyncadd.s32 $0xFFFFC000  }
0x4d: {  	[spmem:s1] =	stream.indirect.scatter.add.f32 [tilespmem:s29], [sflag:$0x2], $0x80, s11, s26, $0xb8;
	[tilespmem:$0x1E000] =	vst v63  }
0x4e: {  	_ =	swait.ge [sflag:s24], $0x4000  }
0x4f: {  	[sflag:s24] =	ssyncset.done $0x0  }
0x50: {  	s31 =	simm.s32 $0x300;
	[sflag:s24] =	ssyncadd.s32 $0xFFFFC000  }
0x51: {  	[tilespmem:s28], [sflag:$0x1] =	stream.indirect.gather [hbm4b:s4+s26], $0x80, s31, s26, $0xb8;
	[tilespmem:$0x1E000] =	vst v63  }
0x52: {  	s7 =	simm.s32 $0x380  }
0x53: {  	[tilespmem:s29], [sflag:$0x1] =	stream.indirect.gather [hbm4b:s4+s26], $0x80, s7, s26, $0xb8;
	[tilespmem:$0x1E000] =	vst v63  }
0x54: {  	_ =	swait.ge [sflag:s30], $0x4000  }
0x55: {  	[sflag:s30] =	ssyncset.done $0x0  }
0x56: {  	s11 =	simm.s32 $0x1300;
	[sflag:s30] =	ssyncadd.s32 $0xFFFFC000  }
0x57: {  	[spmem:s1] =	stream.indirect.scatter.add.f32 [tilespmem:s28], [sflag:$0x2], $0x80, s11, s26, $0xb8;
	[tilespmem:$0x1E000] =	vst v63  }
0x58: {  	_ =	swait.ge [sflag:s24], $0x4000  }
0x59: {  	[sflag:s24] =	ssyncset.done $0x0  }
0x5a: {  	[sflag:s24] =	ssyncadd.s32 $0xFFFFC000  }
0x5b: {  	_ =	swait.ge [sflag:s30], $0x4000  }
0x5c: {  	[sflag:s30] =	ssyncset.done $0x0  }
0x5d: {  	s31 =	simm.s32 $0x1380;
	[sflag:s30] =	ssyncadd.s32 $0xFFFFC000  }
0x5e: {  	[spmem:s1] =	stream.indirect.scatter.add.f32 [tilespmem:s29], [sflag:$0x2], $0x80, s31, s26, $0xb8;
	[tilespmem:$0x1E000] =	vst v63  }
0x5f: {  	_ =	swait.ge [sflag:s24], $0x4000  }
0x60: {  	[sflag:s24] =	ssyncset.done $0x0  }
0x61: {  	s5 =	rddreg [dreg:$0x5];
	[sflag:s24] =	ssyncadd.s32 $0xFFFFC000  }
.LBB2_14:
0x62: {  	s0 =	sadd.s32 $0x1, s0  }
0x63: {  	p1 =	sne.s32 s0, s23  }
.Ltmp1:
0x64: {  	s5 =	sadd.s32 s5, s6;
	[bflag:$0x0] =	sbarrier.arrive $0xFFFF;
	(pc) =	sbr.rel @!p1 .LBB2_15-.Ltmp1, $4  }
0x65: {  	[hbm:s5], [sflag:s10] =	dma.local [spmem:s3], $0x2800  }
0x66: {  	_ =	swait.ge [sflag:s24], $0x2800  }
0x67: {  	[sflag:s24] =	ssyncset.done $0x0  }
0x68: {  	[sflag:s24] =	ssyncadd.s32 $0xFFFFD800  }
.LBB2_1:
0x69: {  	s3 =	sshrl.u32 s8, $0x3  }
0x6a: {  	[spmem:s3], [sflag:s10] =	dma.local [hbm:s9], $0x2800  }
.Ltmp2:
0x6b: {  	_ =	swait.ge [sflag:s24], $0x2800;
	(pc) =	sbr.rel @p0 .LBB2_13-.Ltmp2, $3  }
0x6c: {  	[sflag:s24] =	ssyncset.done $0x0  }
0x6d: {  	[sflag:s24] =	ssyncadd.s32 $0xFFFFD800  }
0x6e: {  	[bflag:$0x0] =	sbarrier.arrive $0xFFFF;
	_ =	sdelay $0x1  }
0x6f: {  	s5 =	simm.s32 $0x0  }
0x70: {  	[tilespmem:s5], [sflag:$0x2] =	stream.linear.gather [hbm4b:s13+s5], $0x1000, $0x38;
	[tilespmem:$0x1E000] =	vst v63  }
0x71: {  	_ =	swait.ge [sflag:s24], $0x1000  }
0x72: {  	[sflag:s24] =	ssyncset.done $0x0  }
0x73: {  	[sflag:s24] =	ssyncadd.s32 $0xFFFFF000  }
0x74: {  	[tilespmem:s25], [sflag:$0x2] =	stream.linear.gather [hbm4b:s14+s5], $0x1000, $0x38;
	[tilespmem:$0x1E000] =	vst v63  }
0x75: {  	_ =	swait.ge [sflag:s24], $0x1000  }
0x76: {  	[sflag:s24] =	ssyncset.done $0x0  }
0x77: {  	s7 =	simm.s32 $0x0;
	[sflag:s24] =	ssyncadd.s32 $0xFFFFF000  }
0x78: {  	[tilespmem:s28], [sflag:$0x1] =	stream.indirect.gather [hbm4b:s4+s26], $0x80, s7, s26, $0xb8;
	[tilespmem:$0x1E000] =	vst v63  }
0x79: {  	s11 =	simm.s32 $0x80  }
0x7a: {  	[tilespmem:s29], [sflag:$0x1] =	stream.indirect.gather [hbm4b:s4+s26], $0x80, s11, s26, $0xb8;
	[tilespmem:$0x1E000] =	vst v63  }
0x7b: {  	_ =	swait.ge [sflag:s30], $0x4000  }
0x7c: {  	[sflag:s30] =	ssyncset.done $0x0  }
0x7d: {  	s7 =	simm.s32 $0x1000;
	[sflag:s30] =	ssyncadd.s32 $0xFFFFC000  }
0x7e: {  	[spmem:s1] =	stream.indirect.scatter.add.f32 [tilespmem:s28], [sflag:$0x2], $0x80, s7, s26, $0xb8;
	[tilespmem:$0x1E000] =	vst v63  }
0x7f: {  	_ =	swait.ge [sflag:s24], $0x4000  }
0x80: {  	[sflag:s24] =	ssyncset.done $0x0  }
0x81: {  	[sflag:s24] =	ssyncadd.s32 $0xFFFFC000  }
0x82: {  	_ =	swait.ge [sflag:s30], $0x4000  }
0x83: {  	[sflag:s30] =	ssyncset.done $0x0  }
0x84: {  	s11 =	simm.s32 $0x1080;
	[sflag:s30] =	ssyncadd.s32 $0xFFFFC000  }
0x85: {  	[spmem:s1] =	stream.indirect.scatter.add.f32 [tilespmem:s29], [sflag:$0x2], $0x80, s11, s26, $0xb8;
	[tilespmem:$0x1E000] =	vst v63  }
0x86: {  	_ =	swait.ge [sflag:s24], $0x4000  }
0x87: {  	s31 =	simm.s32 $0x400;
	s5 =	simm.s32 $0x800;
	[sflag:s24] =	ssyncset.done $0x0  }
.LBB2_3:
0x88: {  	s7 =	sshra.s32 s31, $0x2  }
0x89: {  	[sflag:s24] =	ssyncadd.s32 $0xFFFFC000;
	s31 =	smov.u32 s5;
	s11 =	sadd.s32 $0x400, s5  }
0x8a: {  	[tilespmem:s28], [sflag:$0x1] =	stream.indirect.gather [hbm4b:s4+s26], $0x80, s7, s26, $0xb8;
	[tilespmem:$0x1E000] =	vst v63  }
0x8b: {  	p1 =	sne.s32 s5, $0x3C00;
	s5 =	sadd.s32 $0x80, s7  }
0x8c: {  	[tilespmem:s29], [sflag:$0x1] =	stream.indirect.gather [hbm4b:s4+s26], $0x80, s5, s26, $0xb8;
	[tilespmem:$0x1E000] =	vst v63  }
0x8d: {  	_ =	swait.ge [sflag:s30], $0x4000  }
0x8e: {  	[sflag:s30] =	ssyncset.done $0x0  }
0x8f: {  	s5 =	sadd.s32 $0x1000, s7;
	[sflag:s30] =	ssyncadd.s32 $0xFFFFC000  }
0x90: {  	[spmem:s1] =	stream.indirect.scatter.add.f32 [tilespmem:s28], [sflag:$0x2], $0x80, s5, s26, $0xb8;
	[tilespmem:$0x1E000] =	vst v63  }
0x91: {  	_ =	swait.ge [sflag:s24], $0x4000  }
0x92: {  	[sflag:s24] =	ssyncset.done $0x0  }
0x93: {  	[sflag:s24] =	ssyncadd.s32 $0xFFFFC000  }
0x94: {  	_ =	swait.ge [sflag:s30], $0x4000  }
.Ltmp3:
0x95: {  	[sflag:s30] =	ssyncset.done $0x0;
	(pc) =	sbr.rel @p1 .LBB2_3-.Ltmp3, $4  }
0x96: {  	s5 =	sadd.s32 $0x1080, s7;
	[sflag:s30] =	ssyncadd.s32 $0xFFFFC000  }
0x97: {  	[spmem:s1] =	stream.indirect.scatter.add.f32 [tilespmem:s29], [sflag:$0x2], $0x80, s5, s26, $0xb8;
	[tilespmem:$0x1E000] =	vst v63  }
0x98: {  	_ =	swait.ge [sflag:s24], $0x4000  }
0x99: {  	s5 =	smov.u32 s11;
	[sflag:s24] =	ssyncset.done $0x0  }
0x9a: {  	s5 =	sshra.s32 s31, $0x2;
	[sflag:s24] =	ssyncadd.s32 $0xFFFFC000  }
0x9b: {  	[tilespmem:s28], [sflag:$0x1] =	stream.indirect.gather [hbm4b:s4+s26], $0x80, s5, s26, $0xb8;
	[tilespmem:$0x1E000] =	vst v63  }
0x9c: {  	s7 =	sadd.s32 $0x80, s5  }
0x9d: {  	[tilespmem:s29], [sflag:$0x1] =	stream.indirect.gather [hbm4b:s4+s26], $0x80, s7, s26, $0xb8;
	[tilespmem:$0x1E000] =	vst v63  }
0x9e: {  	_ =	swait.ge [sflag:s30], $0x4000  }
0x9f: {  	[sflag:s30] =	ssyncset.done $0x0  }
0xa0: {  	s11 =	sadd.s32 $0x1000, s5;
	[sflag:s30] =	ssyncadd.s32 $0xFFFFC000  }
0xa1: {  	[spmem:s1] =	stream.indirect.scatter.add.f32 [tilespmem:s28], [sflag:$0x2], $0x80, s11, s26, $0xb8;
	[tilespmem:$0x1E000] =	vst v63  }
0xa2: {  	_ =	swait.ge [sflag:s24], $0x4000  }
0xa3: {  	[sflag:s24] =	ssyncset.done $0x0  }
0xa4: {  	[sflag:s24] =	ssyncadd.s32 $0xFFFFC000  }
0xa5: {  	_ =	swait.ge [sflag:s30], $0x4000  }
0xa6: {  	[sflag:s30] =	ssyncset.done $0x0  }
0xa7: {  	s5 =	sadd.s32 $0x1080, s5;
	[sflag:s30] =	ssyncadd.s32 $0xFFFFC000  }
0xa8: {  	[spmem:s1] =	stream.indirect.scatter.add.f32 [tilespmem:s29], [sflag:$0x2], $0x80, s5, s26, $0xb8;
	[tilespmem:$0x1E000] =	vst v63  }
0xa9: {  	_ =	swait.ge [sflag:s24], $0x4000  }
0xaa: {  	[sflag:s24] =	ssyncset.done $0x0  }
0xab: {  	s11 =	simm.s32 $0x0;
	[sflag:s24] =	ssyncadd.s32 $0xFFFFC000  }
0xac: {  	[tilespmem:s11], [sflag:$0x2] =	stream.linear.gather [hbm4b:s15+s11], $0x1000, $0x38;
	[tilespmem:$0x1E000] =	vst v63  }
0xad: {  	_ =	swait.ge [sflag:s24], $0x1000  }
0xae: {  	[sflag:s24] =	ssyncset.done $0x0  }
0xaf: {  	[sflag:s24] =	ssyncadd.s32 $0xFFFFF000  }
0xb0: {  	[tilespmem:s25], [sflag:$0x2] =	stream.linear.gather [hbm4b:s16+s11], $0x1000, $0x38;
	[tilespmem:$0x1E000] =	vst v63  }
0xb1: {  	_ =	swait.ge [sflag:s24], $0x1000  }
0xb2: {  	[sflag:s24] =	ssyncset.done $0x0  }
0xb3: {  	s7 =	simm.s32 $0x0;
	[sflag:s24] =	ssyncadd.s32 $0xFFFFF000  }
0xb4: {  	[tilespmem:s28], [sflag:$0x1] =	stream.indirect.gather [hbm4b:s4+s26], $0x80, s7, s26, $0xb8;
	[tilespmem:$0x1E000] =	vst v63  }
0xb5: {  	s11 =	simm.s32 $0x80  }
0xb6: {  	[tilespmem:s29], [sflag:$0x1] =	stream.indirect.gather [hbm4b:s4+s26], $0x80, s11, s26, $0xb8;
	[tilespmem:$0x1E000] =	vst v63  }
0xb7: {  	_ =	swait.ge [sflag:s30], $0x4000  }
0xb8: {  	[sflag:s30] =	ssyncset.done $0x0  }
0xb9: {  	s7 =	simm.s32 $0x1000;
	[sflag:s30] =	ssyncadd.s32 $0xFFFFC000  }
0xba: {  	[spmem:s1] =	stream.indirect.scatter.add.f32 [tilespmem:s28], [sflag:$0x2], $0x80, s7, s26, $0xb8;
	[tilespmem:$0x1E000] =	vst v63  }
0xbb: {  	_ =	swait.ge [sflag:s24], $0x4000  }
0xbc: {  	[sflag:s24] =	ssyncset.done $0x0  }
0xbd: {  	[sflag:s24] =	ssyncadd.s32 $0xFFFFC000  }
0xbe: {  	_ =	swait.ge [sflag:s30], $0x4000  }
0xbf: {  	[sflag:s30] =	ssyncset.done $0x0  }
0xc0: {  	s11 =	simm.s32 $0x1080;
	[sflag:s30] =	ssyncadd.s32 $0xFFFFC000  }
0xc1: {  	[spmem:s1] =	stream.indirect.scatter.add.f32 [tilespmem:s29], [sflag:$0x2], $0x80, s11, s26, $0xb8;
	[tilespmem:$0x1E000] =	vst v63  }
0xc2: {  	_ =	swait.ge [sflag:s24], $0x4000  }
0xc3: {  	s31 =	simm.s32 $0x400;
	s5 =	simm.s32 $0x800;
	[sflag:s24] =	ssyncset.done $0x0  }
.LBB2_5:
0xc4: {  	s7 =	sshra.s32 s31, $0x2  }
0xc5: {  	[sflag:s24] =	ssyncadd.s32 $0xFFFFC000;
	s31 =	smov.u32 s5;
	s11 =	sadd.s32 $0x400, s5  }
0xc6: {  	[tilespmem:s28], [sflag:$0x1] =	stream.indirect.gather [hbm4b:s4+s26], $0x80, s7, s26, $0xb8;
	[tilespmem:$0x1E000] =	vst v63  }
0xc7: {  	p1 =	sne.s32 s5, $0x3C00;
	s5 =	sadd.s32 $0x80, s7  }
0xc8: {  	[tilespmem:s29], [sflag:$0x1] =	stream.indirect.gather [hbm4b:s4+s26], $0x80, s5, s26, $0xb8;
	[tilespmem:$0x1E000] =	vst v63  }
0xc9: {  	_ =	swait.ge [sflag:s30], $0x4000  }
0xca: {  	[sflag:s30] =	ssyncset.done $0x0  }
0xcb: {  	s5 =	sadd.s32 $0x1000, s7;
	[sflag:s30] =	ssyncadd.s32 $0xFFFFC000  }
0xcc: {  	[spmem:s1] =	stream.indirect.scatter.add.f32 [tilespmem:s28], [sflag:$0x2], $0x80, s5, s26, $0xb8;
	[tilespmem:$0x1E000] =	vst v63  }
0xcd: {  	_ =	swait.ge [sflag:s24], $0x4000  }
0xce: {  	[sflag:s24] =	ssyncset.done $0x0  }
0xcf: {  	[sflag:s24] =	ssyncadd.s32 $0xFFFFC000  }
0xd0: {  	_ =	swait.ge [sflag:s30], $0x4000  }
.Ltmp4:
0xd1: {  	[sflag:s30] =	ssyncset.done $0x0;
	(pc) =	sbr.rel @p1 .LBB2_5-.Ltmp4, $4  }
0xd2: {  	s5 =	sadd.s32 $0x1080, s7;
	[sflag:s30] =	ssyncadd.s32 $0xFFFFC000  }
0xd3: {  	[spmem:s1] =	stream.indirect.scatter.add.f32 [tilespmem:s29], [sflag:$0x2], $0x80, s5, s26, $0xb8;
	[tilespmem:$0x1E000] =	vst v63  }
0xd4: {  	_ =	swait.ge [sflag:s24], $0x4000  }
0xd5: {  	s5 =	smov.u32 s11;
	[sflag:s24] =	ssyncset.done $0x0  }
0xd6: {  	s5 =	sshra.s32 s31, $0x2;
	[sflag:s24] =	ssyncadd.s32 $0xFFFFC000  }
0xd7: {  	[tilespmem:s28], [sflag:$0x1] =	stream.indirect.gather [hbm4b:s4+s26], $0x80, s5, s26, $0xb8;
	[tilespmem:$0x1E000] =	vst v63  }
0xd8: {  	s7 =	sadd.s32 $0x80, s5  }
0xd9: {  	[tilespmem:s29], [sflag:$0x1] =	stream.indirect.gather [hbm4b:s4+s26], $0x80, s7, s26, $0xb8;
	[tilespmem:$0x1E000] =	vst v63  }
0xda: {  	_ =	swait.ge [sflag:s30], $0x4000  }
0xdb: {  	[sflag:s30] =	ssyncset.done $0x0  }
0xdc: {  	s11 =	sadd.s32 $0x1000, s5;
	[sflag:s30] =	ssyncadd.s32 $0xFFFFC000  }
0xdd: {  	[spmem:s1] =	stream.indirect.scatter.add.f32 [tilespmem:s28], [sflag:$0x2], $0x80, s11, s26, $0xb8;
	[tilespmem:$0x1E000] =	vst v63  }
0xde: {  	_ =	swait.ge [sflag:s24], $0x4000  }
0xdf: {  	[sflag:s24] =	ssyncset.done $0x0  }
0xe0: {  	[sflag:s24] =	ssyncadd.s32 $0xFFFFC000  }
0xe1: {  	_ =	swait.ge [sflag:s30], $0x4000  }
0xe2: {  	[sflag:s30] =	ssyncset.done $0x0  }
0xe3: {  	s5 =	sadd.s32 $0x1080, s5;
	[sflag:s30] =	ssyncadd.s32 $0xFFFFC000  }
0xe4: {  	[spmem:s1] =	stream.indirect.scatter.add.f32 [tilespmem:s29], [sflag:$0x2], $0x80, s5, s26, $0xb8;
	[tilespmem:$0x1E000] =	vst v63  }
0xe5: {  	_ =	swait.ge [sflag:s24], $0x4000  }
0xe6: {  	[sflag:s24] =	ssyncset.done $0x0  }
0xe7: {  	s11 =	simm.s32 $0x0;
	[sflag:s24] =	ssyncadd.s32 $0xFFFFC000  }
0xe8: {  	[tilespmem:s11], [sflag:$0x2] =	stream.linear.gather [hbm4b:s17+s11], $0x1000, $0x38;
	[tilespmem:$0x1E000] =	vst v63  }
0xe9: {  	_ =	swait.ge [sflag:s24], $0x1000  }
0xea: {  	[sflag:s24] =	ssyncset.done $0x0  }
0xeb: {  	[sflag:s24] =	ssyncadd.s32 $0xFFFFF000  }
0xec: {  	[tilespmem:s25], [sflag:$0x2] =	stream.linear.gather [hbm4b:s18+s11], $0x1000, $0x38;
	[tilespmem:$0x1E000] =	vst v63  }
0xed: {  	_ =	swait.ge [sflag:s24], $0x1000  }
0xee: {  	[sflag:s24] =	ssyncset.done $0x0  }
0xef: {  	s7 =	simm.s32 $0x0;
	[sflag:s24] =	ssyncadd.s32 $0xFFFFF000  }
0xf0: {  	[tilespmem:s28], [sflag:$0x1] =	stream.indirect.gather [hbm4b:s4+s26], $0x80, s7, s26, $0xb8;
	[tilespmem:$0x1E000] =	vst v63  }
0xf1: {  	s11 =	simm.s32 $0x80  }
0xf2: {  	[tilespmem:s29], [sflag:$0x1] =	stream.indirect.gather [hbm4b:s4+s26], $0x80, s11, s26, $0xb8;
	[tilespmem:$0x1E000] =	vst v63  }
0xf3: {  	_ =	swait.ge [sflag:s30], $0x4000  }
0xf4: {  	[sflag:s30] =	ssyncset.done $0x0  }
0xf5: {  	s7 =	simm.s32 $0x1000;
	[sflag:s30] =	ssyncadd.s32 $0xFFFFC000  }
0xf6: {  	[spmem:s1] =	stream.indirect.scatter.add.f32 [tilespmem:s28], [sflag:$0x2], $0x80, s7, s26, $0xb8;
	[tilespmem:$0x1E000] =	vst v63  }
0xf7: {  	_ =	swait.ge [sflag:s24], $0x4000  }
0xf8: {  	[sflag:s24] =	ssyncset.done $0x0  }
0xf9: {  	[sflag:s24] =	ssyncadd.s32 $0xFFFFC000  }
0xfa: {  	_ =	swait.ge [sflag:s30], $0x4000  }
0xfb: {  	[sflag:s30] =	ssyncset.done $0x0  }
0xfc: {  	s11 =	simm.s32 $0x1080;
	[sflag:s30] =	ssyncadd.s32 $0xFFFFC000  }
0xfd: {  	[spmem:s1] =	stream.indirect.scatter.add.f32 [tilespmem:s29], [sflag:$0x2], $0x80, s11, s26, $0xb8;
	[tilespmem:$0x1E000] =	vst v63  }
0xfe: {  	_ =	swait.ge [sflag:s24], $0x4000  }
0xff: {  	s31 =	simm.s32 $0x400;
	s5 =	simm.s32 $0x800;
	[sflag:s24] =	ssyncset.done $0x0  }
.LBB2_7:
0x100: {  	s7 =	sshra.s32 s31, $0x2  }
0x101: {  	[sflag:s24] =	ssyncadd.s32 $0xFFFFC000;
	s31 =	smov.u32 s5;
	s11 =	sadd.s32 $0x400, s5  }
0x102: {  	[tilespmem:s28], [sflag:$0x1] =	stream.indirect.gather [hbm4b:s4+s26], $0x80, s7, s26, $0xb8;
	[tilespmem:$0x1E000] =	vst v63  }
0x103: {  	p1 =	sne.s32 s5, $0x3C00;
	s5 =	sadd.s32 $0x80, s7  }
0x104: {  	[tilespmem:s29], [sflag:$0x1] =	stream.indirect.gather [hbm4b:s4+s26], $0x80, s5, s26, $0xb8;
	[tilespmem:$0x1E000] =	vst v63  }
0x105: {  	_ =	swait.ge [sflag:s30], $0x4000  }
0x106: {  	[sflag:s30] =	ssyncset.done $0x0  }
0x107: {  	s5 =	sadd.s32 $0x1000, s7;
	[sflag:s30] =	ssyncadd.s32 $0xFFFFC000  }
0x108: {  	[spmem:s1] =	stream.indirect.scatter.add.f32 [tilespmem:s28], [sflag:$0x2], $0x80, s5, s26, $0xb8;
	[tilespmem:$0x1E000] =	vst v63  }
0x109: {  	_ =	swait.ge [sflag:s24], $0x4000  }
0x10a: {  	[sflag:s24] =	ssyncset.done $0x0  }
0x10b: {  	[sflag:s24] =	ssyncadd.s32 $0xFFFFC000  }
0x10c: {  	_ =	swait.ge [sflag:s30], $0x4000  }
.Ltmp5:
0x10d: {  	[sflag:s30] =	ssyncset.done $0x0;
	(pc) =	sbr.rel @p1 .LBB2_7-.Ltmp5, $4  }
0x10e: {  	s5 =	sadd.s32 $0x1080, s7;
	[sflag:s30] =	ssyncadd.s32 $0xFFFFC000  }
0x10f: {  	[spmem:s1] =	stream.indirect.scatter.add.f32 [tilespmem:s29], [sflag:$0x2], $0x80, s5, s26, $0xb8;
	[tilespmem:$0x1E000] =	vst v63  }
0x110: {  	_ =	swait.ge [sflag:s24], $0x4000  }
0x111: {  	s5 =	smov.u32 s11;
	[sflag:s24] =	ssyncset.done $0x0  }
0x112: {  	s5 =	sshra.s32 s31, $0x2;
	[sflag:s24] =	ssyncadd.s32 $0xFFFFC000  }
0x113: {  	[tilespmem:s28], [sflag:$0x1] =	stream.indirect.gather [hbm4b:s4+s26], $0x80, s5, s26, $0xb8;
	[tilespmem:$0x1E000] =	vst v63  }
0x114: {  	s7 =	sadd.s32 $0x80, s5  }
0x115: {  	[tilespmem:s29], [sflag:$0x1] =	stream.indirect.gather [hbm4b:s4+s26], $0x80, s7, s26, $0xb8;
	[tilespmem:$0x1E000] =	vst v63  }
0x116: {  	_ =	swait.ge [sflag:s30], $0x4000  }
0x117: {  	[sflag:s30] =	ssyncset.done $0x0  }
0x118: {  	s11 =	sadd.s32 $0x1000, s5;
	[sflag:s30] =	ssyncadd.s32 $0xFFFFC000  }
0x119: {  	[spmem:s1] =	stream.indirect.scatter.add.f32 [tilespmem:s28], [sflag:$0x2], $0x80, s11, s26, $0xb8;
	[tilespmem:$0x1E000] =	vst v63  }
0x11a: {  	_ =	swait.ge [sflag:s24], $0x4000  }
0x11b: {  	[sflag:s24] =	ssyncset.done $0x0  }
0x11c: {  	[sflag:s24] =	ssyncadd.s32 $0xFFFFC000  }
0x11d: {  	_ =	swait.ge [sflag:s30], $0x4000  }
0x11e: {  	[sflag:s30] =	ssyncset.done $0x0  }
0x11f: {  	s5 =	sadd.s32 $0x1080, s5;
	[sflag:s30] =	ssyncadd.s32 $0xFFFFC000  }
0x120: {  	[spmem:s1] =	stream.indirect.scatter.add.f32 [tilespmem:s29], [sflag:$0x2], $0x80, s5, s26, $0xb8;
	[tilespmem:$0x1E000] =	vst v63  }
0x121: {  	_ =	swait.ge [sflag:s24], $0x4000  }
0x122: {  	[sflag:s24] =	ssyncset.done $0x0  }
0x123: {  	s11 =	simm.s32 $0x0;
	[sflag:s24] =	ssyncadd.s32 $0xFFFFC000  }
0x124: {  	[tilespmem:s11], [sflag:$0x2] =	stream.linear.gather [hbm4b:s19+s11], $0x1000, $0x38;
	[tilespmem:$0x1E000] =	vst v63  }
0x125: {  	_ =	swait.ge [sflag:s24], $0x1000  }
0x126: {  	[sflag:s24] =	ssyncset.done $0x0  }
0x127: {  	[sflag:s24] =	ssyncadd.s32 $0xFFFFF000  }
0x128: {  	[tilespmem:s25], [sflag:$0x2] =	stream.linear.gather [hbm4b:s20+s11], $0x1000, $0x38;
	[tilespmem:$0x1E000] =	vst v63  }
0x129: {  	_ =	swait.ge [sflag:s24], $0x1000  }
0x12a: {  	[sflag:s24] =	ssyncset.done $0x0  }
0x12b: {  	s7 =	simm.s32 $0x0;
	[sflag:s24] =	ssyncadd.s32 $0xFFFFF000  }
0x12c: {  	[tilespmem:s28], [sflag:$0x1] =	stream.indirect.gather [hbm4b:s4+s26], $0x80, s7, s26, $0xb8;
	[tilespmem:$0x1E000] =	vst v63  }
0x12d: {  	s11 =	simm.s32 $0x80  }
0x12e: {  	[tilespmem:s29], [sflag:$0x1] =	stream.indirect.gather [hbm4b:s4+s26], $0x80, s11, s26, $0xb8;
	[tilespmem:$0x1E000] =	vst v63  }
0x12f: {  	_ =	swait.ge [sflag:s30], $0x4000  }
0x130: {  	[sflag:s30] =	ssyncset.done $0x0  }
0x131: {  	s7 =	simm.s32 $0x1000;
	[sflag:s30] =	ssyncadd.s32 $0xFFFFC000  }
0x132: {  	[spmem:s1] =	stream.indirect.scatter.add.f32 [tilespmem:s28], [sflag:$0x2], $0x80, s7, s26, $0xb8;
	[tilespmem:$0x1E000] =	vst v63  }
0x133: {  	_ =	swait.ge [sflag:s24], $0x4000  }
0x134: {  	[sflag:s24] =	ssyncset.done $0x0  }
0x135: {  	[sflag:s24] =	ssyncadd.s32 $0xFFFFC000  }
0x136: {  	_ =	swait.ge [sflag:s30], $0x4000  }
0x137: {  	[sflag:s30] =	ssyncset.done $0x0  }
0x138: {  	s11 =	simm.s32 $0x1080;
	[sflag:s30] =	ssyncadd.s32 $0xFFFFC000  }
0x139: {  	[spmem:s1] =	stream.indirect.scatter.add.f32 [tilespmem:s29], [sflag:$0x2], $0x80, s11, s26, $0xb8;
	[tilespmem:$0x1E000] =	vst v63  }
0x13a: {  	_ =	swait.ge [sflag:s24], $0x4000  }
0x13b: {  	s31 =	simm.s32 $0x400;
	s5 =	simm.s32 $0x800;
	[sflag:s24] =	ssyncset.done $0x0  }
.LBB2_9:
0x13c: {  	s7 =	sshra.s32 s31, $0x2  }
0x13d: {  	[sflag:s24] =	ssyncadd.s32 $0xFFFFC000;
	s31 =	smov.u32 s5;
	s11 =	sadd.s32 $0x400, s5  }
0x13e: {  	[tilespmem:s28], [sflag:$0x1] =	stream.indirect.gather [hbm4b:s4+s26], $0x80, s7, s26, $0xb8;
	[tilespmem:$0x1E000] =	vst v63  }
0x13f: {  	p1 =	sne.s32 s5, $0x3C00;
	s5 =	sadd.s32 $0x80, s7  }
0x140: {  	[tilespmem:s29], [sflag:$0x1] =	stream.indirect.gather [hbm4b:s4+s26], $0x80, s5, s26, $0xb8;
	[tilespmem:$0x1E000] =	vst v63  }
0x141: {  	_ =	swait.ge [sflag:s30], $0x4000  }
0x142: {  	[sflag:s30] =	ssyncset.done $0x0  }
0x143: {  	s5 =	sadd.s32 $0x1000, s7;
	[sflag:s30] =	ssyncadd.s32 $0xFFFFC000  }
0x144: {  	[spmem:s1] =	stream.indirect.scatter.add.f32 [tilespmem:s28], [sflag:$0x2], $0x80, s5, s26, $0xb8;
	[tilespmem:$0x1E000] =	vst v63  }
0x145: {  	_ =	swait.ge [sflag:s24], $0x4000  }
0x146: {  	[sflag:s24] =	ssyncset.done $0x0  }
0x147: {  	[sflag:s24] =	ssyncadd.s32 $0xFFFFC000  }
0x148: {  	_ =	swait.ge [sflag:s30], $0x4000  }
.Ltmp6:
0x149: {  	[sflag:s30] =	ssyncset.done $0x0;
	(pc) =	sbr.rel @p1 .LBB2_9-.Ltmp6, $4  }
0x14a: {  	s5 =	sadd.s32 $0x1080, s7;
	[sflag:s30] =	ssyncadd.s32 $0xFFFFC000  }
0x14b: {  	[spmem:s1] =	stream.indirect.scatter.add.f32 [tilespmem:s29], [sflag:$0x2], $0x80, s5, s26, $0xb8;
	[tilespmem:$0x1E000] =	vst v63  }
0x14c: {  	_ =	swait.ge [sflag:s24], $0x4000  }
0x14d: {  	s5 =	smov.u32 s11;
	[sflag:s24] =	ssyncset.done $0x0  }
0x14e: {  	s5 =	sshra.s32 s31, $0x2;
	[sflag:s24] =	ssyncadd.s32 $0xFFFFC000  }
0x14f: {  	[tilespmem:s28], [sflag:$0x1] =	stream.indirect.gather [hbm4b:s4+s26], $0x80, s5, s26, $0xb8;
	[tilespmem:$0x1E000] =	vst v63  }
0x150: {  	s7 =	sadd.s32 $0x80, s5  }
0x151: {  	[tilespmem:s29], [sflag:$0x1] =	stream.indirect.gather [hbm4b:s4+s26], $0x80, s7, s26, $0xb8;
	[tilespmem:$0x1E000] =	vst v63  }
0x152: {  	_ =	swait.ge [sflag:s30], $0x4000  }
0x153: {  	[sflag:s30] =	ssyncset.done $0x0  }
0x154: {  	s11 =	sadd.s32 $0x1000, s5;
	[sflag:s30] =	ssyncadd.s32 $0xFFFFC000  }
0x155: {  	[spmem:s1] =	stream.indirect.scatter.add.f32 [tilespmem:s28], [sflag:$0x2], $0x80, s11, s26, $0xb8;
	[tilespmem:$0x1E000] =	vst v63  }
0x156: {  	_ =	swait.ge [sflag:s24], $0x4000  }
0x157: {  	[sflag:s24] =	ssyncset.done $0x0  }
0x158: {  	[sflag:s24] =	ssyncadd.s32 $0xFFFFC000  }
0x159: {  	_ =	swait.ge [sflag:s30], $0x4000  }
0x15a: {  	[sflag:s30] =	ssyncset.done $0x0  }
0x15b: {  	s5 =	sadd.s32 $0x1080, s5;
	[sflag:s30] =	ssyncadd.s32 $0xFFFFC000  }
0x15c: {  	[spmem:s1] =	stream.indirect.scatter.add.f32 [tilespmem:s29], [sflag:$0x2], $0x80, s5, s26, $0xb8;
	[tilespmem:$0x1E000] =	vst v63  }
0x15d: {  	_ =	swait.ge [sflag:s24], $0x4000  }
0x15e: {  	[sflag:s24] =	ssyncset.done $0x0  }
0x15f: {  	s11 =	simm.s32 $0x0;
	[sflag:s24] =	ssyncadd.s32 $0xFFFFC000  }
0x160: {  	[tilespmem:s11], [sflag:$0x2] =	stream.linear.gather [hbm4b:s21+s11], $0xC00, $0x38;
	[tilespmem:$0x1E000] =	vst v63  }
0x161: {  	_ =	swait.ge [sflag:s24], $0xC00  }
0x162: {  	[sflag:s24] =	ssyncset.done $0x0  }
0x163: {  	[sflag:s24] =	ssyncadd.s32 $0xFFFFF400  }
0x164: {  	[tilespmem:s25], [sflag:$0x2] =	stream.linear.gather [hbm4b:s22+s11], $0xC00, $0x38;
	[tilespmem:$0x1E000] =	vst v63  }
0x165: {  	_ =	swait.ge [sflag:s24], $0xC00  }
0x166: {  	[sflag:s24] =	ssyncset.done $0x0  }
0x167: {  	s7 =	simm.s32 $0x0;
	[sflag:s24] =	ssyncadd.s32 $0xFFFFF400  }
0x168: {  	[tilespmem:s28], [sflag:$0x1] =	stream.indirect.gather [hbm4b:s4+s26], $0x80, s7, s26, $0xb8;
	[tilespmem:$0x1E000] =	vst v63  }
0x169: {  	s11 =	simm.s32 $0x80  }
0x16a: {  	[tilespmem:s29], [sflag:$0x1] =	stream.indirect.gather [hbm4b:s4+s26], $0x80, s11, s26, $0xb8;
	[tilespmem:$0x1E000] =	vst v63  }
0x16b: {  	_ =	swait.ge [sflag:s30], $0x4000  }
0x16c: {  	[sflag:s30] =	ssyncset.done $0x0  }
0x16d: {  	s7 =	simm.s32 $0x1000;
	[sflag:s30] =	ssyncadd.s32 $0xFFFFC000  }
0x16e: {  	[spmem:s1] =	stream.indirect.scatter.add.f32 [tilespmem:s28], [sflag:$0x2], $0x80, s7, s26, $0xb8;
	[tilespmem:$0x1E000] =	vst v63  }
0x16f: {  	_ =	swait.ge [sflag:s24], $0x4000  }
0x170: {  	[sflag:s24] =	ssyncset.done $0x0  }
0x171: {  	[sflag:s24] =	ssyncadd.s32 $0xFFFFC000  }
0x172: {  	_ =	swait.ge [sflag:s30], $0x4000  }
0x173: {  	[sflag:s30] =	ssyncset.done $0x0  }
0x174: {  	s11 =	simm.s32 $0x1080;
	[sflag:s30] =	ssyncadd.s32 $0xFFFFC000  }
0x175: {  	[spmem:s1] =	stream.indirect.scatter.add.f32 [tilespmem:s29], [sflag:$0x2], $0x80, s11, s26, $0xb8;
	[tilespmem:$0x1E000] =	vst v63  }
0x176: {  	_ =	swait.ge [sflag:s24], $0x4000  }
0x177: {  	s31 =	simm.s32 $0x400;
	s5 =	simm.s32 $0x800;
	[sflag:s24] =	ssyncset.done $0x0  }
.LBB2_11:
0x178: {  	s7 =	sshra.s32 s31, $0x2  }
0x179: {  	[sflag:s24] =	ssyncadd.s32 $0xFFFFC000;
	s31 =	smov.u32 s5;
	s11 =	sadd.s32 $0x400, s5  }
0x17a: {  	[tilespmem:s28], [sflag:$0x1] =	stream.indirect.gather [hbm4b:s4+s26], $0x80, s7, s26, $0xb8;
	[tilespmem:$0x1E000] =	vst v63  }
0x17b: {  	p1 =	seq.s32 s5, $0x2C00;
	s5 =	sadd.s32 $0x80, s7  }
0x17c: {  	[tilespmem:s29], [sflag:$0x1] =	stream.indirect.gather [hbm4b:s4+s26], $0x80, s5, s26, $0xb8;
	[tilespmem:$0x1E000] =	vst v63  }
0x17d: {  	_ =	swait.ge [sflag:s30], $0x4000  }
0x17e: {  	[sflag:s30] =	ssyncset.done $0x0  }
0x17f: {  	s5 =	sadd.s32 $0x1000, s7;
	[sflag:s30] =	ssyncadd.s32 $0xFFFFC000  }
0x180: {  	[spmem:s1] =	stream.indirect.scatter.add.f32 [tilespmem:s28], [sflag:$0x2], $0x80, s5, s26, $0xb8;
	[tilespmem:$0x1E000] =	vst v63  }
0x181: {  	_ =	swait.ge [sflag:s24], $0x4000  }
0x182: {  	[sflag:s24] =	ssyncset.done $0x0  }
0x183: {  	[sflag:s24] =	ssyncadd.s32 $0xFFFFC000  }
0x184: {  	_ =	swait.ge [sflag:s30], $0x4000  }
.Ltmp7:
0x185: {  	[sflag:s30] =	ssyncset.done $0x0;
	(pc) =	sbr.rel @!p1 .LBB2_11-.Ltmp7, $4  }
0x186: {  	s5 =	sadd.s32 $0x1080, s7;
	[sflag:s30] =	ssyncadd.s32 $0xFFFFC000  }
0x187: {  	[spmem:s1] =	stream.indirect.scatter.add.f32 [tilespmem:s29], [sflag:$0x2], $0x80, s5, s26, $0xb8;
	[tilespmem:$0x1E000] =	vst v63  }
0x188: {  	_ =	swait.ge [sflag:s24], $0x4000  }
0x189: {  	s5 =	smov.u32 s11;
	[sflag:s24] =	ssyncset.done $0x0  }
0x18a: {  	s5 =	sshra.s32 s31, $0x2;
	[sflag:s24] =	ssyncadd.s32 $0xFFFFC000  }
0x18b: {  	[tilespmem:s28], [sflag:$0x1] =	stream.indirect.gather [hbm4b:s4+s26], $0x80, s5, s26, $0xb8;
	[tilespmem:$0x1E000] =	vst v63  }
0x18c: {  	s7 =	sadd.s32 $0x80, s5  }
0x18d: {  	[tilespmem:s29], [sflag:$0x1] =	stream.indirect.gather [hbm4b:s4+s26], $0x80, s7, s26, $0xb8;
	[tilespmem:$0x1E000] =	vst v63  }
0x18e: {  	_ =	swait.ge [sflag:s30], $0x4000  }
0x18f: {  	[sflag:s30] =	ssyncset.done $0x0  }
0x190: {  	s31 =	sadd.s32 $0x1000, s5;
	[sflag:s30] =	ssyncadd.s32 $0xFFFFC000  }
0x191: {  	[spmem:s1] =	stream.indirect.scatter.add.f32 [tilespmem:s28], [sflag:$0x2], $0x80, s31, s26, $0xb8;
	[tilespmem:$0x1E000] =	vst v63  }
0x192: {  	_ =	swait.ge [sflag:s24], $0x4000  }
0x193: {  	[sflag:s24] =	ssyncset.done $0x0  }
0x194: {  	[sflag:s24] =	ssyncadd.s32 $0xFFFFC000  }
0x195: {  	_ =	swait.ge [sflag:s30], $0x4000  }
0x196: {  	[sflag:s30] =	ssyncset.done $0x0  }
.Ltmp8:
0x197: {  	s5 =	sadd.s32 $0x1080, s5;
	[sflag:s30] =	ssyncadd.s32 $0xFFFFC000;
	(pc) =	sbr.rel .LBB2_14-.Ltmp8, $4  }
0x198: {  	[spmem:s1] =	stream.indirect.scatter.add.f32 [tilespmem:s29], [sflag:$0x2], $0x80, s5, s26, $0xb8;
	[tilespmem:$0x1E000] =	vst v63  }
0x199: {  	_ =	swait.ge [sflag:s24], $0x4000  }
0x19a: {  	[sflag:s24] =	ssyncset.done $0x0  }
0x19b: {  	s5 =	rddreg [dreg:$0x4];
	[sflag:s24] =	ssyncadd.s32 $0xFFFFC000  }
.LBB2_15:
0x19c: {  	_ =	sfence.sel $0x180000  }
0x19d: {  	[bflag:$0x0] =	sbarrier.arrive $0xFFFF  }
0x19e: {  	_ =	strace $0x9000004A  }
0x19f: {  	s0 =	stileid.u32;
	[bflag:$0x2] =	sbarrier.arrive $0xFFFF  }
0x1a0: {  	p0 =	sne.s32 s0, $0x0;
	s0 =	rddreg [dreg:$0x3]  }
0x1a1: {  	s0 =	sadd.s32 @!p0 $0x100000, s0  }
0x1a2: {  	[sflag:s0] =	ssyncadd.tile.s32 @!p0 $0x1;
	_ =	shalt  }
.Lfunc_end2:
_tile_overlayer_lowered:
.L_overlay_start_2:
0x1a3: {  	(tag) =	ssettag $0x2  }
0x1a4: {  	s0 =	rddreg [dreg:$0x0];
	s2 =	stileid.u32  }
0x1a5: {  	s1 =	rddreg [dreg:$0x1];
	p0 =	sne.s32 s2, $0x0  }
0x1a6: {  	s3 =	rddreg [dreg:$0x2];
	[bflag:$0x3] =	sbarrier.arrive $0xFFFF;
	s2 =	simm.s32 @!p0 $0x1C02  }
0x1a7: {  	[timem:s3], [sflag:s2] =	dma.local @!p0 [hbm:s0], s1  }
0x1a8: {  	s0 =	simm.s32 @!p0 $0x2  }
0x1a9: {  	_ =	swait.ge @!p0 [sflag:s0], s1  }
0x1aa: {  	s1 =	ssub.s32 @!p0 $0x0, s1;
	[sflag:s0] =	ssyncset.done @!p0 $0x0  }
0x1ab: {  	[sflag:s0] =	ssyncadd.s32 @!p0 s1  }
0x1ac: {  	[bflag:$0x3] =	sbarrier.arrive $0xFFFF  }
0x1ad: {  	_ =	shalt  }

// kernel: kernel.15.cloned.1.call-start
scs
__scs_entry_jumppad:
0x0: {  	(pc) =	sbr.rel $0x88, $3  }
0x1: {  	(tag) =	ssettag $0x0;
	lr =	simm.s32 $0x1  }
0x2: {  	[smem:$0x3F9B] =	sst lr;
	_ =	strace $0xD0000000  }
0x3: {  	_ = 	snop  }
0x4: {  	_ = 	snop  }
0x5: {  	_ = 	snop  }
0x6: {  	_ = 	snop  }
0x7: {  	_ = 	snop  }
__scs_overlays_trampoline_lowered:
0x8: {  	[smem:$0x3FAA] =	sst s0  }
0x9: {  	[smem:$0x3FAB] =	sst s1  }
0xa: {  	[smem:$0x3FAC] =	sst s2  }
0xb: {  	[smem:$0x3FAD] =	sst s3  }
0xc: {  	[smem:$0x3FAE] =	sst s4  }
0xd: {  	[smem:$0x3FAF] =	sst s5  }
0xe: {  	[smem:$0x3FB0] =	sst s6  }
0xf: {  	[smem:$0x3FB1] =	sst s7  }
0x10: {  	[smem:$0x3FB2] =	sst s8  }
0x11: {  	[smem:$0x3FB3] =	sst s9;
	s0 =	simm.s32 @!p0 $0x0  }
0x12: {  	s1 =	sld [smem:$0x3F99];
	s0 =	simm.s32 @p0 $0x1  }
0x13: {  	[smem:$0x3FB4] =	sst s0;
	s0 =	simm.s32 @!p1 $0x0  }
0x14: {  	s2 =	sld [smem:$0x3F98];
	s0 =	simm.s32 @p1 $0x1  }
0x15: {  	[smem:$0x3FB5] =	sst s0;
	s0 =	simm.s32 @!p2 $0x0  }
0x16: {  	s3 =	sld [smem:$0x3FDB];
	s0 =	simm.s32 @p2 $0x1  }
0x17: {  	s4 =	simm.s32 $0x1BF5;
	[smem:$0x3FB7] =	sst s0  }
0x18: {  	s0 =	sld [smem:$0x3F9A];
	_ =	swait.ge [sflag:s4], $0x0  }
0x19: {  	s7 =	sld [smem:$0x3F9B]  }
0x1a: {  	s8 =	sadd.s32 $0xFFFFE003, lr  }
0x1b: {  	s9 =	sadd.s32 $0xFFFFFEF7, lr;
	s5 =	simm.s32 $0xFFFFFFFF;
	p2 =	slt.u32 s8, $0xFFFFF086  }
0x1c: {  	p1 =	slt.u32 s9, $0xF7A;
	s5 =	simm.s32 @!p2 $0x0  }
0x1d: {  	s5 =	simm.s32 @p1 $0x1;
	p0 =	seq.s32 s7, s2  }
0x1e: {  	s7 =	smul.u32 @!p0 $0xF7A, s2;
	p2 =	seq.s32 @!p0 s5, $0x0  }
0x1f: {  	s9 =	smul.u32 $0xF7A, s1;
	s8 =	simm.s32 @!p0 $0x1BF5;
	p2 =	por !p2, p0  }
0x20: {  	[sflag:s8] =	ssyncset.s32 @!p0 $0xFFFFF086;
	s6 =	sadd.s32 @!p0 s3, s7;
	s7 =	simm.s32 @!p0 $0x108  }
0x21: {  	s3 =	sadd.s32 s3, s9;
	s6 =	sadd.s32 @!p0 $0x88, s6;
	s7 =	simm.s32 @p2 $0x1082  }
0x22: {  	[simem:s7], [sflag:s8] =	dma.local @!p0 [hbm:s6], $0xF7A  }
0x23: {  	s9 =	sor.u32 $0xD0000000, s2;
	s6 =	simm.s32 $0x108;
	_ =	swait.ge @!p0 [sflag:s8], $0x0  }
0x24: {  	s3 =	sadd.s32 $0x88, s3;
	s6 =	simm.s32 @!p1 $0x1082;
	[sflag:s4] =	ssyncset.s32 $0xFFFFF086  }
0x25: {  	[simem:s6], [sflag:s4] =	dma.local [hbm:s3], $0xF7A  }
0x26: {  	[smem:$0x3F9B] =	sst s1;
	(tag) =	ssettag s2;
	_ =	strace s9  }
0x27: {  	s1 =	sld [smem:$0x3FAB]  }
0x28: {  	s2 =	sld [smem:$0x3FAC]  }
0x29: {  	s4 =	sld [smem:$0x3FAE]  }
0x2a: {  	p0 =	seq.s32 s5, $0x0;
	s5 =	sld [smem:$0x3FAF]  }
0x2b: {  	s6 =	sld [smem:$0x3FB0]  }
0x2c: {  	s7 =	sld [smem:$0x3FB1]  }
0x2d: {  	s3 =	simm.s32 $0x108;
	s8 =	sld [smem:$0x3FB2]  }
0x2e: {  	s3 =	simm.s32 @!p0 $0x1082;
	s9 =	sld [smem:$0x3FB3]  }
0x2f: {  	lr =	sadd.s32 s0, s3;
	s0 =	sld [smem:$0x3FAA]  }
0x30: {  	s3 =	sld [smem:$0x3FAD]  }
0x31: {  	[smem:$0x3FB6] =	sst s10  }
0x32: {  	s10 =	sld [smem:$0x3FB4];
	_ =	sdelay $0x3  }
0x33: {  	p0 =	seq.s32 s10, $0x1;
	s10 =	sld [smem:$0x3FB6];
	_ =	sdelay $0x3  }
0x34: {  	[smem:$0x3FB6] =	sst s10  }
0x35: {  	s10 =	sld [smem:$0x3FB5];
	_ =	sdelay $0x3  }
0x36: {  	p1 =	seq.s32 s10, $0x1;
	s10 =	sld [smem:$0x3FB6];
	_ =	sdelay $0x3  }
0x37: {  	[smem:$0x3FB6] =	sst s10  }
0x38: {  	s10 =	sld [smem:$0x3FB7]  }
0x39: {  	_ = 	snop;
	(pc) =	sbr.ind lr, $3  }
0x3a: {  	_ = 	snop  }
0x3b: {  	_ = 	snop  }
0x3c: {  	p2 =	seq.s32 s10, $0x1;
	s10 =	sld [smem:$0x3FB6]  }
0x3d: {  	_ =	shalt  }
0x3e: {  	_ =	shalt  }
0x3f: {  	_ =	shalt  }
0x40: {  	_ =	shalt  }
0x41: {  	_ =	shalt  }
0x42: {  	_ =	shalt  }
0x43: {  	_ =	shalt  }
0x44: {  	_ =	shalt  }
0x45: {  	_ =	shalt  }
0x46: {  	_ =	shalt  }
0x47: {  	_ =	shalt  }
0x48: {  	_ =	shalt  }
0x49: {  	_ =	shalt  }
0x4a: {  	_ =	shalt  }
0x4b: {  	_ =	shalt  }
0x4c: {  	_ =	shalt  }
0x4d: {  	_ =	shalt  }
0x4e: {  	_ =	shalt  }
0x4f: {  	_ =	shalt  }
0x50: {  	_ =	shalt  }
0x51: {  	_ =	shalt  }
0x52: {  	_ =	shalt  }
0x53: {  	_ =	shalt  }
0x54: {  	_ =	shalt  }
0x55: {  	_ =	shalt  }
0x56: {  	_ =	shalt  }
0x57: {  	_ =	shalt  }
0x58: {  	_ =	shalt  }
0x59: {  	_ =	shalt  }
0x5a: {  	_ =	shalt  }
0x5b: {  	_ =	shalt  }
0x5c: {  	_ =	shalt  }
0x5d: {  	_ =	shalt  }
0x5e: {  	_ =	shalt  }
0x5f: {  	_ =	shalt  }
0x60: {  	_ =	shalt  }
0x61: {  	_ =	shalt  }
0x62: {  	_ =	shalt  }
0x63: {  	_ =	shalt  }
0x64: {  	_ =	shalt  }
0x65: {  	_ =	shalt  }
0x66: {  	_ =	shalt  }
0x67: {  	_ =	shalt  }
0x68: {  	_ =	shalt  }
0x69: {  	_ =	shalt  }
0x6a: {  	_ =	shalt  }
0x6b: {  	_ =	shalt  }
0x6c: {  	_ =	shalt  }
0x6d: {  	_ =	shalt  }
0x6e: {  	_ =	shalt  }
0x6f: {  	_ =	shalt  }
0x70: {  	_ =	shalt  }
0x71: {  	_ =	shalt  }
0x72: {  	_ =	shalt  }
0x73: {  	_ =	shalt  }
0x74: {  	_ =	shalt  }
0x75: {  	_ =	shalt  }
0x76: {  	_ =	shalt  }
0x77: {  	_ =	shalt  }
0x78: {  	_ =	shalt  }
0x79: {  	_ =	shalt  }
0x7a: {  	_ =	shalt  }
0x7b: {  	_ =	shalt  }
0x7c: {  	_ =	shalt  }
0x7d: {  	_ =	shalt  }
0x7e: {  	_ =	shalt  }
0x7f: {  	_ =	shalt  }
0x80: {  	_ =	shalt  }
0x81: {  	_ =	shalt  }
0x82: {  	_ =	shalt  }
0x83: {  	_ =	shalt  }
0x84: {  	_ =	shalt  }
0x85: {  	_ =	shalt  }
0x86: {  	_ =	shalt  }
0x87: {  	_ =	shalt  }
.Lfunc_end0:
.L_simem_size_0:
called_computation.2_lowered:
.L_overlay_start_0:
0x88: {  	s2 =	sld [smem:$0x3FD9]  }
0x89: {  	s3 =	sld [smem:$0x3FFE];
	_ =	sdelay $0x1  }
0x8a: {  	s1 =	srdreg.scid  }
0x8b: {  	s0 =	sand.u32 $0x1, s1  }
0x8c: {  	s17 =	sshll.u32 s0, $0xA;
	s2 =	sadd.s32 s3, s2  }
0x8d: {  	s2 =	sadd.s32 s2, s17  }
0x8e: {  	[smem:$0x3FC2] =	sst s2  }
0x8f: {  	_ = 	snop  }
0x90: {  	s18 =	sld [smem:$0x3FD0];
	(tm) =	ssettm $0x1  }
0x91: {  	s19 =	sld [smem:$0x3FFB];
	_ =	sdelay $0x3  }
0x92: {  	_ =	strace s19  }
0x93: {  	s2 =	sld [smem:$0x3FFC];
	_ =	sdelay $0x3  }
0x94: {  	_ =	strace s2  }
0x95: {  	s2 =	sld [smem:$0x3FFD];
	_ =	sdelay $0x3  }
0x96: {  	_ =	strace s2  }
0x97: {  	_ =	strace $0x8FFFFFFF  }
0x98: {  	s20 =	sld [smem:$0x3FDB];
	_ =	sdelay $0x1  }
0x99: {  	s4 =	simm.s32 $_scs_section_size  }
0x9a: {  	s5 =	simm.s32 $_size__tile_overlayer_lowered;
	s6 =	simm.s32 $_tile_overlayer_lowered  }
0x9b: {  	s7 =	simm.s32 $0x1BFF;
	s21 =	sshll.u32 s6, $0x1;
	s4 =	sadd.s32 s4, s20  }
0x9c: {  	s22 =	simm.s32 $0x0;
	s5 =	sshll.u32 s5, $0x1;
	s6 =	sadd.s32 s21, s4  }
0x9d: {  	[timem:s22], [sflag:s7] =	dma.local [hbm:s6], s5  }
0x9e: {  	_ =	swait.ge [sflag:s7], s5  }
0x9f: {  	s5 =	ssub.s32 $0x0, s5;
	[sflag:s7] =	ssyncset.done $0x0  }
0xa0: {  	[sflag:s7] =	ssyncadd.s32 s5;
	_ =	sdelay $0x1  }
0xa1: {  	s23 =	simm.s32 $0x1B8B  }
0xa2: {  	_ =	swait.ge [sflag:s23], $0x1  }
0xa3: {  	[sflag:s23] =	ssyncset.done $0x0  }
0xa4: {  	[sflag:s23] =	ssyncadd.s32 $0xFFFFFFFF  }
0xa5: {  	s5 =	sld [smem:$0x0]  }
0xa6: {  	s6 =	sand.u32 $0xFFFFFFFE, s1  }
0xa7: {  	p0 =	sne.s32 s1, s6  }
0xa8: {  	s6 =	sshll.u32 @p0 s6, $0xE  }
0xa9: {  	s6 =	sadd.s32 @p0 $0x11B8D, s6;
	s7 =	sshll.u32 @p0 s5, $0x11  }
0xaa: {  	s6 =	sor.u32 @p0 s7, s6  }
0xab: {  	[sflag:s6] =	ssyncadd.remote.s32 @p0 $0x1;
	_ =	sdelay $0x1  }
0xac: {  	s6 =	simm.s32 @p0 $0x1B8D  }
0xad: {  	_ =	swait.eq @p0 [sflag:s6], $0x1  }
0xae: {  	[sflag:s6] =	ssyncadd.s32 @p0 $0xFFFFFFFF  }
0xaf: {  	s7 =	sshll.u32 @!p0 s1, $0xE  }
0xb0: {  	s7 =	sor.u32 @!p0 $0x4000, s7;
	s6 =	simm.s32 @!p0 $0x1B8D  }
0xb1: {  	s5 =	sshll.u32 @!p0 s5, $0x11;
	s7 =	sadd.s32 @!p0 $0x11B8D, s7;
	_ =	swait.eq @!p0 [sflag:s6], $0x1  }
0xb2: {  	s5 =	sor.u32 @!p0 s5, s7;
	[sflag:s6] =	ssyncadd.s32 @!p0 $0xFFFFFFFF  }
0xb3: {  	s25 =	simm.s32 $0x1B8E;
	s24 =	sld [smem:$0x3FFE];
	[sflag:s5] =	ssyncadd.remote.s32 @!p0 $0x1  }
0xb4: {  	s26 =	simm.s32 $execute0_lowered;
	[smem:$0x3FD2] =	sst s25  }
0xb5: {  	s6 =	sshll.u32 s26, $0x1;
	_ =	strace $0x8000004C;
	[dreg:$0x1] =	wrdreg $0xFFFFFFFF  }
0xb6: {  	s28 =	simm.s32 $_size_execute0_lowered;
	s4 =	sadd.s32 s4, s6;
	[dreg:$0x0] =	wrdreg $0x0  }
0xb7: {  	s6 =	sshll.u32 s28, $0x1;
	[dreg:$0x2] =	wrdreg s4  }
0xb8: {  	[dreg:$0x3] =	wrdreg s6  }
0xb9: {  	[dreg:$0x4] =	wrdreg $0xC0  }
0xba: {  	_ =	task [dreg:s22], $0x5FFFF  }
0xbb: {  	[dreg:$0x1] =	wrdreg $0xFFFFFFFF  }
0xbc: {  	[dreg:$0x0] =	wrdreg $0x60  }
0xbd: {  	[dreg:$0x2] =	wrdreg s24  }
0xbe: {  	[dreg:$0x3] =	wrdreg s18  }
0xbf: {  	[dreg:$0x4] =	wrdreg $0xA0000  }
0xc0: {  	[dreg:$0x5] =	wrdreg $0xA  }
0xc1: {  	_ =	task.clear_ibuf [dreg:s22], $0x6FFFF;
	_ =	strace $0x9000004C  }
0xc2: {  	s29 =	simm.s32 $0xA;
	_ =	strace $0x8000004E  }
0xc3: {  	_ =	swait.ge [sflag:s29], $0x1  }
0xc4: {  	[sflag:s29] =	ssyncadd.s32 $0xFFFFFFFF  }
0xc5: {  	_ =	strace $0x9000004E  }
0xc6: {  	_ =	sfence  }
0xc7: {  	s30 =	sld [smem:$0x0];
	_ =	sdelay $0x2  }
0xc8: {  	s31 =	sshll.u32 s1, $0xD;
	s1 =	sshrl.u32 s1, $0x2  }
0xc9: {  	s4 =	sand.u32 $0x4000, s31;
	s1 =	sadd.s32 s1, s30  }
0xca: {  	s0 =	sor.u32 s4, s0;
	s1 =	sshll.u32 s1, $0x11  }
0xcb: {  	s0 =	sor.u32 s1, s0  }
0xcc: {  	s0 =	sadd.s32 $0x8F2B, s0  }
0xcd: {  	[sflag:s0] =	ssyncadd.remote.s32 $0x1  }
0xce: {  	_ =	sfence.sel $0xFFFF  }
0xcf: {  	[dreg:$0x0] =	wrdreg $0xFFFFFFFF;
	(pc) =	sbr.abs _section_cstart, $3  }
0xd0: {  	[dreg:$0x1] =	wrdreg $0xFFFFFFFF  }
0xd1: {  	_ =	task.clear_ibuf [dreg:s22], $0x2FFFF;
	_ =	strace $0x9FFFFFFF  }
0xd2: {  	(tm) =	ssettm $0x7FFFFFFF  }
0xd3: {  	_ =	shalt  }
tec
execute0_lowered:
.L_overlay_start_1:
0x0: {  	(tag) =	ssettag $0x1  }
0x1: {  	s0 =	rddreg [dreg:$0x0]  }
0x2: {  	s3 =	rddreg [dreg:$0x1]  }
0x3: {  	s1 =	rddreg [dreg:$0x2];
	s2 =	simm.s32 $0x0  }
0x4: {  	s5 =	srdreg.scid;
	s7 =	stileid.u32;
	s28 =	simm.s32 $0x2000  }
0x5: {  	s29 =	simm.s32 $0x6000;
	s30 =	simm.s32 $0x1;
	[smem:$0x7FF] =	sst s2  }
0x6: {  	s4 =	sadd.s32 $0x85E00, s0;
	s5 =	sand.u32 $0x1, s5;
	s21 =	sadd.s32 $0x7BE00, s0  }
0x7: {  	s9 =	smul.u32 $0x50000, s7;
	s6 =	sadd.s32 $0xFDE00, s0;
	s0 =	sadd.s32 $0x125E00, s0  }
0x8: {  	s26 =	sshll.u32 s7, $0x7;
	s11 =	sshll.u32 s7, $0x6;
	s22 =	smul.u32 $0x980, s7  }
0x9: {  	_ =	strace $0x8000004D;
	s8 =	ssub.s32 $0x2, s5;
	[dreg:$0x4] =	wrdreg s6  }
0xa: {  	s6 =	smul.u32 $0x2800, s7;
	[dreg:$0x5] =	wrdreg s0;
	s12 =	sor.u32 $0x9800, s26  }
0xb: {  	p0 =	sne.s32 s5, $0x0;
	s26 =	simm.s32 $0x80;
	s0 =	simm.s32 $0x0  }
0xc: {  	s10 =	sshrl.u32 s8, $0x1;
	s25 =	sshrl.u32 s9, $0x2;
	s31 =	sadd.s32 s21, s12  }
0xd: {  	s12 =	sadd.s32 s3, s12;
	s13 =	sadd.s32 s21, s22;
	s14 =	sadd.s32 s3, s22  }
0xe: {  	s16 =	sadd.s32 $0x200, s22;
	s18 =	sadd.s32 $0x400, s22;
	s20 =	sadd.s32 $0x600, s22  }
0xf: {  	s22 =	sadd.s32 $0x800, s22;
	s24 =	ssub.s32 s8, s10;
	s8 =	sadd.s32 s25, s1  }
.Ltmp0:
0x10: {  	s9 =	sadd.s32 s4, s6;
	s10 =	sor.u32 $0x1C02, s11;
	(pc) =	sbr.rel .LBB2_1-.Ltmp0, $4  }
0x11: {  	[dreg:$0x6] =	wrdreg s31;
	s15 =	sadd.s32 s21, s16;
	s16 =	sadd.s32 s3, s16  }
0x12: {  	s17 =	sadd.s32 s21, s18;
	s18 =	sadd.s32 s3, s18;
	s19 =	sadd.s32 s21, s20  }
0x13: {  	s20 =	sadd.s32 s3, s20;
	s21 =	sadd.s32 s21, s22;
	s22 =	sadd.s32 s3, s22  }
0x14: {  	s25 =	simm.s32 $0x1000;
	s23 =	smax.u32 s24, $0x1;
	s24 =	simm.s32 $0x2  }
.LBB2_13:
0x15: {  	s5 =	rddreg [dreg:$0x6]  }
0x16: {  	[tilespmem:s2], [sflag:$0x2] =	stream.linear.gather [hbm4b:s5+s2], $0x400, $0x38;
	[tilespmem:$0x1E000] =	vst v63  }
0x17: {  	_ =	swait.ge [sflag:s24], $0x400  }
0x18: {  	[sflag:s24] =	ssyncset.done $0x0  }
0x19: {  	[sflag:s24] =	ssyncadd.s32 $0xFFFFFC00  }
0x1a: {  	[tilespmem:s25], [sflag:$0x2] =	stream.linear.gather [hbm4b:s12+s2], $0x400, $0x38;
	[tilespmem:$0x1E000] =	vst v63  }
0x1b: {  	_ =	swait.ge [sflag:s24], $0x400  }
0x1c: {  	[sflag:s24] =	ssyncset.done $0x0  }
0x1d: {  	[sflag:s24] =	ssyncadd.s32 $0xFFFFFC00  }
0x1e: {  	[tilespmem:s28], [sflag:$0x1] =	stream.indirect.gather [hbm4b:s4+s26], $0x80, s2, s26, $0xb8;
	[tilespmem:$0x1E000] =	vst v63  }
0x1f: {  	_ = 	snop  }
0x20: {  	[tilespmem:s29], [sflag:$0x1] =	stream.indirect.gather [hbm4b:s4+s26], $0x80, s26, s26, $0xb8;
	[tilespmem:$0x1E000] =	vst v63  }
0x21: {  	_ =	swait.ge [sflag:s30], $0x4000  }
0x22: {  	[sflag:s30] =	ssyncset.done $0x0  }
0x23: {  	[sflag:s30] =	ssyncadd.s32 $0xFFFFC000  }
0x24: {  	[spmem:s1] =	stream.indirect.scatter.add.f32 [tilespmem:s28], [sflag:$0x2], $0x80, s25, s26, $0xb8;
	[tilespmem:$0x1E000] =	vst v63  }
0x25: {  	_ =	swait.ge [sflag:s24], $0x4000  }
0x26: {  	[sflag:s24] =	ssyncset.done $0x0  }
0x27: {  	[sflag:s24] =	ssyncadd.s32 $0xFFFFC000  }
0x28: {  	_ =	swait.ge [sflag:s30], $0x4000  }
0x29: {  	[sflag:s30] =	ssyncset.done $0x0  }
0x2a: {  	s31 =	simm.s32 $0x1080;
	[sflag:s30] =	ssyncadd.s32 $0xFFFFC000  }
0x2b: {  	[spmem:s1] =	stream.indirect.scatter.add.f32 [tilespmem:s29], [sflag:$0x2], $0x80, s31, s26, $0xb8;
	[tilespmem:$0x1E000] =	vst v63  }
0x2c: {  	_ =	swait.ge [sflag:s24], $0x4000  }
0x2d: {  	[sflag:s24] =	ssyncset.done $0x0  }
0x2e: {  	s7 =	simm.s32 $0x100;
	[sflag:s24] =	ssyncadd.s32 $0xFFFFC000  }
0x2f: {  	[tilespmem:s28], [sflag:$0x1] =	stream.indirect.gather [hbm4b:s4+s26], $0x80, s7, s26, $0xb8;
	[tilespmem:$0x1E000] =	vst v63  }
0x30: {  	s11 =	simm.s32 $0x180  }
0x31: {  	[tilespmem:s29], [sflag:$0x1] =	stream.indirect.gather [hbm4b:s4+s26], $0x80, s11, s26, $0xb8;
	[tilespmem:$0x1E000] =	vst v63  }
0x32: {  	_ =	swait.ge [sflag:s30], $0x4000  }
0x33: {  	[sflag:s30] =	ssyncset.done $0x0  }
0x34: {  	s31 =	simm.s32 $0x1100;
	[sflag:s30] =	ssyncadd.s32 $0xFFFFC000  }
0x35: {  	[spmem:s1] =	stream.indirect.scatter.add.f32 [tilespmem:s28], [sflag:$0x2], $0x80, s31, s26, $0xb8;
	[tilespmem:$0x1E000] =	vst v63  }
0x36: {  	_ =	swait.ge [sflag:s24], $0x4000  }
0x37: {  	[sflag:s24] =	ssyncset.done $0x0  }
0x38: {  	[sflag:s24] =	ssyncadd.s32 $0xFFFFC000  }
0x39: {  	_ =	swait.ge [sflag:s30], $0x4000  }
0x3a: {  	[sflag:s30] =	ssyncset.done $0x0  }
0x3b: {  	s7 =	simm.s32 $0x1180;
	[sflag:s30] =	ssyncadd.s32 $0xFFFFC000  }
0x3c: {  	[spmem:s1] =	stream.indirect.scatter.add.f32 [tilespmem:s29], [sflag:$0x2], $0x80, s7, s26, $0xb8;
	[tilespmem:$0x1E000] =	vst v63  }
0x3d: {  	_ =	swait.ge [sflag:s24], $0x4000  }
0x3e: {  	[sflag:s24] =	ssyncset.done $0x0  }
0x3f: {  	s11 =	simm.s32 $0x200;
	[sflag:s24] =	ssyncadd.s32 $0xFFFFC000  }
0x40: {  	[tilespmem:s28], [sflag:$0x1] =	stream.indirect.gather [hbm4b:s4+s26], $0x80, s11, s26, $0xb8;
	[tilespmem:$0x1E000] =	vst v63  }
0x41: {  	s31 =	simm.s32 $0x280  }
0x42: {  	[tilespmem:s29], [sflag:$0x1] =	stream.indirect.gather [hbm4b:s4+s26], $0x80, s31, s26, $0xb8;
	[tilespmem:$0x1E000] =	vst v63  }
0x43: {  	_ =	swait.ge [sflag:s30], $0x4000  }
0x44: {  	[sflag:s30] =	ssyncset.done $0x0  }
0x45: {  	s7 =	simm.s32 $0x1200;
	[sflag:s30] =	ssyncadd.s32 $0xFFFFC000  }
0x46: {  	[spmem:s1] =	stream.indirect.scatter.add.f32 [tilespmem:s28], [sflag:$0x2], $0x80, s7, s26, $0xb8;
	[tilespmem:$0x1E000] =	vst v63  }
0x47: {  	_ =	swait.ge [sflag:s24], $0x4000  }
0x48: {  	[sflag:s24] =	ssyncset.done $0x0  }
0x49: {  	[sflag:s24] =	ssyncadd.s32 $0xFFFFC000  }
0x4a: {  	_ =	swait.ge [sflag:s30], $0x4000  }
0x4b: {  	[sflag:s30] =	ssyncset.done $0x0  }
0x4c: {  	s11 =	simm.s32 $0x1280;
	[sflag:s30] =	ssyncadd.s32 $0xFFFFC000  }
0x4d: {  	[spmem:s1] =	stream.indirect.scatter.add.f32 [tilespmem:s29], [sflag:$0x2], $0x80, s11, s26, $0xb8;
	[tilespmem:$0x1E000] =	vst v63  }
0x4e: {  	_ =	swait.ge [sflag:s24], $0x4000  }
0x4f: {  	[sflag:s24] =	ssyncset.done $0x0  }
0x50: {  	s31 =	simm.s32 $0x300;
	[sflag:s24] =	ssyncadd.s32 $0xFFFFC000  }
0x51: {  	[tilespmem:s28], [sflag:$0x1] =	stream.indirect.gather [hbm4b:s4+s26], $0x80, s31, s26, $0xb8;
	[tilespmem:$0x1E000] =	vst v63  }
0x52: {  	s7 =	simm.s32 $0x380  }
0x53: {  	[tilespmem:s29], [sflag:$0x1] =	stream.indirect.gather [hbm4b:s4+s26], $0x80, s7, s26, $0xb8;
	[tilespmem:$0x1E000] =	vst v63  }
0x54: {  	_ =	swait.ge [sflag:s30], $0x4000  }
0x55: {  	[sflag:s30] =	ssyncset.done $0x0  }
0x56: {  	s11 =	simm.s32 $0x1300;
	[sflag:s30] =	ssyncadd.s32 $0xFFFFC000  }
0x57: {  	[spmem:s1] =	stream.indirect.scatter.add.f32 [tilespmem:s28], [sflag:$0x2], $0x80, s11, s26, $0xb8;
	[tilespmem:$0x1E000] =	vst v63  }
0x58: {  	_ =	swait.ge [sflag:s24], $0x4000  }
0x59: {  	[sflag:s24] =	ssyncset.done $0x0  }
0x5a: {  	[sflag:s24] =	ssyncadd.s32 $0xFFFFC000  }
0x5b: {  	_ =	swait.ge [sflag:s30], $0x4000  }
0x5c: {  	[sflag:s30] =	ssyncset.done $0x0  }
0x5d: {  	s31 =	simm.s32 $0x1380;
	[sflag:s30] =	ssyncadd.s32 $0xFFFFC000  }
0x5e: {  	[spmem:s1] =	stream.indirect.scatter.add.f32 [tilespmem:s29], [sflag:$0x2], $0x80, s31, s26, $0xb8;
	[tilespmem:$0x1E000] =	vst v63  }
0x5f: {  	_ =	swait.ge [sflag:s24], $0x4000  }
0x60: {  	[sflag:s24] =	ssyncset.done $0x0  }
0x61: {  	s5 =	rddreg [dreg:$0x5];
	[sflag:s24] =	ssyncadd.s32 $0xFFFFC000  }
.LBB2_14:
0x62: {  	s0 =	sadd.s32 $0x1, s0  }
0x63: {  	p1 =	sne.s32 s0, s23  }
.Ltmp1:
0x64: {  	s5 =	sadd.s32 s5, s6;
	[bflag:$0x0] =	sbarrier.arrive $0xFFFF;
	(pc) =	sbr.rel @!p1 .LBB2_15-.Ltmp1, $4  }
0x65: {  	[hbm:s5], [sflag:s10] =	dma.local [spmem:s3], $0x2800  }
0x66: {  	_ =	swait.ge [sflag:s24], $0x2800  }
0x67: {  	[sflag:s24] =	ssyncset.done $0x0  }
0x68: {  	[sflag:s24] =	ssyncadd.s32 $0xFFFFD800  }
.LBB2_1:
0x69: {  	s3 =	sshrl.u32 s8, $0x3  }
0x6a: {  	[spmem:s3], [sflag:s10] =	dma.local [hbm:s9], $0x2800  }
.Ltmp2:
0x6b: {  	_ =	swait.ge [sflag:s24], $0x2800;
	(pc) =	sbr.rel @p0 .LBB2_13-.Ltmp2, $3  }
0x6c: {  	[sflag:s24] =	ssyncset.done $0x0  }
0x6d: {  	[sflag:s24] =	ssyncadd.s32 $0xFFFFD800  }
0x6e: {  	[bflag:$0x0] =	sbarrier.arrive $0xFFFF;
	_ =	sdelay $0x1  }
0x6f: {  	s5 =	simm.s32 $0x0  }
0x70: {  	[tilespmem:s5], [sflag:$0x2] =	stream.linear.gather [hbm4b:s13+s5], $0x1000, $0x38;
	[tilespmem:$0x1E000] =	vst v63  }
0x71: {  	_ =	swait.ge [sflag:s24], $0x1000  }
0x72: {  	[sflag:s24] =	ssyncset.done $0x0  }
0x73: {  	[sflag:s24] =	ssyncadd.s32 $0xFFFFF000  }
0x74: {  	[tilespmem:s25], [sflag:$0x2] =	stream.linear.gather [hbm4b:s14+s5], $0x1000, $0x38;
	[tilespmem:$0x1E000] =	vst v63  }
0x75: {  	_ =	swait.ge [sflag:s24], $0x1000  }
0x76: {  	[sflag:s24] =	ssyncset.done $0x0  }
0x77: {  	s7 =	simm.s32 $0x0;
	[sflag:s24] =	ssyncadd.s32 $0xFFFFF000  }
0x78: {  	[tilespmem:s28], [sflag:$0x1] =	stream.indirect.gather [hbm4b:s4+s26], $0x80, s7, s26, $0xb8;
	[tilespmem:$0x1E000] =	vst v63  }
0x79: {  	s11 =	simm.s32 $0x80  }
0x7a: {  	[tilespmem:s29], [sflag:$0x1] =	stream.indirect.gather [hbm4b:s4+s26], $0x80, s11, s26, $0xb8;
	[tilespmem:$0x1E000] =	vst v63  }
0x7b: {  	_ =	swait.ge [sflag:s30], $0x4000  }
0x7c: {  	[sflag:s30] =	ssyncset.done $0x0  }
0x7d: {  	s7 =	simm.s32 $0x1000;
	[sflag:s30] =	ssyncadd.s32 $0xFFFFC000  }
0x7e: {  	[spmem:s1] =	stream.indirect.scatter.add.f32 [tilespmem:s28], [sflag:$0x2], $0x80, s7, s26, $0xb8;
	[tilespmem:$0x1E000] =	vst v63  }
0x7f: {  	_ =	swait.ge [sflag:s24], $0x4000  }
0x80: {  	[sflag:s24] =	ssyncset.done $0x0  }
0x81: {  	[sflag:s24] =	ssyncadd.s32 $0xFFFFC000  }
0x82: {  	_ =	swait.ge [sflag:s30], $0x4000  }
0x83: {  	[sflag:s30] =	ssyncset.done $0x0  }
0x84: {  	s11 =	simm.s32 $0x1080;
	[sflag:s30] =	ssyncadd.s32 $0xFFFFC000  }
0x85: {  	[spmem:s1] =	stream.indirect.scatter.add.f32 [tilespmem:s29], [sflag:$0x2], $0x80, s11, s26, $0xb8;
	[tilespmem:$0x1E000] =	vst v63  }
0x86: {  	_ =	swait.ge [sflag:s24], $0x4000  }
0x87: {  	s31 =	simm.s32 $0x400;
	s5 =	simm.s32 $0x800;
	[sflag:s24] =	ssyncset.done $0x0  }
.LBB2_3:
0x88: {  	s7 =	sshra.s32 s31, $0x2  }
0x89: {  	[sflag:s24] =	ssyncadd.s32 $0xFFFFC000;
	s31 =	smov.u32 s5;
	s11 =	sadd.s32 $0x400, s5  }
0x8a: {  	[tilespmem:s28], [sflag:$0x1] =	stream.indirect.gather [hbm4b:s4+s26], $0x80, s7, s26, $0xb8;
	[tilespmem:$0x1E000] =	vst v63  }
0x8b: {  	p1 =	sne.s32 s5, $0x3C00;
	s5 =	sadd.s32 $0x80, s7  }
0x8c: {  	[tilespmem:s29], [sflag:$0x1] =	stream.indirect.gather [hbm4b:s4+s26], $0x80, s5, s26, $0xb8;
	[tilespmem:$0x1E000] =	vst v63  }
0x8d: {  	_ =	swait.ge [sflag:s30], $0x4000  }
0x8e: {  	[sflag:s30] =	ssyncset.done $0x0  }
0x8f: {  	s5 =	sadd.s32 $0x1000, s7;
	[sflag:s30] =	ssyncadd.s32 $0xFFFFC000  }
0x90: {  	[spmem:s1] =	stream.indirect.scatter.add.f32 [tilespmem:s28], [sflag:$0x2], $0x80, s5, s26, $0xb8;
	[tilespmem:$0x1E000] =	vst v63  }
0x91: {  	_ =	swait.ge [sflag:s24], $0x4000  }
0x92: {  	[sflag:s24] =	ssyncset.done $0x0  }
0x93: {  	[sflag:s24] =	ssyncadd.s32 $0xFFFFC000  }
0x94: {  	_ =	swait.ge [sflag:s30], $0x4000  }
.Ltmp3:
0x95: {  	[sflag:s30] =	ssyncset.done $0x0;
	(pc) =	sbr.rel @p1 .LBB2_3-.Ltmp3, $4  }
0x96: {  	s5 =	sadd.s32 $0x1080, s7;
	[sflag:s30] =	ssyncadd.s32 $0xFFFFC000  }
0x97: {  	[spmem:s1] =	stream.indirect.scatter.add.f32 [tilespmem:s29], [sflag:$0x2], $0x80, s5, s26, $0xb8;
	[tilespmem:$0x1E000] =	vst v63  }
0x98: {  	_ =	swait.ge [sflag:s24], $0x4000  }
0x99: {  	s5 =	smov.u32 s11;
	[sflag:s24] =	ssyncset.done $0x0  }
0x9a: {  	s5 =	sshra.s32 s31, $0x2;
	[sflag:s24] =	ssyncadd.s32 $0xFFFFC000  }
0x9b: {  	[tilespmem:s28], [sflag:$0x1] =	stream.indirect.gather [hbm4b:s4+s26], $0x80, s5, s26, $0xb8;
	[tilespmem:$0x1E000] =	vst v63  }
0x9c: {  	s7 =	sadd.s32 $0x80, s5  }
0x9d: {  	[tilespmem:s29], [sflag:$0x1] =	stream.indirect.gather [hbm4b:s4+s26], $0x80, s7, s26, $0xb8;
	[tilespmem:$0x1E000] =	vst v63  }
0x9e: {  	_ =	swait.ge [sflag:s30], $0x4000  }
0x9f: {  	[sflag:s30] =	ssyncset.done $0x0  }
0xa0: {  	s11 =	sadd.s32 $0x1000, s5;
	[sflag:s30] =	ssyncadd.s32 $0xFFFFC000  }
0xa1: {  	[spmem:s1] =	stream.indirect.scatter.add.f32 [tilespmem:s28], [sflag:$0x2], $0x80, s11, s26, $0xb8;
	[tilespmem:$0x1E000] =	vst v63  }
0xa2: {  	_ =	swait.ge [sflag:s24], $0x4000  }
0xa3: {  	[sflag:s24] =	ssyncset.done $0x0  }
0xa4: {  	[sflag:s24] =	ssyncadd.s32 $0xFFFFC000  }
0xa5: {  	_ =	swait.ge [sflag:s30], $0x4000  }
0xa6: {  	[sflag:s30] =	ssyncset.done $0x0  }
0xa7: {  	s5 =	sadd.s32 $0x1080, s5;
	[sflag:s30] =	ssyncadd.s32 $0xFFFFC000  }
0xa8: {  	[spmem:s1] =	stream.indirect.scatter.add.f32 [tilespmem:s29], [sflag:$0x2], $0x80, s5, s26, $0xb8;
	[tilespmem:$0x1E000] =	vst v63  }
0xa9: {  	_ =	swait.ge [sflag:s24], $0x4000  }
0xaa: {  	[sflag:s24] =	ssyncset.done $0x0  }
0xab: {  	s11 =	simm.s32 $0x0;
	[sflag:s24] =	ssyncadd.s32 $0xFFFFC000  }
0xac: {  	[tilespmem:s11], [sflag:$0x2] =	stream.linear.gather [hbm4b:s15+s11], $0x1000, $0x38;
	[tilespmem:$0x1E000] =	vst v63  }
0xad: {  	_ =	swait.ge [sflag:s24], $0x1000  }
0xae: {  	[sflag:s24] =	ssyncset.done $0x0  }
0xaf: {  	[sflag:s24] =	ssyncadd.s32 $0xFFFFF000  }
0xb0: {  	[tilespmem:s25], [sflag:$0x2] =	stream.linear.gather [hbm4b:s16+s11], $0x1000, $0x38;
	[tilespmem:$0x1E000] =	vst v63  }
0xb1: {  	_ =	swait.ge [sflag:s24], $0x1000  }
0xb2: {  	[sflag:s24] =	ssyncset.done $0x0  }
0xb3: {  	s7 =	simm.s32 $0x0;
	[sflag:s24] =	ssyncadd.s32 $0xFFFFF000  }
0xb4: {  	[tilespmem:s28], [sflag:$0x1] =	stream.indirect.gather [hbm4b:s4+s26], $0x80, s7, s26, $0xb8;
	[tilespmem:$0x1E000] =	vst v63  }
0xb5: {  	s11 =	simm.s32 $0x80  }
0xb6: {  	[tilespmem:s29], [sflag:$0x1] =	stream.indirect.gather [hbm4b:s4+s26], $0x80, s11, s26, $0xb8;
	[tilespmem:$0x1E000] =	vst v63  }
0xb7: {  	_ =	swait.ge [sflag:s30], $0x4000  }
0xb8: {  	[sflag:s30] =	ssyncset.done $0x0  }
0xb9: {  	s7 =	simm.s32 $0x1000;
	[sflag:s30] =	ssyncadd.s32 $0xFFFFC000  }
0xba: {  	[spmem:s1] =	stream.indirect.scatter.add.f32 [tilespmem:s28], [sflag:$0x2], $0x80, s7, s26, $0xb8;
	[tilespmem:$0x1E000] =	vst v63  }
0xbb: {  	_ =	swait.ge [sflag:s24], $0x4000  }
0xbc: {  	[sflag:s24] =	ssyncset.done $0x0  }
0xbd: {  	[sflag:s24] =	ssyncadd.s32 $0xFFFFC000  }
0xbe: {  	_ =	swait.ge [sflag:s30], $0x4000  }
0xbf: {  	[sflag:s30] =	ssyncset.done $0x0  }
0xc0: {  	s11 =	simm.s32 $0x1080;
	[sflag:s30] =	ssyncadd.s32 $0xFFFFC000  }
0xc1: {  	[spmem:s1] =	stream.indirect.scatter.add.f32 [tilespmem:s29], [sflag:$0x2], $0x80, s11, s26, $0xb8;
	[tilespmem:$0x1E000] =	vst v63  }
0xc2: {  	_ =	swait.ge [sflag:s24], $0x4000  }
0xc3: {  	s31 =	simm.s32 $0x400;
	s5 =	simm.s32 $0x800;
	[sflag:s24] =	ssyncset.done $0x0  }
.LBB2_5:
0xc4: {  	s7 =	sshra.s32 s31, $0x2  }
0xc5: {  	[sflag:s24] =	ssyncadd.s32 $0xFFFFC000;
	s31 =	smov.u32 s5;
	s11 =	sadd.s32 $0x400, s5  }
0xc6: {  	[tilespmem:s28], [sflag:$0x1] =	stream.indirect.gather [hbm4b:s4+s26], $0x80, s7, s26, $0xb8;
	[tilespmem:$0x1E000] =	vst v63  }
0xc7: {  	p1 =	sne.s32 s5, $0x3C00;
	s5 =	sadd.s32 $0x80, s7  }
0xc8: {  	[tilespmem:s29], [sflag:$0x1] =	stream.indirect.gather [hbm4b:s4+s26], $0x80, s5, s26, $0xb8;
	[tilespmem:$0x1E000] =	vst v63  }
0xc9: {  	_ =	swait.ge [sflag:s30], $0x4000  }
0xca: {  	[sflag:s30] =	ssyncset.done $0x0  }
0xcb: {  	s5 =	sadd.s32 $0x1000, s7;
	[sflag:s30] =	ssyncadd.s32 $0xFFFFC000  }
0xcc: {  	[spmem:s1] =	stream.indirect.scatter.add.f32 [tilespmem:s28], [sflag:$0x2], $0x80, s5, s26, $0xb8;
	[tilespmem:$0x1E000] =	vst v63  }
0xcd: {  	_ =	swait.ge [sflag:s24], $0x4000  }
0xce: {  	[sflag:s24] =	ssyncset.done $0x0  }
0xcf: {  	[sflag:s24] =	ssyncadd.s32 $0xFFFFC000  }
0xd0: {  	_ =	swait.ge [sflag:s30], $0x4000  }
.Ltmp4:
0xd1: {  	[sflag:s30] =	ssyncset.done $0x0;
	(pc) =	sbr.rel @p1 .LBB2_5-.Ltmp4, $4  }
0xd2: {  	s5 =	sadd.s32 $0x1080, s7;
	[sflag:s30] =	ssyncadd.s32 $0xFFFFC000  }
0xd3: {  	[spmem:s1] =	stream.indirect.scatter.add.f32 [tilespmem:s29], [sflag:$0x2], $0x80, s5, s26, $0xb8;
	[tilespmem:$0x1E000] =	vst v63  }
0xd4: {  	_ =	swait.ge [sflag:s24], $0x4000  }
0xd5: {  	s5 =	smov.u32 s11;
	[sflag:s24] =	ssyncset.done $0x0  }
0xd6: {  	s5 =	sshra.s32 s31, $0x2;
	[sflag:s24] =	ssyncadd.s32 $0xFFFFC000  }
0xd7: {  	[tilespmem:s28], [sflag:$0x1] =	stream.indirect.gather [hbm4b:s4+s26], $0x80, s5, s26, $0xb8;
	[tilespmem:$0x1E000] =	vst v63  }
0xd8: {  	s7 =	sadd.s32 $0x80, s5  }
0xd9: {  	[tilespmem:s29], [sflag:$0x1] =	stream.indirect.gather [hbm4b:s4+s26], $0x80, s7, s26, $0xb8;
	[tilespmem:$0x1E000] =	vst v63  }
0xda: {  	_ =	swait.ge [sflag:s30], $0x4000  }
0xdb: {  	[sflag:s30] =	ssyncset.done $0x0  }
0xdc: {  	s11 =	sadd.s32 $0x1000, s5;
	[sflag:s30] =	ssyncadd.s32 $0xFFFFC000  }
0xdd: {  	[spmem:s1] =	stream.indirect.scatter.add.f32 [tilespmem:s28], [sflag:$0x2], $0x80, s11, s26, $0xb8;
	[tilespmem:$0x1E000] =	vst v63  }
0xde: {  	_ =	swait.ge [sflag:s24], $0x4000  }
0xdf: {  	[sflag:s24] =	ssyncset.done $0x0  }
0xe0: {  	[sflag:s24] =	ssyncadd.s32 $0xFFFFC000  }
0xe1: {  	_ =	swait.ge [sflag:s30], $0x4000  }
0xe2: {  	[sflag:s30] =	ssyncset.done $0x0  }
0xe3: {  	s5 =	sadd.s32 $0x1080, s5;
	[sflag:s30] =	ssyncadd.s32 $0xFFFFC000  }
0xe4: {  	[spmem:s1] =	stream.indirect.scatter.add.f32 [tilespmem:s29], [sflag:$0x2], $0x80, s5, s26, $0xb8;
	[tilespmem:$0x1E000] =	vst v63  }
0xe5: {  	_ =	swait.ge [sflag:s24], $0x4000  }
0xe6: {  	[sflag:s24] =	ssyncset.done $0x0  }
0xe7: {  	s11 =	simm.s32 $0x0;
	[sflag:s24] =	ssyncadd.s32 $0xFFFFC000  }
0xe8: {  	[tilespmem:s11], [sflag:$0x2] =	stream.linear.gather [hbm4b:s17+s11], $0x1000, $0x38;
	[tilespmem:$0x1E000] =	vst v63  }
0xe9: {  	_ =	swait.ge [sflag:s24], $0x1000  }
0xea: {  	[sflag:s24] =	ssyncset.done $0x0  }
0xeb: {  	[sflag:s24] =	ssyncadd.s32 $0xFFFFF000  }
0xec: {  	[tilespmem:s25], [sflag:$0x2] =	stream.linear.gather [hbm4b:s18+s11], $0x1000, $0x38;
	[tilespmem:$0x1E000] =	vst v63  }
0xed: {  	_ =	swait.ge [sflag:s24], $0x1000  }
0xee: {  	[sflag:s24] =	ssyncset.done $0x0  }
0xef: {  	s7 =	simm.s32 $0x0;
	[sflag:s24] =	ssyncadd.s32 $0xFFFFF000  }
0xf0: {  	[tilespmem:s28], [sflag:$0x1] =	stream.indirect.gather [hbm4b:s4+s26], $0x80, s7, s26, $0xb8;
	[tilespmem:$0x1E000] =	vst v63  }
0xf1: {  	s11 =	simm.s32 $0x80  }
0xf2: {  	[tilespmem:s29], [sflag:$0x1] =	stream.indirect.gather [hbm4b:s4+s26], $0x80, s11, s26, $0xb8;
	[tilespmem:$0x1E000] =	vst v63  }
0xf3: {  	_ =	swait.ge [sflag:s30], $0x4000  }
0xf4: {  	[sflag:s30] =	ssyncset.done $0x0  }
0xf5: {  	s7 =	simm.s32 $0x1000;
	[sflag:s30] =	ssyncadd.s32 $0xFFFFC000  }
0xf6: {  	[spmem:s1] =	stream.indirect.scatter.add.f32 [tilespmem:s28], [sflag:$0x2], $0x80, s7, s26, $0xb8;
	[tilespmem:$0x1E000] =	vst v63  }
0xf7: {  	_ =	swait.ge [sflag:s24], $0x4000  }
0xf8: {  	[sflag:s24] =	ssyncset.done $0x0  }
0xf9: {  	[sflag:s24] =	ssyncadd.s32 $0xFFFFC000  }
0xfa: {  	_ =	swait.ge [sflag:s30], $0x4000  }
0xfb: {  	[sflag:s30] =	ssyncset.done $0x0  }
0xfc: {  	s11 =	simm.s32 $0x1080;
	[sflag:s30] =	ssyncadd.s32 $0xFFFFC000  }
0xfd: {  	[spmem:s1] =	stream.indirect.scatter.add.f32 [tilespmem:s29], [sflag:$0x2], $0x80, s11, s26, $0xb8;
	[tilespmem:$0x1E000] =	vst v63  }
0xfe: {  	_ =	swait.ge [sflag:s24], $0x4000  }
0xff: {  	s31 =	simm.s32 $0x400;
	s5 =	simm.s32 $0x800;
	[sflag:s24] =	ssyncset.done $0x0  }
.LBB2_7:
0x100: {  	s7 =	sshra.s32 s31, $0x2  }
0x101: {  	[sflag:s24] =	ssyncadd.s32 $0xFFFFC000;
	s31 =	smov.u32 s5;
	s11 =	sadd.s32 $0x400, s5  }
0x102: {  	[tilespmem:s28], [sflag:$0x1] =	stream.indirect.gather [hbm4b:s4+s26], $0x80, s7, s26, $0xb8;
	[tilespmem:$0x1E000] =	vst v63  }
0x103: {  	p1 =	sne.s32 s5, $0x3C00;
	s5 =	sadd.s32 $0x80, s7  }
0x104: {  	[tilespmem:s29], [sflag:$0x1] =	stream.indirect.gather [hbm4b:s4+s26], $0x80, s5, s26, $0xb8;
	[tilespmem:$0x1E000] =	vst v63  }
0x105: {  	_ =	swait.ge [sflag:s30], $0x4000  }
0x106: {  	[sflag:s30] =	ssyncset.done $0x0  }
0x107: {  	s5 =	sadd.s32 $0x1000, s7;
	[sflag:s30] =	ssyncadd.s32 $0xFFFFC000  }
0x108: {  	[spmem:s1] =	stream.indirect.scatter.add.f32 [tilespmem:s28], [sflag:$0x2], $0x80, s5, s26, $0xb8;
	[tilespmem:$0x1E000] =	vst v63  }
0x109: {  	_ =	swait.ge [sflag:s24], $0x4000  }
0x10a: {  	[sflag:s24] =	ssyncset.done $0x0  }
0x10b: {  	[sflag:s24] =	ssyncadd.s32 $0xFFFFC000  }
0x10c: {  	_ =	swait.ge [sflag:s30], $0x4000  }
.Ltmp5:
0x10d: {  	[sflag:s30] =	ssyncset.done $0x0;
	(pc) =	sbr.rel @p1 .LBB2_7-.Ltmp5, $4  }
0x10e: {  	s5 =	sadd.s32 $0x1080, s7;
	[sflag:s30] =	ssyncadd.s32 $0xFFFFC000  }
0x10f: {  	[spmem:s1] =	stream.indirect.scatter.add.f32 [tilespmem:s29], [sflag:$0x2], $0x80, s5, s26, $0xb8;
	[tilespmem:$0x1E000] =	vst v63  }
0x110: {  	_ =	swait.ge [sflag:s24], $0x4000  }
0x111: {  	s5 =	smov.u32 s11;
	[sflag:s24] =	ssyncset.done $0x0  }
0x112: {  	s5 =	sshra.s32 s31, $0x2;
	[sflag:s24] =	ssyncadd.s32 $0xFFFFC000  }
0x113: {  	[tilespmem:s28], [sflag:$0x1] =	stream.indirect.gather [hbm4b:s4+s26], $0x80, s5, s26, $0xb8;
	[tilespmem:$0x1E000] =	vst v63  }
0x114: {  	s7 =	sadd.s32 $0x80, s5  }
0x115: {  	[tilespmem:s29], [sflag:$0x1] =	stream.indirect.gather [hbm4b:s4+s26], $0x80, s7, s26, $0xb8;
	[tilespmem:$0x1E000] =	vst v63  }
0x116: {  	_ =	swait.ge [sflag:s30], $0x4000  }
0x117: {  	[sflag:s30] =	ssyncset.done $0x0  }
0x118: {  	s11 =	sadd.s32 $0x1000, s5;
	[sflag:s30] =	ssyncadd.s32 $0xFFFFC000  }
0x119: {  	[spmem:s1] =	stream.indirect.scatter.add.f32 [tilespmem:s28], [sflag:$0x2], $0x80, s11, s26, $0xb8;
	[tilespmem:$0x1E000] =	vst v63  }
0x11a: {  	_ =	swait.ge [sflag:s24], $0x4000  }
0x11b: {  	[sflag:s24] =	ssyncset.done $0x0  }
0x11c: {  	[sflag:s24] =	ssyncadd.s32 $0xFFFFC000  }
0x11d: {  	_ =	swait.ge [sflag:s30], $0x4000  }
0x11e: {  	[sflag:s30] =	ssyncset.done $0x0  }
0x11f: {  	s5 =	sadd.s32 $0x1080, s5;
	[sflag:s30] =	ssyncadd.s32 $0xFFFFC000  }
0x120: {  	[spmem:s1] =	stream.indirect.scatter.add.f32 [tilespmem:s29], [sflag:$0x2], $0x80, s5, s26, $0xb8;
	[tilespmem:$0x1E000] =	vst v63  }
0x121: {  	_ =	swait.ge [sflag:s24], $0x4000  }
0x122: {  	[sflag:s24] =	ssyncset.done $0x0  }
0x123: {  	s11 =	simm.s32 $0x0;
	[sflag:s24] =	ssyncadd.s32 $0xFFFFC000  }
0x124: {  	[tilespmem:s11], [sflag:$0x2] =	stream.linear.gather [hbm4b:s19+s11], $0x1000, $0x38;
	[tilespmem:$0x1E000] =	vst v63  }
0x125: {  	_ =	swait.ge [sflag:s24], $0x1000  }
0x126: {  	[sflag:s24] =	ssyncset.done $0x0  }
0x127: {  	[sflag:s24] =	ssyncadd.s32 $0xFFFFF000  }
0x128: {  	[tilespmem:s25], [sflag:$0x2] =	stream.linear.gather [hbm4b:s20+s11], $0x1000, $0x38;
	[tilespmem:$0x1E000] =	vst v63  }
0x129: {  	_ =	swait.ge [sflag:s24], $0x1000  }
0x12a: {  	[sflag:s24] =	ssyncset.done $0x0  }
0x12b: {  	s7 =	simm.s32 $0x0;
	[sflag:s24] =	ssyncadd.s32 $0xFFFFF000  }
0x12c: {  	[tilespmem:s28], [sflag:$0x1] =	stream.indirect.gather [hbm4b:s4+s26], $0x80, s7, s26, $0xb8;
	[tilespmem:$0x1E000] =	vst v63  }
0x12d: {  	s11 =	simm.s32 $0x80  }
0x12e: {  	[tilespmem:s29], [sflag:$0x1] =	stream.indirect.gather [hbm4b:s4+s26], $0x80, s11, s26, $0xb8;
	[tilespmem:$0x1E000] =	vst v63  }
0x12f: {  	_ =	swait.ge [sflag:s30], $0x4000  }
0x130: {  	[sflag:s30] =	ssyncset.done $0x0  }
0x131: {  	s7 =	simm.s32 $0x1000;
	[sflag:s30] =	ssyncadd.s32 $0xFFFFC000  }
0x132: {  	[spmem:s1] =	stream.indirect.scatter.add.f32 [tilespmem:s28], [sflag:$0x2], $0x80, s7, s26, $0xb8;
	[tilespmem:$0x1E000] =	vst v63  }
0x133: {  	_ =	swait.ge [sflag:s24], $0x4000  }
0x134: {  	[sflag:s24] =	ssyncset.done $0x0  }
0x135: {  	[sflag:s24] =	ssyncadd.s32 $0xFFFFC000  }
0x136: {  	_ =	swait.ge [sflag:s30], $0x4000  }
0x137: {  	[sflag:s30] =	ssyncset.done $0x0  }
0x138: {  	s11 =	simm.s32 $0x1080;
	[sflag:s30] =	ssyncadd.s32 $0xFFFFC000  }
0x139: {  	[spmem:s1] =	stream.indirect.scatter.add.f32 [tilespmem:s29], [sflag:$0x2], $0x80, s11, s26, $0xb8;
	[tilespmem:$0x1E000] =	vst v63  }
0x13a: {  	_ =	swait.ge [sflag:s24], $0x4000  }
0x13b: {  	s31 =	simm.s32 $0x400;
	s5 =	simm.s32 $0x800;
	[sflag:s24] =	ssyncset.done $0x0  }
.LBB2_9:
0x13c: {  	s7 =	sshra.s32 s31, $0x2  }
0x13d: {  	[sflag:s24] =	ssyncadd.s32 $0xFFFFC000;
	s31 =	smov.u32 s5;
	s11 =	sadd.s32 $0x400, s5  }
0x13e: {  	[tilespmem:s28], [sflag:$0x1] =	stream.indirect.gather [hbm4b:s4+s26], $0x80, s7, s26, $0xb8;
	[tilespmem:$0x1E000] =	vst v63  }
0x13f: {  	p1 =	sne.s32 s5, $0x3C00;
	s5 =	sadd.s32 $0x80, s7  }
0x140: {  	[tilespmem:s29], [sflag:$0x1] =	stream.indirect.gather [hbm4b:s4+s26], $0x80, s5, s26, $0xb8;
	[tilespmem:$0x1E000] =	vst v63  }
0x141: {  	_ =	swait.ge [sflag:s30], $0x4000  }
0x142: {  	[sflag:s30] =	ssyncset.done $0x0  }
0x143: {  	s5 =	sadd.s32 $0x1000, s7;
	[sflag:s30] =	ssyncadd.s32 $0xFFFFC000  }
0x144: {  	[spmem:s1] =	stream.indirect.scatter.add.f32 [tilespmem:s28], [sflag:$0x2], $0x80, s5, s26, $0xb8;
	[tilespmem:$0x1E000] =	vst v63  }
0x145: {  	_ =	swait.ge [sflag:s24], $0x4000  }
0x146: {  	[sflag:s24] =	ssyncset.done $0x0  }
0x147: {  	[sflag:s24] =	ssyncadd.s32 $0xFFFFC000  }
0x148: {  	_ =	swait.ge [sflag:s30], $0x4000  }
.Ltmp6:
0x149: {  	[sflag:s30] =	ssyncset.done $0x0;
	(pc) =	sbr.rel @p1 .LBB2_9-.Ltmp6, $4  }
0x14a: {  	s5 =	sadd.s32 $0x1080, s7;
	[sflag:s30] =	ssyncadd.s32 $0xFFFFC000  }
0x14b: {  	[spmem:s1] =	stream.indirect.scatter.add.f32 [tilespmem:s29], [sflag:$0x2], $0x80, s5, s26, $0xb8;
	[tilespmem:$0x1E000] =	vst v63  }
0x14c: {  	_ =	swait.ge [sflag:s24], $0x4000  }
0x14d: {  	s5 =	smov.u32 s11;
	[sflag:s24] =	ssyncset.done $0x0  }
0x14e: {  	s5 =	sshra.s32 s31, $0x2;
	[sflag:s24] =	ssyncadd.s32 $0xFFFFC000  }
0x14f: {  	[tilespmem:s28], [sflag:$0x1] =	stream.indirect.gather [hbm4b:s4+s26], $0x80, s5, s26, $0xb8;
	[tilespmem:$0x1E000] =	vst v63  }
0x150: {  	s7 =	sadd.s32 $0x80, s5  }
0x151: {  	[tilespmem:s29], [sflag:$0x1] =	stream.indirect.gather [hbm4b:s4+s26], $0x80, s7, s26, $0xb8;
	[tilespmem:$0x1E000] =	vst v63  }
0x152: {  	_ =	swait.ge [sflag:s30], $0x4000  }
0x153: {  	[sflag:s30] =	ssyncset.done $0x0  }
0x154: {  	s11 =	sadd.s32 $0x1000, s5;
	[sflag:s30] =	ssyncadd.s32 $0xFFFFC000  }
0x155: {  	[spmem:s1] =	stream.indirect.scatter.add.f32 [tilespmem:s28], [sflag:$0x2], $0x80, s11, s26, $0xb8;
	[tilespmem:$0x1E000] =	vst v63  }
0x156: {  	_ =	swait.ge [sflag:s24], $0x4000  }
0x157: {  	[sflag:s24] =	ssyncset.done $0x0  }
0x158: {  	[sflag:s24] =	ssyncadd.s32 $0xFFFFC000  }
0x159: {  	_ =	swait.ge [sflag:s30], $0x4000  }
0x15a: {  	[sflag:s30] =	ssyncset.done $0x0  }
0x15b: {  	s5 =	sadd.s32 $0x1080, s5;
	[sflag:s30] =	ssyncadd.s32 $0xFFFFC000  }
0x15c: {  	[spmem:s1] =	stream.indirect.scatter.add.f32 [tilespmem:s29], [sflag:$0x2], $0x80, s5, s26, $0xb8;
	[tilespmem:$0x1E000] =	vst v63  }
0x15d: {  	_ =	swait.ge [sflag:s24], $0x4000  }
0x15e: {  	[sflag:s24] =	ssyncset.done $0x0  }
0x15f: {  	s11 =	simm.s32 $0x0;
	[sflag:s24] =	ssyncadd.s32 $0xFFFFC000  }
0x160: {  	[tilespmem:s11], [sflag:$0x2] =	stream.linear.gather [hbm4b:s21+s11], $0xC00, $0x38;
	[tilespmem:$0x1E000] =	vst v63  }
0x161: {  	_ =	swait.ge [sflag:s24], $0xC00  }
0x162: {  	[sflag:s24] =	ssyncset.done $0x0  }
0x163: {  	[sflag:s24] =	ssyncadd.s32 $0xFFFFF400  }
0x164: {  	[tilespmem:s25], [sflag:$0x2] =	stream.linear.gather [hbm4b:s22+s11], $0xC00, $0x38;
	[tilespmem:$0x1E000] =	vst v63  }
0x165: {  	_ =	swait.ge [sflag:s24], $0xC00  }
0x166: {  	[sflag:s24] =	ssyncset.done $0x0  }
0x167: {  	s7 =	simm.s32 $0x0;
	[sflag:s24] =	ssyncadd.s32 $0xFFFFF400  }
0x168: {  	[tilespmem:s28], [sflag:$0x1] =	stream.indirect.gather [hbm4b:s4+s26], $0x80, s7, s26, $0xb8;
	[tilespmem:$0x1E000] =	vst v63  }
0x169: {  	s11 =	simm.s32 $0x80  }
0x16a: {  	[tilespmem:s29], [sflag:$0x1] =	stream.indirect.gather [hbm4b:s4+s26], $0x80, s11, s26, $0xb8;
	[tilespmem:$0x1E000] =	vst v63  }
0x16b: {  	_ =	swait.ge [sflag:s30], $0x4000  }
0x16c: {  	[sflag:s30] =	ssyncset.done $0x0  }
0x16d: {  	s7 =	simm.s32 $0x1000;
	[sflag:s30] =	ssyncadd.s32 $0xFFFFC000  }
0x16e: {  	[spmem:s1] =	stream.indirect.scatter.add.f32 [tilespmem:s28], [sflag:$0x2], $0x80, s7, s26, $0xb8;
	[tilespmem:$0x1E000] =	vst v63  }
0x16f: {  	_ =	swait.ge [sflag:s24], $0x4000  }
0x170: {  	[sflag:s24] =	ssyncset.done $0x0  }
0x171: {  	[sflag:s24] =	ssyncadd.s32 $0xFFFFC000  }
0x172: {  	_ =	swait.ge [sflag:s30], $0x4000  }
0x173: {  	[sflag:s30] =	ssyncset.done $0x0  }
0x174: {  	s11 =	simm.s32 $0x1080;
	[sflag:s30] =	ssyncadd.s32 $0xFFFFC000  }
0x175: {  	[spmem:s1] =	stream.indirect.scatter.add.f32 [tilespmem:s29], [sflag:$0x2], $0x80, s11, s26, $0xb8;
	[tilespmem:$0x1E000] =	vst v63  }
0x176: {  	_ =	swait.ge [sflag:s24], $0x4000  }
0x177: {  	s31 =	simm.s32 $0x400;
	s5 =	simm.s32 $0x800;
	[sflag:s24] =	ssyncset.done $0x0  }
.LBB2_11:
0x178: {  	s7 =	sshra.s32 s31, $0x2  }
0x179: {  	[sflag:s24] =	ssyncadd.s32 $0xFFFFC000;
	s31 =	smov.u32 s5;
	s11 =	sadd.s32 $0x400, s5  }
0x17a: {  	[tilespmem:s28], [sflag:$0x1] =	stream.indirect.gather [hbm4b:s4+s26], $0x80, s7, s26, $0xb8;
	[tilespmem:$0x1E000] =	vst v63  }
0x17b: {  	p1 =	seq.s32 s5, $0x2C00;
	s5 =	sadd.s32 $0x80, s7  }
0x17c: {  	[tilespmem:s29], [sflag:$0x1] =	stream.indirect.gather [hbm4b:s4+s26], $0x80, s5, s26, $0xb8;
	[tilespmem:$0x1E000] =	vst v63  }
0x17d: {  	_ =	swait.ge [sflag:s30], $0x4000  }
0x17e: {  	[sflag:s30] =	ssyncset.done $0x0  }
0x17f: {  	s5 =	sadd.s32 $0x1000, s7;
	[sflag:s30] =	ssyncadd.s32 $0xFFFFC000  }
0x180: {  	[spmem:s1] =	stream.indirect.scatter.add.f32 [tilespmem:s28], [sflag:$0x2], $0x80, s5, s26, $0xb8;
	[tilespmem:$0x1E000] =	vst v63  }
0x181: {  	_ =	swait.ge [sflag:s24], $0x4000  }
0x182: {  	[sflag:s24] =	ssyncset.done $0x0  }
0x183: {  	[sflag:s24] =	ssyncadd.s32 $0xFFFFC000  }
0x184: {  	_ =	swait.ge [sflag:s30], $0x4000  }
.Ltmp7:
0x185: {  	[sflag:s30] =	ssyncset.done $0x0;
	(pc) =	sbr.rel @!p1 .LBB2_11-.Ltmp7, $4  }
0x186: {  	s5 =	sadd.s32 $0x1080, s7;
	[sflag:s30] =	ssyncadd.s32 $0xFFFFC000  }
0x187: {  	[spmem:s1] =	stream.indirect.scatter.add.f32 [tilespmem:s29], [sflag:$0x2], $0x80, s5, s26, $0xb8;
	[tilespmem:$0x1E000] =	vst v63  }
0x188: {  	_ =	swait.ge [sflag:s24], $0x4000  }
0x189: {  	s5 =	smov.u32 s11;
	[sflag:s24] =	ssyncset.done $0x0  }
0x18a: {  	s5 =	sshra.s32 s31, $0x2;
	[sflag:s24] =	ssyncadd.s32 $0xFFFFC000  }
0x18b: {  	[tilespmem:s28], [sflag:$0x1] =	stream.indirect.gather [hbm4b:s4+s26], $0x80, s5, s26, $0xb8;
	[tilespmem:$0x1E000] =	vst v63  }
0x18c: {  	s7 =	sadd.s32 $0x80, s5  }
0x18d: {  	[tilespmem:s29], [sflag:$0x1] =	stream.indirect.gather [hbm4b:s4+s26], $0x80, s7, s26, $0xb8;
	[tilespmem:$0x1E000] =	vst v63  }
0x18e: {  	_ =	swait.ge [sflag:s30], $0x4000  }
0x18f: {  	[sflag:s30] =	ssyncset.done $0x0  }
0x190: {  	s31 =	sadd.s32 $0x1000, s5;
	[sflag:s30] =	ssyncadd.s32 $0xFFFFC000  }
0x191: {  	[spmem:s1] =	stream.indirect.scatter.add.f32 [tilespmem:s28], [sflag:$0x2], $0x80, s31, s26, $0xb8;
	[tilespmem:$0x1E000] =	vst v63  }
0x192: {  	_ =	swait.ge [sflag:s24], $0x4000  }
0x193: {  	[sflag:s24] =	ssyncset.done $0x0  }
0x194: {  	[sflag:s24] =	ssyncadd.s32 $0xFFFFC000  }
0x195: {  	_ =	swait.ge [sflag:s30], $0x4000  }
0x196: {  	[sflag:s30] =	ssyncset.done $0x0  }
.Ltmp8:
0x197: {  	s5 =	sadd.s32 $0x1080, s5;
	[sflag:s30] =	ssyncadd.s32 $0xFFFFC000;
	(pc) =	sbr.rel .LBB2_14-.Ltmp8, $4  }
0x198: {  	[spmem:s1] =	stream.indirect.scatter.add.f32 [tilespmem:s29], [sflag:$0x2], $0x80, s5, s26, $0xb8;
	[tilespmem:$0x1E000] =	vst v63  }
0x199: {  	_ =	swait.ge [sflag:s24], $0x4000  }
0x19a: {  	[sflag:s24] =	ssyncset.done $0x0  }
0x19b: {  	s5 =	rddreg [dreg:$0x4];
	[sflag:s24] =	ssyncadd.s32 $0xFFFFC000  }
.LBB2_15:
0x19c: {  	_ =	sfence.sel $0x180000  }
0x19d: {  	[bflag:$0x0] =	sbarrier.arrive $0xFFFF  }
0x19e: {  	_ =	strace $0x9000004D  }
0x19f: {  	s0 =	stileid.u32;
	[bflag:$0x2] =	sbarrier.arrive $0xFFFF  }
0x1a0: {  	p0 =	sne.s32 s0, $0x0;
	s0 =	rddreg [dreg:$0x3]  }
0x1a1: {  	s0 =	sadd.s32 @!p0 $0x100000, s0  }
0x1a2: {  	[sflag:s0] =	ssyncadd.tile.s32 @!p0 $0x1;
	_ =	shalt  }
.Lfunc_end2:
_tile_overlayer_lowered:
.L_overlay_start_2:
0x1a3: {  	(tag) =	ssettag $0x2  }
0x1a4: {  	s0 =	rddreg [dreg:$0x0];
	s2 =	stileid.u32  }
0x1a5: {  	s1 =	rddreg [dreg:$0x1];
	p0 =	sne.s32 s2, $0x0  }
0x1a6: {  	s3 =	rddreg [dreg:$0x2];
	[bflag:$0x3] =	sbarrier.arrive $0xFFFF;
	s2 =	simm.s32 @!p0 $0x1C02  }
0x1a7: {  	[timem:s3], [sflag:s2] =	dma.local @!p0 [hbm:s0], s1  }
0x1a8: {  	s0 =	simm.s32 @!p0 $0x2  }
0x1a9: {  	_ =	swait.ge @!p0 [sflag:s0], s1  }
0x1aa: {  	s1 =	ssub.s32 @!p0 $0x0, s1;
	[sflag:s0] =	ssyncset.done @!p0 $0x0  }
0x1ab: {  	[sflag:s0] =	ssyncadd.s32 @!p0 s1  }
0x1ac: {  	[bflag:$0x3] =	sbarrier.arrive $0xFFFF  }
0x1ad: {  	_ =	shalt  }

// kernel: kernel.18.cloned.1.call-start
scs
__scs_entry_jumppad:
0x0: {  	(pc) =	sbr.rel $0x88, $3  }
0x1: {  	(tag) =	ssettag $0x0;
	lr =	simm.s32 $0x1  }
0x2: {  	[smem:$0x3F9B] =	sst lr;
	_ =	strace $0xD0000000  }
0x3: {  	_ = 	snop  }
0x4: {  	_ = 	snop  }
0x5: {  	_ = 	snop  }
0x6: {  	_ = 	snop  }
0x7: {  	_ = 	snop  }
__scs_overlays_trampoline_lowered:
0x8: {  	[smem:$0x3FAA] =	sst s0  }
0x9: {  	[smem:$0x3FAB] =	sst s1  }
0xa: {  	[smem:$0x3FAC] =	sst s2  }
0xb: {  	[smem:$0x3FAD] =	sst s3  }
0xc: {  	[smem:$0x3FAE] =	sst s4  }
0xd: {  	[smem:$0x3FAF] =	sst s5  }
0xe: {  	[smem:$0x3FB0] =	sst s6  }
0xf: {  	[smem:$0x3FB1] =	sst s7  }
0x10: {  	[smem:$0x3FB2] =	sst s8  }
0x11: {  	[smem:$0x3FB3] =	sst s9;
	s0 =	simm.s32 @!p0 $0x0  }
0x12: {  	s1 =	sld [smem:$0x3F99];
	s0 =	simm.s32 @p0 $0x1  }
0x13: {  	[smem:$0x3FB4] =	sst s0;
	s0 =	simm.s32 @!p1 $0x0  }
0x14: {  	s2 =	sld [smem:$0x3F98];
	s0 =	simm.s32 @p1 $0x1  }
0x15: {  	[smem:$0x3FB5] =	sst s0;
	s0 =	simm.s32 @!p2 $0x0  }
0x16: {  	s3 =	sld [smem:$0x3FDB];
	s0 =	simm.s32 @p2 $0x1  }
0x17: {  	s4 =	simm.s32 $0x1BF5;
	[smem:$0x3FB7] =	sst s0  }
0x18: {  	s0 =	sld [smem:$0x3F9A];
	_ =	swait.ge [sflag:s4], $0x0  }
0x19: {  	s7 =	sld [smem:$0x3F9B]  }
0x1a: {  	s8 =	sadd.s32 $0xFFFFE003, lr  }
0x1b: {  	s9 =	sadd.s32 $0xFFFFFEF7, lr;
	s5 =	simm.s32 $0xFFFFFFFF;
	p2 =	slt.u32 s8, $0xFFFFF086  }
0x1c: {  	p1 =	slt.u32 s9, $0xF7A;
	s5 =	simm.s32 @!p2 $0x0  }
0x1d: {  	s5 =	simm.s32 @p1 $0x1;
	p0 =	seq.s32 s7, s2  }
0x1e: {  	s7 =	smul.u32 @!p0 $0xF7A, s2;
	p2 =	seq.s32 @!p0 s5, $0x0  }
0x1f: {  	s9 =	smul.u32 $0xF7A, s1;
	s8 =	simm.s32 @!p0 $0x1BF5;
	p2 =	por !p2, p0  }
0x20: {  	[sflag:s8] =	ssyncset.s32 @!p0 $0xFFFFF086;
	s6 =	sadd.s32 @!p0 s3, s7;
	s7 =	simm.s32 @!p0 $0x108  }
0x21: {  	s3 =	sadd.s32 s3, s9;
	s6 =	sadd.s32 @!p0 $0x88, s6;
	s7 =	simm.s32 @p2 $0x1082  }
0x22: {  	[simem:s7], [sflag:s8] =	dma.local @!p0 [hbm:s6], $0xF7A  }
0x23: {  	s9 =	sor.u32 $0xD0000000, s2;
	s6 =	simm.s32 $0x108;
	_ =	swait.ge @!p0 [sflag:s8], $0x0  }
0x24: {  	s3 =	sadd.s32 $0x88, s3;
	s6 =	simm.s32 @!p1 $0x1082;
	[sflag:s4] =	ssyncset.s32 $0xFFFFF086  }
0x25: {  	[simem:s6], [sflag:s4] =	dma.local [hbm:s3], $0xF7A  }
0x26: {  	[smem:$0x3F9B] =	sst s1;
	(tag) =	ssettag s2;
	_ =	strace s9  }
0x27: {  	s1 =	sld [smem:$0x3FAB]  }
0x28: {  	s2 =	sld [smem:$0x3FAC]  }
0x29: {  	s4 =	sld [smem:$0x3FAE]  }
0x2a: {  	p0 =	seq.s32 s5, $0x0;
	s5 =	sld [smem:$0x3FAF]  }
0x2b: {  	s6 =	sld [smem:$0x3FB0]  }
0x2c: {  	s7 =	sld [smem:$0x3FB1]  }
0x2d: {  	s3 =	simm.s32 $0x108;
	s8 =	sld [smem:$0x3FB2]  }
0x2e: {  	s3 =	simm.s32 @!p0 $0x1082;
	s9 =	sld [smem:$0x3FB3]  }
0x2f: {  	lr =	sadd.s32 s0, s3;
	s0 =	sld [smem:$0x3FAA]  }
0x30: {  	s3 =	sld [smem:$0x3FAD]  }
0x31: {  	[smem:$0x3FB6] =	sst s10  }
0x32: {  	s10 =	sld [smem:$0x3FB4];
	_ =	sdelay $0x3  }
0x33: {  	p0 =	seq.s32 s10, $0x1;
	s10 =	sld [smem:$0x3FB6];
	_ =	sdelay $0x3  }
0x34: {  	[smem:$0x3FB6] =	sst s10  }
0x35: {  	s10 =	sld [smem:$0x3FB5];
	_ =	sdelay $0x3  }
0x36: {  	p1 =	seq.s32 s10, $0x1;
	s10 =	sld [smem:$0x3FB6];
	_ =	sdelay $0x3  }
0x37: {  	[smem:$0x3FB6] =	sst s10  }
0x38: {  	s10 =	sld [smem:$0x3FB7]  }
0x39: {  	_ = 	snop;
	(pc) =	sbr.ind lr, $3  }
0x3a: {  	_ = 	snop  }
0x3b: {  	_ = 	snop  }
0x3c: {  	p2 =	seq.s32 s10, $0x1;
	s10 =	sld [smem:$0x3FB6]  }
0x3d: {  	_ =	shalt  }
0x3e: {  	_ =	shalt  }
0x3f: {  	_ =	shalt  }
0x40: {  	_ =	shalt  }
0x41: {  	_ =	shalt  }
0x42: {  	_ =	shalt  }
0x43: {  	_ =	shalt  }
0x44: {  	_ =	shalt  }
0x45: {  	_ =	shalt  }
0x46: {  	_ =	shalt  }
0x47: {  	_ =	shalt  }
0x48: {  	_ =	shalt  }
0x49: {  	_ =	shalt  }
0x4a: {  	_ =	shalt  }
0x4b: {  	_ =	shalt  }
0x4c: {  	_ =	shalt  }
0x4d: {  	_ =	shalt  }
0x4e: {  	_ =	shalt  }
0x4f: {  	_ =	shalt  }
0x50: {  	_ =	shalt  }
0x51: {  	_ =	shalt  }
0x52: {  	_ =	shalt  }
0x53: {  	_ =	shalt  }
0x54: {  	_ =	shalt  }
0x55: {  	_ =	shalt  }
0x56: {  	_ =	shalt  }
0x57: {  	_ =	shalt  }
0x58: {  	_ =	shalt  }
0x59: {  	_ =	shalt  }
0x5a: {  	_ =	shalt  }
0x5b: {  	_ =	shalt  }
0x5c: {  	_ =	shalt  }
0x5d: {  	_ =	shalt  }
0x5e: {  	_ =	shalt  }
0x5f: {  	_ =	shalt  }
0x60: {  	_ =	shalt  }
0x61: {  	_ =	shalt  }
0x62: {  	_ =	shalt  }
0x63: {  	_ =	shalt  }
0x64: {  	_ =	shalt  }
0x65: {  	_ =	shalt  }
0x66: {  	_ =	shalt  }
0x67: {  	_ =	shalt  }
0x68: {  	_ =	shalt  }
0x69: {  	_ =	shalt  }
0x6a: {  	_ =	shalt  }
0x6b: {  	_ =	shalt  }
0x6c: {  	_ =	shalt  }
0x6d: {  	_ =	shalt  }
0x6e: {  	_ =	shalt  }
0x6f: {  	_ =	shalt  }
0x70: {  	_ =	shalt  }
0x71: {  	_ =	shalt  }
0x72: {  	_ =	shalt  }
0x73: {  	_ =	shalt  }
0x74: {  	_ =	shalt  }
0x75: {  	_ =	shalt  }
0x76: {  	_ =	shalt  }
0x77: {  	_ =	shalt  }
0x78: {  	_ =	shalt  }
0x79: {  	_ =	shalt  }
0x7a: {  	_ =	shalt  }
0x7b: {  	_ =	shalt  }
0x7c: {  	_ =	shalt  }
0x7d: {  	_ =	shalt  }
0x7e: {  	_ =	shalt  }
0x7f: {  	_ =	shalt  }
0x80: {  	_ =	shalt  }
0x81: {  	_ =	shalt  }
0x82: {  	_ =	shalt  }
0x83: {  	_ =	shalt  }
0x84: {  	_ =	shalt  }
0x85: {  	_ =	shalt  }
0x86: {  	_ =	shalt  }
0x87: {  	_ =	shalt  }
.Lfunc_end0:
.L_simem_size_0:
called_computation.3_lowered:
.L_overlay_start_0:
0x88: {  	s2 =	sld [smem:$0x3FD9]  }
0x89: {  	s3 =	sld [smem:$0x3FFE];
	_ =	sdelay $0x1  }
0x8a: {  	s1 =	srdreg.scid  }
0x8b: {  	s0 =	sand.u32 $0x1, s1  }
0x8c: {  	s17 =	sshll.u32 s0, $0xA;
	s2 =	sadd.s32 s3, s2  }
0x8d: {  	s2 =	sadd.s32 s2, s17  }
0x8e: {  	[smem:$0x3FC2] =	sst s2  }
0x8f: {  	_ = 	snop  }
0x90: {  	s2 =	sld [smem:$0x3FD0];
	(tm) =	ssettm $0x1  }
0x91: {  	s18 =	sld [smem:$0x3FFB];
	_ =	sdelay $0x3  }
0x92: {  	_ =	strace s18  }
0x93: {  	s3 =	sld [smem:$0x3FFC];
	_ =	sdelay $0x3  }
0x94: {  	_ =	strace s3  }
0x95: {  	s3 =	sld [smem:$0x3FFD];
	_ =	sdelay $0x3  }
0x96: {  	_ =	strace s3  }
0x97: {  	_ =	strace $0x8FFFFFFF  }
0x98: {  	s19 =	sld [smem:$0x3FDB];
	_ =	sdelay $0x1  }
0x99: {  	s4 =	simm.s32 $_scs_section_size  }
0x9a: {  	s5 =	simm.s32 $_size__tile_overlayer_lowered;
	s6 =	simm.s32 $_tile_overlayer_lowered  }
0x9b: {  	s22 =	simm.s32 $0x1BFF;
	s21 =	sshll.u32 s6, $0x1;
	s3 =	sadd.s32 s4, s19  }
0x9c: {  	s7 =	simm.s32 $0x0;
	s20 =	sshll.u32 s5, $0x1;
	s5 =	sadd.s32 s21, s3  }
0x9d: {  	[timem:s7], [sflag:s22] =	dma.local [hbm:s5], s20  }
0x9e: {  	_ =	swait.ge [sflag:s22], s20  }
0x9f: {  	s4 =	ssub.s32 $0x0, s20;
	[sflag:s22] =	ssyncset.done $0x0  }
0xa0: {  	[sflag:s22] =	ssyncadd.s32 s4;
	_ =	sdelay $0x1  }
0xa1: {  	s23 =	simm.s32 $0x1B8B  }
0xa2: {  	_ =	swait.ge [sflag:s23], $0x1  }
0xa3: {  	[sflag:s23] =	ssyncset.done $0x0  }
0xa4: {  	s25 =	simm.s32 $0x1B8E;
	s24 =	sld [smem:$0x3FFE];
	[sflag:s23] =	ssyncadd.s32 $0xFFFFFFFF  }
0xa5: {  	s26 =	simm.s32 $execute0_lowered;
	[smem:$0x3FD2] =	sst s25  }
0xa6: {  	s5 =	sshll.u32 s26, $0x1;
	_ =	strace $0x8000004F;
	[dreg:$0x1] =	wrdreg $0xFFFFFFFF  }
0xa7: {  	s28 =	simm.s32 $_size_execute0_lowered;
	s3 =	sadd.s32 s3, s5;
	[dreg:$0x0] =	wrdreg $0x0  }
0xa8: {  	s5 =	sshll.u32 s28, $0x1;
	[dreg:$0x2] =	wrdreg s3  }
0xa9: {  	[dreg:$0x3] =	wrdreg s5  }
0xaa: {  	[dreg:$0x4] =	wrdreg $0xC0  }
0xab: {  	_ =	task [dreg:s7], $0x5FFFF  }
0xac: {  	[dreg:$0x1] =	wrdreg $0xFFFFFFFF  }
0xad: {  	[dreg:$0x0] =	wrdreg $0x60  }
0xae: {  	[dreg:$0x2] =	wrdreg s24  }
0xaf: {  	[dreg:$0x3] =	wrdreg s2  }
0xb0: {  	[dreg:$0x4] =	wrdreg $0xA0000  }
0xb1: {  	[dreg:$0x5] =	wrdreg $0x9  }
0xb2: {  	_ =	task.clear_ibuf [dreg:s7], $0x6FFFF;
	_ =	strace $0x9000004F  }
0xb3: {  	s29 =	simm.s32 $0x9;
	_ =	strace $0x80000051  }
0xb4: {  	_ =	swait.ge [sflag:s29], $0x1  }
0xb5: {  	[sflag:s29] =	ssyncadd.s32 $0xFFFFFFFF  }
0xb6: {  	_ =	strace $0x90000051  }
0xb7: {  	_ =	sfence  }
0xb8: {  	s30 =	sld [smem:$0x0];
	_ =	sdelay $0x2  }
0xb9: {  	s31 =	sshll.u32 s1, $0xD;
	s1 =	sshrl.u32 s1, $0x2  }
0xba: {  	s3 =	sand.u32 $0x4000, s31;
	s1 =	sadd.s32 s1, s30  }
0xbb: {  	s0 =	sor.u32 s3, s0;
	s1 =	sshll.u32 s1, $0x11  }
0xbc: {  	s0 =	sor.u32 s1, s0  }
0xbd: {  	s0 =	sadd.s32 $0x8F2B, s0  }
0xbe: {  	[sflag:s0] =	ssyncadd.remote.s32 $0x1  }
0xbf: {  	_ =	sfence.sel $0xFFFF  }
0xc0: {  	[dreg:$0x0] =	wrdreg $0xFFFFFFFF;
	(pc) =	sbr.abs _section_cstart, $3  }
0xc1: {  	[dreg:$0x1] =	wrdreg $0xFFFFFFFF  }
0xc2: {  	_ =	task.clear_ibuf [dreg:s7], $0x2FFFF;
	_ =	strace $0x9FFFFFFF  }
0xc3: {  	(tm) =	ssettm $0x7FFFFFFF  }
tec
execute0_lowered:
.L_overlay_start_1:
0x0: {  	(tag) =	ssettag $0x1  }
0x1: {  	s0 =	rddreg [dreg:$0x0]  }
0x2: {  	s3 =	rddreg [dreg:$0x1]  }
0x3: {  	s1 =	rddreg [dreg:$0x2];
	s2 =	simm.s32 $0x0  }
0x4: {  	s5 =	srdreg.scid;
	s7 =	stileid.u32;
	s28 =	simm.s32 $0x2000  }
0x5: {  	s29 =	simm.s32 $0x6000;
	s30 =	simm.s32 $0x1;
	[smem:$0x7FF] =	sst s2  }
0x6: {  	s4 =	sadd.s32 $0x3E00, s0;
	s5 =	sand.u32 $0x1, s5;
	s21 =	sadd.s32 $0x7BE00, s0  }
0x7: {  	s9 =	smul.u32 $0x50000, s7;
	s6 =	sadd.s32 $0x85E00, s0;
	s0 =	sadd.s32 $0xADE00, s0  }
0x8: {  	s26 =	sshll.u32 s7, $0x7;
	s11 =	sshll.u32 s7, $0x6;
	s22 =	smul.u32 $0x980, s7  }
0x9: {  	_ =	strace $0x80000050;
	s8 =	ssub.s32 $0x2, s5;
	[dreg:$0x4] =	wrdreg s6  }
0xa: {  	s6 =	smul.u32 $0x2800, s7;
	[dreg:$0x5] =	wrdreg s0;
	s12 =	sor.u32 $0x9800, s26  }
0xb: {  	p0 =	sne.s32 s5, $0x0;
	s26 =	simm.s32 $0x80;
	s0 =	simm.s32 $0x0  }
0xc: {  	s10 =	sshrl.u32 s8, $0x1;
	s25 =	sshrl.u32 s9, $0x2;
	s31 =	sadd.s32 s21, s12  }
0xd: {  	s12 =	sadd.s32 s3, s12;
	s13 =	sadd.s32 s21, s22;
	s14 =	sadd.s32 s3, s22  }
0xe: {  	s16 =	sadd.s32 $0x200, s22;
	s18 =	sadd.s32 $0x400, s22;
	s20 =	sadd.s32 $0x600, s22  }
0xf: {  	s22 =	sadd.s32 $0x800, s22;
	s24 =	ssub.s32 s8, s10;
	s8 =	sadd.s32 s25, s1  }
.Ltmp0:
0x10: {  	s9 =	sadd.s32 s4, s6;
	s10 =	sor.u32 $0x1C02, s11;
	(pc) =	sbr.rel .LBB2_1-.Ltmp0, $4  }
0x11: {  	[dreg:$0x6] =	wrdreg s31;
	s15 =	sadd.s32 s21, s16;
	s16 =	sadd.s32 s3, s16  }
0x12: {  	s17 =	sadd.s32 s21, s18;
	s18 =	sadd.s32 s3, s18;
	s19 =	sadd.s32 s21, s20  }
0x13: {  	s20 =	sadd.s32 s3, s20;
	s21 =	sadd.s32 s21, s22;
	s22 =	sadd.s32 s3, s22  }
0x14: {  	s25 =	simm.s32 $0x1000;
	s23 =	smax.u32 s24, $0x1;
	s24 =	simm.s32 $0x2  }
.LBB2_13:
0x15: {  	s5 =	rddreg [dreg:$0x6]  }
0x16: {  	[tilespmem:s2], [sflag:$0x2] =	stream.linear.gather [hbm4b:s5+s2], $0x400, $0x38;
	[tilespmem:$0x1E000] =	vst v63  }
0x17: {  	_ =	swait.ge [sflag:s24], $0x400  }
0x18: {  	[sflag:s24] =	ssyncset.done $0x0  }
0x19: {  	[sflag:s24] =	ssyncadd.s32 $0xFFFFFC00  }
0x1a: {  	[tilespmem:s25], [sflag:$0x2] =	stream.linear.gather [hbm4b:s12+s2], $0x400, $0x38;
	[tilespmem:$0x1E000] =	vst v63  }
0x1b: {  	_ =	swait.ge [sflag:s24], $0x400  }
0x1c: {  	[sflag:s24] =	ssyncset.done $0x0  }
0x1d: {  	[sflag:s24] =	ssyncadd.s32 $0xFFFFFC00  }
0x1e: {  	[tilespmem:s28], [sflag:$0x1] =	stream.indirect.gather [hbm4b:s4+s26], $0x80, s2, s26, $0xb8;
	[tilespmem:$0x1E000] =	vst v63  }
0x1f: {  	_ = 	snop  }
0x20: {  	[tilespmem:s29], [sflag:$0x1] =	stream.indirect.gather [hbm4b:s4+s26], $0x80, s26, s26, $0xb8;
	[tilespmem:$0x1E000] =	vst v63  }
0x21: {  	_ =	swait.ge [sflag:s30], $0x4000  }
0x22: {  	[sflag:s30] =	ssyncset.done $0x0  }
0x23: {  	[sflag:s30] =	ssyncadd.s32 $0xFFFFC000  }
0x24: {  	[spmem:s1] =	stream.indirect.scatter.add.f32 [tilespmem:s28], [sflag:$0x2], $0x80, s25, s26, $0xb8;
	[tilespmem:$0x1E000] =	vst v63  }
0x25: {  	_ =	swait.ge [sflag:s24], $0x4000  }
0x26: {  	[sflag:s24] =	ssyncset.done $0x0  }
0x27: {  	[sflag:s24] =	ssyncadd.s32 $0xFFFFC000  }
0x28: {  	_ =	swait.ge [sflag:s30], $0x4000  }
0x29: {  	[sflag:s30] =	ssyncset.done $0x0  }
0x2a: {  	s31 =	simm.s32 $0x1080;
	[sflag:s30] =	ssyncadd.s32 $0xFFFFC000  }
0x2b: {  	[spmem:s1] =	stream.indirect.scatter.add.f32 [tilespmem:s29], [sflag:$0x2], $0x80, s31, s26, $0xb8;
	[tilespmem:$0x1E000] =	vst v63  }
0x2c: {  	_ =	swait.ge [sflag:s24], $0x4000  }
0x2d: {  	[sflag:s24] =	ssyncset.done $0x0  }
0x2e: {  	s7 =	simm.s32 $0x100;
	[sflag:s24] =	ssyncadd.s32 $0xFFFFC000  }
0x2f: {  	[tilespmem:s28], [sflag:$0x1] =	stream.indirect.gather [hbm4b:s4+s26], $0x80, s7, s26, $0xb8;
	[tilespmem:$0x1E000] =	vst v63  }
0x30: {  	s11 =	simm.s32 $0x180  }
0x31: {  	[tilespmem:s29], [sflag:$0x1] =	stream.indirect.gather [hbm4b:s4+s26], $0x80, s11, s26, $0xb8;
	[tilespmem:$0x1E000] =	vst v63  }
0x32: {  	_ =	swait.ge [sflag:s30], $0x4000  }
0x33: {  	[sflag:s30] =	ssyncset.done $0x0  }
0x34: {  	s31 =	simm.s32 $0x1100;
	[sflag:s30] =	ssyncadd.s32 $0xFFFFC000  }
0x35: {  	[spmem:s1] =	stream.indirect.scatter.add.f32 [tilespmem:s28], [sflag:$0x2], $0x80, s31, s26, $0xb8;
	[tilespmem:$0x1E000] =	vst v63  }
0x36: {  	_ =	swait.ge [sflag:s24], $0x4000  }
0x37: {  	[sflag:s24] =	ssyncset.done $0x0  }
0x38: {  	[sflag:s24] =	ssyncadd.s32 $0xFFFFC000  }
0x39: {  	_ =	swait.ge [sflag:s30], $0x4000  }
0x3a: {  	[sflag:s30] =	ssyncset.done $0x0  }
0x3b: {  	s7 =	simm.s32 $0x1180;
	[sflag:s30] =	ssyncadd.s32 $0xFFFFC000  }
0x3c: {  	[spmem:s1] =	stream.indirect.scatter.add.f32 [tilespmem:s29], [sflag:$0x2], $0x80, s7, s26, $0xb8;
	[tilespmem:$0x1E000] =	vst v63  }
0x3d: {  	_ =	swait.ge [sflag:s24], $0x4000  }
0x3e: {  	[sflag:s24] =	ssyncset.done $0x0  }
0x3f: {  	s11 =	simm.s32 $0x200;
	[sflag:s24] =	ssyncadd.s32 $0xFFFFC000  }
0x40: {  	[tilespmem:s28], [sflag:$0x1] =	stream.indirect.gather [hbm4b:s4+s26], $0x80, s11, s26, $0xb8;
	[tilespmem:$0x1E000] =	vst v63  }
0x41: {  	s31 =	simm.s32 $0x280  }
0x42: {  	[tilespmem:s29], [sflag:$0x1] =	stream.indirect.gather [hbm4b:s4+s26], $0x80, s31, s26, $0xb8;
	[tilespmem:$0x1E000] =	vst v63  }
0x43: {  	_ =	swait.ge [sflag:s30], $0x4000  }
0x44: {  	[sflag:s30] =	ssyncset.done $0x0  }
0x45: {  	s7 =	simm.s32 $0x1200;
	[sflag:s30] =	ssyncadd.s32 $0xFFFFC000  }
0x46: {  	[spmem:s1] =	stream.indirect.scatter.add.f32 [tilespmem:s28], [sflag:$0x2], $0x80, s7, s26, $0xb8;
	[tilespmem:$0x1E000] =	vst v63  }
0x47: {  	_ =	swait.ge [sflag:s24], $0x4000  }
0x48: {  	[sflag:s24] =	ssyncset.done $0x0  }
0x49: {  	[sflag:s24] =	ssyncadd.s32 $0xFFFFC000  }
0x4a: {  	_ =	swait.ge [sflag:s30], $0x4000  }
0x4b: {  	[sflag:s30] =	ssyncset.done $0x0  }
0x4c: {  	s11 =	simm.s32 $0x1280;
	[sflag:s30] =	ssyncadd.s32 $0xFFFFC000  }
0x4d: {  	[spmem:s1] =	stream.indirect.scatter.add.f32 [tilespmem:s29], [sflag:$0x2], $0x80, s11, s26, $0xb8;
	[tilespmem:$0x1E000] =	vst v63  }
0x4e: {  	_ =	swait.ge [sflag:s24], $0x4000  }
0x4f: {  	[sflag:s24] =	ssyncset.done $0x0  }
0x50: {  	s31 =	simm.s32 $0x300;
	[sflag:s24] =	ssyncadd.s32 $0xFFFFC000  }
0x51: {  	[tilespmem:s28], [sflag:$0x1] =	stream.indirect.gather [hbm4b:s4+s26], $0x80, s31, s26, $0xb8;
	[tilespmem:$0x1E000] =	vst v63  }
0x52: {  	s7 =	simm.s32 $0x380  }
0x53: {  	[tilespmem:s29], [sflag:$0x1] =	stream.indirect.gather [hbm4b:s4+s26], $0x80, s7, s26, $0xb8;
	[tilespmem:$0x1E000] =	vst v63  }
0x54: {  	_ =	swait.ge [sflag:s30], $0x4000  }
0x55: {  	[sflag:s30] =	ssyncset.done $0x0  }
0x56: {  	s11 =	simm.s32 $0x1300;
	[sflag:s30] =	ssyncadd.s32 $0xFFFFC000  }
0x57: {  	[spmem:s1] =	stream.indirect.scatter.add.f32 [tilespmem:s28], [sflag:$0x2], $0x80, s11, s26, $0xb8;
	[tilespmem:$0x1E000] =	vst v63  }
0x58: {  	_ =	swait.ge [sflag:s24], $0x4000  }
0x59: {  	[sflag:s24] =	ssyncset.done $0x0  }
0x5a: {  	[sflag:s24] =	ssyncadd.s32 $0xFFFFC000  }
0x5b: {  	_ =	swait.ge [sflag:s30], $0x4000  }
0x5c: {  	[sflag:s30] =	ssyncset.done $0x0  }
0x5d: {  	s31 =	simm.s32 $0x1380;
	[sflag:s30] =	ssyncadd.s32 $0xFFFFC000  }
0x5e: {  	[spmem:s1] =	stream.indirect.scatter.add.f32 [tilespmem:s29], [sflag:$0x2], $0x80, s31, s26, $0xb8;
	[tilespmem:$0x1E000] =	vst v63  }
0x5f: {  	_ =	swait.ge [sflag:s24], $0x4000  }
0x60: {  	[sflag:s24] =	ssyncset.done $0x0  }
0x61: {  	s5 =	rddreg [dreg:$0x5];
	[sflag:s24] =	ssyncadd.s32 $0xFFFFC000  }
.LBB2_14:
0x62: {  	s0 =	sadd.s32 $0x1, s0  }
0x63: {  	p1 =	sne.s32 s0, s23  }
.Ltmp1:
0x64: {  	s5 =	sadd.s32 s5, s6;
	[bflag:$0x0] =	sbarrier.arrive $0xFFFF;
	(pc) =	sbr.rel @!p1 .LBB2_15-.Ltmp1, $4  }
0x65: {  	[hbm:s5], [sflag:s10] =	dma.local [spmem:s3], $0x2800  }
0x66: {  	_ =	swait.ge [sflag:s24], $0x2800  }
0x67: {  	[sflag:s24] =	ssyncset.done $0x0  }
0x68: {  	[sflag:s24] =	ssyncadd.s32 $0xFFFFD800  }
.LBB2_1:
0x69: {  	s3 =	sshrl.u32 s8, $0x3  }
0x6a: {  	[spmem:s3], [sflag:s10] =	dma.local [hbm:s9], $0x2800  }
.Ltmp2:
0x6b: {  	_ =	swait.ge [sflag:s24], $0x2800;
	(pc) =	sbr.rel @p0 .LBB2_13-.Ltmp2, $3  }
0x6c: {  	[sflag:s24] =	ssyncset.done $0x0  }
0x6d: {  	[sflag:s24] =	ssyncadd.s32 $0xFFFFD800  }
0x6e: {  	[bflag:$0x0] =	sbarrier.arrive $0xFFFF;
	_ =	sdelay $0x1  }
0x6f: {  	s5 =	simm.s32 $0x0  }
0x70: {  	[tilespmem:s5], [sflag:$0x2] =	stream.linear.gather [hbm4b:s13+s5], $0x1000, $0x38;
	[tilespmem:$0x1E000] =	vst v63  }
0x71: {  	_ =	swait.ge [sflag:s24], $0x1000  }
0x72: {  	[sflag:s24] =	ssyncset.done $0x0  }
0x73: {  	[sflag:s24] =	ssyncadd.s32 $0xFFFFF000  }
0x74: {  	[tilespmem:s25], [sflag:$0x2] =	stream.linear.gather [hbm4b:s14+s5], $0x1000, $0x38;
	[tilespmem:$0x1E000] =	vst v63  }
0x75: {  	_ =	swait.ge [sflag:s24], $0x1000  }
0x76: {  	[sflag:s24] =	ssyncset.done $0x0  }
0x77: {  	s7 =	simm.s32 $0x0;
	[sflag:s24] =	ssyncadd.s32 $0xFFFFF000  }
0x78: {  	[tilespmem:s28], [sflag:$0x1] =	stream.indirect.gather [hbm4b:s4+s26], $0x80, s7, s26, $0xb8;
	[tilespmem:$0x1E000] =	vst v63  }
0x79: {  	s11 =	simm.s32 $0x80  }
0x7a: {  	[tilespmem:s29], [sflag:$0x1] =	stream.indirect.gather [hbm4b:s4+s26], $0x80, s11, s26, $0xb8;
	[tilespmem:$0x1E000] =	vst v63  }
0x7b: {  	_ =	swait.ge [sflag:s30], $0x4000  }
0x7c: {  	[sflag:s30] =	ssyncset.done $0x0  }
0x7d: {  	s7 =	simm.s32 $0x1000;
	[sflag:s30] =	ssyncadd.s32 $0xFFFFC000  }
0x7e: {  	[spmem:s1] =	stream.indirect.scatter.add.f32 [tilespmem:s28], [sflag:$0x2], $0x80, s7, s26, $0xb8;
	[tilespmem:$0x1E000] =	vst v63  }
0x7f: {  	_ =	swait.ge [sflag:s24], $0x4000  }
0x80: {  	[sflag:s24] =	ssyncset.done $0x0  }
0x81: {  	[sflag:s24] =	ssyncadd.s32 $0xFFFFC000  }
0x82: {  	_ =	swait.ge [sflag:s30], $0x4000  }
0x83: {  	[sflag:s30] =	ssyncset.done $0x0  }
0x84: {  	s11 =	simm.s32 $0x1080;
	[sflag:s30] =	ssyncadd.s32 $0xFFFFC000  }
0x85: {  	[spmem:s1] =	stream.indirect.scatter.add.f32 [tilespmem:s29], [sflag:$0x2], $0x80, s11, s26, $0xb8;
	[tilespmem:$0x1E000] =	vst v63  }
0x86: {  	_ =	swait.ge [sflag:s24], $0x4000  }
0x87: {  	s31 =	simm.s32 $0x400;
	s5 =	simm.s32 $0x800;
	[sflag:s24] =	ssyncset.done $0x0  }
.LBB2_3:
0x88: {  	s7 =	sshra.s32 s31, $0x2  }
0x89: {  	[sflag:s24] =	ssyncadd.s32 $0xFFFFC000;
	s31 =	smov.u32 s5;
	s11 =	sadd.s32 $0x400, s5  }
0x8a: {  	[tilespmem:s28], [sflag:$0x1] =	stream.indirect.gather [hbm4b:s4+s26], $0x80, s7, s26, $0xb8;
	[tilespmem:$0x1E000] =	vst v63  }
0x8b: {  	p1 =	sne.s32 s5, $0x3C00;
	s5 =	sadd.s32 $0x80, s7  }
0x8c: {  	[tilespmem:s29], [sflag:$0x1] =	stream.indirect.gather [hbm4b:s4+s26], $0x80, s5, s26, $0xb8;
	[tilespmem:$0x1E000] =	vst v63  }
0x8d: {  	_ =	swait.ge [sflag:s30], $0x4000  }
0x8e: {  	[sflag:s30] =	ssyncset.done $0x0  }
0x8f: {  	s5 =	sadd.s32 $0x1000, s7;
	[sflag:s30] =	ssyncadd.s32 $0xFFFFC000  }
0x90: {  	[spmem:s1] =	stream.indirect.scatter.add.f32 [tilespmem:s28], [sflag:$0x2], $0x80, s5, s26, $0xb8;
	[tilespmem:$0x1E000] =	vst v63  }
0x91: {  	_ =	swait.ge [sflag:s24], $0x4000  }
0x92: {  	[sflag:s24] =	ssyncset.done $0x0  }
0x93: {  	[sflag:s24] =	ssyncadd.s32 $0xFFFFC000  }
0x94: {  	_ =	swait.ge [sflag:s30], $0x4000  }
.Ltmp3:
0x95: {  	[sflag:s30] =	ssyncset.done $0x0;
	(pc) =	sbr.rel @p1 .LBB2_3-.Ltmp3, $4  }
0x96: {  	s5 =	sadd.s32 $0x1080, s7;
	[sflag:s30] =	ssyncadd.s32 $0xFFFFC000  }
0x97: {  	[spmem:s1] =	stream.indirect.scatter.add.f32 [tilespmem:s29], [sflag:$0x2], $0x80, s5, s26, $0xb8;
	[tilespmem:$0x1E000] =	vst v63  }
0x98: {  	_ =	swait.ge [sflag:s24], $0x4000  }
0x99: {  	s5 =	smov.u32 s11;
	[sflag:s24] =	ssyncset.done $0x0  }
0x9a: {  	s5 =	sshra.s32 s31, $0x2;
	[sflag:s24] =	ssyncadd.s32 $0xFFFFC000  }
0x9b: {  	[tilespmem:s28], [sflag:$0x1] =	stream.indirect.gather [hbm4b:s4+s26], $0x80, s5, s26, $0xb8;
	[tilespmem:$0x1E000] =	vst v63  }
0x9c: {  	s7 =	sadd.s32 $0x80, s5  }
0x9d: {  	[tilespmem:s29], [sflag:$0x1] =	stream.indirect.gather [hbm4b:s4+s26], $0x80, s7, s26, $0xb8;
	[tilespmem:$0x1E000] =	vst v63  }
0x9e: {  	_ =	swait.ge [sflag:s30], $0x4000  }
0x9f: {  	[sflag:s30] =	ssyncset.done $0x0  }
0xa0: {  	s11 =	sadd.s32 $0x1000, s5;
	[sflag:s30] =	ssyncadd.s32 $0xFFFFC000  }
0xa1: {  	[spmem:s1] =	stream.indirect.scatter.add.f32 [tilespmem:s28], [sflag:$0x2], $0x80, s11, s26, $0xb8;
	[tilespmem:$0x1E000] =	vst v63  }
0xa2: {  	_ =	swait.ge [sflag:s24], $0x4000  }
0xa3: {  	[sflag:s24] =	ssyncset.done $0x0  }
0xa4: {  	[sflag:s24] =	ssyncadd.s32 $0xFFFFC000  }
0xa5: {  	_ =	swait.ge [sflag:s30], $0x4000  }
0xa6: {  	[sflag:s30] =	ssyncset.done $0x0  }
0xa7: {  	s5 =	sadd.s32 $0x1080, s5;
	[sflag:s30] =	ssyncadd.s32 $0xFFFFC000  }
0xa8: {  	[spmem:s1] =	stream.indirect.scatter.add.f32 [tilespmem:s29], [sflag:$0x2], $0x80, s5, s26, $0xb8;
	[tilespmem:$0x1E000] =	vst v63  }
0xa9: {  	_ =	swait.ge [sflag:s24], $0x4000  }
0xaa: {  	[sflag:s24] =	ssyncset.done $0x0  }
0xab: {  	s11 =	simm.s32 $0x0;
	[sflag:s24] =	ssyncadd.s32 $0xFFFFC000  }
0xac: {  	[tilespmem:s11], [sflag:$0x2] =	stream.linear.gather [hbm4b:s15+s11], $0x1000, $0x38;
	[tilespmem:$0x1E000] =	vst v63  }
0xad: {  	_ =	swait.ge [sflag:s24], $0x1000  }
0xae: {  	[sflag:s24] =	ssyncset.done $0x0  }
0xaf: {  	[sflag:s24] =	ssyncadd.s32 $0xFFFFF000  }
0xb0: {  	[tilespmem:s25], [sflag:$0x2] =	stream.linear.gather [hbm4b:s16+s11], $0x1000, $0x38;
	[tilespmem:$0x1E000] =	vst v63  }
0xb1: {  	_ =	swait.ge [sflag:s24], $0x1000  }
0xb2: {  	[sflag:s24] =	ssyncset.done $0x0  }
0xb3: {  	s7 =	simm.s32 $0x0;
	[sflag:s24] =	ssyncadd.s32 $0xFFFFF000  }
0xb4: {  	[tilespmem:s28], [sflag:$0x1] =	stream.indirect.gather [hbm4b:s4+s26], $0x80, s7, s26, $0xb8;
	[tilespmem:$0x1E000] =	vst v63  }
0xb5: {  	s11 =	simm.s32 $0x80  }
0xb6: {  	[tilespmem:s29], [sflag:$0x1] =	stream.indirect.gather [hbm4b:s4+s26], $0x80, s11, s26, $0xb8;
	[tilespmem:$0x1E000] =	vst v63  }
0xb7: {  	_ =	swait.ge [sflag:s30], $0x4000  }
0xb8: {  	[sflag:s30] =	ssyncset.done $0x0  }
0xb9: {  	s7 =	simm.s32 $0x1000;
	[sflag:s30] =	ssyncadd.s32 $0xFFFFC000  }
0xba: {  	[spmem:s1] =	stream.indirect.scatter.add.f32 [tilespmem:s28], [sflag:$0x2], $0x80, s7, s26, $0xb8;
	[tilespmem:$0x1E000] =	vst v63  }
0xbb: {  	_ =	swait.ge [sflag:s24], $0x4000  }
0xbc: {  	[sflag:s24] =	ssyncset.done $0x0  }
0xbd: {  	[sflag:s24] =	ssyncadd.s32 $0xFFFFC000  }
0xbe: {  	_ =	swait.ge [sflag:s30], $0x4000  }
0xbf: {  	[sflag:s30] =	ssyncset.done $0x0  }
0xc0: {  	s11 =	simm.s32 $0x1080;
	[sflag:s30] =	ssyncadd.s32 $0xFFFFC000  }
0xc1: {  	[spmem:s1] =	stream.indirect.scatter.add.f32 [tilespmem:s29], [sflag:$0x2], $0x80, s11, s26, $0xb8;
	[tilespmem:$0x1E000] =	vst v63  }
0xc2: {  	_ =	swait.ge [sflag:s24], $0x4000  }
0xc3: {  	s31 =	simm.s32 $0x400;
	s5 =	simm.s32 $0x800;
	[sflag:s24] =	ssyncset.done $0x0  }
.LBB2_5:
0xc4: {  	s7 =	sshra.s32 s31, $0x2  }
0xc5: {  	[sflag:s24] =	ssyncadd.s32 $0xFFFFC000;
	s31 =	smov.u32 s5;
	s11 =	sadd.s32 $0x400, s5  }
0xc6: {  	[tilespmem:s28], [sflag:$0x1] =	stream.indirect.gather [hbm4b:s4+s26], $0x80, s7, s26, $0xb8;
	[tilespmem:$0x1E000] =	vst v63  }
0xc7: {  	p1 =	sne.s32 s5, $0x3C00;
	s5 =	sadd.s32 $0x80, s7  }
0xc8: {  	[tilespmem:s29], [sflag:$0x1] =	stream.indirect.gather [hbm4b:s4+s26], $0x80, s5, s26, $0xb8;
	[tilespmem:$0x1E000] =	vst v63  }
0xc9: {  	_ =	swait.ge [sflag:s30], $0x4000  }
0xca: {  	[sflag:s30] =	ssyncset.done $0x0  }
0xcb: {  	s5 =	sadd.s32 $0x1000, s7;
	[sflag:s30] =	ssyncadd.s32 $0xFFFFC000  }
0xcc: {  	[spmem:s1] =	stream.indirect.scatter.add.f32 [tilespmem:s28], [sflag:$0x2], $0x80, s5, s26, $0xb8;
	[tilespmem:$0x1E000] =	vst v63  }
0xcd: {  	_ =	swait.ge [sflag:s24], $0x4000  }
0xce: {  	[sflag:s24] =	ssyncset.done $0x0  }
0xcf: {  	[sflag:s24] =	ssyncadd.s32 $0xFFFFC000  }
0xd0: {  	_ =	swait.ge [sflag:s30], $0x4000  }
.Ltmp4:
0xd1: {  	[sflag:s30] =	ssyncset.done $0x0;
	(pc) =	sbr.rel @p1 .LBB2_5-.Ltmp4, $4  }
0xd2: {  	s5 =	sadd.s32 $0x1080, s7;
	[sflag:s30] =	ssyncadd.s32 $0xFFFFC000  }
0xd3: {  	[spmem:s1] =	stream.indirect.scatter.add.f32 [tilespmem:s29], [sflag:$0x2], $0x80, s5, s26, $0xb8;
	[tilespmem:$0x1E000] =	vst v63  }
0xd4: {  	_ =	swait.ge [sflag:s24], $0x4000  }
0xd5: {  	s5 =	smov.u32 s11;
	[sflag:s24] =	ssyncset.done $0x0  }
0xd6: {  	s5 =	sshra.s32 s31, $0x2;
	[sflag:s24] =	ssyncadd.s32 $0xFFFFC000  }
0xd7: {  	[tilespmem:s28], [sflag:$0x1] =	stream.indirect.gather [hbm4b:s4+s26], $0x80, s5, s26, $0xb8;
	[tilespmem:$0x1E000] =	vst v63  }
0xd8: {  	s7 =	sadd.s32 $0x80, s5  }
0xd9: {  	[tilespmem:s29], [sflag:$0x1] =	stream.indirect.gather [hbm4b:s4+s26], $0x80, s7, s26, $0xb8;
	[tilespmem:$0x1E000] =	vst v63  }
0xda: {  	_ =	swait.ge [sflag:s30], $0x4000  }
0xdb: {  	[sflag:s30] =	ssyncset.done $0x0  }
0xdc: {  	s11 =	sadd.s32 $0x1000, s5;
	[sflag:s30] =	ssyncadd.s32 $0xFFFFC000  }
0xdd: {  	[spmem:s1] =	stream.indirect.scatter.add.f32 [tilespmem:s28], [sflag:$0x2], $0x80, s11, s26, $0xb8;
	[tilespmem:$0x1E000] =	vst v63  }
0xde: {  	_ =	swait.ge [sflag:s24], $0x4000  }
0xdf: {  	[sflag:s24] =	ssyncset.done $0x0  }
0xe0: {  	[sflag:s24] =	ssyncadd.s32 $0xFFFFC000  }
0xe1: {  	_ =	swait.ge [sflag:s30], $0x4000  }
0xe2: {  	[sflag:s30] =	ssyncset.done $0x0  }
0xe3: {  	s5 =	sadd.s32 $0x1080, s5;
	[sflag:s30] =	ssyncadd.s32 $0xFFFFC000  }
0xe4: {  	[spmem:s1] =	stream.indirect.scatter.add.f32 [tilespmem:s29], [sflag:$0x2], $0x80, s5, s26, $0xb8;
	[tilespmem:$0x1E000] =	vst v63  }
0xe5: {  	_ =	swait.ge [sflag:s24], $0x4000  }
0xe6: {  	[sflag:s24] =	ssyncset.done $0x0  }
0xe7: {  	s11 =	simm.s32 $0x0;
	[sflag:s24] =	ssyncadd.s32 $0xFFFFC000  }
0xe8: {  	[tilespmem:s11], [sflag:$0x2] =	stream.linear.gather [hbm4b:s17+s11], $0x1000, $0x38;
	[tilespmem:$0x1E000] =	vst v63  }
0xe9: {  	_ =	swait.ge [sflag:s24], $0x1000  }
0xea: {  	[sflag:s24] =	ssyncset.done $0x0  }
0xeb: {  	[sflag:s24] =	ssyncadd.s32 $0xFFFFF000  }
0xec: {  	[tilespmem:s25], [sflag:$0x2] =	stream.linear.gather [hbm4b:s18+s11], $0x1000, $0x38;
	[tilespmem:$0x1E000] =	vst v63  }
0xed: {  	_ =	swait.ge [sflag:s24], $0x1000  }
0xee: {  	[sflag:s24] =	ssyncset.done $0x0  }
0xef: {  	s7 =	simm.s32 $0x0;
	[sflag:s24] =	ssyncadd.s32 $0xFFFFF000  }
0xf0: {  	[tilespmem:s28], [sflag:$0x1] =	stream.indirect.gather [hbm4b:s4+s26], $0x80, s7, s26, $0xb8;
	[tilespmem:$0x1E000] =	vst v63  }
0xf1: {  	s11 =	simm.s32 $0x80  }
0xf2: {  	[tilespmem:s29], [sflag:$0x1] =	stream.indirect.gather [hbm4b:s4+s26], $0x80, s11, s26, $0xb8;
	[tilespmem:$0x1E000] =	vst v63  }
0xf3: {  	_ =	swait.ge [sflag:s30], $0x4000  }
0xf4: {  	[sflag:s30] =	ssyncset.done $0x0  }
0xf5: {  	s7 =	simm.s32 $0x1000;
	[sflag:s30] =	ssyncadd.s32 $0xFFFFC000  }
0xf6: {  	[spmem:s1] =	stream.indirect.scatter.add.f32 [tilespmem:s28], [sflag:$0x2], $0x80, s7, s26, $0xb8;
	[tilespmem:$0x1E000] =	vst v63  }
0xf7: {  	_ =	swait.ge [sflag:s24], $0x4000  }
0xf8: {  	[sflag:s24] =	ssyncset.done $0x0  }
0xf9: {  	[sflag:s24] =	ssyncadd.s32 $0xFFFFC000  }
0xfa: {  	_ =	swait.ge [sflag:s30], $0x4000  }
0xfb: {  	[sflag:s30] =	ssyncset.done $0x0  }
0xfc: {  	s11 =	simm.s32 $0x1080;
	[sflag:s30] =	ssyncadd.s32 $0xFFFFC000  }
0xfd: {  	[spmem:s1] =	stream.indirect.scatter.add.f32 [tilespmem:s29], [sflag:$0x2], $0x80, s11, s26, $0xb8;
	[tilespmem:$0x1E000] =	vst v63  }
0xfe: {  	_ =	swait.ge [sflag:s24], $0x4000  }
0xff: {  	s31 =	simm.s32 $0x400;
	s5 =	simm.s32 $0x800;
	[sflag:s24] =	ssyncset.done $0x0  }
.LBB2_7:
0x100: {  	s7 =	sshra.s32 s31, $0x2  }
0x101: {  	[sflag:s24] =	ssyncadd.s32 $0xFFFFC000;
	s31 =	smov.u32 s5;
	s11 =	sadd.s32 $0x400, s5  }
0x102: {  	[tilespmem:s28], [sflag:$0x1] =	stream.indirect.gather [hbm4b:s4+s26], $0x80, s7, s26, $0xb8;
	[tilespmem:$0x1E000] =	vst v63  }
0x103: {  	p1 =	sne.s32 s5, $0x3C00;
	s5 =	sadd.s32 $0x80, s7  }
0x104: {  	[tilespmem:s29], [sflag:$0x1] =	stream.indirect.gather [hbm4b:s4+s26], $0x80, s5, s26, $0xb8;
	[tilespmem:$0x1E000] =	vst v63  }
0x105: {  	_ =	swait.ge [sflag:s30], $0x4000  }
0x106: {  	[sflag:s30] =	ssyncset.done $0x0  }
0x107: {  	s5 =	sadd.s32 $0x1000, s7;
	[sflag:s30] =	ssyncadd.s32 $0xFFFFC000  }
0x108: {  	[spmem:s1] =	stream.indirect.scatter.add.f32 [tilespmem:s28], [sflag:$0x2], $0x80, s5, s26, $0xb8;
	[tilespmem:$0x1E000] =	vst v63  }
0x109: {  	_ =	swait.ge [sflag:s24], $0x4000  }
0x10a: {  	[sflag:s24] =	ssyncset.done $0x0  }
0x10b: {  	[sflag:s24] =	ssyncadd.s32 $0xFFFFC000  }
0x10c: {  	_ =	swait.ge [sflag:s30], $0x4000  }
.Ltmp5:
0x10d: {  	[sflag:s30] =	ssyncset.done $0x0;
	(pc) =	sbr.rel @p1 .LBB2_7-.Ltmp5, $4  }
0x10e: {  	s5 =	sadd.s32 $0x1080, s7;
	[sflag:s30] =	ssyncadd.s32 $0xFFFFC000  }
0x10f: {  	[spmem:s1] =	stream.indirect.scatter.add.f32 [tilespmem:s29], [sflag:$0x2], $0x80, s5, s26, $0xb8;
	[tilespmem:$0x1E000] =	vst v63  }
0x110: {  	_ =	swait.ge [sflag:s24], $0x4000  }
0x111: {  	s5 =	smov.u32 s11;
	[sflag:s24] =	ssyncset.done $0x0  }
0x112: {  	s5 =	sshra.s32 s31, $0x2;
	[sflag:s24] =	ssyncadd.s32 $0xFFFFC000  }
0x113: {  	[tilespmem:s28], [sflag:$0x1] =	stream.indirect.gather [hbm4b:s4+s26], $0x80, s5, s26, $0xb8;
	[tilespmem:$0x1E000] =	vst v63  }
0x114: {  	s7 =	sadd.s32 $0x80, s5  }
0x115: {  	[tilespmem:s29], [sflag:$0x1] =	stream.indirect.gather [hbm4b:s4+s26], $0x80, s7, s26, $0xb8;
	[tilespmem:$0x1E000] =	vst v63  }
0x116: {  	_ =	swait.ge [sflag:s30], $0x4000  }
0x117: {  	[sflag:s30] =	ssyncset.done $0x0  }
0x118: {  	s11 =	sadd.s32 $0x1000, s5;
	[sflag:s30] =	ssyncadd.s32 $0xFFFFC000  }
0x119: {  	[spmem:s1] =	stream.indirect.scatter.add.f32 [tilespmem:s28], [sflag:$0x2], $0x80, s11, s26, $0xb8;
	[tilespmem:$0x1E000] =	vst v63  }
0x11a: {  	_ =	swait.ge [sflag:s24], $0x4000  }
0x11b: {  	[sflag:s24] =	ssyncset.done $0x0  }
0x11c: {  	[sflag:s24] =	ssyncadd.s32 $0xFFFFC000  }
0x11d: {  	_ =	swait.ge [sflag:s30], $0x4000  }
0x11e: {  	[sflag:s30] =	ssyncset.done $0x0  }
0x11f: {  	s5 =	sadd.s32 $0x1080, s5;
	[sflag:s30] =	ssyncadd.s32 $0xFFFFC000  }
0x120: {  	[spmem:s1] =	stream.indirect.scatter.add.f32 [tilespmem:s29], [sflag:$0x2], $0x80, s5, s26, $0xb8;
	[tilespmem:$0x1E000] =	vst v63  }
0x121: {  	_ =	swait.ge [sflag:s24], $0x4000  }
0x122: {  	[sflag:s24] =	ssyncset.done $0x0  }
0x123: {  	s11 =	simm.s32 $0x0;
	[sflag:s24] =	ssyncadd.s32 $0xFFFFC000  }
0x124: {  	[tilespmem:s11], [sflag:$0x2] =	stream.linear.gather [hbm4b:s19+s11], $0x1000, $0x38;
	[tilespmem:$0x1E000] =	vst v63  }
0x125: {  	_ =	swait.ge [sflag:s24], $0x1000  }
0x126: {  	[sflag:s24] =	ssyncset.done $0x0  }
0x127: {  	[sflag:s24] =	ssyncadd.s32 $0xFFFFF000  }
0x128: {  	[tilespmem:s25], [sflag:$0x2] =	stream.linear.gather [hbm4b:s20+s11], $0x1000, $0x38;
	[tilespmem:$0x1E000] =	vst v63  }
0x129: {  	_ =	swait.ge [sflag:s24], $0x1000  }
0x12a: {  	[sflag:s24] =	ssyncset.done $0x0  }
0x12b: {  	s7 =	simm.s32 $0x0;
	[sflag:s24] =	ssyncadd.s32 $0xFFFFF000  }
0x12c: {  	[tilespmem:s28], [sflag:$0x1] =	stream.indirect.gather [hbm4b:s4+s26], $0x80, s7, s26, $0xb8;
	[tilespmem:$0x1E000] =	vst v63  }
0x12d: {  	s11 =	simm.s32 $0x80  }
0x12e: {  	[tilespmem:s29], [sflag:$0x1] =	stream.indirect.gather [hbm4b:s4+s26], $0x80, s11, s26, $0xb8;
	[tilespmem:$0x1E000] =	vst v63  }
0x12f: {  	_ =	swait.ge [sflag:s30], $0x4000  }
0x130: {  	[sflag:s30] =	ssyncset.done $0x0  }
0x131: {  	s7 =	simm.s32 $0x1000;
	[sflag:s30] =	ssyncadd.s32 $0xFFFFC000  }
0x132: {  	[spmem:s1] =	stream.indirect.scatter.add.f32 [tilespmem:s28], [sflag:$0x2], $0x80, s7, s26, $0xb8;
	[tilespmem:$0x1E000] =	vst v63  }
0x133: {  	_ =	swait.ge [sflag:s24], $0x4000  }
0x134: {  	[sflag:s24] =	ssyncset.done $0x0  }
0x135: {  	[sflag:s24] =	ssyncadd.s32 $0xFFFFC000  }
0x136: {  	_ =	swait.ge [sflag:s30], $0x4000  }
0x137: {  	[sflag:s30] =	ssyncset.done $0x0  }
0x138: {  	s11 =	simm.s32 $0x1080;
	[sflag:s30] =	ssyncadd.s32 $0xFFFFC000  }
0x139: {  	[spmem:s1] =	stream.indirect.scatter.add.f32 [tilespmem:s29], [sflag:$0x2], $0x80, s11, s26, $0xb8;
	[tilespmem:$0x1E000] =	vst v63  }
0x13a: {  	_ =	swait.ge [sflag:s24], $0x4000  }
0x13b: {  	s31 =	simm.s32 $0x400;
	s5 =	simm.s32 $0x800;
	[sflag:s24] =	ssyncset.done $0x0  }
.LBB2_9:
0x13c: {  	s7 =	sshra.s32 s31, $0x2  }
0x13d: {  	[sflag:s24] =	ssyncadd.s32 $0xFFFFC000;
	s31 =	smov.u32 s5;
	s11 =	sadd.s32 $0x400, s5  }
0x13e: {  	[tilespmem:s28], [sflag:$0x1] =	stream.indirect.gather [hbm4b:s4+s26], $0x80, s7, s26, $0xb8;
	[tilespmem:$0x1E000] =	vst v63  }
0x13f: {  	p1 =	sne.s32 s5, $0x3C00;
	s5 =	sadd.s32 $0x80, s7  }
0x140: {  	[tilespmem:s29], [sflag:$0x1] =	stream.indirect.gather [hbm4b:s4+s26], $0x80, s5, s26, $0xb8;
	[tilespmem:$0x1E000] =	vst v63  }
0x141: {  	_ =	swait.ge [sflag:s30], $0x4000  }
0x142: {  	[sflag:s30] =	ssyncset.done $0x0  }
0x143: {  	s5 =	sadd.s32 $0x1000, s7;
	[sflag:s30] =	ssyncadd.s32 $0xFFFFC000  }
0x144: {  	[spmem:s1] =	stream.indirect.scatter.add.f32 [tilespmem:s28], [sflag:$0x2], $0x80, s5, s26, $0xb8;
	[tilespmem:$0x1E000] =	vst v63  }
0x145: {  	_ =	swait.ge [sflag:s24], $0x4000  }
0x146: {  	[sflag:s24] =	ssyncset.done $0x0  }
0x147: {  	[sflag:s24] =	ssyncadd.s32 $0xFFFFC000  }
0x148: {  	_ =	swait.ge [sflag:s30], $0x4000  }
.Ltmp6:
0x149: {  	[sflag:s30] =	ssyncset.done $0x0;
	(pc) =	sbr.rel @p1 .LBB2_9-.Ltmp6, $4  }
0x14a: {  	s5 =	sadd.s32 $0x1080, s7;
	[sflag:s30] =	ssyncadd.s32 $0xFFFFC000  }
0x14b: {  	[spmem:s1] =	stream.indirect.scatter.add.f32 [tilespmem:s29], [sflag:$0x2], $0x80, s5, s26, $0xb8;
	[tilespmem:$0x1E000] =	vst v63  }
0x14c: {  	_ =	swait.ge [sflag:s24], $0x4000  }
0x14d: {  	s5 =	smov.u32 s11;
	[sflag:s24] =	ssyncset.done $0x0  }
0x14e: {  	s5 =	sshra.s32 s31, $0x2;
	[sflag:s24] =	ssyncadd.s32 $0xFFFFC000  }
0x14f: {  	[tilespmem:s28], [sflag:$0x1] =	stream.indirect.gather [hbm4b:s4+s26], $0x80, s5, s26, $0xb8;
	[tilespmem:$0x1E000] =	vst v63  }
0x150: {  	s7 =	sadd.s32 $0x80, s5  }
0x151: {  	[tilespmem:s29], [sflag:$0x1] =	stream.indirect.gather [hbm4b:s4+s26], $0x80, s7, s26, $0xb8;
	[tilespmem:$0x1E000] =	vst v63  }
0x152: {  	_ =	swait.ge [sflag:s30], $0x4000  }
0x153: {  	[sflag:s30] =	ssyncset.done $0x0  }
0x154: {  	s11 =	sadd.s32 $0x1000, s5;
	[sflag:s30] =	ssyncadd.s32 $0xFFFFC000  }
0x155: {  	[spmem:s1] =	stream.indirect.scatter.add.f32 [tilespmem:s28], [sflag:$0x2], $0x80, s11, s26, $0xb8;
	[tilespmem:$0x1E000] =	vst v63  }
0x156: {  	_ =	swait.ge [sflag:s24], $0x4000  }
0x157: {  	[sflag:s24] =	ssyncset.done $0x0  }
0x158: {  	[sflag:s24] =	ssyncadd.s32 $0xFFFFC000  }
0x159: {  	_ =	swait.ge [sflag:s30], $0x4000  }
0x15a: {  	[sflag:s30] =	ssyncset.done $0x0  }
0x15b: {  	s5 =	sadd.s32 $0x1080, s5;
	[sflag:s30] =	ssyncadd.s32 $0xFFFFC000  }
0x15c: {  	[spmem:s1] =	stream.indirect.scatter.add.f32 [tilespmem:s29], [sflag:$0x2], $0x80, s5, s26, $0xb8;
	[tilespmem:$0x1E000] =	vst v63  }
0x15d: {  	_ =	swait.ge [sflag:s24], $0x4000  }
0x15e: {  	[sflag:s24] =	ssyncset.done $0x0  }
0x15f: {  	s11 =	simm.s32 $0x0;
	[sflag:s24] =	ssyncadd.s32 $0xFFFFC000  }
0x160: {  	[tilespmem:s11], [sflag:$0x2] =	stream.linear.gather [hbm4b:s21+s11], $0xC00, $0x38;
	[tilespmem:$0x1E000] =	vst v63  }
0x161: {  	_ =	swait.ge [sflag:s24], $0xC00  }
0x162: {  	[sflag:s24] =	ssyncset.done $0x0  }
0x163: {  	[sflag:s24] =	ssyncadd.s32 $0xFFFFF400  }
0x164: {  	[tilespmem:s25], [sflag:$0x2] =	stream.linear.gather [hbm4b:s22+s11], $0xC00, $0x38;
	[tilespmem:$0x1E000] =	vst v63  }
0x165: {  	_ =	swait.ge [sflag:s24], $0xC00  }
0x166: {  	[sflag:s24] =	ssyncset.done $0x0  }
0x167: {  	s7 =	simm.s32 $0x0;
	[sflag:s24] =	ssyncadd.s32 $0xFFFFF400  }
0x168: {  	[tilespmem:s28], [sflag:$0x1] =	stream.indirect.gather [hbm4b:s4+s26], $0x80, s7, s26, $0xb8;
	[tilespmem:$0x1E000] =	vst v63  }
0x169: {  	s11 =	simm.s32 $0x80  }
0x16a: {  	[tilespmem:s29], [sflag:$0x1] =	stream.indirect.gather [hbm4b:s4+s26], $0x80, s11, s26, $0xb8;
	[tilespmem:$0x1E000] =	vst v63  }
0x16b: {  	_ =	swait.ge [sflag:s30], $0x4000  }
0x16c: {  	[sflag:s30] =	ssyncset.done $0x0  }
0x16d: {  	s7 =	simm.s32 $0x1000;
	[sflag:s30] =	ssyncadd.s32 $0xFFFFC000  }
0x16e: {  	[spmem:s1] =	stream.indirect.scatter.add.f32 [tilespmem:s28], [sflag:$0x2], $0x80, s7, s26, $0xb8;
	[tilespmem:$0x1E000] =	vst v63  }
0x16f: {  	_ =	swait.ge [sflag:s24], $0x4000  }
0x170: {  	[sflag:s24] =	ssyncset.done $0x0  }
0x171: {  	[sflag:s24] =	ssyncadd.s32 $0xFFFFC000  }
0x172: {  	_ =	swait.ge [sflag:s30], $0x4000  }
0x173: {  	[sflag:s30] =	ssyncset.done $0x0  }
0x174: {  	s11 =	simm.s32 $0x1080;
	[sflag:s30] =	ssyncadd.s32 $0xFFFFC000  }
0x175: {  	[spmem:s1] =	stream.indirect.scatter.add.f32 [tilespmem:s29], [sflag:$0x2], $0x80, s11, s26, $0xb8;
	[tilespmem:$0x1E000] =	vst v63  }
0x176: {  	_ =	swait.ge [sflag:s24], $0x4000  }
0x177: {  	s31 =	simm.s32 $0x400;
	s5 =	simm.s32 $0x800;
	[sflag:s24] =	ssyncset.done $0x0  }
.LBB2_11:
0x178: {  	s7 =	sshra.s32 s31, $0x2  }
0x179: {  	[sflag:s24] =	ssyncadd.s32 $0xFFFFC000;
	s31 =	smov.u32 s5;
	s11 =	sadd.s32 $0x400, s5  }
0x17a: {  	[tilespmem:s28], [sflag:$0x1] =	stream.indirect.gather [hbm4b:s4+s26], $0x80, s7, s26, $0xb8;
	[tilespmem:$0x1E000] =	vst v63  }
0x17b: {  	p1 =	seq.s32 s5, $0x2C00;
	s5 =	sadd.s32 $0x80, s7  }
0x17c: {  	[tilespmem:s29], [sflag:$0x1] =	stream.indirect.gather [hbm4b:s4+s26], $0x80, s5, s26, $0xb8;
	[tilespmem:$0x1E000] =	vst v63  }
0x17d: {  	_ =	swait.ge [sflag:s30], $0x4000  }
0x17e: {  	[sflag:s30] =	ssyncset.done $0x0  }
0x17f: {  	s5 =	sadd.s32 $0x1000, s7;
	[sflag:s30] =	ssyncadd.s32 $0xFFFFC000  }
0x180: {  	[spmem:s1] =	stream.indirect.scatter.add.f32 [tilespmem:s28], [sflag:$0x2], $0x80, s5, s26, $0xb8;
	[tilespmem:$0x1E000] =	vst v63  }
0x181: {  	_ =	swait.ge [sflag:s24], $0x4000  }
0x182: {  	[sflag:s24] =	ssyncset.done $0x0  }
0x183: {  	[sflag:s24] =	ssyncadd.s32 $0xFFFFC000  }
0x184: {  	_ =	swait.ge [sflag:s30], $0x4000  }
.Ltmp7:
0x185: {  	[sflag:s30] =	ssyncset.done $0x0;
	(pc) =	sbr.rel @!p1 .LBB2_11-.Ltmp7, $4  }
0x186: {  	s5 =	sadd.s32 $0x1080, s7;
	[sflag:s30] =	ssyncadd.s32 $0xFFFFC000  }
0x187: {  	[spmem:s1] =	stream.indirect.scatter.add.f32 [tilespmem:s29], [sflag:$0x2], $0x80, s5, s26, $0xb8;
	[tilespmem:$0x1E000] =	vst v63  }
0x188: {  	_ =	swait.ge [sflag:s24], $0x4000  }
0x189: {  	s5 =	smov.u32 s11;
	[sflag:s24] =	ssyncset.done $0x0  }
0x18a: {  	s5 =	sshra.s32 s31, $0x2;
	[sflag:s24] =	ssyncadd.s32 $0xFFFFC000  }
0x18b: {  	[tilespmem:s28], [sflag:$0x1] =	stream.indirect.gather [hbm4b:s4+s26], $0x80, s5, s26, $0xb8;
	[tilespmem:$0x1E000] =	vst v63  }
0x18c: {  	s7 =	sadd.s32 $0x80, s5  }
0x18d: {  	[tilespmem:s29], [sflag:$0x1] =	stream.indirect.gather [hbm4b:s4+s26], $0x80, s7, s26, $0xb8;
	[tilespmem:$0x1E000] =	vst v63  }
0x18e: {  	_ =	swait.ge [sflag:s30], $0x4000  }
0x18f: {  	[sflag:s30] =	ssyncset.done $0x0  }
0x190: {  	s31 =	sadd.s32 $0x1000, s5;
	[sflag:s30] =	ssyncadd.s32 $0xFFFFC000  }
0x191: {  	[spmem:s1] =	stream.indirect.scatter.add.f32 [tilespmem:s28], [sflag:$0x2], $0x80, s31, s26, $0xb8;
	[tilespmem:$0x1E000] =	vst v63  }
0x192: {  	_ =	swait.ge [sflag:s24], $0x4000  }
0x193: {  	[sflag:s24] =	ssyncset.done $0x0  }
0x194: {  	[sflag:s24] =	ssyncadd.s32 $0xFFFFC000  }
0x195: {  	_ =	swait.ge [sflag:s30], $0x4000  }
0x196: {  	[sflag:s30] =	ssyncset.done $0x0  }
.Ltmp8:
0x197: {  	s5 =	sadd.s32 $0x1080, s5;
	[sflag:s30] =	ssyncadd.s32 $0xFFFFC000;
	(pc) =	sbr.rel .LBB2_14-.Ltmp8, $4  }
0x198: {  	[spmem:s1] =	stream.indirect.scatter.add.f32 [tilespmem:s29], [sflag:$0x2], $0x80, s5, s26, $0xb8;
	[tilespmem:$0x1E000] =	vst v63  }
0x199: {  	_ =	swait.ge [sflag:s24], $0x4000  }
0x19a: {  	[sflag:s24] =	ssyncset.done $0x0  }
0x19b: {  	s5 =	rddreg [dreg:$0x4];
	[sflag:s24] =	ssyncadd.s32 $0xFFFFC000  }
.LBB2_15:
0x19c: {  	_ =	sfence.sel $0x180000  }
0x19d: {  	[bflag:$0x0] =	sbarrier.arrive $0xFFFF  }
0x19e: {  	_ =	strace $0x90000050  }
0x19f: {  	s0 =	stileid.u32;
	[bflag:$0x2] =	sbarrier.arrive $0xFFFF  }
0x1a0: {  	p0 =	sne.s32 s0, $0x0;
	s0 =	rddreg [dreg:$0x3]  }
0x1a1: {  	s0 =	sadd.s32 @!p0 $0x100000, s0  }
0x1a2: {  	[sflag:s0] =	ssyncadd.tile.s32 @!p0 $0x1;
	_ =	shalt  }
.Lfunc_end2:
_tile_overlayer_lowered:
.L_overlay_start_2:
0x1a3: {  	(tag) =	ssettag $0x2  }
0x1a4: {  	s0 =	rddreg [dreg:$0x0];
	s2 =	stileid.u32  }
0x1a5: {  	s1 =	rddreg [dreg:$0x1];
	p0 =	sne.s32 s2, $0x0  }
0x1a6: {  	s3 =	rddreg [dreg:$0x2];
	[bflag:$0x3] =	sbarrier.arrive $0xFFFF;
	s2 =	simm.s32 @!p0 $0x1C02  }
0x1a7: {  	[timem:s3], [sflag:s2] =	dma.local @!p0 [hbm:s0], s1  }
0x1a8: {  	s0 =	simm.s32 @!p0 $0x2  }
0x1a9: {  	_ =	swait.ge @!p0 [sflag:s0], s1  }
0x1aa: {  	s1 =	ssub.s32 @!p0 $0x0, s1;
	[sflag:s0] =	ssyncset.done @!p0 $0x0  }
0x1ab: {  	[sflag:s0] =	ssyncadd.s32 @!p0 s1  }
0x1ac: {  	[bflag:$0x3] =	sbarrier.arrive $0xFFFF  }
0x1ad: {  	_ =	shalt  }

// kernel: kernel.9.cloned.1.call-start
scs
__scs_entry_jumppad:
0x0: {  	(pc) =	sbr.rel $0x88, $3  }
0x1: {  	(tag) =	ssettag $0x0;
	lr =	simm.s32 $0x1  }
0x2: {  	[smem:$0x3F9B] =	sst lr;
	_ =	strace $0xD0000000  }
0x3: {  	_ = 	snop  }
0x4: {  	_ = 	snop  }
0x5: {  	_ = 	snop  }
0x6: {  	_ = 	snop  }
0x7: {  	_ = 	snop  }
__scs_overlays_trampoline_lowered:
0x8: {  	[smem:$0x3FAA] =	sst s0  }
0x9: {  	[smem:$0x3FAB] =	sst s1  }
0xa: {  	[smem:$0x3FAC] =	sst s2  }
0xb: {  	[smem:$0x3FAD] =	sst s3  }
0xc: {  	[smem:$0x3FAE] =	sst s4  }
0xd: {  	[smem:$0x3FAF] =	sst s5  }
0xe: {  	[smem:$0x3FB0] =	sst s6  }
0xf: {  	[smem:$0x3FB1] =	sst s7  }
0x10: {  	[smem:$0x3FB2] =	sst s8  }
0x11: {  	[smem:$0x3FB3] =	sst s9;
	s0 =	simm.s32 @!p0 $0x0  }
0x12: {  	s1 =	sld [smem:$0x3F99];
	s0 =	simm.s32 @p0 $0x1  }
0x13: {  	[smem:$0x3FB4] =	sst s0;
	s0 =	simm.s32 @!p1 $0x0  }
0x14: {  	s2 =	sld [smem:$0x3F98];
	s0 =	simm.s32 @p1 $0x1  }
0x15: {  	[smem:$0x3FB5] =	sst s0;
	s0 =	simm.s32 @!p2 $0x0  }
0x16: {  	s3 =	sld [smem:$0x3FDB];
	s0 =	simm.s32 @p2 $0x1  }
0x17: {  	s4 =	simm.s32 $0x1BF5;
	[smem:$0x3FB7] =	sst s0  }
0x18: {  	s0 =	sld [smem:$0x3F9A];
	_ =	swait.ge [sflag:s4], $0x0  }
0x19: {  	s7 =	sld [smem:$0x3F9B]  }
0x1a: {  	s8 =	sadd.s32 $0xFFFFE003, lr  }
0x1b: {  	s9 =	sadd.s32 $0xFFFFFEF7, lr;
	s5 =	simm.s32 $0xFFFFFFFF;
	p2 =	slt.u32 s8, $0xFFFFF086  }
0x1c: {  	p1 =	slt.u32 s9, $0xF7A;
	s5 =	simm.s32 @!p2 $0x0  }
0x1d: {  	s5 =	simm.s32 @p1 $0x1;
	p0 =	seq.s32 s7, s2  }
0x1e: {  	s7 =	smul.u32 @!p0 $0xF7A, s2;
	p2 =	seq.s32 @!p0 s5, $0x0  }
0x1f: {  	s9 =	smul.u32 $0xF7A, s1;
	s8 =	simm.s32 @!p0 $0x1BF5;
	p2 =	por !p2, p0  }
0x20: {  	[sflag:s8] =	ssyncset.s32 @!p0 $0xFFFFF086;
	s6 =	sadd.s32 @!p0 s3, s7;
	s7 =	simm.s32 @!p0 $0x108  }
0x21: {  	s3 =	sadd.s32 s3, s9;
	s6 =	sadd.s32 @!p0 $0x88, s6;
	s7 =	simm.s32 @p2 $0x1082  }
0x22: {  	[simem:s7], [sflag:s8] =	dma.local @!p0 [hbm:s6], $0xF7A  }
0x23: {  	s9 =	sor.u32 $0xD0000000, s2;
	s6 =	simm.s32 $0x108;
	_ =	swait.ge @!p0 [sflag:s8], $0x0  }
0x24: {  	s3 =	sadd.s32 $0x88, s3;
	s6 =	simm.s32 @!p1 $0x1082;
	[sflag:s4] =	ssyncset.s32 $0xFFFFF086  }
0x25: {  	[simem:s6], [sflag:s4] =	dma.local [hbm:s3], $0xF7A  }
0x26: {  	[smem:$0x3F9B] =	sst s1;
	(tag) =	ssettag s2;
	_ =	strace s9  }
0x27: {  	s1 =	sld [smem:$0x3FAB]  }
0x28: {  	s2 =	sld [smem:$0x3FAC]  }
0x29: {  	s4 =	sld [smem:$0x3FAE]  }
0x2a: {  	p0 =	seq.s32 s5, $0x0;
	s5 =	sld [smem:$0x3FAF]  }
0x2b: {  	s6 =	sld [smem:$0x3FB0]  }
0x2c: {  	s7 =	sld [smem:$0x3FB1]  }
0x2d: {  	s3 =	simm.s32 $0x108;
	s8 =	sld [smem:$0x3FB2]  }
0x2e: {  	s3 =	simm.s32 @!p0 $0x1082;
	s9 =	sld [smem:$0x3FB3]  }
0x2f: {  	lr =	sadd.s32 s0, s3;
	s0 =	sld [smem:$0x3FAA]  }
0x30: {  	s3 =	sld [smem:$0x3FAD]  }
0x31: {  	[smem:$0x3FB6] =	sst s10  }
0x32: {  	s10 =	sld [smem:$0x3FB4];
	_ =	sdelay $0x3  }
0x33: {  	p0 =	seq.s32 s10, $0x1;
	s10 =	sld [smem:$0x3FB6];
	_ =	sdelay $0x3  }
0x34: {  	[smem:$0x3FB6] =	sst s10  }
0x35: {  	s10 =	sld [smem:$0x3FB5];
	_ =	sdelay $0x3  }
0x36: {  	p1 =	seq.s32 s10, $0x1;
	s10 =	sld [smem:$0x3FB6];
	_ =	sdelay $0x3  }
0x37: {  	[smem:$0x3FB6] =	sst s10  }
0x38: {  	s10 =	sld [smem:$0x3FB7]  }
0x39: {  	_ = 	snop;
	(pc) =	sbr.ind lr, $3  }
0x3a: {  	_ = 	snop  }
0x3b: {  	_ = 	snop  }
0x3c: {  	p2 =	seq.s32 s10, $0x1;
	s10 =	sld [smem:$0x3FB6]  }
0x3d: {  	_ =	shalt  }
0x3e: {  	_ =	shalt  }
0x3f: {  	_ =	shalt  }
0x40: {  	_ =	shalt  }
0x41: {  	_ =	shalt  }
0x42: {  	_ =	shalt  }
0x43: {  	_ =	shalt  }
0x44: {  	_ =	shalt  }
0x45: {  	_ =	shalt  }
0x46: {  	_ =	shalt  }
0x47: {  	_ =	shalt  }
0x48: {  	_ =	shalt  }
0x49: {  	_ =	shalt  }
0x4a: {  	_ =	shalt  }
0x4b: {  	_ =	shalt  }
0x4c: {  	_ =	shalt  }
0x4d: {  	_ =	shalt  }
0x4e: {  	_ =	shalt  }
0x4f: {  	_ =	shalt  }
0x50: {  	_ =	shalt  }
0x51: {  	_ =	shalt  }
0x52: {  	_ =	shalt  }
0x53: {  	_ =	shalt  }
0x54: {  	_ =	shalt  }
0x55: {  	_ =	shalt  }
0x56: {  	_ =	shalt  }
0x57: {  	_ =	shalt  }
0x58: {  	_ =	shalt  }
0x59: {  	_ =	shalt  }
0x5a: {  	_ =	shalt  }
0x5b: {  	_ =	shalt  }
0x5c: {  	_ =	shalt  }
0x5d: {  	_ =	shalt  }
0x5e: {  	_ =	shalt  }
0x5f: {  	_ =	shalt  }
0x60: {  	_ =	shalt  }
0x61: {  	_ =	shalt  }
0x62: {  	_ =	shalt  }
0x63: {  	_ =	shalt  }
0x64: {  	_ =	shalt  }
0x65: {  	_ =	shalt  }
0x66: {  	_ =	shalt  }
0x67: {  	_ =	shalt  }
0x68: {  	_ =	shalt  }
0x69: {  	_ =	shalt  }
0x6a: {  	_ =	shalt  }
0x6b: {  	_ =	shalt  }
0x6c: {  	_ =	shalt  }
0x6d: {  	_ =	shalt  }
0x6e: {  	_ =	shalt  }
0x6f: {  	_ =	shalt  }
0x70: {  	_ =	shalt  }
0x71: {  	_ =	shalt  }
0x72: {  	_ =	shalt  }
0x73: {  	_ =	shalt  }
0x74: {  	_ =	shalt  }
0x75: {  	_ =	shalt  }
0x76: {  	_ =	shalt  }
0x77: {  	_ =	shalt  }
0x78: {  	_ =	shalt  }
0x79: {  	_ =	shalt  }
0x7a: {  	_ =	shalt  }
0x7b: {  	_ =	shalt  }
0x7c: {  	_ =	shalt  }
0x7d: {  	_ =	shalt  }
0x7e: {  	_ =	shalt  }
0x7f: {  	_ =	shalt  }
0x80: {  	_ =	shalt  }
0x81: {  	_ =	shalt  }
0x82: {  	_ =	shalt  }
0x83: {  	_ =	shalt  }
0x84: {  	_ =	shalt  }
0x85: {  	_ =	shalt  }
0x86: {  	_ =	shalt  }
0x87: {  	_ =	shalt  }
.Lfunc_end0:
.L_simem_size_0:
called_computation_lowered:
.L_overlay_start_0:
0x88: {  	s2 =	sld [smem:$0x3FD9]  }
0x89: {  	s3 =	sld [smem:$0x3FFE];
	_ =	sdelay $0x1  }
0x8a: {  	s1 =	srdreg.scid  }
0x8b: {  	s0 =	sand.u32 $0x1, s1  }
0x8c: {  	s17 =	sshll.u32 s0, $0xA;
	s2 =	sadd.s32 s3, s2  }
0x8d: {  	s2 =	sadd.s32 s2, s17  }
0x8e: {  	[smem:$0x3FC2] =	sst s2  }
0x8f: {  	_ = 	snop  }
0x90: {  	s2 =	sld [smem:$0x3FD0];
	(tm) =	ssettm $0x1  }
0x91: {  	s18 =	sld [smem:$0x3FFB];
	_ =	sdelay $0x3  }
0x92: {  	_ =	strace s18  }
0x93: {  	s3 =	sld [smem:$0x3FFC];
	_ =	sdelay $0x3  }
0x94: {  	_ =	strace s3  }
0x95: {  	s3 =	sld [smem:$0x3FFD];
	_ =	sdelay $0x3  }
0x96: {  	_ =	strace s3  }
0x97: {  	_ =	strace $0x8FFFFFFF  }
0x98: {  	s19 =	sld [smem:$0x3FDB];
	_ =	sdelay $0x1  }
0x99: {  	s4 =	simm.s32 $_scs_section_size  }
0x9a: {  	s5 =	simm.s32 $_size__tile_overlayer_lowered;
	s6 =	simm.s32 $_tile_overlayer_lowered  }
0x9b: {  	s22 =	simm.s32 $0x1BFF;
	s21 =	sshll.u32 s6, $0x1;
	s3 =	sadd.s32 s4, s19  }
0x9c: {  	s7 =	simm.s32 $0x0;
	s20 =	sshll.u32 s5, $0x1;
	s5 =	sadd.s32 s21, s3  }
0x9d: {  	[timem:s7], [sflag:s22] =	dma.local [hbm:s5], s20  }
0x9e: {  	_ =	swait.ge [sflag:s22], s20  }
0x9f: {  	s4 =	ssub.s32 $0x0, s20;
	[sflag:s22] =	ssyncset.done $0x0  }
0xa0: {  	[sflag:s22] =	ssyncadd.s32 s4;
	_ =	sdelay $0x1  }
0xa1: {  	s23 =	simm.s32 $0x1B8B  }
0xa2: {  	_ =	swait.ge [sflag:s23], $0x1  }
0xa3: {  	[sflag:s23] =	ssyncset.done $0x0  }
0xa4: {  	s25 =	simm.s32 $0x1B8E;
	s24 =	sld [smem:$0x3FFE];
	[sflag:s23] =	ssyncadd.s32 $0xFFFFFFFF  }
0xa5: {  	s26 =	simm.s32 $execute0_lowered;
	[smem:$0x3FD2] =	sst s25  }
0xa6: {  	s5 =	sshll.u32 s26, $0x1;
	_ =	strace $0x80000046;
	[dreg:$0x1] =	wrdreg $0xFFFFFFFF  }
0xa7: {  	s28 =	simm.s32 $_size_execute0_lowered;
	s3 =	sadd.s32 s3, s5;
	[dreg:$0x0] =	wrdreg $0x0  }
0xa8: {  	s5 =	sshll.u32 s28, $0x1;
	[dreg:$0x2] =	wrdreg s3  }
0xa9: {  	[dreg:$0x3] =	wrdreg s5  }
0xaa: {  	[dreg:$0x4] =	wrdreg $0xC0  }
0xab: {  	_ =	task [dreg:s7], $0x5FFFF  }
0xac: {  	[dreg:$0x1] =	wrdreg $0xFFFFFFFF  }
0xad: {  	[dreg:$0x0] =	wrdreg $0x60  }
0xae: {  	[dreg:$0x2] =	wrdreg s2  }
0xaf: {  	[dreg:$0x3] =	wrdreg s24  }
0xb0: {  	[dreg:$0x4] =	wrdreg $0x68000  }
0xb1: {  	[dreg:$0x5] =	wrdreg $0x9  }
0xb2: {  	_ =	task.clear_ibuf [dreg:s7], $0x6FFFF;
	_ =	strace $0x90000046  }
0xb3: {  	s29 =	simm.s32 $0x9;
	_ =	strace $0x80000048  }
0xb4: {  	_ =	swait.ge [sflag:s29], $0x1  }
0xb5: {  	[sflag:s29] =	ssyncadd.s32 $0xFFFFFFFF  }
0xb6: {  	_ =	strace $0x90000048  }
0xb7: {  	_ =	sfence  }
0xb8: {  	s30 =	sld [smem:$0x0];
	_ =	sdelay $0x2  }
0xb9: {  	s31 =	sshll.u32 s1, $0xD;
	s1 =	sshrl.u32 s1, $0x2  }
0xba: {  	s3 =	sand.u32 $0x4000, s31;
	s1 =	sadd.s32 s1, s30  }
0xbb: {  	s0 =	sor.u32 s3, s0;
	s1 =	sshll.u32 s1, $0x11  }
0xbc: {  	s0 =	sor.u32 s1, s0  }
0xbd: {  	s0 =	sadd.s32 $0x8F2B, s0  }
0xbe: {  	[sflag:s0] =	ssyncadd.remote.s32 $0x1  }
0xbf: {  	_ =	sfence.sel $0xFFFF  }
0xc0: {  	[dreg:$0x0] =	wrdreg $0xFFFFFFFF;
	(pc) =	sbr.abs _section_cstart, $3  }
0xc1: {  	[dreg:$0x1] =	wrdreg $0xFFFFFFFF  }
0xc2: {  	_ =	task.clear_ibuf [dreg:s7], $0x2FFFF;
	_ =	strace $0x9FFFFFFF  }
0xc3: {  	(tm) =	ssettm $0x7FFFFFFF  }
tec
execute0_lowered:
.L_overlay_start_1:
0x0: {  	(tag) =	ssettag $0x1  }
0x1: {  	s6 =	rddreg [dreg:$0x0]  }
0x2: {  	s4 =	rddreg [dreg:$0x1]  }
0x3: {  	s2 =	rddreg [dreg:$0x2]  }
0x4: {  	s0 =	rddreg [dreg:$0x3];
	s1 =	stileid.u32  }
0x5: {  	s3 =	simm.s32 $0x0;
	s7 =	srdreg.scid;
	s13 =	simm.s32 $0x0  }
0x6: {  	s5 =	smul.u32 $0x2800, s1;
	[smem:$0x7FF] =	sst s3;
	s7 =	sand.u32 $0x1, s7  }
0x7: {  	s8 =	smul.u32 $0x50000, s1;
	s10 =	sshll.u32 s1, $0x1;
	s31 =	sshll.u32 s1, $0x6  }
0x8: {  	_ =	strace $0x80000047;
	s26 =	ssub.s32 $0x2, s7;
	s29 =	sor.u32 s7, s10  }
0x9: {  	p0 =	seq.s32 s7, $0x1;
	s10 =	simm.s32 $0x1;
	s9 =	sadd.s32 s5, s4  }
0xa: {  	s28 =	sshrl.u32 s26, $0x1;
	s8 =	sshrl.u32 s8, $0x2;
	s12 =	smul.u32 $0x500, s29  }
0xb: {  	s5 =	sor.u32 $0x1C01, s31;
	s11 =	ssub.s32 s26, s28;
	s30 =	sadd.s32 s8, s2  }
0xc: {  	s4 =	sadd.s32 $0x3E00, s9;
	s8 =	simm.s32 $0x53E00;
	s6 =	sadd.s32 s6, s12  }
0xd: {  	s7 =	smax.u32 s11, $0x1;
	s8 =	simm.s32 @!p0 $0x2BE00;
	s11 =	simm.s32 $0x4000  }
0xe: {  	v0 =	vimm.f32 $1.000000000e+00;
	s12 =	simm.s32 $0x80;
	s8 =	sadd.s32 s8, s9;
	s9 =	sshrl.u32 s30, $0x3  }
.LBB2_1:
0xf: {  	[spmem:s9], [sflag:s5] =	dma.local [hbm:s4], $0x2800  }
0x10: {  	_ =	swait.ge [sflag:s10], $0x2800  }
0x11: {  	[sflag:s10] =	ssyncset.done $0x0  }
0x12: {  	s14 =	simm.s32 $0x200;
	s15 =	simm.s32 $0x0;
	[sflag:s10] =	ssyncadd.s32 $0xFFFFD800  }
.LBB2_2:
0x13: {  	p0 =	sne.s32 s14, $0xFE00;
	[tilespmem:s15+$0x0] =	vst v0;
	s15 =	smov.u32 s14;
	s14 =	sadd.s32 $0x200, s14  }
.Ltmp0:
0x14: {  	(pc) =	sbr.rel @p0 .LBB2_2-.Ltmp0, $2  }
0x15: {  	_ =	sdelay $0x2  }
0x16: {  	s15 =	sshra.s32 s15, $0x2  }
0x17: {  	[tilespmem:s15+$0x0] =	vst v0;
	s14 =	simm.s32 $0x0  }
0x18: {  	[tilespmem:s11], [sflag:$0x1] =	stream.linear.gather [hbm4b:s6+s14], $0x2800, $0x38;
	[tilespmem:$0x9000] =	vst v63  }
0x19: {  	_ =	swait.ge [sflag:s10], $0x2800  }
0x1a: {  	[sflag:s10] =	ssyncset.done $0x0  }
0x1b: {  	[sflag:s10] =	ssyncadd.s32 $0xFFFFD800  }
0x1c: {  	s31 =	simm.s32 $0x4000;
	[bflag:$0x0] =	sbarrier.arrive $0xFFFF  }
0x1d: {  	[spmem:s2] =	stream.indirect.scatter.add.f32 [tilespmem:s3], [sflag:$0x1], $0x10, s31, s12, $0xb8;
	[tilespmem:$0x9000] =	vst v63  }
0x1e: {  	s14 =	simm.s32 $0x200;
	_ =	swait.ge [sflag:s10], $0x800  }
.LBB2_4:
0x1f: {  	s15 =	sshra.s32 s14, $0x2;
	[sflag:s10] =	ssyncset.done $0x0;
	p0 =	sne.s32 s14, $0x9E00  }
.Ltmp1:
0x20: {  	s15 =	sadd.s32 $0x4000, s15;
	[sflag:s10] =	ssyncadd.s32 $0xFFFFF800;
	(pc) =	sbr.rel @p0 .LBB2_4-.Ltmp1, $3  }
0x21: {  	[spmem:s2] =	stream.indirect.scatter.add.f32 [tilespmem:s3], [sflag:$0x1], $0x10, s15, s12, $0xb8;
	[tilespmem:$0x9000] =	vst v63  }
0x22: {  	s14 =	sadd.s32 $0x200, s14;
	_ =	sdelay $0x1  }
0x23: {  	_ =	swait.ge [sflag:s10], $0x800  }
0x24: {  	[sflag:s10] =	ssyncset.done $0x0;
	s13 =	sadd.s32 $0x1, s13  }
0x25: {  	[sflag:s10] =	ssyncadd.s32 $0xFFFFF800;
	p0 =	sne.s32 s13, s7  }
.Ltmp2:
0x26: {  	[bflag:$0x0] =	sbarrier.arrive $0xFFFF;
	(pc) =	sbr.rel @p0 .LBB2_1-.Ltmp2, $4  }
0x27: {  	[hbm:s8], [sflag:s5] =	dma.local [spmem:s9], $0x2800  }
0x28: {  	_ =	swait.ge [sflag:s10], $0x2800  }
0x29: {  	[sflag:s10] =	ssyncset.done $0x0  }
0x2a: {  	[sflag:s10] =	ssyncadd.s32 $0xFFFFD800  }
0x2b: {  	_ =	sfence.sel $0x180000  }
0x2c: {  	[bflag:$0x0] =	sbarrier.arrive $0xFFFF  }
0x2d: {  	p0 =	sne.s32 s1, $0x0;
	_ =	strace $0x90000047  }
0x2e: {  	s0 =	sadd.s32 @!p0 $0x100000, s0;
	[bflag:$0x2] =	sbarrier.arrive $0xFFFF  }
0x2f: {  	[sflag:s0] =	ssyncadd.tile.s32 @!p0 $0x1;
	_ =	shalt  }
.Lfunc_end2:
_tile_overlayer_lowered:
.L_overlay_start_2:
0x30: {  	(tag) =	ssettag $0x2  }
0x31: {  	s0 =	rddreg [dreg:$0x0];
	s2 =	stileid.u32  }
0x32: {  	s1 =	rddreg [dreg:$0x1];
	p0 =	sne.s32 s2, $0x0  }
0x33: {  	s3 =	rddreg [dreg:$0x2];
	[bflag:$0x3] =	sbarrier.arrive $0xFFFF;
	s2 =	simm.s32 @!p0 $0x1C01  }
0x34: {  	[timem:s3], [sflag:s2] =	dma.local @!p0 [hbm:s0], s1  }
0x35: {  	s0 =	simm.s32 @!p0 $0x1  }
0x36: {  	_ =	swait.ge @!p0 [sflag:s0], s1  }
0x37: {  	s1 =	ssub.s32 @!p0 $0x0, s1;
	[sflag:s0] =	ssyncset.done @!p0 $0x0  }
0x38: {  	[sflag:s0] =	ssyncadd.s32 @!p0 s1  }
0x39: {  	[bflag:$0x3] =	sbarrier.arrive $0xFFFF  }
0x3a: {  	_ =	shalt  }

</sc_bundles>
